<compile_context>
chip_gen: v7x
topology: tpu7x:2x2x1
jax: 0.10.2.dev20260603
libtpu: 0.0.44.dev20260713+nightly
codegen_flags: <defaults>
</compile_context>

<pallas_src>
import functools

import numpy as np
import jax
import jax.numpy as jnp
from jax import lax
from jax.experimental import pallas as pl
from jax.experimental.pallas import tpu as pltpu
from jax.experimental.pallas import tpu_sc as plsc

C = 18
YD = 200
XZ = 3200
N = XZ * YD
K = 8192
HIST = 4 * K
NW = 32
SB = 128
NBLK = XZ // SB
PR = XZ // 2
NST = C * (PR // 8)
SPC = PR // 8
BR = 64
NVEC = YD // 16


def _pass1_body(sem_ref, tgt_ref, words_ref, ce_ref):
    l = sem_ref[...]
    t = tgt_ref[...][None]
    m = jnp.max(l, axis=0, keepdims=True)
    ex = jnp.exp(l - m)
    s = jnp.sum(ex, axis=0, keepdims=True)
    p = ex / s
    ci = lax.broadcasted_iota(jnp.int32, (C, SB, YD), 0)
    fg = ci == t
    err = jnp.where(fg, 1.0 - p, p)
    qa = jnp.minimum((err * K).astype(jnp.int32), K - 1)
    key = jnp.where(fg, qa + K, qa)
    ka = key[:, :SB // 2, :]
    kb = key[:, SB // 2:, :]
    words_ref[...] = ka | (kb << 16)
    lse = m + jnp.log(s)
    lt = jnp.sum(jnp.where(fg, l, 0.0), axis=0, keepdims=True)
    ce_blk = jnp.sum(lse - lt)

    @pl.when(pl.program_id(0) == 0)
    def _():
        ce_ref[...] = jnp.zeros((1, 1), jnp.float32)

    ce_ref[...] += ce_blk


def _sc_body(words_hbm, out_hbm, hist_v, buf_v):
    cid = lax.axis_index("c")
    sid = lax.axis_index("s")
    wid = sid * 2 + cid
    t0 = lax.shift_right_logical(wid * 225, 1)
    t1 = lax.shift_right_logical((wid + 1) * 225, 1)
    c0 = lax.shift_right_logical(wid * 9, 4)
    bnd = (c0 + 1) * SPC

    zeros = jnp.zeros((16,), jnp.int32)
    ones = jnp.ones((16,), jnp.int32)
    tailmask = lax.iota(jnp.int32, 16) >= 8

    def zbody(i, carry):
        hist_v[pl.ds(i * 16, 16)] = zeros
        return carry

    lax.fori_loop(0, HIST // 16, zbody, 0, unroll=8)

    def make_rows(off):
        hview = hist_v.at[pl.ds(off, 2 * K)]

        def rows(nrows):
            def row(r, c2):
                def vfull(k, c3):
                    w = buf_v[r, pl.ds(k * 16, 16)]
                    lo = w & 0xFFFF
                    hi = lax.shift_right_logical(w, 16)
                    plsc.addupdate_scatter(hview, [lo], ones)
                    plsc.addupdate_scatter(hview, [hi], ones)
                    return c3

                lax.fori_loop(0, NVEC, vfull, 0, unroll=12)
                w = buf_v[r, pl.ds(YD - 16, 16)]
                lo = w & 0xFFFF
                hi = lax.shift_right_logical(w, 16)
                plsc.addupdate_scatter(hview, [lo], ones, mask=tailmask)
                plsc.addupdate_scatter(hview, [hi], ones, mask=tailmask)
                return c2

            lax.fori_loop(0, nrows, row, 0, unroll=2)

        return rows

    def do_range(ta, tb, off, cls):
        rows = make_rows(off)
        n = jnp.maximum(tb - ta, 0)
        nb = n // (BR // 8)

        def batch(b, carry):
            st = ta + (BR // 8) * b
            row0 = (st - cls * SPC) * 8
            pltpu.sync_copy(
                words_hbm.at[cls, pl.ds(row0, BR), pl.ds(0, YD)], buf_v)
            rows(BR)
            return carry

        lax.fori_loop(0, nb, batch, 0)

        def rem(i, carry):
            st = ta + (BR // 8) * nb + i
            row0 = (st - cls * SPC) * 8
            pltpu.sync_copy(
                words_hbm.at[cls, pl.ds(row0, 8), pl.ds(0, YD)],
                buf_v.at[pl.ds(0, 8)])
            rows(8)
            return carry

        lax.fori_loop(0, n - nb * (BR // 8), rem, 0)

    tsplit = jnp.clip(bnd, t0, t1)
    do_range(t0, tsplit, 0, c0)
    do_range(tsplit, t1, 2 * K, c0 + 1)
    pltpu.sync_copy(hist_v, out_hbm.at[pl.ds(wid * HIST, HIST)])


def _suffix_sum(x):
    d = 1
    while d < K:
        pad = jnp.zeros((C, d), jnp.float32)
        x = x + jnp.concatenate([x[:, d:], pad], axis=1)
        d *= 2
    return x


def _pass2_body(h_ref, mm_ref, ce_ref, tot_ref, ceo_ref, lov_ref):
    hf = h_ref[...].astype(jnp.float32)
    mm = mm_ref[...]
    merged = jnp.dot(mm, hf, preferred_element_type=jnp.float32)
    fh = merged[:, K:]
    mh = merged[:, :K] + fh
    sm = _suffix_sum(mh)
    sf = _suffix_sum(fh)
    n = sf[:, 0:1]
    s_abv = sm - mh
    f_lo = sf - fh
    j_hi = 1.0 - (n - sf) / (n + s_abv + mh - sf + 1e-6)
    j_lo = 1.0 - (n - f_lo) / (n + s_abv - f_lo + 1e-6)
    j_lo = jnp.where(s_abv > 0, j_lo, 0.0)
    kk = lax.broadcasted_iota(jnp.int32, (C, K), 1).astype(jnp.float32)
    e_hat = (kk + 0.5) * (1.0 / K)
    contrib = jnp.where(mh > 0, e_hat * (j_hi - j_lo), 0.0)
    losses = jnp.sum(contrib, axis=1, keepdims=True)
    pres = (n > 0).astype(jnp.float32)
    npres = jnp.sum(pres)
    lov = jnp.sum(losses * pres) / jnp.maximum(npres, 1.0)
    lov = jnp.where(npres > 0, lov, 0.0)
    ce = ce_ref[0, 0] * (1.0 / N)
    tot_ref[...] = jnp.full((1, 1), ce + 0.5 * lov, jnp.float32)
    ceo_ref[...] = jnp.full((1, 1), ce, jnp.float32)
    lov_ref[...] = jnp.full((1, 1), lov, jnp.float32)


def _merge_matrix():
    m = np.zeros((C, 2 * NW), np.float32)
    for w in range(NW):
        c0 = (9 * w) >> 4
        m[c0, 2 * w] = 1.0
        if c0 + 1 < C:
            m[c0 + 1, 2 * w + 1] = 1.0
    return jnp.asarray(m)


_pass1 = pl.pallas_call(
    _pass1_body,
    grid=(NBLK,),
    in_specs=[
        pl.BlockSpec((C, SB, YD), lambda i: (0, i, 0)),
        pl.BlockSpec((SB, YD), lambda i: (i, 0)),
    ],
    out_specs=[
        pl.BlockSpec((C, SB // 2, YD), lambda i: (0, i, 0)),
        pl.BlockSpec((1, 1), lambda i: (0, 0)),
    ],
    out_shape=[
        jax.ShapeDtypeStruct((C, PR, YD), jnp.int32),
        jax.ShapeDtypeStruct((1, 1), jnp.float32),
    ],
)


@functools.cache
def _sc_hist():
    return pl.kernel(
        _sc_body,
        out_type=jax.ShapeDtypeStruct((NW * HIST,), jnp.int32),
        mesh=plsc.VectorSubcoreMesh(
            core_axis_name="c", subcore_axis_name="s", num_cores=2),
        scratch_types=[
            pltpu.VMEM((HIST,), jnp.int32),
            pltpu.VMEM((BR, YD), jnp.int32),
        ],
        compiler_params=pltpu.CompilerParams(needs_layout_passes=False),
    )


_pass2 = pl.pallas_call(
    _pass2_body,
    out_shape=[
        jax.ShapeDtypeStruct((1, 1), jnp.float32),
        jax.ShapeDtypeStruct((1, 1), jnp.float32),
        jax.ShapeDtypeStruct((1, 1), jnp.float32),
    ],
)


def kernel(semantic, sem_target):
    semv = jnp.transpose(semantic, (0, 1, 2, 4, 3)).reshape(C, XZ, YD)
    tgtv = jnp.transpose(sem_target, (0, 1, 3, 2)).reshape(XZ, YD)
    words, ce = _pass1(semv, tgtv.astype(jnp.int32))
    hist = _sc_hist()(words)
    hf = hist.reshape(2 * NW, 2 * K)
    tot, ceo, lov = _pass2(hf, _merge_matrix(), ce)
    return tot.reshape(()), ceo.reshape(()), lov.reshape(())

# --- scband reference (transcript-rebuilt; emitter-appended) ---
"""Pipeline reference for scband-occupancy-loss-7249904796329 (READ-ONLY COPY).

The authoritative reference and input builder live on the scoring server;
editing this copy changes nothing except your own understanding.
"""

import jax, jax.numpy as jnp
import numpy as np

NUM_CLASSES = 18
IGNORE_INDEX = 255
LOVASZ_WEIGHT = 0.5


def setup_inputs(seed: int = 0) -> dict:
    key = jax.random.key(seed)
    k1, k2 = jax.random.split(key)
    semantic = jax.random.normal(k1, (1, NUM_CLASSES, 200, 200, 16), dtype=jnp.float32)
    sem_target = jax.random.randint(k2, (1, 200, 200, 16), 0, NUM_CLASSES, dtype=jnp.int32)
    return {"semantic": semantic, "sem_target": sem_target}


def _lovasz_grad(gt_sorted):
    gts = gt_sorted.sum()
    intersection = gts - jnp.cumsum(gt_sorted, axis=0)
    union = gts + jnp.cumsum(1.0 - gt_sorted, axis=0)
    jaccard = 1.0 - intersection / (union + 1e-06)
    jaccard = jnp.concatenate([jaccard[:1], jaccard[1:] - jaccard[:-1]], axis=0)
    return jaccard


def _lovasz_softmax(pred, target_flat, valid):
    B, C, X, Y, Z = pred.shape
    prob = jax.nn.softmax(pred.astype(jnp.float32), axis=1)
    prob_flat = prob.transpose(1, 0, 2, 3, 4).reshape(C, -1)
    valid_f = valid.astype(jnp.float32)
    losses = []
    presents = []
    for c in range(C):
        is_c = (target_flat == c) & valid
        present = jnp.any(is_c)
        fg = is_c.astype(jnp.float32)
        errors = jnp.abs(fg - prob_flat[c])
        errors_key = jnp.where(valid, errors, -1.0)
        perm = jnp.argsort(-errors_key)
        errors_sorted = errors[perm]
        fg_sorted = fg[perm]
        mask_sorted = valid_f[perm]
        grad = _lovasz_grad(fg_sorted)
        losses.append(jnp.sum(errors_sorted * grad * mask_sorted))
        presents.append(present)
    losses_arr = jnp.stack(losses)
    present_f = jnp.stack(presents).astype(jnp.float32)
    n = present_f.sum()
    loss = jnp.sum(losses_arr * present_f) / jnp.maximum(n, 1.0)
    return jnp.where(n > 0, loss, jnp.asarray(0.0, dtype=jnp.float32))


def reference(semantic, sem_target):
    B, C, X, Y, Z = semantic.shape
    pred_flat = semantic.transpose(0, 2, 3, 4, 1).reshape(-1, C)
    target_flat = sem_target.reshape(-1)
    valid = target_flat != IGNORE_INDEX
    valid_f = valid.astype(jnp.float32)
    count = valid_f.sum()
    logp = jax.nn.log_softmax(pred_flat, axis=-1)
    safe_tgt = jnp.where(valid, target_flat, 0)
    per_elem = -jnp.take_along_axis(logp, safe_tgt[:, None], axis=1)[:, 0]
    ce_loss = jnp.sum(per_elem * valid_f) / jnp.maximum(count, 1.0)
    lovasz_loss = _lovasz_softmax(semantic, target_flat, valid)
    total = ce_loss + LOVASZ_WEIGHT * lovasz_loss
    z = jnp.asarray(0.0, dtype=jnp.float32)
    has_valid = count > 0
    return (
        jnp.where(has_valid, total, z),
        jnp.where(has_valid, ce_loss, z),
        jnp.where(has_valid, lovasz_loss, z),
    )

if __name__ == "__main__":
    import jax
    _d = setup_inputs()
    print(jax.jit(kernel)(*tuple(_d.values())))

</pallas_src>

<mosaic_0001>
#map = affine_map<(d0, d1) -> (0, 0, 0)>
#map1 = affine_map<(d0, d1) -> (0)>
module attributes {stable_mosaic.version = 14 : i64} {
  func.func @_sc_body(%arg0: i32, %arg1: i32, %arg2: memref<18x1600x200xi32, #tpu.memory_space<hbm>>, %arg3: memref<1048576xi32, #tpu.memory_space<hbm>>, %arg4: memref<32768xi32, #tpu.memory_space<vmem>>, %arg5: memref<64x200xi32, #tpu.memory_space<vmem>>) attributes {dimension_semantics = [#tpu.dimension_semantics<core_parallel>, #tpu.dimension_semantics<subcore_parallel>], iteration_bounds = array<i64: 2, 16>, scalar_prefetch = 0 : i64, scratch_operands = 2 : i64, tpu.core_type = #tpu.core_type<sc_vector_subcore>, window_params = [{transform_indices = #map}, {transform_indices = #map1}]} {
    %mul3A = arith.constant 2 : i32
    %mul3A_0 = arith.muli %arg1, %mul3A : i32
    %add3A = arith.addi %mul3A_0, %arg0 : i32
    %mul3A_1 = arith.constant 225 : i32
    %mul3A_2 = arith.muli %add3A, %mul3A_1 : i32
    %shift_right_logical3A = arith.constant 1 : i32
    %shift_right_logical3A_3 = arith.shrui %mul3A_2, %shift_right_logical3A : i32
    %add3A_4 = arith.constant 1 : i32
    %add3A_5 = arith.addi %add3A, %add3A_4 : i32
    %mul3A_6 = arith.constant 225 : i32
    %mul3A_7 = arith.muli %add3A_5, %mul3A_6 : i32
    %shift_right_logical3A_8 = arith.constant 1 : i32
    %shift_right_logical3A_9 = arith.shrui %mul3A_7, %shift_right_logical3A_8 : i32
    %mul3A_10 = arith.constant 9 : i32
    %mul3A_11 = arith.muli %add3A, %mul3A_10 : i32
    %shift_right_logical3A_12 = arith.constant 4 : i32
    %shift_right_logical3A_13 = arith.shrui %mul3A_11, %shift_right_logical3A_12 : i32
    %add3A_14 = arith.constant 1 : i32
    %add3A_15 = arith.addi %shift_right_logical3A_13, %add3A_14 : i32
    %mul3A_16 = arith.constant 200 : i32
    %mul3A_17 = arith.muli %add3A_15, %mul3A_16 : i32
    %broadcast_in_dim3A = arith.constant 0 : i32
    %broadcast_in_dim3A_18 = vector.broadcast %broadcast_in_dim3A : i32 to vector<16xi32>
    %broadcast_in_dim3A_19 = arith.constant 1 : i32
    %broadcast_in_dim3A_20 = vector.broadcast %broadcast_in_dim3A_19 : i32 to vector<16xi32>
    %iota3A = tpu.iota {dimensions = array<i32: 0>} : vector<16xi32>
    %ge3A = arith.constant 8 : i32
    %ge3A_21 = vector.broadcast %ge3A : i32 to vector<16xi32>
    %ge3A_22 = arith.cmpi sge, %iota3A, %ge3A_21 : vector<16xi32>
    %scan3A = arith.constant 0 : i32
    %scan3A_23 = arith.constant 0 : i32
    %scan3A_24 = arith.constant 2048 : i32
    %scan3A_25 = arith.addi %scan3A_23, %scan3A_24 : i32
    %scan3A_26 = arith.constant 8 : i32
    scf.for %scan3A_123 = %scan3A_23 to %scan3A_25 step %scan3A_26  : i32 {
      %mul3A_124 = arith.constant 16 : i32
      %mul3A_125 = arith.muli %scan3A_123, %mul3A_124 : i32
      %swap3A = arith.index_cast %mul3A_125 : i32 to index
      %swap3A_126 = tpu.vector_load %arg4[%swap3A] {strides = array<i32>} : memref<32768xi32, #tpu.memory_space<vmem>>, vector<16xi32>,
      tpu.vector_store %arg4[%swap3A], %broadcast_in_dim3A_18 {strides = array<i32>} : memref<32768xi32, #tpu.memory_space<vmem>>, vector<16xi32>,
      %scan3A_127 = arith.constant 1 : i32
      %scan3A_128 = arith.addi %scan3A_123, %scan3A_127 : i32
      %mul3A_129 = arith.constant 16 : i32
      %mul3A_130 = arith.muli %scan3A_128, %mul3A_129 : i32
      %swap3A_131 = arith.index_cast %mul3A_130 : i32 to index
      %swap3A_132 = tpu.vector_load %arg4[%swap3A_131] {strides = array<i32>} : memref<32768xi32, #tpu.memory_space<vmem>>, vector<16xi32>,
      tpu.vector_store %arg4[%swap3A_131], %broadcast_in_dim3A_18 {strides = array<i32>} : memref<32768xi32, #tpu.memory_space<vmem>>, vector<16xi32>,
      %scan3A_133 = arith.constant 2 : i32
      %scan3A_134 = arith.addi %scan3A_123, %scan3A_133 : i32
      %mul3A_135 = arith.constant 16 : i32
      %mul3A_136 = arith.muli %scan3A_134, %mul3A_135 : i32
      %swap3A_137 = arith.index_cast %mul3A_136 : i32 to index
      %swap3A_138 = tpu.vector_load %arg4[%swap3A_137] {strides = array<i32>} : memref<32768xi32, #tpu.memory_space<vmem>>, vector<16xi32>,
      tpu.vector_store %arg4[%swap3A_137], %broadcast_in_dim3A_18 {strides = array<i32>} : memref<32768xi32, #tpu.memory_space<vmem>>, vector<16xi32>,
      %scan3A_139 = arith.constant 3 : i32
      %scan3A_140 = arith.addi %scan3A_123, %scan3A_139 : i32
      %mul3A_141 = arith.constant 16 : i32
      %mul3A_142 = arith.muli %scan3A_140, %mul3A_141 : i32
      %swap3A_143 = arith.index_cast %mul3A_142 : i32 to index
      %swap3A_144 = tpu.vector_load %arg4[%swap3A_143] {strides = array<i32>} : memref<32768xi32, #tpu.memory_space<vmem>>, vector<16xi32>,
      tpu.vector_store %arg4[%swap3A_143], %broadcast_in_dim3A_18 {strides = array<i32>} : memref<32768xi32, #tpu.memory_space<vmem>>, vector<16xi32>,
      %scan3A_145 = arith.constant 4 : i32
      %scan3A_146 = arith.addi %scan3A_123, %scan3A_145 : i32
      %mul3A_147 = arith.constant 16 : i32
      %mul3A_148 = arith.muli %scan3A_146, %mul3A_147 : i32
      %swap3A_149 = arith.index_cast %mul3A_148 : i32 to index
      %swap3A_150 = tpu.vector_load %arg4[%swap3A_149] {strides = array<i32>} : memref<32768xi32, #tpu.memory_space<vmem>>, vector<16xi32>,
      tpu.vector_store %arg4[%swap3A_149], %broadcast_in_dim3A_18 {strides = array<i32>} : memref<32768xi32, #tpu.memory_space<vmem>>, vector<16xi32>,
      %scan3A_151 = arith.constant 5 : i32
      %scan3A_152 = arith.addi %scan3A_123, %scan3A_151 : i32
      %mul3A_153 = arith.constant 16 : i32
      %mul3A_154 = arith.muli %scan3A_152, %mul3A_153 : i32
      %swap3A_155 = arith.index_cast %mul3A_154 : i32 to index
      %swap3A_156 = tpu.vector_load %arg4[%swap3A_155] {strides = array<i32>} : memref<32768xi32, #tpu.memory_space<vmem>>, vector<16xi32>,
      tpu.vector_store %arg4[%swap3A_155], %broadcast_in_dim3A_18 {strides = array<i32>} : memref<32768xi32, #tpu.memory_space<vmem>>, vector<16xi32>,
      %scan3A_157 = arith.constant 6 : i32
      %scan3A_158 = arith.addi %scan3A_123, %scan3A_157 : i32
      %mul3A_159 = arith.constant 16 : i32
      %mul3A_160 = arith.muli %scan3A_158, %mul3A_159 : i32
      %swap3A_161 = arith.index_cast %mul3A_160 : i32 to index
      %swap3A_162 = tpu.vector_load %arg4[%swap3A_161] {strides = array<i32>} : memref<32768xi32, #tpu.memory_space<vmem>>, vector<16xi32>,
      tpu.vector_store %arg4[%swap3A_161], %broadcast_in_dim3A_18 {strides = array<i32>} : memref<32768xi32, #tpu.memory_space<vmem>>, vector<16xi32>,
      %scan3A_163 = arith.constant 7 : i32
      %scan3A_164 = arith.addi %scan3A_123, %scan3A_163 : i32
      %mul3A_165 = arith.constant 16 : i32
      %mul3A_166 = arith.muli %scan3A_164, %mul3A_165 : i32
      %swap3A_167 = arith.index_cast %mul3A_166 : i32 to index
      %swap3A_168 = tpu.vector_load %arg4[%swap3A_167] {strides = array<i32>} : memref<32768xi32, #tpu.memory_space<vmem>>, vector<16xi32>,
      tpu.vector_store %arg4[%swap3A_167], %broadcast_in_dim3A_18 {strides = array<i32>} : memref<32768xi32, #tpu.memory_space<vmem>>, vector<16xi32>,
    }
    %scan3A_27 = arith.constant 2048 : i32
    %max3A = arith.maxsi %shift_right_logical3A_3, %mul3A_17 : i32
    %min3A = arith.minsi %shift_right_logical3A_9, %max3A : i32
    %sub3A = arith.subi %min3A, %shift_right_logical3A_3 : i32
    %max3A_28 = arith.constant 0 : i32
    %max3A_29 = arith.maxsi %sub3A, %max3A_28 : i32
    %jit3A = arith.constant 8 : i32
    %div3A = arith.divsi %max3A_29, %jit3A : i32
    %sign3A = arith.constant 0 : i32
    %sign3A_30 = arith.cmpi sgt, %max3A_29, %sign3A : i32
    %sign3A_31 = arith.extui %sign3A_30 : i1 to i32
    %sign3A_32 = arith.constant 0 : i32
    %sign3A_33 = arith.cmpi slt, %max3A_29, %sign3A_32 : i32
    %sign3A_34 = arith.extui %sign3A_33 : i1 to i32
    %sign3A_35 = arith.subi %sign3A_31, %sign3A_34 : i32
    %sign3A_36 = arith.constant 0 : i32
    %sign3A_37 = arith.cmpi sgt, %jit3A, %sign3A_36 : i32
    %sign3A_38 = arith.extui %sign3A_37 : i1 to i32
    %sign3A_39 = arith.constant 0 : i32
    %sign3A_40 = arith.cmpi slt, %jit3A, %sign3A_39 : i32
    %sign3A_41 = arith.extui %sign3A_40 : i1 to i32
    %sign3A_42 = arith.subi %sign3A_38, %sign3A_41 : i32
    %ne3A = arith.cmpi ne, %sign3A_35, %sign3A_42 : i32
    %rem3A = arith.remsi %max3A_29, %jit3A : i32
    %ne3A_43 = arith.constant 0 : i32
    %ne3A_44 = arith.cmpi ne, %rem3A, %ne3A_43 : i32
    %and3A = arith.andi %ne3A, %ne3A_44 : i1
    %sub3A_45 = arith.constant 1 : i32
    %sub3A_46 = arith.subi %div3A, %sub3A_45 : i32
    %select_n3A = arith.select %and3A, %sub3A_46, %div3A : i32
    %while3A = arith.constant 0 : i32
    %while3A_47 = arith.constant 0 : i32
    %while3A_48 = arith.subi %select_n3A, %while3A_47 : i32
    %while3A_49 = arith.addi %while3A_47, %while3A_48 : i32
    %while3A_50 = arith.constant 1 : i32
    %while3A_51 = arith.divsi %while3A_48, %while3A_50 : i32
    %while3A_52 = arith.muli %while3A_51, %while3A_50 : i32
    %while3A_53 = arith.addi %while3A_47, %while3A_52 : i32
    %while3A_54 = arith.constant 1 : i32
    scf.for %while3A_123 = %while3A_47 to %while3A_53 step %while3A_54  : i32 {
      %mul3A_124 = arith.constant 8 : i32
      %mul3A_125 = arith.muli %mul3A_124, %while3A_123 : i32
      %add3A_126 = arith.addi %shift_right_logical3A_3, %mul3A_125 : i32
      %mul3A_127 = arith.constant 200 : i32
      %mul3A_128 = arith.muli %shift_right_logical3A_13, %mul3A_127 : i32
      %sub3A_129 = arith.subi %add3A_126, %mul3A_128 : i32
      %mul3A_130 = arith.constant 8 : i32
      %mul3A_131 = arith.muli %sub3A_129, %mul3A_130 : i32
      "tpu.region"() ({
        %run_scoped3A = tpu.sem_alloc : memref<!tpu.dma_semaphore, #tpu.memory_space<semaphore_mem>>
        %dma_start3A = arith.constant 0 : i32
        %dma_start3A_138 = tpu.memref_slice %arg2[%shift_right_logical3A_13, %mul3A_131, %dma_start3A] : memref<18x1600x200xi32, #tpu.memory_space<hbm>> -> memref<1x64x200xi32, #tpu.memory_space<hbm>>
        %dma_start3A_139 = tpu.memref_squeeze %dma_start3A_138 : memref<1x64x200xi32, #tpu.memory_space<hbm>> -> memref<64x200xi32, #tpu.memory_space<hbm>>
        %dma_start3A_140 = arith.constant 0 : i32
        %dma_start3A_141 = tpu.memref_slice %arg2[%shift_right_logical3A_13, %mul3A_131, %dma_start3A_140] : memref<18x1600x200xi32, #tpu.memory_space<hbm>> -> memref<1x64x200xi32, #tpu.memory_space<hbm>>
        %dma_start3A_142 = tpu.memref_squeeze %dma_start3A_141 : memref<1x64x200xi32, #tpu.memory_space<hbm>> -> memref<64x200xi32, #tpu.memory_space<hbm>>
        tpu.enqueue_dma source(%dma_start3A_142 : memref<64x200xi32, #tpu.memory_space<hbm>>) target(%arg5 : memref<64x200xi32, #tpu.memory_space<vmem>>) target_semaphore(%run_scoped3A : memref<!tpu.dma_semaphore, #tpu.memory_space<semaphore_mem>>)
        %dma_wait3A = arith.constant 0 : i32
        %dma_wait3A_143 = tpu.memref_slice %arg2[%shift_right_logical3A_13, %mul3A_131, %dma_wait3A] : memref<18x1600x200xi32, #tpu.memory_space<hbm>> -> memref<1x64x200xi32, #tpu.memory_space<hbm>>
        %dma_wait3A_144 = tpu.memref_squeeze %dma_wait3A_143 : memref<1x64x200xi32, #tpu.memory_space<hbm>> -> memref<64x200xi32, #tpu.memory_space<hbm>>
        %dma_wait3A_145 = arith.constant 0 : i32
        %dma_wait3A_146 = tpu.memref_slice %arg2[%shift_right_logical3A_13, %mul3A_131, %dma_wait3A_145] : memref<18x1600x200xi32, #tpu.memory_space<hbm>> -> memref<1x64x200xi32, #tpu.memory_space<hbm>>
        %dma_wait3A_147 = tpu.memref_squeeze %dma_wait3A_146 : memref<1x64x200xi32, #tpu.memory_space<hbm>> -> memref<64x200xi32, #tpu.memory_space<hbm>>
        tpu.wait_dma2 semaphore(%run_scoped3A : memref<!tpu.dma_semaphore, #tpu.memory_space<semaphore_mem>>) src(%dma_wait3A_147 : memref<64x200xi32, #tpu.memory_space<hbm>>) dst(%arg5 : memref<64x200xi32, #tpu.memory_space<vmem>>)
        tpu.yield
      }) : () -> ()
      %scan3A_132 = arith.constant 0 : i32
      %scan3A_133 = arith.constant 0 : i32
      %scan3A_134 = arith.constant 64 : i32
      %scan3A_135 = arith.addi %scan3A_133, %scan3A_134 : i32
      %scan3A_136 = arith.constant 2 : i32
      scf.for %scan3A_138 = %scan3A_133 to %scan3A_135 step %scan3A_136  : i32 {
        %scan3A_139 = arith.constant 0 : i32
        %scan3A_140 = arith.constant 0 : i32
        %mul3A_141 = arith.constant 16 : i32
        %mul3A_142 = arith.muli %scan3A_140, %mul3A_141 : i32
        %get3A = arith.index_cast %scan3A_138 : i32 to index
        %get3A_143 = arith.index_cast %mul3A_142 : i32 to index
        %get3A_144 = tpu.vector_load %arg5[%get3A, %get3A_143] {strides = array<i32>} : memref<64x200xi32, #tpu.memory_space<vmem>>, vector<16xi32>,
        %and3A_145 = arith.constant 65535 : i32
        %and3A_146 = vector.broadcast %and3A_145 : i32 to vector<16xi32>
        %and3A_147 = arith.andi %get3A_144, %and3A_146 : vector<16xi32>
        %shift_right_logical3A_148 = arith.constant 16 : i32
        %shift_right_logical3A_149 = vector.broadcast %shift_right_logical3A_148 : i32 to vector<16xi32>
        %shift_right_logical3A_150 = arith.shrui %get3A_144, %shift_right_logical3A_149 : vector<16xi32>
        %scatter3A = arith.constant 0 : i32
        %scatter3A_151 = tpu.memref_slice %arg4[%scatter3A] : memref<32768xi32, #tpu.memory_space<vmem>> -> memref<16384xi32, #tpu.memory_space<vmem>>
        tpu.vector_store_idx %scatter3A_151[%and3A_147], %broadcast_in_dim3A_20 {add = true} : memref<16384xi32, #tpu.memory_space<vmem>>[vector<16xi32>], vector<16xi32>,
        %scatter3A_152 = arith.constant 0 : i32
        %scatter3A_153 = tpu.memref_slice %arg4[%scatter3A_152] : memref<32768xi32, #tpu.memory_space<vmem>> -> memref<16384xi32, #tpu.memory_space<vmem>>
        tpu.vector_store_idx %scatter3A_153[%shift_right_logical3A_150], %broadcast_in_dim3A_20 {add = true} : memref<16384xi32, #tpu.memory_space<vmem>>[vector<16xi32>], vector<16xi32>,
        %scan3A_154 = arith.constant 1 : i32
        %mul3A_155 = arith.constant 16 : i32
        %mul3A_156 = arith.muli %scan3A_154, %mul3A_155 : i32
        %get3A_157 = arith.index_cast %scan3A_138 : i32 to index
        %get3A_158 = arith.index_cast %mul3A_156 : i32 to index
        %get3A_159 = tpu.vector_load %arg5[%get3A_157, %get3A_158] {strides = array<i32>} : memref<64x200xi32, #tpu.memory_space<vmem>>, vector<16xi32>,
        %and3A_160 = arith.constant 65535 : i32
        %and3A_161 = vector.broadcast %and3A_160 : i32 to vector<16xi32>
        %and3A_162 = arith.andi %get3A_159, %and3A_161 : vector<16xi32>
        %shift_right_logical3A_163 = arith.constant 16 : i32
        %shift_right_logical3A_164 = vector.broadcast %shift_right_logical3A_163 : i32 to vector<16xi32>
        %shift_right_logical3A_165 = arith.shrui %get3A_159, %shift_right_logical3A_164 : vector<16xi32>
        %scatter3A_166 = arith.constant 0 : i32
        %scatter3A_167 = tpu.memref_slice %arg4[%scatter3A_166] : memref<32768xi32, #tpu.memory_space<vmem>> -> memref<16384xi32, #tpu.memory_space<vmem>>
        tpu.vector_store_idx %scatter3A_167[%and3A_162], %broadcast_in_dim3A_20 {add = true} : memref<16384xi32, #tpu.memory_space<vmem>>[vector<16xi32>], vector<16xi32>,
        %scatter3A_168 = arith.constant 0 : i32
        %scatter3A_169 = tpu.memref_slice %arg4[%scatter3A_168] : memref<32768xi32, #tpu.memory_space<vmem>> -> memref<16384xi32, #tpu.memory_space<vmem>>
        tpu.vector_store_idx %scatter3A_169[%shift_right_logical3A_165], %broadcast_in_dim3A_20 {add = true} : memref<16384xi32, #tpu.memory_space<vmem>>[vector<16xi32>], vector<16xi32>,
        %scan3A_170 = arith.constant 2 : i32
        %mul3A_171 = arith.constant 16 : i32
        %mul3A_172 = arith.muli %scan3A_170, %mul3A_171 : i32
        %get3A_173 = arith.index_cast %scan3A_138 : i32 to index
        %get3A_174 = arith.index_cast %mul3A_172 : i32 to index
        %get3A_175 = tpu.vector_load %arg5[%get3A_173, %get3A_174] {strides = array<i32>} : memref<64x200xi32, #tpu.memory_space<vmem>>, vector<16xi32>,
        %and3A_176 = arith.constant 65535 : i32
        %and3A_177 = vector.broadcast %and3A_176 : i32 to vector<16xi32>
        %and3A_178 = arith.andi %get3A_175, %and3A_177 : vector<16xi32>
        %shift_right_logical3A_179 = arith.constant 16 : i32
        %shift_right_logical3A_180 = vector.broadcast %shift_right_logical3A_179 : i32 to vector<16xi32>
        %shift_right_logical3A_181 = arith.shrui %get3A_175, %shift_right_logical3A_180 : vector<16xi32>
        %scatter3A_182 = arith.constant 0 : i32
        %scatter3A_183 = tpu.memref_slice %arg4[%scatter3A_182] : memref<32768xi32, #tpu.memory_space<vmem>> -> memref<16384xi32, #tpu.memory_space<vmem>>
        tpu.vector_store_idx %scatter3A_183[%and3A_178], %broadcast_in_dim3A_20 {add = true} : memref<16384xi32, #tpu.memory_space<vmem>>[vector<16xi32>], vector<16xi32>,
        %scatter3A_184 = arith.constant 0 : i32
        %scatter3A_185 = tpu.memref_slice %arg4[%scatter3A_184] : memref<32768xi32, #tpu.memory_space<vmem>> -> memref<16384xi32, #tpu.memory_space<vmem>>
        tpu.vector_store_idx %scatter3A_185[%shift_right_logical3A_181], %broadcast_in_dim3A_20 {add = true} : memref<16384xi32, #tpu.memory_space<vmem>>[vector<16xi32>], vector<16xi32>,
        %scan3A_186 = arith.constant 3 : i32
        %mul3A_187 = arith.constant 16 : i32
        %mul3A_188 = arith.muli %scan3A_186, %mul3A_187 : i32
        %get3A_189 = arith.index_cast %scan3A_138 : i32 to index
        %get3A_190 = arith.index_cast %mul3A_188 : i32 to index
        %get3A_191 = tpu.vector_load %arg5[%get3A_189, %get3A_190] {strides = array<i32>} : memref<64x200xi32, #tpu.memory_space<vmem>>, vector<16xi32>,
        %and3A_192 = arith.constant 65535 : i32
        %and3A_193 = vector.broadcast %and3A_192 : i32 to vector<16xi32>
        %and3A_194 = arith.andi %get3A_191, %and3A_193 : vector<16xi32>
        %shift_right_logical3A_195 = arith.constant 16 : i32
        %shift_right_logical3A_196 = vector.broadcast %shift_right_logical3A_195 : i32 to vector<16xi32>
        %shift_right_logical3A_197 = arith.shrui %get3A_191, %shift_right_logical3A_196 : vector<16xi32>
        %scatter3A_198 = arith.constant 0 : i32
        %scatter3A_199 = tpu.memref_slice %arg4[%scatter3A_198] : memref<32768xi32, #tpu.memory_space<vmem>> -> memref<16384xi32, #tpu.memory_space<vmem>>
        tpu.vector_store_idx %scatter3A_199[%and3A_194], %broadcast_in_dim3A_20 {add = true} : memref<16384xi32, #tpu.memory_space<vmem>>[vector<16xi32>], vector<16xi32>,
        %scatter3A_200 = arith.constant 0 : i32
        %scatter3A_201 = tpu.memref_slice %arg4[%scatter3A_200] : memref<32768xi32, #tpu.memory_space<vmem>> -> memref<16384xi32, #tpu.memory_space<vmem>>
        tpu.vector_store_idx %scatter3A_201[%shift_right_logical3A_197], %broadcast_in_dim3A_20 {add = true} : memref<16384xi32, #tpu.memory_space<vmem>>[vector<16xi32>], vector<16xi32>,
        %scan3A_202 = arith.constant 4 : i32
        %mul3A_203 = arith.constant 16 : i32
        %mul3A_204 = arith.muli %scan3A_202, %mul3A_203 : i32
        %get3A_205 = arith.index_cast %scan3A_138 : i32 to index
        %get3A_206 = arith.index_cast %mul3A_204 : i32 to index
        %get3A_207 = tpu.vector_load %arg5[%get3A_205, %get3A_206] {strides = array<i32>} : memref<64x200xi32, #tpu.memory_space<vmem>>, vector<16xi32>,
        %and3A_208 = arith.constant 65535 : i32
        %and3A_209 = vector.broadcast %and3A_208 : i32 to vector<16xi32>
        %and3A_210 = arith.andi %get3A_207, %and3A_209 : vector<16xi32>
        %shift_right_logical3A_211 = arith.constant 16 : i32
        %shift_right_logical3A_212 = vector.broadcast %shift_right_logical3A_211 : i32 to vector<16xi32>
        %shift_right_logical3A_213 = arith.shrui %get3A_207, %shift_right_logical3A_212 : vector<16xi32>
        %scatter3A_214 = arith.constant 0 : i32
        %scatter3A_215 = tpu.memref_slice %arg4[%scatter3A_214] : memref<32768xi32, #tpu.memory_space<vmem>> -> memref<16384xi32, #tpu.memory_space<vmem>>
        tpu.vector_store_idx %scatter3A_215[%and3A_210], %broadcast_in_dim3A_20 {add = true} : memref<16384xi32, #tpu.memory_space<vmem>>[vector<16xi32>], vector<16xi32>,
        %scatter3A_216 = arith.constant 0 : i32
        %scatter3A_217 = tpu.memref_slice %arg4[%scatter3A_216] : memref<32768xi32, #tpu.memory_space<vmem>> -> memref<16384xi32, #tpu.memory_space<vmem>>
        tpu.vector_store_idx %scatter3A_217[%shift_right_logical3A_213], %broadcast_in_dim3A_20 {add = true} : memref<16384xi32, #tpu.memory_space<vmem>>[vector<16xi32>], vector<16xi32>,
        %scan3A_218 = arith.constant 5 : i32
        %mul3A_219 = arith.constant 16 : i32
        %mul3A_220 = arith.muli %scan3A_218, %mul3A_219 : i32
        %get3A_221 = arith.index_cast %scan3A_138 : i32 to index
        %get3A_222 = arith.index_cast %mul3A_220 : i32 to index
        %get3A_223 = tpu.vector_load %arg5[%get3A_221, %get3A_222] {strides = array<i32>} : memref<64x200xi32, #tpu.memory_space<vmem>>, vector<16xi32>,
        %and3A_224 = arith.constant 65535 : i32
        %and3A_225 = vector.broadcast %and3A_224 : i32 to vector<16xi32>
        %and3A_226 = arith.andi %get3A_223, %and3A_225 : vector<16xi32>
        %shift_right_logical3A_227 = arith.constant 16 : i32
        %shift_right_logical3A_228 = vector.broadcast %shift_right_logical3A_227 : i32 to vector<16xi32>
        %shift_right_logical3A_229 = arith.shrui %get3A_223, %shift_right_logical3A_228 : vector<16xi32>
        %scatter3A_230 = arith.constant 0 : i32
        %scatter3A_231 = tpu.memref_slice %arg4[%scatter3A_230] : memref<32768xi32, #tpu.memory_space<vmem>> -> memref<16384xi32, #tpu.memory_space<vmem>>
        tpu.vector_store_idx %scatter3A_231[%and3A_226], %broadcast_in_dim3A_20 {add = true} : memref<16384xi32, #tpu.memory_space<vmem>>[vector<16xi32>], vector<16xi32>,
        %scatter3A_232 = arith.constant 0 : i32
        %scatter3A_233 = tpu.memref_slice %arg4[%scatter3A_232] : memref<32768xi32, #tpu.memory_space<vmem>> -> memref<16384xi32, #tpu.memory_space<vmem>>
        tpu.vector_store_idx %scatter3A_233[%shift_right_logical3A_229], %broadcast_in_dim3A_20 {add = true} : memref<16384xi32, #tpu.memory_space<vmem>>[vector<16xi32>], vector<16xi32>,
        %scan3A_234 = arith.constant 6 : i32
        %mul3A_235 = arith.constant 16 : i32
        %mul3A_236 = arith.muli %scan3A_234, %mul3A_235 : i32
        %get3A_237 = arith.index_cast %scan3A_138 : i32 to index
        %get3A_238 = arith.index_cast %mul3A_236 : i32 to index
        %get3A_239 = tpu.vector_load %arg5[%get3A_237, %get3A_238] {strides = array<i32>} : memref<64x200xi32, #tpu.memory_space<vmem>>, vector<16xi32>,
        %and3A_240 = arith.constant 65535 : i32
        %and3A_241 = vector.broadcast %and3A_240 : i32 to vector<16xi32>
        %and3A_242 = arith.andi %get3A_239, %and3A_241 : vector<16xi32>
        %shift_right_logical3A_243 = arith.constant 16 : i32
        %shift_right_logical3A_244 = vector.broadcast %shift_right_logical3A_243 : i32 to vector<16xi32>
        %shift_right_logical3A_245 = arith.shrui %get3A_239, %shift_right_logical3A_244 : vector<16xi32>
        %scatter3A_246 = arith.constant 0 : i32
        %scatter3A_247 = tpu.memref_slice %arg4[%scatter3A_246] : memref<32768xi32, #tpu.memory_space<vmem>> -> memref<16384xi32, #tpu.memory_space<vmem>>
        tpu.vector_store_idx %scatter3A_247[%and3A_242], %broadcast_in_dim3A_20 {add = true} : memref<16384xi32, #tpu.memory_space<vmem>>[vector<16xi32>], vector<16xi32>,
        %scatter3A_248 = arith.constant 0 : i32
        %scatter3A_249 = tpu.memref_slice %arg4[%scatter3A_248] : memref<32768xi32, #tpu.memory_space<vmem>> -> memref<16384xi32, #tpu.memory_space<vmem>>
        tpu.vector_store_idx %scatter3A_249[%shift_right_logical3A_245], %broadcast_in_dim3A_20 {add = true} : memref<16384xi32, #tpu.memory_space<vmem>>[vector<16xi32>], vector<16xi32>,
        %scan3A_250 = arith.constant 7 : i32
        %mul3A_251 = arith.constant 16 : i32
        %mul3A_252 = arith.muli %scan3A_250, %mul3A_251 : i32
        %get3A_253 = arith.index_cast %scan3A_138 : i32 to index
        %get3A_254 = arith.index_cast %mul3A_252 : i32 to index
        %get3A_255 = tpu.vector_load %arg5[%get3A_253, %get3A_254] {strides = array<i32>} : memref<64x200xi32, #tpu.memory_space<vmem>>, vector<16xi32>,
        %and3A_256 = arith.constant 65535 : i32
        %and3A_257 = vector.broadcast %and3A_256 : i32 to vector<16xi32>
        %and3A_258 = arith.andi %get3A_255, %and3A_257 : vector<16xi32>
        %shift_right_logical3A_259 = arith.constant 16 : i32
        %shift_right_logical3A_260 = vector.broadcast %shift_right_logical3A_259 : i32 to vector<16xi32>
        %shift_right_logical3A_261 = arith.shrui %get3A_255, %shift_right_logical3A_260 : vector<16xi32>
        %scatter3A_262 = arith.constant 0 : i32
        %scatter3A_263 = tpu.memref_slice %arg4[%scatter3A_262] : memref<32768xi32, #tpu.memory_space<vmem>> -> memref<16384xi32, #tpu.memory_space<vmem>>
        tpu.vector_store_idx %scatter3A_263[%and3A_258], %broadcast_in_dim3A_20 {add = true} : memref<16384xi32, #tpu.memory_space<vmem>>[vector<16xi32>], vector<16xi32>,
        %scatter3A_264 = arith.constant 0 : i32
        %scatter3A_265 = tpu.memref_slice %arg4[%scatter3A_264] : memref<32768xi32, #tpu.memory_space<vmem>> -> memref<16384xi32, #tpu.memory_space<vmem>>
        tpu.vector_store_idx %scatter3A_265[%shift_right_logical3A_261], %broadcast_in_dim3A_20 {add = true} : memref<16384xi32, #tpu.memory_space<vmem>>[vector<16xi32>], vector<16xi32>,
        %scan3A_266 = arith.constant 8 : i32
        %mul3A_267 = arith.constant 16 : i32
        %mul3A_268 = arith.muli %scan3A_266, %mul3A_267 : i32
        %get3A_269 = arith.index_cast %scan3A_138 : i32 to index
        %get3A_270 = arith.index_cast %mul3A_268 : i32 to index
        %get3A_271 = tpu.vector_load %arg5[%get3A_269, %get3A_270] {strides = array<i32>} : memref<64x200xi32, #tpu.memory_space<vmem>>, vector<16xi32>,
        %and3A_272 = arith.constant 65535 : i32
        %and3A_273 = vector.broadcast %and3A_272 : i32 to vector<16xi32>
        %and3A_274 = arith.andi %get3A_271, %and3A_273 : vector<16xi32>
        %shift_right_logical3A_275 = arith.constant 16 : i32
        %shift_right_logical3A_276 = vector.broadcast %shift_right_logical3A_275 : i32 to vector<16xi32>
        %shift_right_logical3A_277 = arith.shrui %get3A_271, %shift_right_logical3A_276 : vector<16xi32>
        %scatter3A_278 = arith.constant 0 : i32
        %scatter3A_279 = tpu.memref_slice %arg4[%scatter3A_278] : memref<32768xi32, #tpu.memory_space<vmem>> -> memref<16384xi32, #tpu.memory_space<vmem>>
        tpu.vector_store_idx %scatter3A_279[%and3A_274], %broadcast_in_dim3A_20 {add = true} : memref<16384xi32, #tpu.memory_space<vmem>>[vector<16xi32>], vector<16xi32>,
        %scatter3A_280 = arith.constant 0 : i32
        %scatter3A_281 = tpu.memref_slice %arg4[%scatter3A_280] : memref<32768xi32, #tpu.memory_space<vmem>> -> memref<16384xi32, #tpu.memory_space<vmem>>
        tpu.vector_store_idx %scatter3A_281[%shift_right_logical3A_277], %broadcast_in_dim3A_20 {add = true} : memref<16384xi32, #tpu.memory_space<vmem>>[vector<16xi32>], vector<16xi32>,
        %scan3A_282 = arith.constant 9 : i32
        %mul3A_283 = arith.constant 16 : i32
        %mul3A_284 = arith.muli %scan3A_282, %mul3A_283 : i32
        %get3A_285 = arith.index_cast %scan3A_138 : i32 to index
        %get3A_286 = arith.index_cast %mul3A_284 : i32 to index
        %get3A_287 = tpu.vector_load %arg5[%get3A_285, %get3A_286] {strides = array<i32>} : memref<64x200xi32, #tpu.memory_space<vmem>>, vector<16xi32>,
        %and3A_288 = arith.constant 65535 : i32
        %and3A_289 = vector.broadcast %and3A_288 : i32 to vector<16xi32>
        %and3A_290 = arith.andi %get3A_287, %and3A_289 : vector<16xi32>
        %shift_right_logical3A_291 = arith.constant 16 : i32
        %shift_right_logical3A_292 = vector.broadcast %shift_right_logical3A_291 : i32 to vector<16xi32>
        %shift_right_logical3A_293 = arith.shrui %get3A_287, %shift_right_logical3A_292 : vector<16xi32>
        %scatter3A_294 = arith.constant 0 : i32
        %scatter3A_295 = tpu.memref_slice %arg4[%scatter3A_294] : memref<32768xi32, #tpu.memory_space<vmem>> -> memref<16384xi32, #tpu.memory_space<vmem>>
        tpu.vector_store_idx %scatter3A_295[%and3A_290], %broadcast_in_dim3A_20 {add = true} : memref<16384xi32, #tpu.memory_space<vmem>>[vector<16xi32>], vector<16xi32>,
        %scatter3A_296 = arith.constant 0 : i32
        %scatter3A_297 = tpu.memref_slice %arg4[%scatter3A_296] : memref<32768xi32, #tpu.memory_space<vmem>> -> memref<16384xi32, #tpu.memory_space<vmem>>
        tpu.vector_store_idx %scatter3A_297[%shift_right_logical3A_293], %broadcast_in_dim3A_20 {add = true} : memref<16384xi32, #tpu.memory_space<vmem>>[vector<16xi32>], vector<16xi32>,
        %scan3A_298 = arith.constant 10 : i32
        %mul3A_299 = arith.constant 16 : i32
        %mul3A_300 = arith.muli %scan3A_298, %mul3A_299 : i32
        %get3A_301 = arith.index_cast %scan3A_138 : i32 to index
        %get3A_302 = arith.index_cast %mul3A_300 : i32 to index
        %get3A_303 = tpu.vector_load %arg5[%get3A_301, %get3A_302] {strides = array<i32>} : memref<64x200xi32, #tpu.memory_space<vmem>>, vector<16xi32>,
        %and3A_304 = arith.constant 65535 : i32
        %and3A_305 = vector.broadcast %and3A_304 : i32 to vector<16xi32>
        %and3A_306 = arith.andi %get3A_303, %and3A_305 : vector<16xi32>
        %shift_right_logical3A_307 = arith.constant 16 : i32
        %shift_right_logical3A_308 = vector.broadcast %shift_right_logical3A_307 : i32 to vector<16xi32>
        %shift_right_logical3A_309 = arith.shrui %get3A_303, %shift_right_logical3A_308 : vector<16xi32>
        %scatter3A_310 = arith.constant 0 : i32
        %scatter3A_311 = tpu.memref_slice %arg4[%scatter3A_310] : memref<32768xi32, #tpu.memory_space<vmem>> -> memref<16384xi32, #tpu.memory_space<vmem>>
        tpu.vector_store_idx %scatter3A_311[%and3A_306], %broadcast_in_dim3A_20 {add = true} : memref<16384xi32, #tpu.memory_space<vmem>>[vector<16xi32>], vector<16xi32>,
        %scatter3A_312 = arith.constant 0 : i32
        %scatter3A_313 = tpu.memref_slice %arg4[%scatter3A_312] : memref<32768xi32, #tpu.memory_space<vmem>> -> memref<16384xi32, #tpu.memory_space<vmem>>
        tpu.vector_store_idx %scatter3A_313[%shift_right_logical3A_309], %broadcast_in_dim3A_20 {add = true} : memref<16384xi32, #tpu.memory_space<vmem>>[vector<16xi32>], vector<16xi32>,
        %scan3A_314 = arith.constant 11 : i32
        %mul3A_315 = arith.constant 16 : i32
        %mul3A_316 = arith.muli %scan3A_314, %mul3A_315 : i32
        %get3A_317 = arith.index_cast %scan3A_138 : i32 to index
        %get3A_318 = arith.index_cast %mul3A_316 : i32 to index
        %get3A_319 = tpu.vector_load %arg5[%get3A_317, %get3A_318] {strides = array<i32>} : memref<64x200xi32, #tpu.memory_space<vmem>>, vector<16xi32>,
        %and3A_320 = arith.constant 65535 : i32
        %and3A_321 = vector.broadcast %and3A_320 : i32 to vector<16xi32>
        %and3A_322 = arith.andi %get3A_319, %and3A_321 : vector<16xi32>
        %shift_right_logical3A_323 = arith.constant 16 : i32
        %shift_right_logical3A_324 = vector.broadcast %shift_right_logical3A_323 : i32 to vector<16xi32>
        %shift_right_logical3A_325 = arith.shrui %get3A_319, %shift_right_logical3A_324 : vector<16xi32>
        %scatter3A_326 = arith.constant 0 : i32
        %scatter3A_327 = tpu.memref_slice %arg4[%scatter3A_326] : memref<32768xi32, #tpu.memory_space<vmem>> -> memref<16384xi32, #tpu.memory_space<vmem>>
        tpu.vector_store_idx %scatter3A_327[%and3A_322], %broadcast_in_dim3A_20 {add = true} : memref<16384xi32, #tpu.memory_space<vmem>>[vector<16xi32>], vector<16xi32>,
        %scatter3A_328 = arith.constant 0 : i32
        %scatter3A_329 = tpu.memref_slice %arg4[%scatter3A_328] : memref<32768xi32, #tpu.memory_space<vmem>> -> memref<16384xi32, #tpu.memory_space<vmem>>
        tpu.vector_store_idx %scatter3A_329[%shift_right_logical3A_325], %broadcast_in_dim3A_20 {add = true} : memref<16384xi32, #tpu.memory_space<vmem>>[vector<16xi32>], vector<16xi32>,
        %scan3A_330 = arith.constant 12 : i32
        %get3A_331 = arith.index_cast %scan3A_138 : i32 to index
        %get3A_332 = arith.constant 184 : index
        %get3A_333 = tpu.vector_load %arg5[%get3A_331, %get3A_332] {strides = array<i32>} : memref<64x200xi32, #tpu.memory_space<vmem>>, vector<16xi32>,
        %and3A_334 = arith.constant 65535 : i32
        %and3A_335 = vector.broadcast %and3A_334 : i32 to vector<16xi32>
        %and3A_336 = arith.andi %get3A_333, %and3A_335 : vector<16xi32>
        %shift_right_logical3A_337 = arith.constant 16 : i32
        %shift_right_logical3A_338 = vector.broadcast %shift_right_logical3A_337 : i32 to vector<16xi32>
        %shift_right_logical3A_339 = arith.shrui %get3A_333, %shift_right_logical3A_338 : vector<16xi32>
        %scatter3A_340 = arith.constant 0 : i32
        %scatter3A_341 = tpu.memref_slice %arg4[%scatter3A_340] : memref<32768xi32, #tpu.memory_space<vmem>> -> memref<16384xi32, #tpu.memory_space<vmem>>
        tpu.vector_store_idx %scatter3A_341[%and3A_336], %broadcast_in_dim3A_20 masked %ge3A_22 {add = true} : memref<16384xi32, #tpu.memory_space<vmem>>[vector<16xi32>], vector<16xi32>, vector<16xi1>
        %scatter3A_342 = arith.constant 0 : i32
        %scatter3A_343 = tpu.memref_slice %arg4[%scatter3A_342] : memref<32768xi32, #tpu.memory_space<vmem>> -> memref<16384xi32, #tpu.memory_space<vmem>>
        tpu.vector_store_idx %scatter3A_343[%shift_right_logical3A_339], %broadcast_in_dim3A_20 masked %ge3A_22 {add = true} : memref<16384xi32, #tpu.memory_space<vmem>>[vector<16xi32>], vector<16xi32>, vector<16xi1>
        %scan3A_344 = arith.constant 1 : i32
        %scan3A_345 = arith.addi %scan3A_138, %scan3A_344 : i32
        %scan3A_346 = arith.constant 0 : i32
        %scan3A_347 = arith.constant 0 : i32
        %mul3A_348 = arith.constant 16 : i32
        %mul3A_349 = arith.muli %scan3A_347, %mul3A_348 : i32
        %get3A_350 = arith.index_cast %scan3A_345 : i32 to index
        %get3A_351 = arith.index_cast %mul3A_349 : i32 to index
        %get3A_352 = tpu.vector_load %arg5[%get3A_350, %get3A_351] {strides = array<i32>} : memref<64x200xi32, #tpu.memory_space<vmem>>, vector<16xi32>,
        %and3A_353 = arith.constant 65535 : i32
        %and3A_354 = vector.broadcast %and3A_353 : i32 to vector<16xi32>
        %and3A_355 = arith.andi %get3A_352, %and3A_354 : vector<16xi32>
        %shift_right_logical3A_356 = arith.constant 16 : i32
        %shift_right_logical3A_357 = vector.broadcast %shift_right_logical3A_356 : i32 to vector<16xi32>
        %shift_right_logical3A_358 = arith.shrui %get3A_352, %shift_right_logical3A_357 : vector<16xi32>
        %scatter3A_359 = arith.constant 0 : i32
        %scatter3A_360 = tpu.memref_slice %arg4[%scatter3A_359] : memref<32768xi32, #tpu.memory_space<vmem>> -> memref<16384xi32, #tpu.memory_space<vmem>>
        tpu.vector_store_idx %scatter3A_360[%and3A_355], %broadcast_in_dim3A_20 {add = true} : memref<16384xi32, #tpu.memory_space<vmem>>[vector<16xi32>], vector<16xi32>,
        %scatter3A_361 = arith.constant 0 : i32
        %scatter3A_362 = tpu.memref_slice %arg4[%scatter3A_361] : memref<32768xi32, #tpu.memory_space<vmem>> -> memref<16384xi32, #tpu.memory_space<vmem>>
        tpu.vector_store_idx %scatter3A_362[%shift_right_logical3A_358], %broadcast_in_dim3A_20 {add = true} : memref<16384xi32, #tpu.memory_space<vmem>>[vector<16xi32>], vector<16xi32>,
        %scan3A_363 = arith.constant 1 : i32
        %mul3A_364 = arith.constant 16 : i32
        %mul3A_365 = arith.muli %scan3A_363, %mul3A_364 : i32
        %get3A_366 = arith.index_cast %scan3A_345 : i32 to index
        %get3A_367 = arith.index_cast %mul3A_365 : i32 to index
        %get3A_368 = tpu.vector_load %arg5[%get3A_366, %get3A_367] {strides = array<i32>} : memref<64x200xi32, #tpu.memory_space<vmem>>, vector<16xi32>,
        %and3A_369 = arith.constant 65535 : i32
        %and3A_370 = vector.broadcast %and3A_369 : i32 to vector<16xi32>
        %and3A_371 = arith.andi %get3A_368, %and3A_370 : vector<16xi32>
        %shift_right_logical3A_372 = arith.constant 16 : i32
        %shift_right_logical3A_373 = vector.broadcast %shift_right_logical3A_372 : i32 to vector<16xi32>
        %shift_right_logical3A_374 = arith.shrui %get3A_368, %shift_right_logical3A_373 : vector<16xi32>
        %scatter3A_375 = arith.constant 0 : i32
        %scatter3A_376 = tpu.memref_slice %arg4[%scatter3A_375] : memref<32768xi32, #tpu.memory_space<vmem>> -> memref<16384xi32, #tpu.memory_space<vmem>>
        tpu.vector_store_idx %scatter3A_376[%and3A_371], %broadcast_in_dim3A_20 {add = true} : memref<16384xi32, #tpu.memory_space<vmem>>[vector<16xi32>], vector<16xi32>,
        %scatter3A_377 = arith.constant 0 : i32
        %scatter3A_378 = tpu.memref_slice %arg4[%scatter3A_377] : memref<32768xi32, #tpu.memory_space<vmem>> -> memref<16384xi32, #tpu.memory_space<vmem>>
        tpu.vector_store_idx %scatter3A_378[%shift_right_logical3A_374], %broadcast_in_dim3A_20 {add = true} : memref<16384xi32, #tpu.memory_space<vmem>>[vector<16xi32>], vector<16xi32>,
        %scan3A_379 = arith.constant 2 : i32
        %mul3A_380 = arith.constant 16 : i32
        %mul3A_381 = arith.muli %scan3A_379, %mul3A_380 : i32
        %get3A_382 = arith.index_cast %scan3A_345 : i32 to index
        %get3A_383 = arith.index_cast %mul3A_381 : i32 to index
        %get3A_384 = tpu.vector_load %arg5[%get3A_382, %get3A_383] {strides = array<i32>} : memref<64x200xi32, #tpu.memory_space<vmem>>, vector<16xi32>,
        %and3A_385 = arith.constant 65535 : i32
        %and3A_386 = vector.broadcast %and3A_385 : i32 to vector<16xi32>
        %and3A_387 = arith.andi %get3A_384, %and3A_386 : vector<16xi32>
        %shift_right_logical3A_388 = arith.constant 16 : i32
        %shift_right_logical3A_389 = vector.broadcast %shift_right_logical3A_388 : i32 to vector<16xi32>
        %shift_right_logical3A_390 = arith.shrui %get3A_384, %shift_right_logical3A_389 : vector<16xi32>
        %scatter3A_391 = arith.constant 0 : i32
        %scatter3A_392 = tpu.memref_slice %arg4[%scatter3A_391] : memref<32768xi32, #tpu.memory_space<vmem>> -> memref<16384xi32, #tpu.memory_space<vmem>>
        tpu.vector_store_idx %scatter3A_392[%and3A_387], %broadcast_in_dim3A_20 {add = true} : memref<16384xi32, #tpu.memory_space<vmem>>[vector<16xi32>], vector<16xi32>,
        %scatter3A_393 = arith.constant 0 : i32
        %scatter3A_394 = tpu.memref_slice %arg4[%scatter3A_393] : memref<32768xi32, #tpu.memory_space<vmem>> -> memref<16384xi32, #tpu.memory_space<vmem>>
        tpu.vector_store_idx %scatter3A_394[%shift_right_logical3A_390], %broadcast_in_dim3A_20 {add = true} : memref<16384xi32, #tpu.memory_space<vmem>>[vector<16xi32>], vector<16xi32>,
        %scan3A_395 = arith.constant 3 : i32
        %mul3A_396 = arith.constant 16 : i32
        %mul3A_397 = arith.muli %scan3A_395, %mul3A_396 : i32
        %get3A_398 = arith.index_cast %scan3A_345 : i32 to index
        %get3A_399 = arith.index_cast %mul3A_397 : i32 to index
        %get3A_400 = tpu.vector_load %arg5[%get3A_398, %get3A_399] {strides = array<i32>} : memref<64x200xi32, #tpu.memory_space<vmem>>, vector<16xi32>,
        %and3A_401 = arith.constant 65535 : i32
        %and3A_402 = vector.broadcast %and3A_401 : i32 to vector<16xi32>
        %and3A_403 = arith.andi %get3A_400, %and3A_402 : vector<16xi32>
        %shift_right_logical3A_404 = arith.constant 16 : i32
        %shift_right_logical3A_405 = vector.broadcast %shift_right_logical3A_404 : i32 to vector<16xi32>
        %shift_right_logical3A_406 = arith.shrui %get3A_400, %shift_right_logical3A_405 : vector<16xi32>
        %scatter3A_407 = arith.constant 0 : i32
        %scatter3A_408 = tpu.memref_slice %arg4[%scatter3A_407] : memref<32768xi32, #tpu.memory_space<vmem>> -> memref<16384xi32, #tpu.memory_space<vmem>>
        tpu.vector_store_idx %scatter3A_408[%and3A_403], %broadcast_in_dim3A_20 {add = true} : memref<16384xi32, #tpu.memory_space<vmem>>[vector<16xi32>], vector<16xi32>,
        %scatter3A_409 = arith.constant 0 : i32
        %scatter3A_410 = tpu.memref_slice %arg4[%scatter3A_409] : memref<32768xi32, #tpu.memory_space<vmem>> -> memref<16384xi32, #tpu.memory_space<vmem>>
        tpu.vector_store_idx %scatter3A_410[%shift_right_logical3A_406], %broadcast_in_dim3A_20 {add = true} : memref<16384xi32, #tpu.memory_space<vmem>>[vector<16xi32>], vector<16xi32>,
        %scan3A_411 = arith.constant 4 : i32
        %mul3A_412 = arith.constant 16 : i32
        %mul3A_413 = arith.muli %scan3A_411, %mul3A_412 : i32
        %get3A_414 = arith.index_cast %scan3A_345 : i32 to index
        %get3A_415 = arith.index_cast %mul3A_413 : i32 to index
        %get3A_416 = tpu.vector_load %arg5[%get3A_414, %get3A_415] {strides = array<i32>} : memref<64x200xi32, #tpu.memory_space<vmem>>, vector<16xi32>,
        %and3A_417 = arith.constant 65535 : i32
        %and3A_418 = vector.broadcast %and3A_417 : i32 to vector<16xi32>
        %and3A_419 = arith.andi %get3A_416, %and3A_418 : vector<16xi32>
        %shift_right_logical3A_420 = arith.constant 16 : i32
        %shift_right_logical3A_421 = vector.broadcast %shift_right_logical3A_420 : i32 to vector<16xi32>
        %shift_right_logical3A_422 = arith.shrui %get3A_416, %shift_right_logical3A_421 : vector<16xi32>
        %scatter3A_423 = arith.constant 0 : i32
        %scatter3A_424 = tpu.memref_slice %arg4[%scatter3A_423] : memref<32768xi32, #tpu.memory_space<vmem>> -> memref<16384xi32, #tpu.memory_space<vmem>>
        tpu.vector_store_idx %scatter3A_424[%and3A_419], %broadcast_in_dim3A_20 {add = true} : memref<16384xi32, #tpu.memory_space<vmem>>[vector<16xi32>], vector<16xi32>,
        %scatter3A_425 = arith.constant 0 : i32
        %scatter3A_426 = tpu.memref_slice %arg4[%scatter3A_425] : memref<32768xi32, #tpu.memory_space<vmem>> -> memref<16384xi32, #tpu.memory_space<vmem>>
        tpu.vector_store_idx %scatter3A_426[%shift_right_logical3A_422], %broadcast_in_dim3A_20 {add = true} : memref<16384xi32, #tpu.memory_space<vmem>>[vector<16xi32>], vector<16xi32>,
        %scan3A_427 = arith.constant 5 : i32
        %mul3A_428 = arith.constant 16 : i32
        %mul3A_429 = arith.muli %scan3A_427, %mul3A_428 : i32
        %get3A_430 = arith.index_cast %scan3A_345 : i32 to index
        %get3A_431 = arith.index_cast %mul3A_429 : i32 to index
        %get3A_432 = tpu.vector_load %arg5[%get3A_430, %get3A_431] {strides = array<i32>} : memref<64x200xi32, #tpu.memory_space<vmem>>, vector<16xi32>,
        %and3A_433 = arith.constant 65535 : i32
        %and3A_434 = vector.broadcast %and3A_433 : i32 to vector<16xi32>
        %and3A_435 = arith.andi %get3A_432, %and3A_434 : vector<16xi32>
        %shift_right_logical3A_436 = arith.constant 16 : i32
        %shift_right_logical3A_437 = vector.broadcast %shift_right_logical3A_436 : i32 to vector<16xi32>
        %shift_right_logical3A_438 = arith.shrui %get3A_432, %shift_right_logical3A_437 : vector<16xi32>
        %scatter3A_439 = arith.constant 0 : i32
        %scatter3A_440 = tpu.memref_slice %arg4[%scatter3A_439] : memref<32768xi32, #tpu.memory_space<vmem>> -> memref<16384xi32, #tpu.memory_space<vmem>>
        tpu.vector_store_idx %scatter3A_440[%and3A_435], %broadcast_in_dim3A_20 {add = true} : memref<16384xi32, #tpu.memory_space<vmem>>[vector<16xi32>], vector<16xi32>,
        %scatter3A_441 = arith.constant 0 : i32
        %scatter3A_442 = tpu.memref_slice %arg4[%scatter3A_441] : memref<32768xi32, #tpu.memory_space<vmem>> -> memref<16384xi32, #tpu.memory_space<vmem>>
        tpu.vector_store_idx %scatter3A_442[%shift_right_logical3A_438], %broadcast_in_dim3A_20 {add = true} : memref<16384xi32, #tpu.memory_space<vmem>>[vector<16xi32>], vector<16xi32>,
        %scan3A_443 = arith.constant 6 : i32
        %mul3A_444 = arith.constant 16 : i32
        %mul3A_445 = arith.muli %scan3A_443, %mul3A_444 : i32
        %get3A_446 = arith.index_cast %scan3A_345 : i32 to index
        %get3A_447 = arith.index_cast %mul3A_445 : i32 to index
        %get3A_448 = tpu.vector_load %arg5[%get3A_446, %get3A_447] {strides = array<i32>} : memref<64x200xi32, #tpu.memory_space<vmem>>, vector<16xi32>,
        %and3A_449 = arith.constant 65535 : i32
        %and3A_450 = vector.broadcast %and3A_449 : i32 to vector<16xi32>
        %and3A_451 = arith.andi %get3A_448, %and3A_450 : vector<16xi32>
        %shift_right_logical3A_452 = arith.constant 16 : i32
        %shift_right_logical3A_453 = vector.broadcast %shift_right_logical3A_452 : i32 to vector<16xi32>
        %shift_right_logical3A_454 = arith.shrui %get3A_448, %shift_right_logical3A_453 : vector<16xi32>
        %scatter3A_455 = arith.constant 0 : i32
        %scatter3A_456 = tpu.memref_slice %arg4[%scatter3A_455] : memref<32768xi32, #tpu.memory_space<vmem>> -> memref<16384xi32, #tpu.memory_space<vmem>>
        tpu.vector_store_idx %scatter3A_456[%and3A_451], %broadcast_in_dim3A_20 {add = true} : memref<16384xi32, #tpu.memory_space<vmem>>[vector<16xi32>], vector<16xi32>,
        %scatter3A_457 = arith.constant 0 : i32
        %scatter3A_458 = tpu.memref_slice %arg4[%scatter3A_457] : memref<32768xi32, #tpu.memory_space<vmem>> -> memref<16384xi32, #tpu.memory_space<vmem>>
        tpu.vector_store_idx %scatter3A_458[%shift_right_logical3A_454], %broadcast_in_dim3A_20 {add = true} : memref<16384xi32, #tpu.memory_space<vmem>>[vector<16xi32>], vector<16xi32>,
        %scan3A_459 = arith.constant 7 : i32
        %mul3A_460 = arith.constant 16 : i32
        %mul3A_461 = arith.muli %scan3A_459, %mul3A_460 : i32
        %get3A_462 = arith.index_cast %scan3A_345 : i32 to index
        %get3A_463 = arith.index_cast %mul3A_461 : i32 to index
        %get3A_464 = tpu.vector_load %arg5[%get3A_462, %get3A_463] {strides = array<i32>} : memref<64x200xi32, #tpu.memory_space<vmem>>, vector<16xi32>,
        %and3A_465 = arith.constant 65535 : i32
        %and3A_466 = vector.broadcast %and3A_465 : i32 to vector<16xi32>
        %and3A_467 = arith.andi %get3A_464, %and3A_466 : vector<16xi32>
        %shift_right_logical3A_468 = arith.constant 16 : i32
        %shift_right_logical3A_469 = vector.broadcast %shift_right_logical3A_468 : i32 to vector<16xi32>
        %shift_right_logical3A_470 = arith.shrui %get3A_464, %shift_right_logical3A_469 : vector<16xi32>
        %scatter3A_471 = arith.constant 0 : i32
        %scatter3A_472 = tpu.memref_slice %arg4[%scatter3A_471] : memref<32768xi32, #tpu.memory_space<vmem>> -> memref<16384xi32, #tpu.memory_space<vmem>>
        tpu.vector_store_idx %scatter3A_472[%and3A_467], %broadcast_in_dim3A_20 {add = true} : memref<16384xi32, #tpu.memory_space<vmem>>[vector<16xi32>], vector<16xi32>,
        %scatter3A_473 = arith.constant 0 : i32
        %scatter3A_474 = tpu.memref_slice %arg4[%scatter3A_473] : memref<32768xi32, #tpu.memory_space<vmem>> -> memref<16384xi32, #tpu.memory_space<vmem>>
        tpu.vector_store_idx %scatter3A_474[%shift_right_logical3A_470], %broadcast_in_dim3A_20 {add = true} : memref<16384xi32, #tpu.memory_space<vmem>>[vector<16xi32>], vector<16xi32>,
        %scan3A_475 = arith.constant 8 : i32
        %mul3A_476 = arith.constant 16 : i32
        %mul3A_477 = arith.muli %scan3A_475, %mul3A_476 : i32
        %get3A_478 = arith.index_cast %scan3A_345 : i32 to index
        %get3A_479 = arith.index_cast %mul3A_477 : i32 to index
        %get3A_480 = tpu.vector_load %arg5[%get3A_478, %get3A_479] {strides = array<i32>} : memref<64x200xi32, #tpu.memory_space<vmem>>, vector<16xi32>,
        %and3A_481 = arith.constant 65535 : i32
        %and3A_482 = vector.broadcast %and3A_481 : i32 to vector<16xi32>
        %and3A_483 = arith.andi %get3A_480, %and3A_482 : vector<16xi32>
        %shift_right_logical3A_484 = arith.constant 16 : i32
        %shift_right_logical3A_485 = vector.broadcast %shift_right_logical3A_484 : i32 to vector<16xi32>
        %shift_right_logical3A_486 = arith.shrui %get3A_480, %shift_right_logical3A_485 : vector<16xi32>
        %scatter3A_487 = arith.constant 0 : i32
        %scatter3A_488 = tpu.memref_slice %arg4[%scatter3A_487] : memref<32768xi32, #tpu.memory_space<vmem>> -> memref<16384xi32, #tpu.memory_space<vmem>>
        tpu.vector_store_idx %scatter3A_488[%and3A_483], %broadcast_in_dim3A_20 {add = true} : memref<16384xi32, #tpu.memory_space<vmem>>[vector<16xi32>], vector<16xi32>,
        %scatter3A_489 = arith.constant 0 : i32
        %scatter3A_490 = tpu.memref_slice %arg4[%scatter3A_489] : memref<32768xi32, #tpu.memory_space<vmem>> -> memref<16384xi32, #tpu.memory_space<vmem>>
        tpu.vector_store_idx %scatter3A_490[%shift_right_logical3A_486], %broadcast_in_dim3A_20 {add = true} : memref<16384xi32, #tpu.memory_space<vmem>>[vector<16xi32>], vector<16xi32>,
        %scan3A_491 = arith.constant 9 : i32
        %mul3A_492 = arith.constant 16 : i32
        %mul3A_493 = arith.muli %scan3A_491, %mul3A_492 : i32
        %get3A_494 = arith.index_cast %scan3A_345 : i32 to index
        %get3A_495 = arith.index_cast %mul3A_493 : i32 to index
        %get3A_496 = tpu.vector_load %arg5[%get3A_494, %get3A_495] {strides = array<i32>} : memref<64x200xi32, #tpu.memory_space<vmem>>, vector<16xi32>,
        %and3A_497 = arith.constant 65535 : i32
        %and3A_498 = vector.broadcast %and3A_497 : i32 to vector<16xi32>
        %and3A_499 = arith.andi %get3A_496, %and3A_498 : vector<16xi32>
        %shift_right_logical3A_500 = arith.constant 16 : i32
        %shift_right_logical3A_501 = vector.broadcast %shift_right_logical3A_500 : i32 to vector<16xi32>
        %shift_right_logical3A_502 = arith.shrui %get3A_496, %shift_right_logical3A_501 : vector<16xi32>
        %scatter3A_503 = arith.constant 0 : i32
        %scatter3A_504 = tpu.memref_slice %arg4[%scatter3A_503] : memref<32768xi32, #tpu.memory_space<vmem>> -> memref<16384xi32, #tpu.memory_space<vmem>>
        tpu.vector_store_idx %scatter3A_504[%and3A_499], %broadcast_in_dim3A_20 {add = true} : memref<16384xi32, #tpu.memory_space<vmem>>[vector<16xi32>], vector<16xi32>,
        %scatter3A_505 = arith.constant 0 : i32
        %scatter3A_506 = tpu.memref_slice %arg4[%scatter3A_505] : memref<32768xi32, #tpu.memory_space<vmem>> -> memref<16384xi32, #tpu.memory_space<vmem>>
        tpu.vector_store_idx %scatter3A_506[%shift_right_logical3A_502], %broadcast_in_dim3A_20 {add = true} : memref<16384xi32, #tpu.memory_space<vmem>>[vector<16xi32>], vector<16xi32>,
        %scan3A_507 = arith.constant 10 : i32
        %mul3A_508 = arith.constant 16 : i32
        %mul3A_509 = arith.muli %scan3A_507, %mul3A_508 : i32
        %get3A_510 = arith.index_cast %scan3A_345 : i32 to index
        %get3A_511 = arith.index_cast %mul3A_509 : i32 to index
        %get3A_512 = tpu.vector_load %arg5[%get3A_510, %get3A_511] {strides = array<i32>} : memref<64x200xi32, #tpu.memory_space<vmem>>, vector<16xi32>,
        %and3A_513 = arith.constant 65535 : i32
        %and3A_514 = vector.broadcast %and3A_513 : i32 to vector<16xi32>
        %and3A_515 = arith.andi %get3A_512, %and3A_514 : vector<16xi32>
        %shift_right_logical3A_516 = arith.constant 16 : i32
        %shift_right_logical3A_517 = vector.broadcast %shift_right_logical3A_516 : i32 to vector<16xi32>
        %shift_right_logical3A_518 = arith.shrui %get3A_512, %shift_right_logical3A_517 : vector<16xi32>
        %scatter3A_519 = arith.constant 0 : i32
        %scatter3A_520 = tpu.memref_slice %arg4[%scatter3A_519] : memref<32768xi32, #tpu.memory_space<vmem>> -> memref<16384xi32, #tpu.memory_space<vmem>>
        tpu.vector_store_idx %scatter3A_520[%and3A_515], %broadcast_in_dim3A_20 {add = true} : memref<16384xi32, #tpu.memory_space<vmem>>[vector<16xi32>], vector<16xi32>,
        %scatter3A_521 = arith.constant 0 : i32
        %scatter3A_522 = tpu.memref_slice %arg4[%scatter3A_521] : memref<32768xi32, #tpu.memory_space<vmem>> -> memref<16384xi32, #tpu.memory_space<vmem>>
        tpu.vector_store_idx %scatter3A_522[%shift_right_logical3A_518], %broadcast_in_dim3A_20 {add = true} : memref<16384xi32, #tpu.memory_space<vmem>>[vector<16xi32>], vector<16xi32>,
        %scan3A_523 = arith.constant 11 : i32
        %mul3A_524 = arith.constant 16 : i32
        %mul3A_525 = arith.muli %scan3A_523, %mul3A_524 : i32
        %get3A_526 = arith.index_cast %scan3A_345 : i32 to index
        %get3A_527 = arith.index_cast %mul3A_525 : i32 to index
        %get3A_528 = tpu.vector_load %arg5[%get3A_526, %get3A_527] {strides = array<i32>} : memref<64x200xi32, #tpu.memory_space<vmem>>, vector<16xi32>,
        %and3A_529 = arith.constant 65535 : i32
        %and3A_530 = vector.broadcast %and3A_529 : i32 to vector<16xi32>
        %and3A_531 = arith.andi %get3A_528, %and3A_530 : vector<16xi32>
        %shift_right_logical3A_532 = arith.constant 16 : i32
        %shift_right_logical3A_533 = vector.broadcast %shift_right_logical3A_532 : i32 to vector<16xi32>
        %shift_right_logical3A_534 = arith.shrui %get3A_528, %shift_right_logical3A_533 : vector<16xi32>
        %scatter3A_535 = arith.constant 0 : i32
        %scatter3A_536 = tpu.memref_slice %arg4[%scatter3A_535] : memref<32768xi32, #tpu.memory_space<vmem>> -> memref<16384xi32, #tpu.memory_space<vmem>>
        tpu.vector_store_idx %scatter3A_536[%and3A_531], %broadcast_in_dim3A_20 {add = true} : memref<16384xi32, #tpu.memory_space<vmem>>[vector<16xi32>], vector<16xi32>,
        %scatter3A_537 = arith.constant 0 : i32
        %scatter3A_538 = tpu.memref_slice %arg4[%scatter3A_537] : memref<32768xi32, #tpu.memory_space<vmem>> -> memref<16384xi32, #tpu.memory_space<vmem>>
        tpu.vector_store_idx %scatter3A_538[%shift_right_logical3A_534], %broadcast_in_dim3A_20 {add = true} : memref<16384xi32, #tpu.memory_space<vmem>>[vector<16xi32>], vector<16xi32>,
        %scan3A_539 = arith.constant 12 : i32
        %get3A_540 = arith.index_cast %scan3A_345 : i32 to index
        %get3A_541 = arith.constant 184 : index
        %get3A_542 = tpu.vector_load %arg5[%get3A_540, %get3A_541] {strides = array<i32>} : memref<64x200xi32, #tpu.memory_space<vmem>>, vector<16xi32>,
        %and3A_543 = arith.constant 65535 : i32
        %and3A_544 = vector.broadcast %and3A_543 : i32 to vector<16xi32>
        %and3A_545 = arith.andi %get3A_542, %and3A_544 : vector<16xi32>
        %shift_right_logical3A_546 = arith.constant 16 : i32
        %shift_right_logical3A_547 = vector.broadcast %shift_right_logical3A_546 : i32 to vector<16xi32>
        %shift_right_logical3A_548 = arith.shrui %get3A_542, %shift_right_logical3A_547 : vector<16xi32>
        %scatter3A_549 = arith.constant 0 : i32
        %scatter3A_550 = tpu.memref_slice %arg4[%scatter3A_549] : memref<32768xi32, #tpu.memory_space<vmem>> -> memref<16384xi32, #tpu.memory_space<vmem>>
        tpu.vector_store_idx %scatter3A_550[%and3A_545], %broadcast_in_dim3A_20 masked %ge3A_22 {add = true} : memref<16384xi32, #tpu.memory_space<vmem>>[vector<16xi32>], vector<16xi32>, vector<16xi1>
        %scatter3A_551 = arith.constant 0 : i32
        %scatter3A_552 = tpu.memref_slice %arg4[%scatter3A_551] : memref<32768xi32, #tpu.memory_space<vmem>> -> memref<16384xi32, #tpu.memory_space<vmem>>
        tpu.vector_store_idx %scatter3A_552[%shift_right_logical3A_548], %broadcast_in_dim3A_20 masked %ge3A_22 {add = true} : memref<16384xi32, #tpu.memory_space<vmem>>[vector<16xi32>], vector<16xi32>, vector<16xi1>
      }
      %scan3A_137 = arith.constant 64 : i32
    }
    %while3A_55 = arith.constant 1 : i32
    scf.for %while3A_123 = %while3A_53 to %while3A_49 step %while3A_55  : i32 {
      %mul3A_124 = arith.constant 8 : i32
      %mul3A_125 = arith.muli %mul3A_124, %while3A_123 : i32
      %add3A_126 = arith.addi %shift_right_logical3A_3, %mul3A_125 : i32
      %mul3A_127 = arith.constant 200 : i32
      %mul3A_128 = arith.muli %shift_right_logical3A_13, %mul3A_127 : i32
      %sub3A_129 = arith.subi %add3A_126, %mul3A_128 : i32
      %mul3A_130 = arith.constant 8 : i32
      %mul3A_131 = arith.muli %sub3A_129, %mul3A_130 : i32
      "tpu.region"() ({
        %run_scoped3A = tpu.sem_alloc : memref<!tpu.dma_semaphore, #tpu.memory_space<semaphore_mem>>
        %dma_start3A = arith.constant 0 : i32
        %dma_start3A_138 = tpu.memref_slice %arg2[%shift_right_logical3A_13, %mul3A_131, %dma_start3A] : memref<18x1600x200xi32, #tpu.memory_space<hbm>> -> memref<1x64x200xi32, #tpu.memory_space<hbm>>
        %dma_start3A_139 = tpu.memref_squeeze %dma_start3A_138 : memref<1x64x200xi32, #tpu.memory_space<hbm>> -> memref<64x200xi32, #tpu.memory_space<hbm>>
        %dma_start3A_140 = arith.constant 0 : i32
        %dma_start3A_141 = tpu.memref_slice %arg2[%shift_right_logical3A_13, %mul3A_131, %dma_start3A_140] : memref<18x1600x200xi32, #tpu.memory_space<hbm>> -> memref<1x64x200xi32, #tpu.memory_space<hbm>>
        %dma_start3A_142 = tpu.memref_squeeze %dma_start3A_141 : memref<1x64x200xi32, #tpu.memory_space<hbm>> -> memref<64x200xi32, #tpu.memory_space<hbm>>
        tpu.enqueue_dma source(%dma_start3A_142 : memref<64x200xi32, #tpu.memory_space<hbm>>) target(%arg5 : memref<64x200xi32, #tpu.memory_space<vmem>>) target_semaphore(%run_scoped3A : memref<!tpu.dma_semaphore, #tpu.memory_space<semaphore_mem>>)
        %dma_wait3A = arith.constant 0 : i32
        %dma_wait3A_143 = tpu.memref_slice %arg2[%shift_right_logical3A_13, %mul3A_131, %dma_wait3A] : memref<18x1600x200xi32, #tpu.memory_space<hbm>> -> memref<1x64x200xi32, #tpu.memory_space<hbm>>
        %dma_wait3A_144 = tpu.memref_squeeze %dma_wait3A_143 : memref<1x64x200xi32, #tpu.memory_space<hbm>> -> memref<64x200xi32, #tpu.memory_space<hbm>>
        %dma_wait3A_145 = arith.constant 0 : i32
        %dma_wait3A_146 = tpu.memref_slice %arg2[%shift_right_logical3A_13, %mul3A_131, %dma_wait3A_145] : memref<18x1600x200xi32, #tpu.memory_space<hbm>> -> memref<1x64x200xi32, #tpu.memory_space<hbm>>
        %dma_wait3A_147 = tpu.memref_squeeze %dma_wait3A_146 : memref<1x64x200xi32, #tpu.memory_space<hbm>> -> memref<64x200xi32, #tpu.memory_space<hbm>>
        tpu.wait_dma2 semaphore(%run_scoped3A : memref<!tpu.dma_semaphore, #tpu.memory_space<semaphore_mem>>) src(%dma_wait3A_147 : memref<64x200xi32, #tpu.memory_space<hbm>>) dst(%arg5 : memref<64x200xi32, #tpu.memory_space<vmem>>)
        tpu.yield
      }) : () -> ()
      %scan3A_132 = arith.constant 0 : i32
      %scan3A_133 = arith.constant 0 : i32
      %scan3A_134 = arith.constant 64 : i32
      %scan3A_135 = arith.addi %scan3A_133, %scan3A_134 : i32
      %scan3A_136 = arith.constant 2 : i32
      scf.for %scan3A_138 = %scan3A_133 to %scan3A_135 step %scan3A_136  : i32 {
        %scan3A_139 = arith.constant 0 : i32
        %scan3A_140 = arith.constant 0 : i32
        %mul3A_141 = arith.constant 16 : i32
        %mul3A_142 = arith.muli %scan3A_140, %mul3A_141 : i32
        %get3A = arith.index_cast %scan3A_138 : i32 to index
        %get3A_143 = arith.index_cast %mul3A_142 : i32 to index
        %get3A_144 = tpu.vector_load %arg5[%get3A, %get3A_143] {strides = array<i32>} : memref<64x200xi32, #tpu.memory_space<vmem>>, vector<16xi32>,
        %and3A_145 = arith.constant 65535 : i32
        %and3A_146 = vector.broadcast %and3A_145 : i32 to vector<16xi32>
        %and3A_147 = arith.andi %get3A_144, %and3A_146 : vector<16xi32>
        %shift_right_logical3A_148 = arith.constant 16 : i32
        %shift_right_logical3A_149 = vector.broadcast %shift_right_logical3A_148 : i32 to vector<16xi32>
        %shift_right_logical3A_150 = arith.shrui %get3A_144, %shift_right_logical3A_149 : vector<16xi32>
        %scatter3A = arith.constant 0 : i32
        %scatter3A_151 = tpu.memref_slice %arg4[%scatter3A] : memref<32768xi32, #tpu.memory_space<vmem>> -> memref<16384xi32, #tpu.memory_space<vmem>>
        tpu.vector_store_idx %scatter3A_151[%and3A_147], %broadcast_in_dim3A_20 {add = true} : memref<16384xi32, #tpu.memory_space<vmem>>[vector<16xi32>], vector<16xi32>,
        %scatter3A_152 = arith.constant 0 : i32
        %scatter3A_153 = tpu.memref_slice %arg4[%scatter3A_152] : memref<32768xi32, #tpu.memory_space<vmem>> -> memref<16384xi32, #tpu.memory_space<vmem>>
        tpu.vector_store_idx %scatter3A_153[%shift_right_logical3A_150], %broadcast_in_dim3A_20 {add = true} : memref<16384xi32, #tpu.memory_space<vmem>>[vector<16xi32>], vector<16xi32>,
        %scan3A_154 = arith.constant 1 : i32
        %mul3A_155 = arith.constant 16 : i32
        %mul3A_156 = arith.muli %scan3A_154, %mul3A_155 : i32
        %get3A_157 = arith.index_cast %scan3A_138 : i32 to index
        %get3A_158 = arith.index_cast %mul3A_156 : i32 to index
        %get3A_159 = tpu.vector_load %arg5[%get3A_157, %get3A_158] {strides = array<i32>} : memref<64x200xi32, #tpu.memory_space<vmem>>, vector<16xi32>,
        %and3A_160 = arith.constant 65535 : i32
        %and3A_161 = vector.broadcast %and3A_160 : i32 to vector<16xi32>
        %and3A_162 = arith.andi %get3A_159, %and3A_161 : vector<16xi32>
        %shift_right_logical3A_163 = arith.constant 16 : i32
        %shift_right_logical3A_164 = vector.broadcast %shift_right_logical3A_163 : i32 to vector<16xi32>
        %shift_right_logical3A_165 = arith.shrui %get3A_159, %shift_right_logical3A_164 : vector<16xi32>
        %scatter3A_166 = arith.constant 0 : i32
        %scatter3A_167 = tpu.memref_slice %arg4[%scatter3A_166] : memref<32768xi32, #tpu.memory_space<vmem>> -> memref<16384xi32, #tpu.memory_space<vmem>>
        tpu.vector_store_idx %scatter3A_167[%and3A_162], %broadcast_in_dim3A_20 {add = true} : memref<16384xi32, #tpu.memory_space<vmem>>[vector<16xi32>], vector<16xi32>,
        %scatter3A_168 = arith.constant 0 : i32
        %scatter3A_169 = tpu.memref_slice %arg4[%scatter3A_168] : memref<32768xi32, #tpu.memory_space<vmem>> -> memref<16384xi32, #tpu.memory_space<vmem>>
        tpu.vector_store_idx %scatter3A_169[%shift_right_logical3A_165], %broadcast_in_dim3A_20 {add = true} : memref<16384xi32, #tpu.memory_space<vmem>>[vector<16xi32>], vector<16xi32>,
        %scan3A_170 = arith.constant 2 : i32
        %mul3A_171 = arith.constant 16 : i32
        %mul3A_172 = arith.muli %scan3A_170, %mul3A_171 : i32
        %get3A_173 = arith.index_cast %scan3A_138 : i32 to index
        %get3A_174 = arith.index_cast %mul3A_172 : i32 to index
        %get3A_175 = tpu.vector_load %arg5[%get3A_173, %get3A_174] {strides = array<i32>} : memref<64x200xi32, #tpu.memory_space<vmem>>, vector<16xi32>,
        %and3A_176 = arith.constant 65535 : i32
        %and3A_177 = vector.broadcast %and3A_176 : i32 to vector<16xi32>
        %and3A_178 = arith.andi %get3A_175, %and3A_177 : vector<16xi32>
        %shift_right_logical3A_179 = arith.constant 16 : i32
        %shift_right_logical3A_180 = vector.broadcast %shift_right_logical3A_179 : i32 to vector<16xi32>
        %shift_right_logical3A_181 = arith.shrui %get3A_175, %shift_right_logical3A_180 : vector<16xi32>
        %scatter3A_182 = arith.constant 0 : i32
        %scatter3A_183 = tpu.memref_slice %arg4[%scatter3A_182] : memref<32768xi32, #tpu.memory_space<vmem>> -> memref<16384xi32, #tpu.memory_space<vmem>>
        tpu.vector_store_idx %scatter3A_183[%and3A_178], %broadcast_in_dim3A_20 {add = true} : memref<16384xi32, #tpu.memory_space<vmem>>[vector<16xi32>], vector<16xi32>,
        %scatter3A_184 = arith.constant 0 : i32
        %scatter3A_185 = tpu.memref_slice %arg4[%scatter3A_184] : memref<32768xi32, #tpu.memory_space<vmem>> -> memref<16384xi32, #tpu.memory_space<vmem>>
        tpu.vector_store_idx %scatter3A_185[%shift_right_logical3A_181], %broadcast_in_dim3A_20 {add = true} : memref<16384xi32, #tpu.memory_space<vmem>>[vector<16xi32>], vector<16xi32>,
        %scan3A_186 = arith.constant 3 : i32
        %mul3A_187 = arith.constant 16 : i32
        %mul3A_188 = arith.muli %scan3A_186, %mul3A_187 : i32
        %get3A_189 = arith.index_cast %scan3A_138 : i32 to index
        %get3A_190 = arith.index_cast %mul3A_188 : i32 to index
        %get3A_191 = tpu.vector_load %arg5[%get3A_189, %get3A_190] {strides = array<i32>} : memref<64x200xi32, #tpu.memory_space<vmem>>, vector<16xi32>,
        %and3A_192 = arith.constant 65535 : i32
        %and3A_193 = vector.broadcast %and3A_192 : i32 to vector<16xi32>
        %and3A_194 = arith.andi %get3A_191, %and3A_193 : vector<16xi32>
        %shift_right_logical3A_195 = arith.constant 16 : i32
        %shift_right_logical3A_196 = vector.broadcast %shift_right_logical3A_195 : i32 to vector<16xi32>
        %shift_right_logical3A_197 = arith.shrui %get3A_191, %shift_right_logical3A_196 : vector<16xi32>
        %scatter3A_198 = arith.constant 0 : i32
        %scatter3A_199 = tpu.memref_slice %arg4[%scatter3A_198] : memref<32768xi32, #tpu.memory_space<vmem>> -> memref<16384xi32, #tpu.memory_space<vmem>>
        tpu.vector_store_idx %scatter3A_199[%and3A_194], %broadcast_in_dim3A_20 {add = true} : memref<16384xi32, #tpu.memory_space<vmem>>[vector<16xi32>], vector<16xi32>,
        %scatter3A_200 = arith.constant 0 : i32
        %scatter3A_201 = tpu.memref_slice %arg4[%scatter3A_200] : memref<32768xi32, #tpu.memory_space<vmem>> -> memref<16384xi32, #tpu.memory_space<vmem>>
        tpu.vector_store_idx %scatter3A_201[%shift_right_logical3A_197], %broadcast_in_dim3A_20 {add = true} : memref<16384xi32, #tpu.memory_space<vmem>>[vector<16xi32>], vector<16xi32>,
        %scan3A_202 = arith.constant 4 : i32
        %mul3A_203 = arith.constant 16 : i32
        %mul3A_204 = arith.muli %scan3A_202, %mul3A_203 : i32
        %get3A_205 = arith.index_cast %scan3A_138 : i32 to index
        %get3A_206 = arith.index_cast %mul3A_204 : i32 to index
        %get3A_207 = tpu.vector_load %arg5[%get3A_205, %get3A_206] {strides = array<i32>} : memref<64x200xi32, #tpu.memory_space<vmem>>, vector<16xi32>,
        %and3A_208 = arith.constant 65535 : i32
        %and3A_209 = vector.broadcast %and3A_208 : i32 to vector<16xi32>
        %and3A_210 = arith.andi %get3A_207, %and3A_209 : vector<16xi32>
        %shift_right_logical3A_211 = arith.constant 16 : i32
        %shift_right_logical3A_212 = vector.broadcast %shift_right_logical3A_211 : i32 to vector<16xi32>
        %shift_right_logical3A_213 = arith.shrui %get3A_207, %shift_right_logical3A_212 : vector<16xi32>
        %scatter3A_214 = arith.constant 0 : i32
        %scatter3A_215 = tpu.memref_slice %arg4[%scatter3A_214] : memref<32768xi32, #tpu.memory_space<vmem>> -> memref<16384xi32, #tpu.memory_space<vmem>>
        tpu.vector_store_idx %scatter3A_215[%and3A_210], %broadcast_in_dim3A_20 {add = true} : memref<16384xi32, #tpu.memory_space<vmem>>[vector<16xi32>], vector<16xi32>,
        %scatter3A_216 = arith.constant 0 : i32
        %scatter3A_217 = tpu.memref_slice %arg4[%scatter3A_216] : memref<32768xi32, #tpu.memory_space<vmem>> -> memref<16384xi32, #tpu.memory_space<vmem>>
        tpu.vector_store_idx %scatter3A_217[%shift_right_logical3A_213], %broadcast_in_dim3A_20 {add = true} : memref<16384xi32, #tpu.memory_space<vmem>>[vector<16xi32>], vector<16xi32>,
        %scan3A_218 = arith.constant 5 : i32
        %mul3A_219 = arith.constant 16 : i32
        %mul3A_220 = arith.muli %scan3A_218, %mul3A_219 : i32
        %get3A_221 = arith.index_cast %scan3A_138 : i32 to index
        %get3A_222 = arith.index_cast %mul3A_220 : i32 to index
        %get3A_223 = tpu.vector_load %arg5[%get3A_221, %get3A_222] {strides = array<i32>} : memref<64x200xi32, #tpu.memory_space<vmem>>, vector<16xi32>,
        %and3A_224 = arith.constant 65535 : i32
        %and3A_225 = vector.broadcast %and3A_224 : i32 to vector<16xi32>
        %and3A_226 = arith.andi %get3A_223, %and3A_225 : vector<16xi32>
        %shift_right_logical3A_227 = arith.constant 16 : i32
        %shift_right_logical3A_228 = vector.broadcast %shift_right_logical3A_227 : i32 to vector<16xi32>
        %shift_right_logical3A_229 = arith.shrui %get3A_223, %shift_right_logical3A_228 : vector<16xi32>
        %scatter3A_230 = arith.constant 0 : i32
        %scatter3A_231 = tpu.memref_slice %arg4[%scatter3A_230] : memref<32768xi32, #tpu.memory_space<vmem>> -> memref<16384xi32, #tpu.memory_space<vmem>>
        tpu.vector_store_idx %scatter3A_231[%and3A_226], %broadcast_in_dim3A_20 {add = true} : memref<16384xi32, #tpu.memory_space<vmem>>[vector<16xi32>], vector<16xi32>,
        %scatter3A_232 = arith.constant 0 : i32
        %scatter3A_233 = tpu.memref_slice %arg4[%scatter3A_232] : memref<32768xi32, #tpu.memory_space<vmem>> -> memref<16384xi32, #tpu.memory_space<vmem>>
        tpu.vector_store_idx %scatter3A_233[%shift_right_logical3A_229], %broadcast_in_dim3A_20 {add = true} : memref<16384xi32, #tpu.memory_space<vmem>>[vector<16xi32>], vector<16xi32>,
        %scan3A_234 = arith.constant 6 : i32
        %mul3A_235 = arith.constant 16 : i32
        %mul3A_236 = arith.muli %scan3A_234, %mul3A_235 : i32
        %get3A_237 = arith.index_cast %scan3A_138 : i32 to index
        %get3A_238 = arith.index_cast %mul3A_236 : i32 to index
        %get3A_239 = tpu.vector_load %arg5[%get3A_237, %get3A_238] {strides = array<i32>} : memref<64x200xi32, #tpu.memory_space<vmem>>, vector<16xi32>,
        %and3A_240 = arith.constant 65535 : i32
        %and3A_241 = vector.broadcast %and3A_240 : i32 to vector<16xi32>
        %and3A_242 = arith.andi %get3A_239, %and3A_241 : vector<16xi32>
        %shift_right_logical3A_243 = arith.constant 16 : i32
        %shift_right_logical3A_244 = vector.broadcast %shift_right_logical3A_243 : i32 to vector<16xi32>
        %shift_right_logical3A_245 = arith.shrui %get3A_239, %shift_right_logical3A_244 : vector<16xi32>
        %scatter3A_246 = arith.constant 0 : i32
        %scatter3A_247 = tpu.memref_slice %arg4[%scatter3A_246] : memref<32768xi32, #tpu.memory_space<vmem>> -> memref<16384xi32, #tpu.memory_space<vmem>>
        tpu.vector_store_idx %scatter3A_247[%and3A_242], %broadcast_in_dim3A_20 {add = true} : memref<16384xi32, #tpu.memory_space<vmem>>[vector<16xi32>], vector<16xi32>,
        %scatter3A_248 = arith.constant 0 : i32
        %scatter3A_249 = tpu.memref_slice %arg4[%scatter3A_248] : memref<32768xi32, #tpu.memory_space<vmem>> -> memref<16384xi32, #tpu.memory_space<vmem>>
        tpu.vector_store_idx %scatter3A_249[%shift_right_logical3A_245], %broadcast_in_dim3A_20 {add = true} : memref<16384xi32, #tpu.memory_space<vmem>>[vector<16xi32>], vector<16xi32>,
        %scan3A_250 = arith.constant 7 : i32
        %mul3A_251 = arith.constant 16 : i32
        %mul3A_252 = arith.muli %scan3A_250, %mul3A_251 : i32
        %get3A_253 = arith.index_cast %scan3A_138 : i32 to index
        %get3A_254 = arith.index_cast %mul3A_252 : i32 to index
        %get3A_255 = tpu.vector_load %arg5[%get3A_253, %get3A_254] {strides = array<i32>} : memref<64x200xi32, #tpu.memory_space<vmem>>, vector<16xi32>,
        %and3A_256 = arith.constant 65535 : i32
        %and3A_257 = vector.broadcast %and3A_256 : i32 to vector<16xi32>
        %and3A_258 = arith.andi %get3A_255, %and3A_257 : vector<16xi32>
        %shift_right_logical3A_259 = arith.constant 16 : i32
        %shift_right_logical3A_260 = vector.broadcast %shift_right_logical3A_259 : i32 to vector<16xi32>
        %shift_right_logical3A_261 = arith.shrui %get3A_255, %shift_right_logical3A_260 : vector<16xi32>
        %scatter3A_262 = arith.constant 0 : i32
        %scatter3A_263 = tpu.memref_slice %arg4[%scatter3A_262] : memref<32768xi32, #tpu.memory_space<vmem>> -> memref<16384xi32, #tpu.memory_space<vmem>>
        tpu.vector_store_idx %scatter3A_263[%and3A_258], %broadcast_in_dim3A_20 {add = true} : memref<16384xi32, #tpu.memory_space<vmem>>[vector<16xi32>], vector<16xi32>,
        %scatter3A_264 = arith.constant 0 : i32
        %scatter3A_265 = tpu.memref_slice %arg4[%scatter3A_264] : memref<32768xi32, #tpu.memory_space<vmem>> -> memref<16384xi32, #tpu.memory_space<vmem>>
        tpu.vector_store_idx %scatter3A_265[%shift_right_logical3A_261], %broadcast_in_dim3A_20 {add = true} : memref<16384xi32, #tpu.memory_space<vmem>>[vector<16xi32>], vector<16xi32>,
        %scan3A_266 = arith.constant 8 : i32
        %mul3A_267 = arith.constant 16 : i32
        %mul3A_268 = arith.muli %scan3A_266, %mul3A_267 : i32
        %get3A_269 = arith.index_cast %scan3A_138 : i32 to index
        %get3A_270 = arith.index_cast %mul3A_268 : i32 to index
        %get3A_271 = tpu.vector_load %arg5[%get3A_269, %get3A_270] {strides = array<i32>} : memref<64x200xi32, #tpu.memory_space<vmem>>, vector<16xi32>,
        %and3A_272 = arith.constant 65535 : i32
        %and3A_273 = vector.broadcast %and3A_272 : i32 to vector<16xi32>
        %and3A_274 = arith.andi %get3A_271, %and3A_273 : vector<16xi32>
        %shift_right_logical3A_275 = arith.constant 16 : i32
        %shift_right_logical3A_276 = vector.broadcast %shift_right_logical3A_275 : i32 to vector<16xi32>
        %shift_right_logical3A_277 = arith.shrui %get3A_271, %shift_right_logical3A_276 : vector<16xi32>
        %scatter3A_278 = arith.constant 0 : i32
        %scatter3A_279 = tpu.memref_slice %arg4[%scatter3A_278] : memref<32768xi32, #tpu.memory_space<vmem>> -> memref<16384xi32, #tpu.memory_space<vmem>>
        tpu.vector_store_idx %scatter3A_279[%and3A_274], %broadcast_in_dim3A_20 {add = true} : memref<16384xi32, #tpu.memory_space<vmem>>[vector<16xi32>], vector<16xi32>,
        %scatter3A_280 = arith.constant 0 : i32
        %scatter3A_281 = tpu.memref_slice %arg4[%scatter3A_280] : memref<32768xi32, #tpu.memory_space<vmem>> -> memref<16384xi32, #tpu.memory_space<vmem>>
        tpu.vector_store_idx %scatter3A_281[%shift_right_logical3A_277], %broadcast_in_dim3A_20 {add = true} : memref<16384xi32, #tpu.memory_space<vmem>>[vector<16xi32>], vector<16xi32>,
        %scan3A_282 = arith.constant 9 : i32
        %mul3A_283 = arith.constant 16 : i32
        %mul3A_284 = arith.muli %scan3A_282, %mul3A_283 : i32
        %get3A_285 = arith.index_cast %scan3A_138 : i32 to index
        %get3A_286 = arith.index_cast %mul3A_284 : i32 to index
        %get3A_287 = tpu.vector_load %arg5[%get3A_285, %get3A_286] {strides = array<i32>} : memref<64x200xi32, #tpu.memory_space<vmem>>, vector<16xi32>,
        %and3A_288 = arith.constant 65535 : i32
        %and3A_289 = vector.broadcast %and3A_288 : i32 to vector<16xi32>
        %and3A_290 = arith.andi %get3A_287, %and3A_289 : vector<16xi32>
        %shift_right_logical3A_291 = arith.constant 16 : i32
        %shift_right_logical3A_292 = vector.broadcast %shift_right_logical3A_291 : i32 to vector<16xi32>
        %shift_right_logical3A_293 = arith.shrui %get3A_287, %shift_right_logical3A_292 : vector<16xi32>
        %scatter3A_294 = arith.constant 0 : i32
        %scatter3A_295 = tpu.memref_slice %arg4[%scatter3A_294] : memref<32768xi32, #tpu.memory_space<vmem>> -> memref<16384xi32, #tpu.memory_space<vmem>>
        tpu.vector_store_idx %scatter3A_295[%and3A_290], %broadcast_in_dim3A_20 {add = true} : memref<16384xi32, #tpu.memory_space<vmem>>[vector<16xi32>], vector<16xi32>,
        %scatter3A_296 = arith.constant 0 : i32
        %scatter3A_297 = tpu.memref_slice %arg4[%scatter3A_296] : memref<32768xi32, #tpu.memory_space<vmem>> -> memref<16384xi32, #tpu.memory_space<vmem>>
        tpu.vector_store_idx %scatter3A_297[%shift_right_logical3A_293], %broadcast_in_dim3A_20 {add = true} : memref<16384xi32, #tpu.memory_space<vmem>>[vector<16xi32>], vector<16xi32>,
        %scan3A_298 = arith.constant 10 : i32
        %mul3A_299 = arith.constant 16 : i32
        %mul3A_300 = arith.muli %scan3A_298, %mul3A_299 : i32
        %get3A_301 = arith.index_cast %scan3A_138 : i32 to index
        %get3A_302 = arith.index_cast %mul3A_300 : i32 to index
        %get3A_303 = tpu.vector_load %arg5[%get3A_301, %get3A_302] {strides = array<i32>} : memref<64x200xi32, #tpu.memory_space<vmem>>, vector<16xi32>,
        %and3A_304 = arith.constant 65535 : i32
        %and3A_305 = vector.broadcast %and3A_304 : i32 to vector<16xi32>
        %and3A_306 = arith.andi %get3A_303, %and3A_305 : vector<16xi32>
        %shift_right_logical3A_307 = arith.constant 16 : i32
        %shift_right_logical3A_308 = vector.broadcast %shift_right_logical3A_307 : i32 to vector<16xi32>
        %shift_right_logical3A_309 = arith.shrui %get3A_303, %shift_right_logical3A_308 : vector<16xi32>
        %scatter3A_310 = arith.constant 0 : i32
        %scatter3A_311 = tpu.memref_slice %arg4[%scatter3A_310] : memref<32768xi32, #tpu.memory_space<vmem>> -> memref<16384xi32, #tpu.memory_space<vmem>>
        tpu.vector_store_idx %scatter3A_311[%and3A_306], %broadcast_in_dim3A_20 {add = true} : memref<16384xi32, #tpu.memory_space<vmem>>[vector<16xi32>], vector<16xi32>,
        %scatter3A_312 = arith.constant 0 : i32
        %scatter3A_313 = tpu.memref_slice %arg4[%scatter3A_312] : memref<32768xi32, #tpu.memory_space<vmem>> -> memref<16384xi32, #tpu.memory_space<vmem>>
        tpu.vector_store_idx %scatter3A_313[%shift_right_logical3A_309], %broadcast_in_dim3A_20 {add = true} : memref<16384xi32, #tpu.memory_space<vmem>>[vector<16xi32>], vector<16xi32>,
        %scan3A_314 = arith.constant 11 : i32
        %mul3A_315 = arith.constant 16 : i32
        %mul3A_316 = arith.muli %scan3A_314, %mul3A_315 : i32
        %get3A_317 = arith.index_cast %scan3A_138 : i32 to index
        %get3A_318 = arith.index_cast %mul3A_316 : i32 to index
        %get3A_319 = tpu.vector_load %arg5[%get3A_317, %get3A_318] {strides = array<i32>} : memref<64x200xi32, #tpu.memory_space<vmem>>, vector<16xi32>,
        %and3A_320 = arith.constant 65535 : i32
        %and3A_321 = vector.broadcast %and3A_320 : i32 to vector<16xi32>
        %and3A_322 = arith.andi %get3A_319, %and3A_321 : vector<16xi32>
        %shift_right_logical3A_323 = arith.constant 16 : i32
        %shift_right_logical3A_324 = vector.broadcast %shift_right_logical3A_323 : i32 to vector<16xi32>
        %shift_right_logical3A_325 = arith.shrui %get3A_319, %shift_right_logical3A_324 : vector<16xi32>
        %scatter3A_326 = arith.constant 0 : i32
        %scatter3A_327 = tpu.memref_slice %arg4[%scatter3A_326] : memref<32768xi32, #tpu.memory_space<vmem>> -> memref<16384xi32, #tpu.memory_space<vmem>>
        tpu.vector_store_idx %scatter3A_327[%and3A_322], %broadcast_in_dim3A_20 {add = true} : memref<16384xi32, #tpu.memory_space<vmem>>[vector<16xi32>], vector<16xi32>,
        %scatter3A_328 = arith.constant 0 : i32
        %scatter3A_329 = tpu.memref_slice %arg4[%scatter3A_328] : memref<32768xi32, #tpu.memory_space<vmem>> -> memref<16384xi32, #tpu.memory_space<vmem>>
        tpu.vector_store_idx %scatter3A_329[%shift_right_logical3A_325], %broadcast_in_dim3A_20 {add = true} : memref<16384xi32, #tpu.memory_space<vmem>>[vector<16xi32>], vector<16xi32>,
        %scan3A_330 = arith.constant 12 : i32
        %get3A_331 = arith.index_cast %scan3A_138 : i32 to index
        %get3A_332 = arith.constant 184 : index
        %get3A_333 = tpu.vector_load %arg5[%get3A_331, %get3A_332] {strides = array<i32>} : memref<64x200xi32, #tpu.memory_space<vmem>>, vector<16xi32>,
        %and3A_334 = arith.constant 65535 : i32
        %and3A_335 = vector.broadcast %and3A_334 : i32 to vector<16xi32>
        %and3A_336 = arith.andi %get3A_333, %and3A_335 : vector<16xi32>
        %shift_right_logical3A_337 = arith.constant 16 : i32
        %shift_right_logical3A_338 = vector.broadcast %shift_right_logical3A_337 : i32 to vector<16xi32>
        %shift_right_logical3A_339 = arith.shrui %get3A_333, %shift_right_logical3A_338 : vector<16xi32>
        %scatter3A_340 = arith.constant 0 : i32
        %scatter3A_341 = tpu.memref_slice %arg4[%scatter3A_340] : memref<32768xi32, #tpu.memory_space<vmem>> -> memref<16384xi32, #tpu.memory_space<vmem>>
        tpu.vector_store_idx %scatter3A_341[%and3A_336], %broadcast_in_dim3A_20 masked %ge3A_22 {add = true} : memref<16384xi32, #tpu.memory_space<vmem>>[vector<16xi32>], vector<16xi32>, vector<16xi1>
        %scatter3A_342 = arith.constant 0 : i32
        %scatter3A_343 = tpu.memref_slice %arg4[%scatter3A_342] : memref<32768xi32, #tpu.memory_space<vmem>> -> memref<16384xi32, #tpu.memory_space<vmem>>
        tpu.vector_store_idx %scatter3A_343[%shift_right_logical3A_339], %broadcast_in_dim3A_20 masked %ge3A_22 {add = true} : memref<16384xi32, #tpu.memory_space<vmem>>[vector<16xi32>], vector<16xi32>, vector<16xi1>
        %scan3A_344 = arith.constant 1 : i32
        %scan3A_345 = arith.addi %scan3A_138, %scan3A_344 : i32
        %scan3A_346 = arith.constant 0 : i32
        %scan3A_347 = arith.constant 0 : i32
        %mul3A_348 = arith.constant 16 : i32
        %mul3A_349 = arith.muli %scan3A_347, %mul3A_348 : i32
        %get3A_350 = arith.index_cast %scan3A_345 : i32 to index
        %get3A_351 = arith.index_cast %mul3A_349 : i32 to index
        %get3A_352 = tpu.vector_load %arg5[%get3A_350, %get3A_351] {strides = array<i32>} : memref<64x200xi32, #tpu.memory_space<vmem>>, vector<16xi32>,
        %and3A_353 = arith.constant 65535 : i32
        %and3A_354 = vector.broadcast %and3A_353 : i32 to vector<16xi32>
        %and3A_355 = arith.andi %get3A_352, %and3A_354 : vector<16xi32>
        %shift_right_logical3A_356 = arith.constant 16 : i32
        %shift_right_logical3A_357 = vector.broadcast %shift_right_logical3A_356 : i32 to vector<16xi32>
        %shift_right_logical3A_358 = arith.shrui %get3A_352, %shift_right_logical3A_357 : vector<16xi32>
        %scatter3A_359 = arith.constant 0 : i32
        %scatter3A_360 = tpu.memref_slice %arg4[%scatter3A_359] : memref<32768xi32, #tpu.memory_space<vmem>> -> memref<16384xi32, #tpu.memory_space<vmem>>
        tpu.vector_store_idx %scatter3A_360[%and3A_355], %broadcast_in_dim3A_20 {add = true} : memref<16384xi32, #tpu.memory_space<vmem>>[vector<16xi32>], vector<16xi32>,
        %scatter3A_361 = arith.constant 0 : i32
        %scatter3A_362 = tpu.memref_slice %arg4[%scatter3A_361] : memref<32768xi32, #tpu.memory_space<vmem>> -> memref<16384xi32, #tpu.memory_space<vmem>>
        tpu.vector_store_idx %scatter3A_362[%shift_right_logical3A_358], %broadcast_in_dim3A_20 {add = true} : memref<16384xi32, #tpu.memory_space<vmem>>[vector<16xi32>], vector<16xi32>,
        %scan3A_363 = arith.constant 1 : i32
        %mul3A_364 = arith.constant 16 : i32
        %mul3A_365 = arith.muli %scan3A_363, %mul3A_364 : i32
        %get3A_366 = arith.index_cast %scan3A_345 : i32 to index
        %get3A_367 = arith.index_cast %mul3A_365 : i32 to index
        %get3A_368 = tpu.vector_load %arg5[%get3A_366, %get3A_367] {strides = array<i32>} : memref<64x200xi32, #tpu.memory_space<vmem>>, vector<16xi32>,
        %and3A_369 = arith.constant 65535 : i32
        %and3A_370 = vector.broadcast %and3A_369 : i32 to vector<16xi32>
        %and3A_371 = arith.andi %get3A_368, %and3A_370 : vector<16xi32>
        %shift_right_logical3A_372 = arith.constant 16 : i32
        %shift_right_logical3A_373 = vector.broadcast %shift_right_logical3A_372 : i32 to vector<16xi32>
        %shift_right_logical3A_374 = arith.shrui %get3A_368, %shift_right_logical3A_373 : vector<16xi32>
        %scatter3A_375 = arith.constant 0 : i32
        %scatter3A_376 = tpu.memref_slice %arg4[%scatter3A_375] : memref<32768xi32, #tpu.memory_space<vmem>> -> memref<16384xi32, #tpu.memory_space<vmem>>
        tpu.vector_store_idx %scatter3A_376[%and3A_371], %broadcast_in_dim3A_20 {add = true} : memref<16384xi32, #tpu.memory_space<vmem>>[vector<16xi32>], vector<16xi32>,
        %scatter3A_377 = arith.constant 0 : i32
        %scatter3A_378 = tpu.memref_slice %arg4[%scatter3A_377] : memref<32768xi32, #tpu.memory_space<vmem>> -> memref<16384xi32, #tpu.memory_space<vmem>>
        tpu.vector_store_idx %scatter3A_378[%shift_right_logical3A_374], %broadcast_in_dim3A_20 {add = true} : memref<16384xi32, #tpu.memory_space<vmem>>[vector<16xi32>], vector<16xi32>,
        %scan3A_379 = arith.constant 2 : i32
        %mul3A_380 = arith.constant 16 : i32
        %mul3A_381 = arith.muli %scan3A_379, %mul3A_380 : i32
        %get3A_382 = arith.index_cast %scan3A_345 : i32 to index
        %get3A_383 = arith.index_cast %mul3A_381 : i32 to index
        %get3A_384 = tpu.vector_load %arg5[%get3A_382, %get3A_383] {strides = array<i32>} : memref<64x200xi32, #tpu.memory_space<vmem>>, vector<16xi32>,
        %and3A_385 = arith.constant 65535 : i32
        %and3A_386 = vector.broadcast %and3A_385 : i32 to vector<16xi32>
        %and3A_387 = arith.andi %get3A_384, %and3A_386 : vector<16xi32>
        %shift_right_logical3A_388 = arith.constant 16 : i32
        %shift_right_logical3A_389 = vector.broadcast %shift_right_logical3A_388 : i32 to vector<16xi32>
        %shift_right_logical3A_390 = arith.shrui %get3A_384, %shift_right_logical3A_389 : vector<16xi32>
        %scatter3A_391 = arith.constant 0 : i32
        %scatter3A_392 = tpu.memref_slice %arg4[%scatter3A_391] : memref<32768xi32, #tpu.memory_space<vmem>> -> memref<16384xi32, #tpu.memory_space<vmem>>
        tpu.vector_store_idx %scatter3A_392[%and3A_387], %broadcast_in_dim3A_20 {add = true} : memref<16384xi32, #tpu.memory_space<vmem>>[vector<16xi32>], vector<16xi32>,
        %scatter3A_393 = arith.constant 0 : i32
        %scatter3A_394 = tpu.memref_slice %arg4[%scatter3A_393] : memref<32768xi32, #tpu.memory_space<vmem>> -> memref<16384xi32, #tpu.memory_space<vmem>>
        tpu.vector_store_idx %scatter3A_394[%shift_right_logical3A_390], %broadcast_in_dim3A_20 {add = true} : memref<16384xi32, #tpu.memory_space<vmem>>[vector<16xi32>], vector<16xi32>,
        %scan3A_395 = arith.constant 3 : i32
        %mul3A_396 = arith.constant 16 : i32
        %mul3A_397 = arith.muli %scan3A_395, %mul3A_396 : i32
        %get3A_398 = arith.index_cast %scan3A_345 : i32 to index
        %get3A_399 = arith.index_cast %mul3A_397 : i32 to index
        %get3A_400 = tpu.vector_load %arg5[%get3A_398, %get3A_399] {strides = array<i32>} : memref<64x200xi32, #tpu.memory_space<vmem>>, vector<16xi32>,
        %and3A_401 = arith.constant 65535 : i32
        %and3A_402 = vector.broadcast %and3A_401 : i32 to vector<16xi32>
        %and3A_403 = arith.andi %get3A_400, %and3A_402 : vector<16xi32>
        %shift_right_logical3A_404 = arith.constant 16 : i32
        %shift_right_logical3A_405 = vector.broadcast %shift_right_logical3A_404 : i32 to vector<16xi32>
        %shift_right_logical3A_406 = arith.shrui %get3A_400, %shift_right_logical3A_405 : vector<16xi32>
        %scatter3A_407 = arith.constant 0 : i32
        %scatter3A_408 = tpu.memref_slice %arg4[%scatter3A_407] : memref<32768xi32, #tpu.memory_space<vmem>> -> memref<16384xi32, #tpu.memory_space<vmem>>
        tpu.vector_store_idx %scatter3A_408[%and3A_403], %broadcast_in_dim3A_20 {add = true} : memref<16384xi32, #tpu.memory_space<vmem>>[vector<16xi32>], vector<16xi32>,
        %scatter3A_409 = arith.constant 0 : i32
        %scatter3A_410 = tpu.memref_slice %arg4[%scatter3A_409] : memref<32768xi32, #tpu.memory_space<vmem>> -> memref<16384xi32, #tpu.memory_space<vmem>>
        tpu.vector_store_idx %scatter3A_410[%shift_right_logical3A_406], %broadcast_in_dim3A_20 {add = true} : memref<16384xi32, #tpu.memory_space<vmem>>[vector<16xi32>], vector<16xi32>,
        %scan3A_411 = arith.constant 4 : i32
        %mul3A_412 = arith.constant 16 : i32
        %mul3A_413 = arith.muli %scan3A_411, %mul3A_412 : i32
        %get3A_414 = arith.index_cast %scan3A_345 : i32 to index
        %get3A_415 = arith.index_cast %mul3A_413 : i32 to index
        %get3A_416 = tpu.vector_load %arg5[%get3A_414, %get3A_415] {strides = array<i32>} : memref<64x200xi32, #tpu.memory_space<vmem>>, vector<16xi32>,
        %and3A_417 = arith.constant 65535 : i32
        %and3A_418 = vector.broadcast %and3A_417 : i32 to vector<16xi32>
        %and3A_419 = arith.andi %get3A_416, %and3A_418 : vector<16xi32>
        %shift_right_logical3A_420 = arith.constant 16 : i32
        %shift_right_logical3A_421 = vector.broadcast %shift_right_logical3A_420 : i32 to vector<16xi32>
        %shift_right_logical3A_422 = arith.shrui %get3A_416, %shift_right_logical3A_421 : vector<16xi32>
        %scatter3A_423 = arith.constant 0 : i32
        %scatter3A_424 = tpu.memref_slice %arg4[%scatter3A_423] : memref<32768xi32, #tpu.memory_space<vmem>> -> memref<16384xi32, #tpu.memory_space<vmem>>
        tpu.vector_store_idx %scatter3A_424[%and3A_419], %broadcast_in_dim3A_20 {add = true} : memref<16384xi32, #tpu.memory_space<vmem>>[vector<16xi32>], vector<16xi32>,
        %scatter3A_425 = arith.constant 0 : i32
        %scatter3A_426 = tpu.memref_slice %arg4[%scatter3A_425] : memref<32768xi32, #tpu.memory_space<vmem>> -> memref<16384xi32, #tpu.memory_space<vmem>>
        tpu.vector_store_idx %scatter3A_426[%shift_right_logical3A_422], %broadcast_in_dim3A_20 {add = true} : memref<16384xi32, #tpu.memory_space<vmem>>[vector<16xi32>], vector<16xi32>,
        %scan3A_427 = arith.constant 5 : i32
        %mul3A_428 = arith.constant 16 : i32
        %mul3A_429 = arith.muli %scan3A_427, %mul3A_428 : i32
        %get3A_430 = arith.index_cast %scan3A_345 : i32 to index
        %get3A_431 = arith.index_cast %mul3A_429 : i32 to index
        %get3A_432 = tpu.vector_load %arg5[%get3A_430, %get3A_431] {strides = array<i32>} : memref<64x200xi32, #tpu.memory_space<vmem>>, vector<16xi32>,
        %and3A_433 = arith.constant 65535 : i32
        %and3A_434 = vector.broadcast %and3A_433 : i32 to vector<16xi32>
        %and3A_435 = arith.andi %get3A_432, %and3A_434 : vector<16xi32>
        %shift_right_logical3A_436 = arith.constant 16 : i32
        %shift_right_logical3A_437 = vector.broadcast %shift_right_logical3A_436 : i32 to vector<16xi32>
        %shift_right_logical3A_438 = arith.shrui %get3A_432, %shift_right_logical3A_437 : vector<16xi32>
        %scatter3A_439 = arith.constant 0 : i32
        %scatter3A_440 = tpu.memref_slice %arg4[%scatter3A_439] : memref<32768xi32, #tpu.memory_space<vmem>> -> memref<16384xi32, #tpu.memory_space<vmem>>
        tpu.vector_store_idx %scatter3A_440[%and3A_435], %broadcast_in_dim3A_20 {add = true} : memref<16384xi32, #tpu.memory_space<vmem>>[vector<16xi32>], vector<16xi32>,
        %scatter3A_441 = arith.constant 0 : i32
        %scatter3A_442 = tpu.memref_slice %arg4[%scatter3A_441] : memref<32768xi32, #tpu.memory_space<vmem>> -> memref<16384xi32, #tpu.memory_space<vmem>>
        tpu.vector_store_idx %scatter3A_442[%shift_right_logical3A_438], %broadcast_in_dim3A_20 {add = true} : memref<16384xi32, #tpu.memory_space<vmem>>[vector<16xi32>], vector<16xi32>,
        %scan3A_443 = arith.constant 6 : i32
        %mul3A_444 = arith.constant 16 : i32
        %mul3A_445 = arith.muli %scan3A_443, %mul3A_444 : i32
        %get3A_446 = arith.index_cast %scan3A_345 : i32 to index
        %get3A_447 = arith.index_cast %mul3A_445 : i32 to index
        %get3A_448 = tpu.vector_load %arg5[%get3A_446, %get3A_447] {strides = array<i32>} : memref<64x200xi32, #tpu.memory_space<vmem>>, vector<16xi32>,
        %and3A_449 = arith.constant 65535 : i32
        %and3A_450 = vector.broadcast %and3A_449 : i32 to vector<16xi32>
        %and3A_451 = arith.andi %get3A_448, %and3A_450 : vector<16xi32>
        %shift_right_logical3A_452 = arith.constant 16 : i32
        %shift_right_logical3A_453 = vector.broadcast %shift_right_logical3A_452 : i32 to vector<16xi32>
        %shift_right_logical3A_454 = arith.shrui %get3A_448, %shift_right_logical3A_453 : vector<16xi32>
        %scatter3A_455 = arith.constant 0 : i32
        %scatter3A_456 = tpu.memref_slice %arg4[%scatter3A_455] : memref<32768xi32, #tpu.memory_space<vmem>> -> memref<16384xi32, #tpu.memory_space<vmem>>
        tpu.vector_store_idx %scatter3A_456[%and3A_451], %broadcast_in_dim3A_20 {add = true} : memref<16384xi32, #tpu.memory_space<vmem>>[vector<16xi32>], vector<16xi32>,
        %scatter3A_457 = arith.constant 0 : i32
        %scatter3A_458 = tpu.memref_slice %arg4[%scatter3A_457] : memref<32768xi32, #tpu.memory_space<vmem>> -> memref<16384xi32, #tpu.memory_space<vmem>>
        tpu.vector_store_idx %scatter3A_458[%shift_right_logical3A_454], %broadcast_in_dim3A_20 {add = true} : memref<16384xi32, #tpu.memory_space<vmem>>[vector<16xi32>], vector<16xi32>,
        %scan3A_459 = arith.constant 7 : i32
        %mul3A_460 = arith.constant 16 : i32
        %mul3A_461 = arith.muli %scan3A_459, %mul3A_460 : i32
        %get3A_462 = arith.index_cast %scan3A_345 : i32 to index
        %get3A_463 = arith.index_cast %mul3A_461 : i32 to index
        %get3A_464 = tpu.vector_load %arg5[%get3A_462, %get3A_463] {strides = array<i32>} : memref<64x200xi32, #tpu.memory_space<vmem>>, vector<16xi32>,
        %and3A_465 = arith.constant 65535 : i32
        %and3A_466 = vector.broadcast %and3A_465 : i32 to vector<16xi32>
        %and3A_467 = arith.andi %get3A_464, %and3A_466 : vector<16xi32>
        %shift_right_logical3A_468 = arith.constant 16 : i32
        %shift_right_logical3A_469 = vector.broadcast %shift_right_logical3A_468 : i32 to vector<16xi32>
        %shift_right_logical3A_470 = arith.shrui %get3A_464, %shift_right_logical3A_469 : vector<16xi32>
        %scatter3A_471 = arith.constant 0 : i32
        %scatter3A_472 = tpu.memref_slice %arg4[%scatter3A_471] : memref<32768xi32, #tpu.memory_space<vmem>> -> memref<16384xi32, #tpu.memory_space<vmem>>
        tpu.vector_store_idx %scatter3A_472[%and3A_467], %broadcast_in_dim3A_20 {add = true} : memref<16384xi32, #tpu.memory_space<vmem>>[vector<16xi32>], vector<16xi32>,
        %scatter3A_473 = arith.constant 0 : i32
        %scatter3A_474 = tpu.memref_slice %arg4[%scatter3A_473] : memref<32768xi32, #tpu.memory_space<vmem>> -> memref<16384xi32, #tpu.memory_space<vmem>>
        tpu.vector_store_idx %scatter3A_474[%shift_right_logical3A_470], %broadcast_in_dim3A_20 {add = true} : memref<16384xi32, #tpu.memory_space<vmem>>[vector<16xi32>], vector<16xi32>,
        %scan3A_475 = arith.constant 8 : i32
        %mul3A_476 = arith.constant 16 : i32
        %mul3A_477 = arith.muli %scan3A_475, %mul3A_476 : i32
        %get3A_478 = arith.index_cast %scan3A_345 : i32 to index
        %get3A_479 = arith.index_cast %mul3A_477 : i32 to index
        %get3A_480 = tpu.vector_load %arg5[%get3A_478, %get3A_479] {strides = array<i32>} : memref<64x200xi32, #tpu.memory_space<vmem>>, vector<16xi32>,
        %and3A_481 = arith.constant 65535 : i32
        %and3A_482 = vector.broadcast %and3A_481 : i32 to vector<16xi32>
        %and3A_483 = arith.andi %get3A_480, %and3A_482 : vector<16xi32>
        %shift_right_logical3A_484 = arith.constant 16 : i32
        %shift_right_logical3A_485 = vector.broadcast %shift_right_logical3A_484 : i32 to vector<16xi32>
        %shift_right_logical3A_486 = arith.shrui %get3A_480, %shift_right_logical3A_485 : vector<16xi32>
        %scatter3A_487 = arith.constant 0 : i32
        %scatter3A_488 = tpu.memref_slice %arg4[%scatter3A_487] : memref<32768xi32, #tpu.memory_space<vmem>> -> memref<16384xi32, #tpu.memory_space<vmem>>
        tpu.vector_store_idx %scatter3A_488[%and3A_483], %broadcast_in_dim3A_20 {add = true} : memref<16384xi32, #tpu.memory_space<vmem>>[vector<16xi32>], vector<16xi32>,
        %scatter3A_489 = arith.constant 0 : i32
        %scatter3A_490 = tpu.memref_slice %arg4[%scatter3A_489] : memref<32768xi32, #tpu.memory_space<vmem>> -> memref<16384xi32, #tpu.memory_space<vmem>>
        tpu.vector_store_idx %scatter3A_490[%shift_right_logical3A_486], %broadcast_in_dim3A_20 {add = true} : memref<16384xi32, #tpu.memory_space<vmem>>[vector<16xi32>], vector<16xi32>,
        %scan3A_491 = arith.constant 9 : i32
        %mul3A_492 = arith.constant 16 : i32
        %mul3A_493 = arith.muli %scan3A_491, %mul3A_492 : i32
        %get3A_494 = arith.index_cast %scan3A_345 : i32 to index
        %get3A_495 = arith.index_cast %mul3A_493 : i32 to index
        %get3A_496 = tpu.vector_load %arg5[%get3A_494, %get3A_495] {strides = array<i32>} : memref<64x200xi32, #tpu.memory_space<vmem>>, vector<16xi32>,
        %and3A_497 = arith.constant 65535 : i32
        %and3A_498 = vector.broadcast %and3A_497 : i32 to vector<16xi32>
        %and3A_499 = arith.andi %get3A_496, %and3A_498 : vector<16xi32>
        %shift_right_logical3A_500 = arith.constant 16 : i32
        %shift_right_logical3A_501 = vector.broadcast %shift_right_logical3A_500 : i32 to vector<16xi32>
        %shift_right_logical3A_502 = arith.shrui %get3A_496, %shift_right_logical3A_501 : vector<16xi32>
        %scatter3A_503 = arith.constant 0 : i32
        %scatter3A_504 = tpu.memref_slice %arg4[%scatter3A_503] : memref<32768xi32, #tpu.memory_space<vmem>> -> memref<16384xi32, #tpu.memory_space<vmem>>
        tpu.vector_store_idx %scatter3A_504[%and3A_499], %broadcast_in_dim3A_20 {add = true} : memref<16384xi32, #tpu.memory_space<vmem>>[vector<16xi32>], vector<16xi32>,
        %scatter3A_505 = arith.constant 0 : i32
        %scatter3A_506 = tpu.memref_slice %arg4[%scatter3A_505] : memref<32768xi32, #tpu.memory_space<vmem>> -> memref<16384xi32, #tpu.memory_space<vmem>>
        tpu.vector_store_idx %scatter3A_506[%shift_right_logical3A_502], %broadcast_in_dim3A_20 {add = true} : memref<16384xi32, #tpu.memory_space<vmem>>[vector<16xi32>], vector<16xi32>,
        %scan3A_507 = arith.constant 10 : i32
        %mul3A_508 = arith.constant 16 : i32
        %mul3A_509 = arith.muli %scan3A_507, %mul3A_508 : i32
        %get3A_510 = arith.index_cast %scan3A_345 : i32 to index
        %get3A_511 = arith.index_cast %mul3A_509 : i32 to index
        %get3A_512 = tpu.vector_load %arg5[%get3A_510, %get3A_511] {strides = array<i32>} : memref<64x200xi32, #tpu.memory_space<vmem>>, vector<16xi32>,
        %and3A_513 = arith.constant 65535 : i32
        %and3A_514 = vector.broadcast %and3A_513 : i32 to vector<16xi32>
        %and3A_515 = arith.andi %get3A_512, %and3A_514 : vector<16xi32>
        %shift_right_logical3A_516 = arith.constant 16 : i32
        %shift_right_logical3A_517 = vector.broadcast %shift_right_logical3A_516 : i32 to vector<16xi32>
        %shift_right_logical3A_518 = arith.shrui %get3A_512, %shift_right_logical3A_517 : vector<16xi32>
        %scatter3A_519 = arith.constant 0 : i32
        %scatter3A_520 = tpu.memref_slice %arg4[%scatter3A_519] : memref<32768xi32, #tpu.memory_space<vmem>> -> memref<16384xi32, #tpu.memory_space<vmem>>
        tpu.vector_store_idx %scatter3A_520[%and3A_515], %broadcast_in_dim3A_20 {add = true} : memref<16384xi32, #tpu.memory_space<vmem>>[vector<16xi32>], vector<16xi32>,
        %scatter3A_521 = arith.constant 0 : i32
        %scatter3A_522 = tpu.memref_slice %arg4[%scatter3A_521] : memref<32768xi32, #tpu.memory_space<vmem>> -> memref<16384xi32, #tpu.memory_space<vmem>>
        tpu.vector_store_idx %scatter3A_522[%shift_right_logical3A_518], %broadcast_in_dim3A_20 {add = true} : memref<16384xi32, #tpu.memory_space<vmem>>[vector<16xi32>], vector<16xi32>,
        %scan3A_523 = arith.constant 11 : i32
        %mul3A_524 = arith.constant 16 : i32
        %mul3A_525 = arith.muli %scan3A_523, %mul3A_524 : i32
        %get3A_526 = arith.index_cast %scan3A_345 : i32 to index
        %get3A_527 = arith.index_cast %mul3A_525 : i32 to index
        %get3A_528 = tpu.vector_load %arg5[%get3A_526, %get3A_527] {strides = array<i32>} : memref<64x200xi32, #tpu.memory_space<vmem>>, vector<16xi32>,
        %and3A_529 = arith.constant 65535 : i32
        %and3A_530 = vector.broadcast %and3A_529 : i32 to vector<16xi32>
        %and3A_531 = arith.andi %get3A_528, %and3A_530 : vector<16xi32>
        %shift_right_logical3A_532 = arith.constant 16 : i32
        %shift_right_logical3A_533 = vector.broadcast %shift_right_logical3A_532 : i32 to vector<16xi32>
        %shift_right_logical3A_534 = arith.shrui %get3A_528, %shift_right_logical3A_533 : vector<16xi32>
        %scatter3A_535 = arith.constant 0 : i32
        %scatter3A_536 = tpu.memref_slice %arg4[%scatter3A_535] : memref<32768xi32, #tpu.memory_space<vmem>> -> memref<16384xi32, #tpu.memory_space<vmem>>
        tpu.vector_store_idx %scatter3A_536[%and3A_531], %broadcast_in_dim3A_20 {add = true} : memref<16384xi32, #tpu.memory_space<vmem>>[vector<16xi32>], vector<16xi32>,
        %scatter3A_537 = arith.constant 0 : i32
        %scatter3A_538 = tpu.memref_slice %arg4[%scatter3A_537] : memref<32768xi32, #tpu.memory_space<vmem>> -> memref<16384xi32, #tpu.memory_space<vmem>>
        tpu.vector_store_idx %scatter3A_538[%shift_right_logical3A_534], %broadcast_in_dim3A_20 {add = true} : memref<16384xi32, #tpu.memory_space<vmem>>[vector<16xi32>], vector<16xi32>,
        %scan3A_539 = arith.constant 12 : i32
        %get3A_540 = arith.index_cast %scan3A_345 : i32 to index
        %get3A_541 = arith.constant 184 : index
        %get3A_542 = tpu.vector_load %arg5[%get3A_540, %get3A_541] {strides = array<i32>} : memref<64x200xi32, #tpu.memory_space<vmem>>, vector<16xi32>,
        %and3A_543 = arith.constant 65535 : i32
        %and3A_544 = vector.broadcast %and3A_543 : i32 to vector<16xi32>
        %and3A_545 = arith.andi %get3A_542, %and3A_544 : vector<16xi32>
        %shift_right_logical3A_546 = arith.constant 16 : i32
        %shift_right_logical3A_547 = vector.broadcast %shift_right_logical3A_546 : i32 to vector<16xi32>
        %shift_right_logical3A_548 = arith.shrui %get3A_542, %shift_right_logical3A_547 : vector<16xi32>
        %scatter3A_549 = arith.constant 0 : i32
        %scatter3A_550 = tpu.memref_slice %arg4[%scatter3A_549] : memref<32768xi32, #tpu.memory_space<vmem>> -> memref<16384xi32, #tpu.memory_space<vmem>>
        tpu.vector_store_idx %scatter3A_550[%and3A_545], %broadcast_in_dim3A_20 masked %ge3A_22 {add = true} : memref<16384xi32, #tpu.memory_space<vmem>>[vector<16xi32>], vector<16xi32>, vector<16xi1>
        %scatter3A_551 = arith.constant 0 : i32
        %scatter3A_552 = tpu.memref_slice %arg4[%scatter3A_551] : memref<32768xi32, #tpu.memory_space<vmem>> -> memref<16384xi32, #tpu.memory_space<vmem>>
        tpu.vector_store_idx %scatter3A_552[%shift_right_logical3A_548], %broadcast_in_dim3A_20 masked %ge3A_22 {add = true} : memref<16384xi32, #tpu.memory_space<vmem>>[vector<16xi32>], vector<16xi32>, vector<16xi1>
      }
      %scan3A_137 = arith.constant 64 : i32
    }
    %mul3A_56 = arith.constant 8 : i32
    %mul3A_57 = arith.muli %select_n3A, %mul3A_56 : i32
    %sub3A_58 = arith.subi %max3A_29, %mul3A_57 : i32
    %while3A_59 = arith.constant 0 : i32
    %while3A_60 = arith.constant 0 : i32
    %while3A_61 = arith.subi %sub3A_58, %while3A_60 : i32
    %while3A_62 = arith.addi %while3A_60, %while3A_61 : i32
    %while3A_63 = arith.constant 1 : i32
    %while3A_64 = arith.divsi %while3A_61, %while3A_63 : i32
    %while3A_65 = arith.muli %while3A_64, %while3A_63 : i32
    %while3A_66 = arith.addi %while3A_60, %while3A_65 : i32
    %while3A_67 = arith.constant 1 : i32
    scf.for %while3A_123 = %while3A_60 to %while3A_66 step %while3A_67  : i32 {
      %mul3A_124 = arith.constant 8 : i32
      %mul3A_125 = arith.muli %mul3A_124, %select_n3A : i32
      %add3A_126 = arith.addi %shift_right_logical3A_3, %mul3A_125 : i32
      %add3A_127 = arith.addi %add3A_126, %while3A_123 : i32
      %mul3A_128 = arith.constant 200 : i32
      %mul3A_129 = arith.muli %shift_right_logical3A_13, %mul3A_128 : i32
      %sub3A_130 = arith.subi %add3A_127, %mul3A_129 : i32
      %mul3A_131 = arith.constant 8 : i32
      %mul3A_132 = arith.muli %sub3A_130, %mul3A_131 : i32
      "tpu.region"() ({
        %run_scoped3A = tpu.sem_alloc : memref<!tpu.dma_semaphore, #tpu.memory_space<semaphore_mem>>
        %dma_start3A = arith.constant 0 : i32
        %dma_start3A_139 = arith.constant 0 : i32
        %dma_start3A_140 = tpu.memref_slice %arg5[%dma_start3A, %dma_start3A_139] : memref<64x200xi32, #tpu.memory_space<vmem>> -> memref<8x200xi32, #tpu.memory_space<vmem>>
        %dma_start3A_141 = arith.constant 0 : i32
        %dma_start3A_142 = tpu.memref_slice %arg2[%shift_right_logical3A_13, %mul3A_132, %dma_start3A_141] : memref<18x1600x200xi32, #tpu.memory_space<hbm>> -> memref<1x8x200xi32, #tpu.memory_space<hbm>>
        %dma_start3A_143 = tpu.memref_squeeze %dma_start3A_142 : memref<1x8x200xi32, #tpu.memory_space<hbm>> -> memref<8x200xi32, #tpu.memory_space<hbm>>
        %dma_start3A_144 = arith.constant 0 : i32
        %dma_start3A_145 = arith.constant 0 : i32
        %dma_start3A_146 = tpu.memref_slice %arg5[%dma_start3A_144, %dma_start3A_145] : memref<64x200xi32, #tpu.memory_space<vmem>> -> memref<8x200xi32, #tpu.memory_space<vmem>>
        %dma_start3A_147 = arith.constant 0 : i32
        %dma_start3A_148 = tpu.memref_slice %arg2[%shift_right_logical3A_13, %mul3A_132, %dma_start3A_147] : memref<18x1600x200xi32, #tpu.memory_space<hbm>> -> memref<1x8x200xi32, #tpu.memory_space<hbm>>
        %dma_start3A_149 = tpu.memref_squeeze %dma_start3A_148 : memref<1x8x200xi32, #tpu.memory_space<hbm>> -> memref<8x200xi32, #tpu.memory_space<hbm>>
        tpu.enqueue_dma source(%dma_start3A_149 : memref<8x200xi32, #tpu.memory_space<hbm>>) target(%dma_start3A_146 : memref<8x200xi32, #tpu.memory_space<vmem>>) target_semaphore(%run_scoped3A : memref<!tpu.dma_semaphore, #tpu.memory_space<semaphore_mem>>)
        %dma_wait3A = arith.constant 0 : i32
        %dma_wait3A_150 = arith.constant 0 : i32
        %dma_wait3A_151 = tpu.memref_slice %arg5[%dma_wait3A, %dma_wait3A_150] : memref<64x200xi32, #tpu.memory_space<vmem>> -> memref<8x200xi32, #tpu.memory_space<vmem>>
        %dma_wait3A_152 = arith.constant 0 : i32
        %dma_wait3A_153 = tpu.memref_slice %arg2[%shift_right_logical3A_13, %mul3A_132, %dma_wait3A_152] : memref<18x1600x200xi32, #tpu.memory_space<hbm>> -> memref<1x8x200xi32, #tpu.memory_space<hbm>>
        %dma_wait3A_154 = tpu.memref_squeeze %dma_wait3A_153 : memref<1x8x200xi32, #tpu.memory_space<hbm>> -> memref<8x200xi32, #tpu.memory_space<hbm>>
        %dma_wait3A_155 = arith.constant 0 : i32
        %dma_wait3A_156 = arith.constant 0 : i32
        %dma_wait3A_157 = tpu.memref_slice %arg5[%dma_wait3A_155, %dma_wait3A_156] : memref<64x200xi32, #tpu.memory_space<vmem>> -> memref<8x200xi32, #tpu.memory_space<vmem>>
        %dma_wait3A_158 = arith.constant 0 : i32
        %dma_wait3A_159 = tpu.memref_slice %arg2[%shift_right_logical3A_13, %mul3A_132, %dma_wait3A_158] : memref<18x1600x200xi32, #tpu.memory_space<hbm>> -> memref<1x8x200xi32, #tpu.memory_space<hbm>>
        %dma_wait3A_160 = tpu.memref_squeeze %dma_wait3A_159 : memref<1x8x200xi32, #tpu.memory_space<hbm>> -> memref<8x200xi32, #tpu.memory_space<hbm>>
        tpu.wait_dma2 semaphore(%run_scoped3A : memref<!tpu.dma_semaphore, #tpu.memory_space<semaphore_mem>>) src(%dma_wait3A_160 : memref<8x200xi32, #tpu.memory_space<hbm>>) dst(%dma_wait3A_157 : memref<8x200xi32, #tpu.memory_space<vmem>>)
        tpu.yield
      }) : () -> ()
      %scan3A_133 = arith.constant 0 : i32
      %scan3A_134 = arith.constant 0 : i32
      %scan3A_135 = arith.constant 8 : i32
      %scan3A_136 = arith.addi %scan3A_134, %scan3A_135 : i32
      %scan3A_137 = arith.constant 2 : i32
      scf.for %scan3A_139 = %scan3A_134 to %scan3A_136 step %scan3A_137  : i32 {
        %scan3A_140 = arith.constant 0 : i32
        %scan3A_141 = arith.constant 0 : i32
        %mul3A_142 = arith.constant 16 : i32
        %mul3A_143 = arith.muli %scan3A_141, %mul3A_142 : i32
        %get3A = arith.index_cast %scan3A_139 : i32 to index
        %get3A_144 = arith.index_cast %mul3A_143 : i32 to index
        %get3A_145 = tpu.vector_load %arg5[%get3A, %get3A_144] {strides = array<i32>} : memref<64x200xi32, #tpu.memory_space<vmem>>, vector<16xi32>,
        %and3A_146 = arith.constant 65535 : i32
        %and3A_147 = vector.broadcast %and3A_146 : i32 to vector<16xi32>
        %and3A_148 = arith.andi %get3A_145, %and3A_147 : vector<16xi32>
        %shift_right_logical3A_149 = arith.constant 16 : i32
        %shift_right_logical3A_150 = vector.broadcast %shift_right_logical3A_149 : i32 to vector<16xi32>
        %shift_right_logical3A_151 = arith.shrui %get3A_145, %shift_right_logical3A_150 : vector<16xi32>
        %scatter3A = arith.constant 0 : i32
        %scatter3A_152 = tpu.memref_slice %arg4[%scatter3A] : memref<32768xi32, #tpu.memory_space<vmem>> -> memref<16384xi32, #tpu.memory_space<vmem>>
        tpu.vector_store_idx %scatter3A_152[%and3A_148], %broadcast_in_dim3A_20 {add = true} : memref<16384xi32, #tpu.memory_space<vmem>>[vector<16xi32>], vector<16xi32>,
        %scatter3A_153 = arith.constant 0 : i32
        %scatter3A_154 = tpu.memref_slice %arg4[%scatter3A_153] : memref<32768xi32, #tpu.memory_space<vmem>> -> memref<16384xi32, #tpu.memory_space<vmem>>
        tpu.vector_store_idx %scatter3A_154[%shift_right_logical3A_151], %broadcast_in_dim3A_20 {add = true} : memref<16384xi32, #tpu.memory_space<vmem>>[vector<16xi32>], vector<16xi32>,
        %scan3A_155 = arith.constant 1 : i32
        %mul3A_156 = arith.constant 16 : i32
        %mul3A_157 = arith.muli %scan3A_155, %mul3A_156 : i32
        %get3A_158 = arith.index_cast %scan3A_139 : i32 to index
        %get3A_159 = arith.index_cast %mul3A_157 : i32 to index
        %get3A_160 = tpu.vector_load %arg5[%get3A_158, %get3A_159] {strides = array<i32>} : memref<64x200xi32, #tpu.memory_space<vmem>>, vector<16xi32>,
        %and3A_161 = arith.constant 65535 : i32
        %and3A_162 = vector.broadcast %and3A_161 : i32 to vector<16xi32>
        %and3A_163 = arith.andi %get3A_160, %and3A_162 : vector<16xi32>
        %shift_right_logical3A_164 = arith.constant 16 : i32
        %shift_right_logical3A_165 = vector.broadcast %shift_right_logical3A_164 : i32 to vector<16xi32>
        %shift_right_logical3A_166 = arith.shrui %get3A_160, %shift_right_logical3A_165 : vector<16xi32>
        %scatter3A_167 = arith.constant 0 : i32
        %scatter3A_168 = tpu.memref_slice %arg4[%scatter3A_167] : memref<32768xi32, #tpu.memory_space<vmem>> -> memref<16384xi32, #tpu.memory_space<vmem>>
        tpu.vector_store_idx %scatter3A_168[%and3A_163], %broadcast_in_dim3A_20 {add = true} : memref<16384xi32, #tpu.memory_space<vmem>>[vector<16xi32>], vector<16xi32>,
        %scatter3A_169 = arith.constant 0 : i32
        %scatter3A_170 = tpu.memref_slice %arg4[%scatter3A_169] : memref<32768xi32, #tpu.memory_space<vmem>> -> memref<16384xi32, #tpu.memory_space<vmem>>
        tpu.vector_store_idx %scatter3A_170[%shift_right_logical3A_166], %broadcast_in_dim3A_20 {add = true} : memref<16384xi32, #tpu.memory_space<vmem>>[vector<16xi32>], vector<16xi32>,
        %scan3A_171 = arith.constant 2 : i32
        %mul3A_172 = arith.constant 16 : i32
        %mul3A_173 = arith.muli %scan3A_171, %mul3A_172 : i32
        %get3A_174 = arith.index_cast %scan3A_139 : i32 to index
        %get3A_175 = arith.index_cast %mul3A_173 : i32 to index
        %get3A_176 = tpu.vector_load %arg5[%get3A_174, %get3A_175] {strides = array<i32>} : memref<64x200xi32, #tpu.memory_space<vmem>>, vector<16xi32>,
        %and3A_177 = arith.constant 65535 : i32
        %and3A_178 = vector.broadcast %and3A_177 : i32 to vector<16xi32>
        %and3A_179 = arith.andi %get3A_176, %and3A_178 : vector<16xi32>
        %shift_right_logical3A_180 = arith.constant 16 : i32
        %shift_right_logical3A_181 = vector.broadcast %shift_right_logical3A_180 : i32 to vector<16xi32>
        %shift_right_logical3A_182 = arith.shrui %get3A_176, %shift_right_logical3A_181 : vector<16xi32>
        %scatter3A_183 = arith.constant 0 : i32
        %scatter3A_184 = tpu.memref_slice %arg4[%scatter3A_183] : memref<32768xi32, #tpu.memory_space<vmem>> -> memref<16384xi32, #tpu.memory_space<vmem>>
        tpu.vector_store_idx %scatter3A_184[%and3A_179], %broadcast_in_dim3A_20 {add = true} : memref<16384xi32, #tpu.memory_space<vmem>>[vector<16xi32>], vector<16xi32>,
        %scatter3A_185 = arith.constant 0 : i32
        %scatter3A_186 = tpu.memref_slice %arg4[%scatter3A_185] : memref<32768xi32, #tpu.memory_space<vmem>> -> memref<16384xi32, #tpu.memory_space<vmem>>
        tpu.vector_store_idx %scatter3A_186[%shift_right_logical3A_182], %broadcast_in_dim3A_20 {add = true} : memref<16384xi32, #tpu.memory_space<vmem>>[vector<16xi32>], vector<16xi32>,
        %scan3A_187 = arith.constant 3 : i32
        %mul3A_188 = arith.constant 16 : i32
        %mul3A_189 = arith.muli %scan3A_187, %mul3A_188 : i32
        %get3A_190 = arith.index_cast %scan3A_139 : i32 to index
        %get3A_191 = arith.index_cast %mul3A_189 : i32 to index
        %get3A_192 = tpu.vector_load %arg5[%get3A_190, %get3A_191] {strides = array<i32>} : memref<64x200xi32, #tpu.memory_space<vmem>>, vector<16xi32>,
        %and3A_193 = arith.constant 65535 : i32
        %and3A_194 = vector.broadcast %and3A_193 : i32 to vector<16xi32>
        %and3A_195 = arith.andi %get3A_192, %and3A_194 : vector<16xi32>
        %shift_right_logical3A_196 = arith.constant 16 : i32
        %shift_right_logical3A_197 = vector.broadcast %shift_right_logical3A_196 : i32 to vector<16xi32>
        %shift_right_logical3A_198 = arith.shrui %get3A_192, %shift_right_logical3A_197 : vector<16xi32>
        %scatter3A_199 = arith.constant 0 : i32
        %scatter3A_200 = tpu.memref_slice %arg4[%scatter3A_199] : memref<32768xi32, #tpu.memory_space<vmem>> -> memref<16384xi32, #tpu.memory_space<vmem>>
        tpu.vector_store_idx %scatter3A_200[%and3A_195], %broadcast_in_dim3A_20 {add = true} : memref<16384xi32, #tpu.memory_space<vmem>>[vector<16xi32>], vector<16xi32>,
        %scatter3A_201 = arith.constant 0 : i32
        %scatter3A_202 = tpu.memref_slice %arg4[%scatter3A_201] : memref<32768xi32, #tpu.memory_space<vmem>> -> memref<16384xi32, #tpu.memory_space<vmem>>
        tpu.vector_store_idx %scatter3A_202[%shift_right_logical3A_198], %broadcast_in_dim3A_20 {add = true} : memref<16384xi32, #tpu.memory_space<vmem>>[vector<16xi32>], vector<16xi32>,
        %scan3A_203 = arith.constant 4 : i32
        %mul3A_204 = arith.constant 16 : i32
        %mul3A_205 = arith.muli %scan3A_203, %mul3A_204 : i32
        %get3A_206 = arith.index_cast %scan3A_139 : i32 to index
        %get3A_207 = arith.index_cast %mul3A_205 : i32 to index
        %get3A_208 = tpu.vector_load %arg5[%get3A_206, %get3A_207] {strides = array<i32>} : memref<64x200xi32, #tpu.memory_space<vmem>>, vector<16xi32>,
        %and3A_209 = arith.constant 65535 : i32
        %and3A_210 = vector.broadcast %and3A_209 : i32 to vector<16xi32>
        %and3A_211 = arith.andi %get3A_208, %and3A_210 : vector<16xi32>
        %shift_right_logical3A_212 = arith.constant 16 : i32
        %shift_right_logical3A_213 = vector.broadcast %shift_right_logical3A_212 : i32 to vector<16xi32>
        %shift_right_logical3A_214 = arith.shrui %get3A_208, %shift_right_logical3A_213 : vector<16xi32>
        %scatter3A_215 = arith.constant 0 : i32
        %scatter3A_216 = tpu.memref_slice %arg4[%scatter3A_215] : memref<32768xi32, #tpu.memory_space<vmem>> -> memref<16384xi32, #tpu.memory_space<vmem>>
        tpu.vector_store_idx %scatter3A_216[%and3A_211], %broadcast_in_dim3A_20 {add = true} : memref<16384xi32, #tpu.memory_space<vmem>>[vector<16xi32>], vector<16xi32>,
        %scatter3A_217 = arith.constant 0 : i32
        %scatter3A_218 = tpu.memref_slice %arg4[%scatter3A_217] : memref<32768xi32, #tpu.memory_space<vmem>> -> memref<16384xi32, #tpu.memory_space<vmem>>
        tpu.vector_store_idx %scatter3A_218[%shift_right_logical3A_214], %broadcast_in_dim3A_20 {add = true} : memref<16384xi32, #tpu.memory_space<vmem>>[vector<16xi32>], vector<16xi32>,
        %scan3A_219 = arith.constant 5 : i32
        %mul3A_220 = arith.constant 16 : i32
        %mul3A_221 = arith.muli %scan3A_219, %mul3A_220 : i32
        %get3A_222 = arith.index_cast %scan3A_139 : i32 to index
        %get3A_223 = arith.index_cast %mul3A_221 : i32 to index
        %get3A_224 = tpu.vector_load %arg5[%get3A_222, %get3A_223] {strides = array<i32>} : memref<64x200xi32, #tpu.memory_space<vmem>>, vector<16xi32>,
        %and3A_225 = arith.constant 65535 : i32
        %and3A_226 = vector.broadcast %and3A_225 : i32 to vector<16xi32>
        %and3A_227 = arith.andi %get3A_224, %and3A_226 : vector<16xi32>
        %shift_right_logical3A_228 = arith.constant 16 : i32
        %shift_right_logical3A_229 = vector.broadcast %shift_right_logical3A_228 : i32 to vector<16xi32>
        %shift_right_logical3A_230 = arith.shrui %get3A_224, %shift_right_logical3A_229 : vector<16xi32>
        %scatter3A_231 = arith.constant 0 : i32
        %scatter3A_232 = tpu.memref_slice %arg4[%scatter3A_231] : memref<32768xi32, #tpu.memory_space<vmem>> -> memref<16384xi32, #tpu.memory_space<vmem>>
        tpu.vector_store_idx %scatter3A_232[%and3A_227], %broadcast_in_dim3A_20 {add = true} : memref<16384xi32, #tpu.memory_space<vmem>>[vector<16xi32>], vector<16xi32>,
        %scatter3A_233 = arith.constant 0 : i32
        %scatter3A_234 = tpu.memref_slice %arg4[%scatter3A_233] : memref<32768xi32, #tpu.memory_space<vmem>> -> memref<16384xi32, #tpu.memory_space<vmem>>
        tpu.vector_store_idx %scatter3A_234[%shift_right_logical3A_230], %broadcast_in_dim3A_20 {add = true} : memref<16384xi32, #tpu.memory_space<vmem>>[vector<16xi32>], vector<16xi32>,
        %scan3A_235 = arith.constant 6 : i32
        %mul3A_236 = arith.constant 16 : i32
        %mul3A_237 = arith.muli %scan3A_235, %mul3A_236 : i32
        %get3A_238 = arith.index_cast %scan3A_139 : i32 to index
        %get3A_239 = arith.index_cast %mul3A_237 : i32 to index
        %get3A_240 = tpu.vector_load %arg5[%get3A_238, %get3A_239] {strides = array<i32>} : memref<64x200xi32, #tpu.memory_space<vmem>>, vector<16xi32>,
        %and3A_241 = arith.constant 65535 : i32
        %and3A_242 = vector.broadcast %and3A_241 : i32 to vector<16xi32>
        %and3A_243 = arith.andi %get3A_240, %and3A_242 : vector<16xi32>
        %shift_right_logical3A_244 = arith.constant 16 : i32
        %shift_right_logical3A_245 = vector.broadcast %shift_right_logical3A_244 : i32 to vector<16xi32>
        %shift_right_logical3A_246 = arith.shrui %get3A_240, %shift_right_logical3A_245 : vector<16xi32>
        %scatter3A_247 = arith.constant 0 : i32
        %scatter3A_248 = tpu.memref_slice %arg4[%scatter3A_247] : memref<32768xi32, #tpu.memory_space<vmem>> -> memref<16384xi32, #tpu.memory_space<vmem>>
        tpu.vector_store_idx %scatter3A_248[%and3A_243], %broadcast_in_dim3A_20 {add = true} : memref<16384xi32, #tpu.memory_space<vmem>>[vector<16xi32>], vector<16xi32>,
        %scatter3A_249 = arith.constant 0 : i32
        %scatter3A_250 = tpu.memref_slice %arg4[%scatter3A_249] : memref<32768xi32, #tpu.memory_space<vmem>> -> memref<16384xi32, #tpu.memory_space<vmem>>
        tpu.vector_store_idx %scatter3A_250[%shift_right_logical3A_246], %broadcast_in_dim3A_20 {add = true} : memref<16384xi32, #tpu.memory_space<vmem>>[vector<16xi32>], vector<16xi32>,
        %scan3A_251 = arith.constant 7 : i32
        %mul3A_252 = arith.constant 16 : i32
        %mul3A_253 = arith.muli %scan3A_251, %mul3A_252 : i32
        %get3A_254 = arith.index_cast %scan3A_139 : i32 to index
        %get3A_255 = arith.index_cast %mul3A_253 : i32 to index
        %get3A_256 = tpu.vector_load %arg5[%get3A_254, %get3A_255] {strides = array<i32>} : memref<64x200xi32, #tpu.memory_space<vmem>>, vector<16xi32>,
        %and3A_257 = arith.constant 65535 : i32
        %and3A_258 = vector.broadcast %and3A_257 : i32 to vector<16xi32>
        %and3A_259 = arith.andi %get3A_256, %and3A_258 : vector<16xi32>
        %shift_right_logical3A_260 = arith.constant 16 : i32
        %shift_right_logical3A_261 = vector.broadcast %shift_right_logical3A_260 : i32 to vector<16xi32>
        %shift_right_logical3A_262 = arith.shrui %get3A_256, %shift_right_logical3A_261 : vector<16xi32>
        %scatter3A_263 = arith.constant 0 : i32
        %scatter3A_264 = tpu.memref_slice %arg4[%scatter3A_263] : memref<32768xi32, #tpu.memory_space<vmem>> -> memref<16384xi32, #tpu.memory_space<vmem>>
        tpu.vector_store_idx %scatter3A_264[%and3A_259], %broadcast_in_dim3A_20 {add = true} : memref<16384xi32, #tpu.memory_space<vmem>>[vector<16xi32>], vector<16xi32>,
        %scatter3A_265 = arith.constant 0 : i32
        %scatter3A_266 = tpu.memref_slice %arg4[%scatter3A_265] : memref<32768xi32, #tpu.memory_space<vmem>> -> memref<16384xi32, #tpu.memory_space<vmem>>
        tpu.vector_store_idx %scatter3A_266[%shift_right_logical3A_262], %broadcast_in_dim3A_20 {add = true} : memref<16384xi32, #tpu.memory_space<vmem>>[vector<16xi32>], vector<16xi32>,
        %scan3A_267 = arith.constant 8 : i32
        %mul3A_268 = arith.constant 16 : i32
        %mul3A_269 = arith.muli %scan3A_267, %mul3A_268 : i32
        %get3A_270 = arith.index_cast %scan3A_139 : i32 to index
        %get3A_271 = arith.index_cast %mul3A_269 : i32 to index
        %get3A_272 = tpu.vector_load %arg5[%get3A_270, %get3A_271] {strides = array<i32>} : memref<64x200xi32, #tpu.memory_space<vmem>>, vector<16xi32>,
        %and3A_273 = arith.constant 65535 : i32
        %and3A_274 = vector.broadcast %and3A_273 : i32 to vector<16xi32>
        %and3A_275 = arith.andi %get3A_272, %and3A_274 : vector<16xi32>
        %shift_right_logical3A_276 = arith.constant 16 : i32
        %shift_right_logical3A_277 = vector.broadcast %shift_right_logical3A_276 : i32 to vector<16xi32>
        %shift_right_logical3A_278 = arith.shrui %get3A_272, %shift_right_logical3A_277 : vector<16xi32>
        %scatter3A_279 = arith.constant 0 : i32
        %scatter3A_280 = tpu.memref_slice %arg4[%scatter3A_279] : memref<32768xi32, #tpu.memory_space<vmem>> -> memref<16384xi32, #tpu.memory_space<vmem>>
        tpu.vector_store_idx %scatter3A_280[%and3A_275], %broadcast_in_dim3A_20 {add = true} : memref<16384xi32, #tpu.memory_space<vmem>>[vector<16xi32>], vector<16xi32>,
        %scatter3A_281 = arith.constant 0 : i32
        %scatter3A_282 = tpu.memref_slice %arg4[%scatter3A_281] : memref<32768xi32, #tpu.memory_space<vmem>> -> memref<16384xi32, #tpu.memory_space<vmem>>
        tpu.vector_store_idx %scatter3A_282[%shift_right_logical3A_278], %broadcast_in_dim3A_20 {add = true} : memref<16384xi32, #tpu.memory_space<vmem>>[vector<16xi32>], vector<16xi32>,
        %scan3A_283 = arith.constant 9 : i32
        %mul3A_284 = arith.constant 16 : i32
        %mul3A_285 = arith.muli %scan3A_283, %mul3A_284 : i32
        %get3A_286 = arith.index_cast %scan3A_139 : i32 to index
        %get3A_287 = arith.index_cast %mul3A_285 : i32 to index
        %get3A_288 = tpu.vector_load %arg5[%get3A_286, %get3A_287] {strides = array<i32>} : memref<64x200xi32, #tpu.memory_space<vmem>>, vector<16xi32>,
        %and3A_289 = arith.constant 65535 : i32
        %and3A_290 = vector.broadcast %and3A_289 : i32 to vector<16xi32>
        %and3A_291 = arith.andi %get3A_288, %and3A_290 : vector<16xi32>
        %shift_right_logical3A_292 = arith.constant 16 : i32
        %shift_right_logical3A_293 = vector.broadcast %shift_right_logical3A_292 : i32 to vector<16xi32>
        %shift_right_logical3A_294 = arith.shrui %get3A_288, %shift_right_logical3A_293 : vector<16xi32>
        %scatter3A_295 = arith.constant 0 : i32
        %scatter3A_296 = tpu.memref_slice %arg4[%scatter3A_295] : memref<32768xi32, #tpu.memory_space<vmem>> -> memref<16384xi32, #tpu.memory_space<vmem>>
        tpu.vector_store_idx %scatter3A_296[%and3A_291], %broadcast_in_dim3A_20 {add = true} : memref<16384xi32, #tpu.memory_space<vmem>>[vector<16xi32>], vector<16xi32>,
        %scatter3A_297 = arith.constant 0 : i32
        %scatter3A_298 = tpu.memref_slice %arg4[%scatter3A_297] : memref<32768xi32, #tpu.memory_space<vmem>> -> memref<16384xi32, #tpu.memory_space<vmem>>
        tpu.vector_store_idx %scatter3A_298[%shift_right_logical3A_294], %broadcast_in_dim3A_20 {add = true} : memref<16384xi32, #tpu.memory_space<vmem>>[vector<16xi32>], vector<16xi32>,
        %scan3A_299 = arith.constant 10 : i32
        %mul3A_300 = arith.constant 16 : i32
        %mul3A_301 = arith.muli %scan3A_299, %mul3A_300 : i32
        %get3A_302 = arith.index_cast %scan3A_139 : i32 to index
        %get3A_303 = arith.index_cast %mul3A_301 : i32 to index
        %get3A_304 = tpu.vector_load %arg5[%get3A_302, %get3A_303] {strides = array<i32>} : memref<64x200xi32, #tpu.memory_space<vmem>>, vector<16xi32>,
        %and3A_305 = arith.constant 65535 : i32
        %and3A_306 = vector.broadcast %and3A_305 : i32 to vector<16xi32>
        %and3A_307 = arith.andi %get3A_304, %and3A_306 : vector<16xi32>
        %shift_right_logical3A_308 = arith.constant 16 : i32
        %shift_right_logical3A_309 = vector.broadcast %shift_right_logical3A_308 : i32 to vector<16xi32>
        %shift_right_logical3A_310 = arith.shrui %get3A_304, %shift_right_logical3A_309 : vector<16xi32>
        %scatter3A_311 = arith.constant 0 : i32
        %scatter3A_312 = tpu.memref_slice %arg4[%scatter3A_311] : memref<32768xi32, #tpu.memory_space<vmem>> -> memref<16384xi32, #tpu.memory_space<vmem>>
        tpu.vector_store_idx %scatter3A_312[%and3A_307], %broadcast_in_dim3A_20 {add = true} : memref<16384xi32, #tpu.memory_space<vmem>>[vector<16xi32>], vector<16xi32>,
        %scatter3A_313 = arith.constant 0 : i32
        %scatter3A_314 = tpu.memref_slice %arg4[%scatter3A_313] : memref<32768xi32, #tpu.memory_space<vmem>> -> memref<16384xi32, #tpu.memory_space<vmem>>
        tpu.vector_store_idx %scatter3A_314[%shift_right_logical3A_310], %broadcast_in_dim3A_20 {add = true} : memref<16384xi32, #tpu.memory_space<vmem>>[vector<16xi32>], vector<16xi32>,
        %scan3A_315 = arith.constant 11 : i32
        %mul3A_316 = arith.constant 16 : i32
        %mul3A_317 = arith.muli %scan3A_315, %mul3A_316 : i32
        %get3A_318 = arith.index_cast %scan3A_139 : i32 to index
        %get3A_319 = arith.index_cast %mul3A_317 : i32 to index
        %get3A_320 = tpu.vector_load %arg5[%get3A_318, %get3A_319] {strides = array<i32>} : memref<64x200xi32, #tpu.memory_space<vmem>>, vector<16xi32>,
        %and3A_321 = arith.constant 65535 : i32
        %and3A_322 = vector.broadcast %and3A_321 : i32 to vector<16xi32>
        %and3A_323 = arith.andi %get3A_320, %and3A_322 : vector<16xi32>
        %shift_right_logical3A_324 = arith.constant 16 : i32
        %shift_right_logical3A_325 = vector.broadcast %shift_right_logical3A_324 : i32 to vector<16xi32>
        %shift_right_logical3A_326 = arith.shrui %get3A_320, %shift_right_logical3A_325 : vector<16xi32>
        %scatter3A_327 = arith.constant 0 : i32
        %scatter3A_328 = tpu.memref_slice %arg4[%scatter3A_327] : memref<32768xi32, #tpu.memory_space<vmem>> -> memref<16384xi32, #tpu.memory_space<vmem>>
        tpu.vector_store_idx %scatter3A_328[%and3A_323], %broadcast_in_dim3A_20 {add = true} : memref<16384xi32, #tpu.memory_space<vmem>>[vector<16xi32>], vector<16xi32>,
        %scatter3A_329 = arith.constant 0 : i32
        %scatter3A_330 = tpu.memref_slice %arg4[%scatter3A_329] : memref<32768xi32, #tpu.memory_space<vmem>> -> memref<16384xi32, #tpu.memory_space<vmem>>
        tpu.vector_store_idx %scatter3A_330[%shift_right_logical3A_326], %broadcast_in_dim3A_20 {add = true} : memref<16384xi32, #tpu.memory_space<vmem>>[vector<16xi32>], vector<16xi32>,
        %scan3A_331 = arith.constant 12 : i32
        %get3A_332 = arith.index_cast %scan3A_139 : i32 to index
        %get3A_333 = arith.constant 184 : index
        %get3A_334 = tpu.vector_load %arg5[%get3A_332, %get3A_333] {strides = array<i32>} : memref<64x200xi32, #tpu.memory_space<vmem>>, vector<16xi32>,
        %and3A_335 = arith.constant 65535 : i32
        %and3A_336 = vector.broadcast %and3A_335 : i32 to vector<16xi32>
        %and3A_337 = arith.andi %get3A_334, %and3A_336 : vector<16xi32>
        %shift_right_logical3A_338 = arith.constant 16 : i32
        %shift_right_logical3A_339 = vector.broadcast %shift_right_logical3A_338 : i32 to vector<16xi32>
        %shift_right_logical3A_340 = arith.shrui %get3A_334, %shift_right_logical3A_339 : vector<16xi32>
        %scatter3A_341 = arith.constant 0 : i32
        %scatter3A_342 = tpu.memref_slice %arg4[%scatter3A_341] : memref<32768xi32, #tpu.memory_space<vmem>> -> memref<16384xi32, #tpu.memory_space<vmem>>
        tpu.vector_store_idx %scatter3A_342[%and3A_337], %broadcast_in_dim3A_20 masked %ge3A_22 {add = true} : memref<16384xi32, #tpu.memory_space<vmem>>[vector<16xi32>], vector<16xi32>, vector<16xi1>
        %scatter3A_343 = arith.constant 0 : i32
        %scatter3A_344 = tpu.memref_slice %arg4[%scatter3A_343] : memref<32768xi32, #tpu.memory_space<vmem>> -> memref<16384xi32, #tpu.memory_space<vmem>>
        tpu.vector_store_idx %scatter3A_344[%shift_right_logical3A_340], %broadcast_in_dim3A_20 masked %ge3A_22 {add = true} : memref<16384xi32, #tpu.memory_space<vmem>>[vector<16xi32>], vector<16xi32>, vector<16xi1>
        %scan3A_345 = arith.constant 1 : i32
        %scan3A_346 = arith.addi %scan3A_139, %scan3A_345 : i32
        %scan3A_347 = arith.constant 0 : i32
        %scan3A_348 = arith.constant 0 : i32
        %mul3A_349 = arith.constant 16 : i32
        %mul3A_350 = arith.muli %scan3A_348, %mul3A_349 : i32
        %get3A_351 = arith.index_cast %scan3A_346 : i32 to index
        %get3A_352 = arith.index_cast %mul3A_350 : i32 to index
        %get3A_353 = tpu.vector_load %arg5[%get3A_351, %get3A_352] {strides = array<i32>} : memref<64x200xi32, #tpu.memory_space<vmem>>, vector<16xi32>,
        %and3A_354 = arith.constant 65535 : i32
        %and3A_355 = vector.broadcast %and3A_354 : i32 to vector<16xi32>
        %and3A_356 = arith.andi %get3A_353, %and3A_355 : vector<16xi32>
        %shift_right_logical3A_357 = arith.constant 16 : i32
        %shift_right_logical3A_358 = vector.broadcast %shift_right_logical3A_357 : i32 to vector<16xi32>
        %shift_right_logical3A_359 = arith.shrui %get3A_353, %shift_right_logical3A_358 : vector<16xi32>
        %scatter3A_360 = arith.constant 0 : i32
        %scatter3A_361 = tpu.memref_slice %arg4[%scatter3A_360] : memref<32768xi32, #tpu.memory_space<vmem>> -> memref<16384xi32, #tpu.memory_space<vmem>>
        tpu.vector_store_idx %scatter3A_361[%and3A_356], %broadcast_in_dim3A_20 {add = true} : memref<16384xi32, #tpu.memory_space<vmem>>[vector<16xi32>], vector<16xi32>,
        %scatter3A_362 = arith.constant 0 : i32
        %scatter3A_363 = tpu.memref_slice %arg4[%scatter3A_362] : memref<32768xi32, #tpu.memory_space<vmem>> -> memref<16384xi32, #tpu.memory_space<vmem>>
        tpu.vector_store_idx %scatter3A_363[%shift_right_logical3A_359], %broadcast_in_dim3A_20 {add = true} : memref<16384xi32, #tpu.memory_space<vmem>>[vector<16xi32>], vector<16xi32>,
        %scan3A_364 = arith.constant 1 : i32
        %mul3A_365 = arith.constant 16 : i32
        %mul3A_366 = arith.muli %scan3A_364, %mul3A_365 : i32
        %get3A_367 = arith.index_cast %scan3A_346 : i32 to index
        %get3A_368 = arith.index_cast %mul3A_366 : i32 to index
        %get3A_369 = tpu.vector_load %arg5[%get3A_367, %get3A_368] {strides = array<i32>} : memref<64x200xi32, #tpu.memory_space<vmem>>, vector<16xi32>,
        %and3A_370 = arith.constant 65535 : i32
        %and3A_371 = vector.broadcast %and3A_370 : i32 to vector<16xi32>
        %and3A_372 = arith.andi %get3A_369, %and3A_371 : vector<16xi32>
        %shift_right_logical3A_373 = arith.constant 16 : i32
        %shift_right_logical3A_374 = vector.broadcast %shift_right_logical3A_373 : i32 to vector<16xi32>
        %shift_right_logical3A_375 = arith.shrui %get3A_369, %shift_right_logical3A_374 : vector<16xi32>
        %scatter3A_376 = arith.constant 0 : i32
        %scatter3A_377 = tpu.memref_slice %arg4[%scatter3A_376] : memref<32768xi32, #tpu.memory_space<vmem>> -> memref<16384xi32, #tpu.memory_space<vmem>>
        tpu.vector_store_idx %scatter3A_377[%and3A_372], %broadcast_in_dim3A_20 {add = true} : memref<16384xi32, #tpu.memory_space<vmem>>[vector<16xi32>], vector<16xi32>,
        %scatter3A_378 = arith.constant 0 : i32
        %scatter3A_379 = tpu.memref_slice %arg4[%scatter3A_378] : memref<32768xi32, #tpu.memory_space<vmem>> -> memref<16384xi32, #tpu.memory_space<vmem>>
        tpu.vector_store_idx %scatter3A_379[%shift_right_logical3A_375], %broadcast_in_dim3A_20 {add = true} : memref<16384xi32, #tpu.memory_space<vmem>>[vector<16xi32>], vector<16xi32>,
        %scan3A_380 = arith.constant 2 : i32
        %mul3A_381 = arith.constant 16 : i32
        %mul3A_382 = arith.muli %scan3A_380, %mul3A_381 : i32
        %get3A_383 = arith.index_cast %scan3A_346 : i32 to index
        %get3A_384 = arith.index_cast %mul3A_382 : i32 to index
        %get3A_385 = tpu.vector_load %arg5[%get3A_383, %get3A_384] {strides = array<i32>} : memref<64x200xi32, #tpu.memory_space<vmem>>, vector<16xi32>,
        %and3A_386 = arith.constant 65535 : i32
        %and3A_387 = vector.broadcast %and3A_386 : i32 to vector<16xi32>
        %and3A_388 = arith.andi %get3A_385, %and3A_387 : vector<16xi32>
        %shift_right_logical3A_389 = arith.constant 16 : i32
        %shift_right_logical3A_390 = vector.broadcast %shift_right_logical3A_389 : i32 to vector<16xi32>
        %shift_right_logical3A_391 = arith.shrui %get3A_385, %shift_right_logical3A_390 : vector<16xi32>
        %scatter3A_392 = arith.constant 0 : i32
        %scatter3A_393 = tpu.memref_slice %arg4[%scatter3A_392] : memref<32768xi32, #tpu.memory_space<vmem>> -> memref<16384xi32, #tpu.memory_space<vmem>>
        tpu.vector_store_idx %scatter3A_393[%and3A_388], %broadcast_in_dim3A_20 {add = true} : memref<16384xi32, #tpu.memory_space<vmem>>[vector<16xi32>], vector<16xi32>,
        %scatter3A_394 = arith.constant 0 : i32
        %scatter3A_395 = tpu.memref_slice %arg4[%scatter3A_394] : memref<32768xi32, #tpu.memory_space<vmem>> -> memref<16384xi32, #tpu.memory_space<vmem>>
        tpu.vector_store_idx %scatter3A_395[%shift_right_logical3A_391], %broadcast_in_dim3A_20 {add = true} : memref<16384xi32, #tpu.memory_space<vmem>>[vector<16xi32>], vector<16xi32>,
        %scan3A_396 = arith.constant 3 : i32
        %mul3A_397 = arith.constant 16 : i32
        %mul3A_398 = arith.muli %scan3A_396, %mul3A_397 : i32
        %get3A_399 = arith.index_cast %scan3A_346 : i32 to index
        %get3A_400 = arith.index_cast %mul3A_398 : i32 to index
        %get3A_401 = tpu.vector_load %arg5[%get3A_399, %get3A_400] {strides = array<i32>} : memref<64x200xi32, #tpu.memory_space<vmem>>, vector<16xi32>,
        %and3A_402 = arith.constant 65535 : i32
        %and3A_403 = vector.broadcast %and3A_402 : i32 to vector<16xi32>
        %and3A_404 = arith.andi %get3A_401, %and3A_403 : vector<16xi32>
        %shift_right_logical3A_405 = arith.constant 16 : i32
        %shift_right_logical3A_406 = vector.broadcast %shift_right_logical3A_405 : i32 to vector<16xi32>
        %shift_right_logical3A_407 = arith.shrui %get3A_401, %shift_right_logical3A_406 : vector<16xi32>
        %scatter3A_408 = arith.constant 0 : i32
        %scatter3A_409 = tpu.memref_slice %arg4[%scatter3A_408] : memref<32768xi32, #tpu.memory_space<vmem>> -> memref<16384xi32, #tpu.memory_space<vmem>>
        tpu.vector_store_idx %scatter3A_409[%and3A_404], %broadcast_in_dim3A_20 {add = true} : memref<16384xi32, #tpu.memory_space<vmem>>[vector<16xi32>], vector<16xi32>,
        %scatter3A_410 = arith.constant 0 : i32
        %scatter3A_411 = tpu.memref_slice %arg4[%scatter3A_410] : memref<32768xi32, #tpu.memory_space<vmem>> -> memref<16384xi32, #tpu.memory_space<vmem>>
        tpu.vector_store_idx %scatter3A_411[%shift_right_logical3A_407], %broadcast_in_dim3A_20 {add = true} : memref<16384xi32, #tpu.memory_space<vmem>>[vector<16xi32>], vector<16xi32>,
        %scan3A_412 = arith.constant 4 : i32
        %mul3A_413 = arith.constant 16 : i32
        %mul3A_414 = arith.muli %scan3A_412, %mul3A_413 : i32
        %get3A_415 = arith.index_cast %scan3A_346 : i32 to index
        %get3A_416 = arith.index_cast %mul3A_414 : i32 to index
        %get3A_417 = tpu.vector_load %arg5[%get3A_415, %get3A_416] {strides = array<i32>} : memref<64x200xi32, #tpu.memory_space<vmem>>, vector<16xi32>,
        %and3A_418 = arith.constant 65535 : i32
        %and3A_419 = vector.broadcast %and3A_418 : i32 to vector<16xi32>
        %and3A_420 = arith.andi %get3A_417, %and3A_419 : vector<16xi32>
        %shift_right_logical3A_421 = arith.constant 16 : i32
        %shift_right_logical3A_422 = vector.broadcast %shift_right_logical3A_421 : i32 to vector<16xi32>
        %shift_right_logical3A_423 = arith.shrui %get3A_417, %shift_right_logical3A_422 : vector<16xi32>
        %scatter3A_424 = arith.constant 0 : i32
        %scatter3A_425 = tpu.memref_slice %arg4[%scatter3A_424] : memref<32768xi32, #tpu.memory_space<vmem>> -> memref<16384xi32, #tpu.memory_space<vmem>>
        tpu.vector_store_idx %scatter3A_425[%and3A_420], %broadcast_in_dim3A_20 {add = true} : memref<16384xi32, #tpu.memory_space<vmem>>[vector<16xi32>], vector<16xi32>,
        %scatter3A_426 = arith.constant 0 : i32
        %scatter3A_427 = tpu.memref_slice %arg4[%scatter3A_426] : memref<32768xi32, #tpu.memory_space<vmem>> -> memref<16384xi32, #tpu.memory_space<vmem>>
        tpu.vector_store_idx %scatter3A_427[%shift_right_logical3A_423], %broadcast_in_dim3A_20 {add = true} : memref<16384xi32, #tpu.memory_space<vmem>>[vector<16xi32>], vector<16xi32>,
        %scan3A_428 = arith.constant 5 : i32
        %mul3A_429 = arith.constant 16 : i32
        %mul3A_430 = arith.muli %scan3A_428, %mul3A_429 : i32
        %get3A_431 = arith.index_cast %scan3A_346 : i32 to index
        %get3A_432 = arith.index_cast %mul3A_430 : i32 to index
        %get3A_433 = tpu.vector_load %arg5[%get3A_431, %get3A_432] {strides = array<i32>} : memref<64x200xi32, #tpu.memory_space<vmem>>, vector<16xi32>,
        %and3A_434 = arith.constant 65535 : i32
        %and3A_435 = vector.broadcast %and3A_434 : i32 to vector<16xi32>
        %and3A_436 = arith.andi %get3A_433, %and3A_435 : vector<16xi32>
        %shift_right_logical3A_437 = arith.constant 16 : i32
        %shift_right_logical3A_438 = vector.broadcast %shift_right_logical3A_437 : i32 to vector<16xi32>
        %shift_right_logical3A_439 = arith.shrui %get3A_433, %shift_right_logical3A_438 : vector<16xi32>
        %scatter3A_440 = arith.constant 0 : i32
        %scatter3A_441 = tpu.memref_slice %arg4[%scatter3A_440] : memref<32768xi32, #tpu.memory_space<vmem>> -> memref<16384xi32, #tpu.memory_space<vmem>>
        tpu.vector_store_idx %scatter3A_441[%and3A_436], %broadcast_in_dim3A_20 {add = true} : memref<16384xi32, #tpu.memory_space<vmem>>[vector<16xi32>], vector<16xi32>,
        %scatter3A_442 = arith.constant 0 : i32
        %scatter3A_443 = tpu.memref_slice %arg4[%scatter3A_442] : memref<32768xi32, #tpu.memory_space<vmem>> -> memref<16384xi32, #tpu.memory_space<vmem>>
        tpu.vector_store_idx %scatter3A_443[%shift_right_logical3A_439], %broadcast_in_dim3A_20 {add = true} : memref<16384xi32, #tpu.memory_space<vmem>>[vector<16xi32>], vector<16xi32>,
        %scan3A_444 = arith.constant 6 : i32
        %mul3A_445 = arith.constant 16 : i32
        %mul3A_446 = arith.muli %scan3A_444, %mul3A_445 : i32
        %get3A_447 = arith.index_cast %scan3A_346 : i32 to index
        %get3A_448 = arith.index_cast %mul3A_446 : i32 to index
        %get3A_449 = tpu.vector_load %arg5[%get3A_447, %get3A_448] {strides = array<i32>} : memref<64x200xi32, #tpu.memory_space<vmem>>, vector<16xi32>,
        %and3A_450 = arith.constant 65535 : i32
        %and3A_451 = vector.broadcast %and3A_450 : i32 to vector<16xi32>
        %and3A_452 = arith.andi %get3A_449, %and3A_451 : vector<16xi32>
        %shift_right_logical3A_453 = arith.constant 16 : i32
        %shift_right_logical3A_454 = vector.broadcast %shift_right_logical3A_453 : i32 to vector<16xi32>
        %shift_right_logical3A_455 = arith.shrui %get3A_449, %shift_right_logical3A_454 : vector<16xi32>
        %scatter3A_456 = arith.constant 0 : i32
        %scatter3A_457 = tpu.memref_slice %arg4[%scatter3A_456] : memref<32768xi32, #tpu.memory_space<vmem>> -> memref<16384xi32, #tpu.memory_space<vmem>>
        tpu.vector_store_idx %scatter3A_457[%and3A_452], %broadcast_in_dim3A_20 {add = true} : memref<16384xi32, #tpu.memory_space<vmem>>[vector<16xi32>], vector<16xi32>,
        %scatter3A_458 = arith.constant 0 : i32
        %scatter3A_459 = tpu.memref_slice %arg4[%scatter3A_458] : memref<32768xi32, #tpu.memory_space<vmem>> -> memref<16384xi32, #tpu.memory_space<vmem>>
        tpu.vector_store_idx %scatter3A_459[%shift_right_logical3A_455], %broadcast_in_dim3A_20 {add = true} : memref<16384xi32, #tpu.memory_space<vmem>>[vector<16xi32>], vector<16xi32>,
        %scan3A_460 = arith.constant 7 : i32
        %mul3A_461 = arith.constant 16 : i32
        %mul3A_462 = arith.muli %scan3A_460, %mul3A_461 : i32
        %get3A_463 = arith.index_cast %scan3A_346 : i32 to index
        %get3A_464 = arith.index_cast %mul3A_462 : i32 to index
        %get3A_465 = tpu.vector_load %arg5[%get3A_463, %get3A_464] {strides = array<i32>} : memref<64x200xi32, #tpu.memory_space<vmem>>, vector<16xi32>,
        %and3A_466 = arith.constant 65535 : i32
        %and3A_467 = vector.broadcast %and3A_466 : i32 to vector<16xi32>
        %and3A_468 = arith.andi %get3A_465, %and3A_467 : vector<16xi32>
        %shift_right_logical3A_469 = arith.constant 16 : i32
        %shift_right_logical3A_470 = vector.broadcast %shift_right_logical3A_469 : i32 to vector<16xi32>
        %shift_right_logical3A_471 = arith.shrui %get3A_465, %shift_right_logical3A_470 : vector<16xi32>
        %scatter3A_472 = arith.constant 0 : i32
        %scatter3A_473 = tpu.memref_slice %arg4[%scatter3A_472] : memref<32768xi32, #tpu.memory_space<vmem>> -> memref<16384xi32, #tpu.memory_space<vmem>>
        tpu.vector_store_idx %scatter3A_473[%and3A_468], %broadcast_in_dim3A_20 {add = true} : memref<16384xi32, #tpu.memory_space<vmem>>[vector<16xi32>], vector<16xi32>,
        %scatter3A_474 = arith.constant 0 : i32
        %scatter3A_475 = tpu.memref_slice %arg4[%scatter3A_474] : memref<32768xi32, #tpu.memory_space<vmem>> -> memref<16384xi32, #tpu.memory_space<vmem>>
        tpu.vector_store_idx %scatter3A_475[%shift_right_logical3A_471], %broadcast_in_dim3A_20 {add = true} : memref<16384xi32, #tpu.memory_space<vmem>>[vector<16xi32>], vector<16xi32>,
        %scan3A_476 = arith.constant 8 : i32
        %mul3A_477 = arith.constant 16 : i32
        %mul3A_478 = arith.muli %scan3A_476, %mul3A_477 : i32
        %get3A_479 = arith.index_cast %scan3A_346 : i32 to index
        %get3A_480 = arith.index_cast %mul3A_478 : i32 to index
        %get3A_481 = tpu.vector_load %arg5[%get3A_479, %get3A_480] {strides = array<i32>} : memref<64x200xi32, #tpu.memory_space<vmem>>, vector<16xi32>,
        %and3A_482 = arith.constant 65535 : i32
        %and3A_483 = vector.broadcast %and3A_482 : i32 to vector<16xi32>
        %and3A_484 = arith.andi %get3A_481, %and3A_483 : vector<16xi32>
        %shift_right_logical3A_485 = arith.constant 16 : i32
        %shift_right_logical3A_486 = vector.broadcast %shift_right_logical3A_485 : i32 to vector<16xi32>
        %shift_right_logical3A_487 = arith.shrui %get3A_481, %shift_right_logical3A_486 : vector<16xi32>
        %scatter3A_488 = arith.constant 0 : i32
        %scatter3A_489 = tpu.memref_slice %arg4[%scatter3A_488] : memref<32768xi32, #tpu.memory_space<vmem>> -> memref<16384xi32, #tpu.memory_space<vmem>>
        tpu.vector_store_idx %scatter3A_489[%and3A_484], %broadcast_in_dim3A_20 {add = true} : memref<16384xi32, #tpu.memory_space<vmem>>[vector<16xi32>], vector<16xi32>,
        %scatter3A_490 = arith.constant 0 : i32
        %scatter3A_491 = tpu.memref_slice %arg4[%scatter3A_490] : memref<32768xi32, #tpu.memory_space<vmem>> -> memref<16384xi32, #tpu.memory_space<vmem>>
        tpu.vector_store_idx %scatter3A_491[%shift_right_logical3A_487], %broadcast_in_dim3A_20 {add = true} : memref<16384xi32, #tpu.memory_space<vmem>>[vector<16xi32>], vector<16xi32>,
        %scan3A_492 = arith.constant 9 : i32
        %mul3A_493 = arith.constant 16 : i32
        %mul3A_494 = arith.muli %scan3A_492, %mul3A_493 : i32
        %get3A_495 = arith.index_cast %scan3A_346 : i32 to index
        %get3A_496 = arith.index_cast %mul3A_494 : i32 to index
        %get3A_497 = tpu.vector_load %arg5[%get3A_495, %get3A_496] {strides = array<i32>} : memref<64x200xi32, #tpu.memory_space<vmem>>, vector<16xi32>,
        %and3A_498 = arith.constant 65535 : i32
        %and3A_499 = vector.broadcast %and3A_498 : i32 to vector<16xi32>
        %and3A_500 = arith.andi %get3A_497, %and3A_499 : vector<16xi32>
        %shift_right_logical3A_501 = arith.constant 16 : i32
        %shift_right_logical3A_502 = vector.broadcast %shift_right_logical3A_501 : i32 to vector<16xi32>
        %shift_right_logical3A_503 = arith.shrui %get3A_497, %shift_right_logical3A_502 : vector<16xi32>
        %scatter3A_504 = arith.constant 0 : i32
        %scatter3A_505 = tpu.memref_slice %arg4[%scatter3A_504] : memref<32768xi32, #tpu.memory_space<vmem>> -> memref<16384xi32, #tpu.memory_space<vmem>>
        tpu.vector_store_idx %scatter3A_505[%and3A_500], %broadcast_in_dim3A_20 {add = true} : memref<16384xi32, #tpu.memory_space<vmem>>[vector<16xi32>], vector<16xi32>,
        %scatter3A_506 = arith.constant 0 : i32
        %scatter3A_507 = tpu.memref_slice %arg4[%scatter3A_506] : memref<32768xi32, #tpu.memory_space<vmem>> -> memref<16384xi32, #tpu.memory_space<vmem>>
        tpu.vector_store_idx %scatter3A_507[%shift_right_logical3A_503], %broadcast_in_dim3A_20 {add = true} : memref<16384xi32, #tpu.memory_space<vmem>>[vector<16xi32>], vector<16xi32>,
        %scan3A_508 = arith.constant 10 : i32
        %mul3A_509 = arith.constant 16 : i32
        %mul3A_510 = arith.muli %scan3A_508, %mul3A_509 : i32
        %get3A_511 = arith.index_cast %scan3A_346 : i32 to index
        %get3A_512 = arith.index_cast %mul3A_510 : i32 to index
        %get3A_513 = tpu.vector_load %arg5[%get3A_511, %get3A_512] {strides = array<i32>} : memref<64x200xi32, #tpu.memory_space<vmem>>, vector<16xi32>,
        %and3A_514 = arith.constant 65535 : i32
        %and3A_515 = vector.broadcast %and3A_514 : i32 to vector<16xi32>
        %and3A_516 = arith.andi %get3A_513, %and3A_515 : vector<16xi32>
        %shift_right_logical3A_517 = arith.constant 16 : i32
        %shift_right_logical3A_518 = vector.broadcast %shift_right_logical3A_517 : i32 to vector<16xi32>
        %shift_right_logical3A_519 = arith.shrui %get3A_513, %shift_right_logical3A_518 : vector<16xi32>
        %scatter3A_520 = arith.constant 0 : i32
        %scatter3A_521 = tpu.memref_slice %arg4[%scatter3A_520] : memref<32768xi32, #tpu.memory_space<vmem>> -> memref<16384xi32, #tpu.memory_space<vmem>>
        tpu.vector_store_idx %scatter3A_521[%and3A_516], %broadcast_in_dim3A_20 {add = true} : memref<16384xi32, #tpu.memory_space<vmem>>[vector<16xi32>], vector<16xi32>,
        %scatter3A_522 = arith.constant 0 : i32
        %scatter3A_523 = tpu.memref_slice %arg4[%scatter3A_522] : memref<32768xi32, #tpu.memory_space<vmem>> -> memref<16384xi32, #tpu.memory_space<vmem>>
        tpu.vector_store_idx %scatter3A_523[%shift_right_logical3A_519], %broadcast_in_dim3A_20 {add = true} : memref<16384xi32, #tpu.memory_space<vmem>>[vector<16xi32>], vector<16xi32>,
        %scan3A_524 = arith.constant 11 : i32
        %mul3A_525 = arith.constant 16 : i32
        %mul3A_526 = arith.muli %scan3A_524, %mul3A_525 : i32
        %get3A_527 = arith.index_cast %scan3A_346 : i32 to index
        %get3A_528 = arith.index_cast %mul3A_526 : i32 to index
        %get3A_529 = tpu.vector_load %arg5[%get3A_527, %get3A_528] {strides = array<i32>} : memref<64x200xi32, #tpu.memory_space<vmem>>, vector<16xi32>,
        %and3A_530 = arith.constant 65535 : i32
        %and3A_531 = vector.broadcast %and3A_530 : i32 to vector<16xi32>
        %and3A_532 = arith.andi %get3A_529, %and3A_531 : vector<16xi32>
        %shift_right_logical3A_533 = arith.constant 16 : i32
        %shift_right_logical3A_534 = vector.broadcast %shift_right_logical3A_533 : i32 to vector<16xi32>
        %shift_right_logical3A_535 = arith.shrui %get3A_529, %shift_right_logical3A_534 : vector<16xi32>
        %scatter3A_536 = arith.constant 0 : i32
        %scatter3A_537 = tpu.memref_slice %arg4[%scatter3A_536] : memref<32768xi32, #tpu.memory_space<vmem>> -> memref<16384xi32, #tpu.memory_space<vmem>>
        tpu.vector_store_idx %scatter3A_537[%and3A_532], %broadcast_in_dim3A_20 {add = true} : memref<16384xi32, #tpu.memory_space<vmem>>[vector<16xi32>], vector<16xi32>,
        %scatter3A_538 = arith.constant 0 : i32
        %scatter3A_539 = tpu.memref_slice %arg4[%scatter3A_538] : memref<32768xi32, #tpu.memory_space<vmem>> -> memref<16384xi32, #tpu.memory_space<vmem>>
        tpu.vector_store_idx %scatter3A_539[%shift_right_logical3A_535], %broadcast_in_dim3A_20 {add = true} : memref<16384xi32, #tpu.memory_space<vmem>>[vector<16xi32>], vector<16xi32>,
        %scan3A_540 = arith.constant 12 : i32
        %get3A_541 = arith.index_cast %scan3A_346 : i32 to index
        %get3A_542 = arith.constant 184 : index
        %get3A_543 = tpu.vector_load %arg5[%get3A_541, %get3A_542] {strides = array<i32>} : memref<64x200xi32, #tpu.memory_space<vmem>>, vector<16xi32>,
        %and3A_544 = arith.constant 65535 : i32
        %and3A_545 = vector.broadcast %and3A_544 : i32 to vector<16xi32>
        %and3A_546 = arith.andi %get3A_543, %and3A_545 : vector<16xi32>
        %shift_right_logical3A_547 = arith.constant 16 : i32
        %shift_right_logical3A_548 = vector.broadcast %shift_right_logical3A_547 : i32 to vector<16xi32>
        %shift_right_logical3A_549 = arith.shrui %get3A_543, %shift_right_logical3A_548 : vector<16xi32>
        %scatter3A_550 = arith.constant 0 : i32
        %scatter3A_551 = tpu.memref_slice %arg4[%scatter3A_550] : memref<32768xi32, #tpu.memory_space<vmem>> -> memref<16384xi32, #tpu.memory_space<vmem>>
        tpu.vector_store_idx %scatter3A_551[%and3A_546], %broadcast_in_dim3A_20 masked %ge3A_22 {add = true} : memref<16384xi32, #tpu.memory_space<vmem>>[vector<16xi32>], vector<16xi32>, vector<16xi1>
        %scatter3A_552 = arith.constant 0 : i32
        %scatter3A_553 = tpu.memref_slice %arg4[%scatter3A_552] : memref<32768xi32, #tpu.memory_space<vmem>> -> memref<16384xi32, #tpu.memory_space<vmem>>
        tpu.vector_store_idx %scatter3A_553[%shift_right_logical3A_549], %broadcast_in_dim3A_20 masked %ge3A_22 {add = true} : memref<16384xi32, #tpu.memory_space<vmem>>[vector<16xi32>], vector<16xi32>, vector<16xi1>
      }
      %scan3A_138 = arith.constant 8 : i32
    }
    %while3A_68 = arith.constant 1 : i32
    scf.for %while3A_123 = %while3A_66 to %while3A_62 step %while3A_68  : i32 {
      %mul3A_124 = arith.constant 8 : i32
      %mul3A_125 = arith.muli %mul3A_124, %select_n3A : i32
      %add3A_126 = arith.addi %shift_right_logical3A_3, %mul3A_125 : i32
      %add3A_127 = arith.addi %add3A_126, %while3A_123 : i32
      %mul3A_128 = arith.constant 200 : i32
      %mul3A_129 = arith.muli %shift_right_logical3A_13, %mul3A_128 : i32
      %sub3A_130 = arith.subi %add3A_127, %mul3A_129 : i32
      %mul3A_131 = arith.constant 8 : i32
      %mul3A_132 = arith.muli %sub3A_130, %mul3A_131 : i32
      "tpu.region"() ({
        %run_scoped3A = tpu.sem_alloc : memref<!tpu.dma_semaphore, #tpu.memory_space<semaphore_mem>>
        %dma_start3A = arith.constant 0 : i32
        %dma_start3A_139 = arith.constant 0 : i32
        %dma_start3A_140 = tpu.memref_slice %arg5[%dma_start3A, %dma_start3A_139] : memref<64x200xi32, #tpu.memory_space<vmem>> -> memref<8x200xi32, #tpu.memory_space<vmem>>
        %dma_start3A_141 = arith.constant 0 : i32
        %dma_start3A_142 = tpu.memref_slice %arg2[%shift_right_logical3A_13, %mul3A_132, %dma_start3A_141] : memref<18x1600x200xi32, #tpu.memory_space<hbm>> -> memref<1x8x200xi32, #tpu.memory_space<hbm>>
        %dma_start3A_143 = tpu.memref_squeeze %dma_start3A_142 : memref<1x8x200xi32, #tpu.memory_space<hbm>> -> memref<8x200xi32, #tpu.memory_space<hbm>>
        %dma_start3A_144 = arith.constant 0 : i32
        %dma_start3A_145 = arith.constant 0 : i32
        %dma_start3A_146 = tpu.memref_slice %arg5[%dma_start3A_144, %dma_start3A_145] : memref<64x200xi32, #tpu.memory_space<vmem>> -> memref<8x200xi32, #tpu.memory_space<vmem>>
        %dma_start3A_147 = arith.constant 0 : i32
        %dma_start3A_148 = tpu.memref_slice %arg2[%shift_right_logical3A_13, %mul3A_132, %dma_start3A_147] : memref<18x1600x200xi32, #tpu.memory_space<hbm>> -> memref<1x8x200xi32, #tpu.memory_space<hbm>>
        %dma_start3A_149 = tpu.memref_squeeze %dma_start3A_148 : memref<1x8x200xi32, #tpu.memory_space<hbm>> -> memref<8x200xi32, #tpu.memory_space<hbm>>
        tpu.enqueue_dma source(%dma_start3A_149 : memref<8x200xi32, #tpu.memory_space<hbm>>) target(%dma_start3A_146 : memref<8x200xi32, #tpu.memory_space<vmem>>) target_semaphore(%run_scoped3A : memref<!tpu.dma_semaphore, #tpu.memory_space<semaphore_mem>>)
        %dma_wait3A = arith.constant 0 : i32
        %dma_wait3A_150 = arith.constant 0 : i32
        %dma_wait3A_151 = tpu.memref_slice %arg5[%dma_wait3A, %dma_wait3A_150] : memref<64x200xi32, #tpu.memory_space<vmem>> -> memref<8x200xi32, #tpu.memory_space<vmem>>
        %dma_wait3A_152 = arith.constant 0 : i32
        %dma_wait3A_153 = tpu.memref_slice %arg2[%shift_right_logical3A_13, %mul3A_132, %dma_wait3A_152] : memref<18x1600x200xi32, #tpu.memory_space<hbm>> -> memref<1x8x200xi32, #tpu.memory_space<hbm>>
        %dma_wait3A_154 = tpu.memref_squeeze %dma_wait3A_153 : memref<1x8x200xi32, #tpu.memory_space<hbm>> -> memref<8x200xi32, #tpu.memory_space<hbm>>
        %dma_wait3A_155 = arith.constant 0 : i32
        %dma_wait3A_156 = arith.constant 0 : i32
        %dma_wait3A_157 = tpu.memref_slice %arg5[%dma_wait3A_155, %dma_wait3A_156] : memref<64x200xi32, #tpu.memory_space<vmem>> -> memref<8x200xi32, #tpu.memory_space<vmem>>
        %dma_wait3A_158 = arith.constant 0 : i32
        %dma_wait3A_159 = tpu.memref_slice %arg2[%shift_right_logical3A_13, %mul3A_132, %dma_wait3A_158] : memref<18x1600x200xi32, #tpu.memory_space<hbm>> -> memref<1x8x200xi32, #tpu.memory_space<hbm>>
        %dma_wait3A_160 = tpu.memref_squeeze %dma_wait3A_159 : memref<1x8x200xi32, #tpu.memory_space<hbm>> -> memref<8x200xi32, #tpu.memory_space<hbm>>
        tpu.wait_dma2 semaphore(%run_scoped3A : memref<!tpu.dma_semaphore, #tpu.memory_space<semaphore_mem>>) src(%dma_wait3A_160 : memref<8x200xi32, #tpu.memory_space<hbm>>) dst(%dma_wait3A_157 : memref<8x200xi32, #tpu.memory_space<vmem>>)
        tpu.yield
      }) : () -> ()
      %scan3A_133 = arith.constant 0 : i32
      %scan3A_134 = arith.constant 0 : i32
      %scan3A_135 = arith.constant 8 : i32
      %scan3A_136 = arith.addi %scan3A_134, %scan3A_135 : i32
      %scan3A_137 = arith.constant 2 : i32
      scf.for %scan3A_139 = %scan3A_134 to %scan3A_136 step %scan3A_137  : i32 {
        %scan3A_140 = arith.constant 0 : i32
        %scan3A_141 = arith.constant 0 : i32
        %mul3A_142 = arith.constant 16 : i32
        %mul3A_143 = arith.muli %scan3A_141, %mul3A_142 : i32
        %get3A = arith.index_cast %scan3A_139 : i32 to index
        %get3A_144 = arith.index_cast %mul3A_143 : i32 to index
        %get3A_145 = tpu.vector_load %arg5[%get3A, %get3A_144] {strides = array<i32>} : memref<64x200xi32, #tpu.memory_space<vmem>>, vector<16xi32>,
        %and3A_146 = arith.constant 65535 : i32
        %and3A_147 = vector.broadcast %and3A_146 : i32 to vector<16xi32>
        %and3A_148 = arith.andi %get3A_145, %and3A_147 : vector<16xi32>
        %shift_right_logical3A_149 = arith.constant 16 : i32
        %shift_right_logical3A_150 = vector.broadcast %shift_right_logical3A_149 : i32 to vector<16xi32>
        %shift_right_logical3A_151 = arith.shrui %get3A_145, %shift_right_logical3A_150 : vector<16xi32>
        %scatter3A = arith.constant 0 : i32
        %scatter3A_152 = tpu.memref_slice %arg4[%scatter3A] : memref<32768xi32, #tpu.memory_space<vmem>> -> memref<16384xi32, #tpu.memory_space<vmem>>
        tpu.vector_store_idx %scatter3A_152[%and3A_148], %broadcast_in_dim3A_20 {add = true} : memref<16384xi32, #tpu.memory_space<vmem>>[vector<16xi32>], vector<16xi32>,
        %scatter3A_153 = arith.constant 0 : i32
        %scatter3A_154 = tpu.memref_slice %arg4[%scatter3A_153] : memref<32768xi32, #tpu.memory_space<vmem>> -> memref<16384xi32, #tpu.memory_space<vmem>>
        tpu.vector_store_idx %scatter3A_154[%shift_right_logical3A_151], %broadcast_in_dim3A_20 {add = true} : memref<16384xi32, #tpu.memory_space<vmem>>[vector<16xi32>], vector<16xi32>,
        %scan3A_155 = arith.constant 1 : i32
        %mul3A_156 = arith.constant 16 : i32
        %mul3A_157 = arith.muli %scan3A_155, %mul3A_156 : i32
        %get3A_158 = arith.index_cast %scan3A_139 : i32 to index
        %get3A_159 = arith.index_cast %mul3A_157 : i32 to index
        %get3A_160 = tpu.vector_load %arg5[%get3A_158, %get3A_159] {strides = array<i32>} : memref<64x200xi32, #tpu.memory_space<vmem>>, vector<16xi32>,
        %and3A_161 = arith.constant 65535 : i32
        %and3A_162 = vector.broadcast %and3A_161 : i32 to vector<16xi32>
        %and3A_163 = arith.andi %get3A_160, %and3A_162 : vector<16xi32>
        %shift_right_logical3A_164 = arith.constant 16 : i32
        %shift_right_logical3A_165 = vector.broadcast %shift_right_logical3A_164 : i32 to vector<16xi32>
        %shift_right_logical3A_166 = arith.shrui %get3A_160, %shift_right_logical3A_165 : vector<16xi32>
        %scatter3A_167 = arith.constant 0 : i32
        %scatter3A_168 = tpu.memref_slice %arg4[%scatter3A_167] : memref<32768xi32, #tpu.memory_space<vmem>> -> memref<16384xi32, #tpu.memory_space<vmem>>
        tpu.vector_store_idx %scatter3A_168[%and3A_163], %broadcast_in_dim3A_20 {add = true} : memref<16384xi32, #tpu.memory_space<vmem>>[vector<16xi32>], vector<16xi32>,
        %scatter3A_169 = arith.constant 0 : i32
        %scatter3A_170 = tpu.memref_slice %arg4[%scatter3A_169] : memref<32768xi32, #tpu.memory_space<vmem>> -> memref<16384xi32, #tpu.memory_space<vmem>>
        tpu.vector_store_idx %scatter3A_170[%shift_right_logical3A_166], %broadcast_in_dim3A_20 {add = true} : memref<16384xi32, #tpu.memory_space<vmem>>[vector<16xi32>], vector<16xi32>,
        %scan3A_171 = arith.constant 2 : i32
        %mul3A_172 = arith.constant 16 : i32
        %mul3A_173 = arith.muli %scan3A_171, %mul3A_172 : i32
        %get3A_174 = arith.index_cast %scan3A_139 : i32 to index
        %get3A_175 = arith.index_cast %mul3A_173 : i32 to index
        %get3A_176 = tpu.vector_load %arg5[%get3A_174, %get3A_175] {strides = array<i32>} : memref<64x200xi32, #tpu.memory_space<vmem>>, vector<16xi32>,
        %and3A_177 = arith.constant 65535 : i32
        %and3A_178 = vector.broadcast %and3A_177 : i32 to vector<16xi32>
        %and3A_179 = arith.andi %get3A_176, %and3A_178 : vector<16xi32>
        %shift_right_logical3A_180 = arith.constant 16 : i32
        %shift_right_logical3A_181 = vector.broadcast %shift_right_logical3A_180 : i32 to vector<16xi32>
        %shift_right_logical3A_182 = arith.shrui %get3A_176, %shift_right_logical3A_181 : vector<16xi32>
        %scatter3A_183 = arith.constant 0 : i32
        %scatter3A_184 = tpu.memref_slice %arg4[%scatter3A_183] : memref<32768xi32, #tpu.memory_space<vmem>> -> memref<16384xi32, #tpu.memory_space<vmem>>
        tpu.vector_store_idx %scatter3A_184[%and3A_179], %broadcast_in_dim3A_20 {add = true} : memref<16384xi32, #tpu.memory_space<vmem>>[vector<16xi32>], vector<16xi32>,
        %scatter3A_185 = arith.constant 0 : i32
        %scatter3A_186 = tpu.memref_slice %arg4[%scatter3A_185] : memref<32768xi32, #tpu.memory_space<vmem>> -> memref<16384xi32, #tpu.memory_space<vmem>>
        tpu.vector_store_idx %scatter3A_186[%shift_right_logical3A_182], %broadcast_in_dim3A_20 {add = true} : memref<16384xi32, #tpu.memory_space<vmem>>[vector<16xi32>], vector<16xi32>,
        %scan3A_187 = arith.constant 3 : i32
        %mul3A_188 = arith.constant 16 : i32
        %mul3A_189 = arith.muli %scan3A_187, %mul3A_188 : i32
        %get3A_190 = arith.index_cast %scan3A_139 : i32 to index
        %get3A_191 = arith.index_cast %mul3A_189 : i32 to index
        %get3A_192 = tpu.vector_load %arg5[%get3A_190, %get3A_191] {strides = array<i32>} : memref<64x200xi32, #tpu.memory_space<vmem>>, vector<16xi32>,
        %and3A_193 = arith.constant 65535 : i32
        %and3A_194 = vector.broadcast %and3A_193 : i32 to vector<16xi32>
        %and3A_195 = arith.andi %get3A_192, %and3A_194 : vector<16xi32>
        %shift_right_logical3A_196 = arith.constant 16 : i32
        %shift_right_logical3A_197 = vector.broadcast %shift_right_logical3A_196 : i32 to vector<16xi32>
        %shift_right_logical3A_198 = arith.shrui %get3A_192, %shift_right_logical3A_197 : vector<16xi32>
        %scatter3A_199 = arith.constant 0 : i32
        %scatter3A_200 = tpu.memref_slice %arg4[%scatter3A_199] : memref<32768xi32, #tpu.memory_space<vmem>> -> memref<16384xi32, #tpu.memory_space<vmem>>
        tpu.vector_store_idx %scatter3A_200[%and3A_195], %broadcast_in_dim3A_20 {add = true} : memref<16384xi32, #tpu.memory_space<vmem>>[vector<16xi32>], vector<16xi32>,
        %scatter3A_201 = arith.constant 0 : i32
        %scatter3A_202 = tpu.memref_slice %arg4[%scatter3A_201] : memref<32768xi32, #tpu.memory_space<vmem>> -> memref<16384xi32, #tpu.memory_space<vmem>>
        tpu.vector_store_idx %scatter3A_202[%shift_right_logical3A_198], %broadcast_in_dim3A_20 {add = true} : memref<16384xi32, #tpu.memory_space<vmem>>[vector<16xi32>], vector<16xi32>,
        %scan3A_203 = arith.constant 4 : i32
        %mul3A_204 = arith.constant 16 : i32
        %mul3A_205 = arith.muli %scan3A_203, %mul3A_204 : i32
        %get3A_206 = arith.index_cast %scan3A_139 : i32 to index
        %get3A_207 = arith.index_cast %mul3A_205 : i32 to index
        %get3A_208 = tpu.vector_load %arg5[%get3A_206, %get3A_207] {strides = array<i32>} : memref<64x200xi32, #tpu.memory_space<vmem>>, vector<16xi32>,
        %and3A_209 = arith.constant 65535 : i32
        %and3A_210 = vector.broadcast %and3A_209 : i32 to vector<16xi32>
        %and3A_211 = arith.andi %get3A_208, %and3A_210 : vector<16xi32>
        %shift_right_logical3A_212 = arith.constant 16 : i32
        %shift_right_logical3A_213 = vector.broadcast %shift_right_logical3A_212 : i32 to vector<16xi32>
        %shift_right_logical3A_214 = arith.shrui %get3A_208, %shift_right_logical3A_213 : vector<16xi32>
        %scatter3A_215 = arith.constant 0 : i32
        %scatter3A_216 = tpu.memref_slice %arg4[%scatter3A_215] : memref<32768xi32, #tpu.memory_space<vmem>> -> memref<16384xi32, #tpu.memory_space<vmem>>
        tpu.vector_store_idx %scatter3A_216[%and3A_211], %broadcast_in_dim3A_20 {add = true} : memref<16384xi32, #tpu.memory_space<vmem>>[vector<16xi32>], vector<16xi32>,
        %scatter3A_217 = arith.constant 0 : i32
        %scatter3A_218 = tpu.memref_slice %arg4[%scatter3A_217] : memref<32768xi32, #tpu.memory_space<vmem>> -> memref<16384xi32, #tpu.memory_space<vmem>>
        tpu.vector_store_idx %scatter3A_218[%shift_right_logical3A_214], %broadcast_in_dim3A_20 {add = true} : memref<16384xi32, #tpu.memory_space<vmem>>[vector<16xi32>], vector<16xi32>,
        %scan3A_219 = arith.constant 5 : i32
        %mul3A_220 = arith.constant 16 : i32
        %mul3A_221 = arith.muli %scan3A_219, %mul3A_220 : i32
        %get3A_222 = arith.index_cast %scan3A_139 : i32 to index
        %get3A_223 = arith.index_cast %mul3A_221 : i32 to index
        %get3A_224 = tpu.vector_load %arg5[%get3A_222, %get3A_223] {strides = array<i32>} : memref<64x200xi32, #tpu.memory_space<vmem>>, vector<16xi32>,
        %and3A_225 = arith.constant 65535 : i32
        %and3A_226 = vector.broadcast %and3A_225 : i32 to vector<16xi32>
        %and3A_227 = arith.andi %get3A_224, %and3A_226 : vector<16xi32>
        %shift_right_logical3A_228 = arith.constant 16 : i32
        %shift_right_logical3A_229 = vector.broadcast %shift_right_logical3A_228 : i32 to vector<16xi32>
        %shift_right_logical3A_230 = arith.shrui %get3A_224, %shift_right_logical3A_229 : vector<16xi32>
        %scatter3A_231 = arith.constant 0 : i32
        %scatter3A_232 = tpu.memref_slice %arg4[%scatter3A_231] : memref<32768xi32, #tpu.memory_space<vmem>> -> memref<16384xi32, #tpu.memory_space<vmem>>
        tpu.vector_store_idx %scatter3A_232[%and3A_227], %broadcast_in_dim3A_20 {add = true} : memref<16384xi32, #tpu.memory_space<vmem>>[vector<16xi32>], vector<16xi32>,
        %scatter3A_233 = arith.constant 0 : i32
        %scatter3A_234 = tpu.memref_slice %arg4[%scatter3A_233] : memref<32768xi32, #tpu.memory_space<vmem>> -> memref<16384xi32, #tpu.memory_space<vmem>>
        tpu.vector_store_idx %scatter3A_234[%shift_right_logical3A_230], %broadcast_in_dim3A_20 {add = true} : memref<16384xi32, #tpu.memory_space<vmem>>[vector<16xi32>], vector<16xi32>,
        %scan3A_235 = arith.constant 6 : i32
        %mul3A_236 = arith.constant 16 : i32
        %mul3A_237 = arith.muli %scan3A_235, %mul3A_236 : i32
        %get3A_238 = arith.index_cast %scan3A_139 : i32 to index
        %get3A_239 = arith.index_cast %mul3A_237 : i32 to index
        %get3A_240 = tpu.vector_load %arg5[%get3A_238, %get3A_239] {strides = array<i32>} : memref<64x200xi32, #tpu.memory_space<vmem>>, vector<16xi32>,
        %and3A_241 = arith.constant 65535 : i32
        %and3A_242 = vector.broadcast %and3A_241 : i32 to vector<16xi32>
        %and3A_243 = arith.andi %get3A_240, %and3A_242 : vector<16xi32>
        %shift_right_logical3A_244 = arith.constant 16 : i32
        %shift_right_logical3A_245 = vector.broadcast %shift_right_logical3A_244 : i32 to vector<16xi32>
        %shift_right_logical3A_246 = arith.shrui %get3A_240, %shift_right_logical3A_245 : vector<16xi32>
        %scatter3A_247 = arith.constant 0 : i32
        %scatter3A_248 = tpu.memref_slice %arg4[%scatter3A_247] : memref<32768xi32, #tpu.memory_space<vmem>> -> memref<16384xi32, #tpu.memory_space<vmem>>
        tpu.vector_store_idx %scatter3A_248[%and3A_243], %broadcast_in_dim3A_20 {add = true} : memref<16384xi32, #tpu.memory_space<vmem>>[vector<16xi32>], vector<16xi32>,
        %scatter3A_249 = arith.constant 0 : i32
        %scatter3A_250 = tpu.memref_slice %arg4[%scatter3A_249] : memref<32768xi32, #tpu.memory_space<vmem>> -> memref<16384xi32, #tpu.memory_space<vmem>>
        tpu.vector_store_idx %scatter3A_250[%shift_right_logical3A_246], %broadcast_in_dim3A_20 {add = true} : memref<16384xi32, #tpu.memory_space<vmem>>[vector<16xi32>], vector<16xi32>,
        %scan3A_251 = arith.constant 7 : i32
        %mul3A_252 = arith.constant 16 : i32
        %mul3A_253 = arith.muli %scan3A_251, %mul3A_252 : i32
        %get3A_254 = arith.index_cast %scan3A_139 : i32 to index
        %get3A_255 = arith.index_cast %mul3A_253 : i32 to index
        %get3A_256 = tpu.vector_load %arg5[%get3A_254, %get3A_255] {strides = array<i32>} : memref<64x200xi32, #tpu.memory_space<vmem>>, vector<16xi32>,
        %and3A_257 = arith.constant 65535 : i32
        %and3A_258 = vector.broadcast %and3A_257 : i32 to vector<16xi32>
        %and3A_259 = arith.andi %get3A_256, %and3A_258 : vector<16xi32>
        %shift_right_logical3A_260 = arith.constant 16 : i32
        %shift_right_logical3A_261 = vector.broadcast %shift_right_logical3A_260 : i32 to vector<16xi32>
        %shift_right_logical3A_262 = arith.shrui %get3A_256, %shift_right_logical3A_261 : vector<16xi32>
        %scatter3A_263 = arith.constant 0 : i32
        %scatter3A_264 = tpu.memref_slice %arg4[%scatter3A_263] : memref<32768xi32, #tpu.memory_space<vmem>> -> memref<16384xi32, #tpu.memory_space<vmem>>
        tpu.vector_store_idx %scatter3A_264[%and3A_259], %broadcast_in_dim3A_20 {add = true} : memref<16384xi32, #tpu.memory_space<vmem>>[vector<16xi32>], vector<16xi32>,
        %scatter3A_265 = arith.constant 0 : i32
        %scatter3A_266 = tpu.memref_slice %arg4[%scatter3A_265] : memref<32768xi32, #tpu.memory_space<vmem>> -> memref<16384xi32, #tpu.memory_space<vmem>>
        tpu.vector_store_idx %scatter3A_266[%shift_right_logical3A_262], %broadcast_in_dim3A_20 {add = true} : memref<16384xi32, #tpu.memory_space<vmem>>[vector<16xi32>], vector<16xi32>,
        %scan3A_267 = arith.constant 8 : i32
        %mul3A_268 = arith.constant 16 : i32
        %mul3A_269 = arith.muli %scan3A_267, %mul3A_268 : i32
        %get3A_270 = arith.index_cast %scan3A_139 : i32 to index
        %get3A_271 = arith.index_cast %mul3A_269 : i32 to index
        %get3A_272 = tpu.vector_load %arg5[%get3A_270, %get3A_271] {strides = array<i32>} : memref<64x200xi32, #tpu.memory_space<vmem>>, vector<16xi32>,
        %and3A_273 = arith.constant 65535 : i32
        %and3A_274 = vector.broadcast %and3A_273 : i32 to vector<16xi32>
        %and3A_275 = arith.andi %get3A_272, %and3A_274 : vector<16xi32>
        %shift_right_logical3A_276 = arith.constant 16 : i32
        %shift_right_logical3A_277 = vector.broadcast %shift_right_logical3A_276 : i32 to vector<16xi32>
        %shift_right_logical3A_278 = arith.shrui %get3A_272, %shift_right_logical3A_277 : vector<16xi32>
        %scatter3A_279 = arith.constant 0 : i32
        %scatter3A_280 = tpu.memref_slice %arg4[%scatter3A_279] : memref<32768xi32, #tpu.memory_space<vmem>> -> memref<16384xi32, #tpu.memory_space<vmem>>
        tpu.vector_store_idx %scatter3A_280[%and3A_275], %broadcast_in_dim3A_20 {add = true} : memref<16384xi32, #tpu.memory_space<vmem>>[vector<16xi32>], vector<16xi32>,
        %scatter3A_281 = arith.constant 0 : i32
        %scatter3A_282 = tpu.memref_slice %arg4[%scatter3A_281] : memref<32768xi32, #tpu.memory_space<vmem>> -> memref<16384xi32, #tpu.memory_space<vmem>>
        tpu.vector_store_idx %scatter3A_282[%shift_right_logical3A_278], %broadcast_in_dim3A_20 {add = true} : memref<16384xi32, #tpu.memory_space<vmem>>[vector<16xi32>], vector<16xi32>,
        %scan3A_283 = arith.constant 9 : i32
        %mul3A_284 = arith.constant 16 : i32
        %mul3A_285 = arith.muli %scan3A_283, %mul3A_284 : i32
        %get3A_286 = arith.index_cast %scan3A_139 : i32 to index
        %get3A_287 = arith.index_cast %mul3A_285 : i32 to index
        %get3A_288 = tpu.vector_load %arg5[%get3A_286, %get3A_287] {strides = array<i32>} : memref<64x200xi32, #tpu.memory_space<vmem>>, vector<16xi32>,
        %and3A_289 = arith.constant 65535 : i32
        %and3A_290 = vector.broadcast %and3A_289 : i32 to vector<16xi32>
        %and3A_291 = arith.andi %get3A_288, %and3A_290 : vector<16xi32>
        %shift_right_logical3A_292 = arith.constant 16 : i32
        %shift_right_logical3A_293 = vector.broadcast %shift_right_logical3A_292 : i32 to vector<16xi32>
        %shift_right_logical3A_294 = arith.shrui %get3A_288, %shift_right_logical3A_293 : vector<16xi32>
        %scatter3A_295 = arith.constant 0 : i32
        %scatter3A_296 = tpu.memref_slice %arg4[%scatter3A_295] : memref<32768xi32, #tpu.memory_space<vmem>> -> memref<16384xi32, #tpu.memory_space<vmem>>
        tpu.vector_store_idx %scatter3A_296[%and3A_291], %broadcast_in_dim3A_20 {add = true} : memref<16384xi32, #tpu.memory_space<vmem>>[vector<16xi32>], vector<16xi32>,
        %scatter3A_297 = arith.constant 0 : i32
        %scatter3A_298 = tpu.memref_slice %arg4[%scatter3A_297] : memref<32768xi32, #tpu.memory_space<vmem>> -> memref<16384xi32, #tpu.memory_space<vmem>>
        tpu.vector_store_idx %scatter3A_298[%shift_right_logical3A_294], %broadcast_in_dim3A_20 {add = true} : memref<16384xi32, #tpu.memory_space<vmem>>[vector<16xi32>], vector<16xi32>,
        %scan3A_299 = arith.constant 10 : i32
        %mul3A_300 = arith.constant 16 : i32
        %mul3A_301 = arith.muli %scan3A_299, %mul3A_300 : i32
        %get3A_302 = arith.index_cast %scan3A_139 : i32 to index
        %get3A_303 = arith.index_cast %mul3A_301 : i32 to index
        %get3A_304 = tpu.vector_load %arg5[%get3A_302, %get3A_303] {strides = array<i32>} : memref<64x200xi32, #tpu.memory_space<vmem>>, vector<16xi32>,
        %and3A_305 = arith.constant 65535 : i32
        %and3A_306 = vector.broadcast %and3A_305 : i32 to vector<16xi32>
        %and3A_307 = arith.andi %get3A_304, %and3A_306 : vector<16xi32>
        %shift_right_logical3A_308 = arith.constant 16 : i32
        %shift_right_logical3A_309 = vector.broadcast %shift_right_logical3A_308 : i32 to vector<16xi32>
        %shift_right_logical3A_310 = arith.shrui %get3A_304, %shift_right_logical3A_309 : vector<16xi32>
        %scatter3A_311 = arith.constant 0 : i32
        %scatter3A_312 = tpu.memref_slice %arg4[%scatter3A_311] : memref<32768xi32, #tpu.memory_space<vmem>> -> memref<16384xi32, #tpu.memory_space<vmem>>
        tpu.vector_store_idx %scatter3A_312[%and3A_307], %broadcast_in_dim3A_20 {add = true} : memref<16384xi32, #tpu.memory_space<vmem>>[vector<16xi32>], vector<16xi32>,
        %scatter3A_313 = arith.constant 0 : i32
        %scatter3A_314 = tpu.memref_slice %arg4[%scatter3A_313] : memref<32768xi32, #tpu.memory_space<vmem>> -> memref<16384xi32, #tpu.memory_space<vmem>>
        tpu.vector_store_idx %scatter3A_314[%shift_right_logical3A_310], %broadcast_in_dim3A_20 {add = true} : memref<16384xi32, #tpu.memory_space<vmem>>[vector<16xi32>], vector<16xi32>,
        %scan3A_315 = arith.constant 11 : i32
        %mul3A_316 = arith.constant 16 : i32
        %mul3A_317 = arith.muli %scan3A_315, %mul3A_316 : i32
        %get3A_318 = arith.index_cast %scan3A_139 : i32 to index
        %get3A_319 = arith.index_cast %mul3A_317 : i32 to index
        %get3A_320 = tpu.vector_load %arg5[%get3A_318, %get3A_319] {strides = array<i32>} : memref<64x200xi32, #tpu.memory_space<vmem>>, vector<16xi32>,
        %and3A_321 = arith.constant 65535 : i32
        %and3A_322 = vector.broadcast %and3A_321 : i32 to vector<16xi32>
        %and3A_323 = arith.andi %get3A_320, %and3A_322 : vector<16xi32>
        %shift_right_logical3A_324 = arith.constant 16 : i32
        %shift_right_logical3A_325 = vector.broadcast %shift_right_logical3A_324 : i32 to vector<16xi32>
        %shift_right_logical3A_326 = arith.shrui %get3A_320, %shift_right_logical3A_325 : vector<16xi32>
        %scatter3A_327 = arith.constant 0 : i32
        %scatter3A_328 = tpu.memref_slice %arg4[%scatter3A_327] : memref<32768xi32, #tpu.memory_space<vmem>> -> memref<16384xi32, #tpu.memory_space<vmem>>
        tpu.vector_store_idx %scatter3A_328[%and3A_323], %broadcast_in_dim3A_20 {add = true} : memref<16384xi32, #tpu.memory_space<vmem>>[vector<16xi32>], vector<16xi32>,
        %scatter3A_329 = arith.constant 0 : i32
        %scatter3A_330 = tpu.memref_slice %arg4[%scatter3A_329] : memref<32768xi32, #tpu.memory_space<vmem>> -> memref<16384xi32, #tpu.memory_space<vmem>>
        tpu.vector_store_idx %scatter3A_330[%shift_right_logical3A_326], %broadcast_in_dim3A_20 {add = true} : memref<16384xi32, #tpu.memory_space<vmem>>[vector<16xi32>], vector<16xi32>,
        %scan3A_331 = arith.constant 12 : i32
        %get3A_332 = arith.index_cast %scan3A_139 : i32 to index
        %get3A_333 = arith.constant 184 : index
        %get3A_334 = tpu.vector_load %arg5[%get3A_332, %get3A_333] {strides = array<i32>} : memref<64x200xi32, #tpu.memory_space<vmem>>, vector<16xi32>,
        %and3A_335 = arith.constant 65535 : i32
        %and3A_336 = vector.broadcast %and3A_335 : i32 to vector<16xi32>
        %and3A_337 = arith.andi %get3A_334, %and3A_336 : vector<16xi32>
        %shift_right_logical3A_338 = arith.constant 16 : i32
        %shift_right_logical3A_339 = vector.broadcast %shift_right_logical3A_338 : i32 to vector<16xi32>
        %shift_right_logical3A_340 = arith.shrui %get3A_334, %shift_right_logical3A_339 : vector<16xi32>
        %scatter3A_341 = arith.constant 0 : i32
        %scatter3A_342 = tpu.memref_slice %arg4[%scatter3A_341] : memref<32768xi32, #tpu.memory_space<vmem>> -> memref<16384xi32, #tpu.memory_space<vmem>>
        tpu.vector_store_idx %scatter3A_342[%and3A_337], %broadcast_in_dim3A_20 masked %ge3A_22 {add = true} : memref<16384xi32, #tpu.memory_space<vmem>>[vector<16xi32>], vector<16xi32>, vector<16xi1>
        %scatter3A_343 = arith.constant 0 : i32
        %scatter3A_344 = tpu.memref_slice %arg4[%scatter3A_343] : memref<32768xi32, #tpu.memory_space<vmem>> -> memref<16384xi32, #tpu.memory_space<vmem>>
        tpu.vector_store_idx %scatter3A_344[%shift_right_logical3A_340], %broadcast_in_dim3A_20 masked %ge3A_22 {add = true} : memref<16384xi32, #tpu.memory_space<vmem>>[vector<16xi32>], vector<16xi32>, vector<16xi1>
        %scan3A_345 = arith.constant 1 : i32
        %scan3A_346 = arith.addi %scan3A_139, %scan3A_345 : i32
        %scan3A_347 = arith.constant 0 : i32
        %scan3A_348 = arith.constant 0 : i32
        %mul3A_349 = arith.constant 16 : i32
        %mul3A_350 = arith.muli %scan3A_348, %mul3A_349 : i32
        %get3A_351 = arith.index_cast %scan3A_346 : i32 to index
        %get3A_352 = arith.index_cast %mul3A_350 : i32 to index
        %get3A_353 = tpu.vector_load %arg5[%get3A_351, %get3A_352] {strides = array<i32>} : memref<64x200xi32, #tpu.memory_space<vmem>>, vector<16xi32>,
        %and3A_354 = arith.constant 65535 : i32
        %and3A_355 = vector.broadcast %and3A_354 : i32 to vector<16xi32>
        %and3A_356 = arith.andi %get3A_353, %and3A_355 : vector<16xi32>
        %shift_right_logical3A_357 = arith.constant 16 : i32
        %shift_right_logical3A_358 = vector.broadcast %shift_right_logical3A_357 : i32 to vector<16xi32>
        %shift_right_logical3A_359 = arith.shrui %get3A_353, %shift_right_logical3A_358 : vector<16xi32>
        %scatter3A_360 = arith.constant 0 : i32
        %scatter3A_361 = tpu.memref_slice %arg4[%scatter3A_360] : memref<32768xi32, #tpu.memory_space<vmem>> -> memref<16384xi32, #tpu.memory_space<vmem>>
        tpu.vector_store_idx %scatter3A_361[%and3A_356], %broadcast_in_dim3A_20 {add = true} : memref<16384xi32, #tpu.memory_space<vmem>>[vector<16xi32>], vector<16xi32>,
        %scatter3A_362 = arith.constant 0 : i32
        %scatter3A_363 = tpu.memref_slice %arg4[%scatter3A_362] : memref<32768xi32, #tpu.memory_space<vmem>> -> memref<16384xi32, #tpu.memory_space<vmem>>
        tpu.vector_store_idx %scatter3A_363[%shift_right_logical3A_359], %broadcast_in_dim3A_20 {add = true} : memref<16384xi32, #tpu.memory_space<vmem>>[vector<16xi32>], vector<16xi32>,
        %scan3A_364 = arith.constant 1 : i32
        %mul3A_365 = arith.constant 16 : i32
        %mul3A_366 = arith.muli %scan3A_364, %mul3A_365 : i32
        %get3A_367 = arith.index_cast %scan3A_346 : i32 to index
        %get3A_368 = arith.index_cast %mul3A_366 : i32 to index
        %get3A_369 = tpu.vector_load %arg5[%get3A_367, %get3A_368] {strides = array<i32>} : memref<64x200xi32, #tpu.memory_space<vmem>>, vector<16xi32>,
        %and3A_370 = arith.constant 65535 : i32
        %and3A_371 = vector.broadcast %and3A_370 : i32 to vector<16xi32>
        %and3A_372 = arith.andi %get3A_369, %and3A_371 : vector<16xi32>
        %shift_right_logical3A_373 = arith.constant 16 : i32
        %shift_right_logical3A_374 = vector.broadcast %shift_right_logical3A_373 : i32 to vector<16xi32>
        %shift_right_logical3A_375 = arith.shrui %get3A_369, %shift_right_logical3A_374 : vector<16xi32>
        %scatter3A_376 = arith.constant 0 : i32
        %scatter3A_377 = tpu.memref_slice %arg4[%scatter3A_376] : memref<32768xi32, #tpu.memory_space<vmem>> -> memref<16384xi32, #tpu.memory_space<vmem>>
        tpu.vector_store_idx %scatter3A_377[%and3A_372], %broadcast_in_dim3A_20 {add = true} : memref<16384xi32, #tpu.memory_space<vmem>>[vector<16xi32>], vector<16xi32>,
        %scatter3A_378 = arith.constant 0 : i32
        %scatter3A_379 = tpu.memref_slice %arg4[%scatter3A_378] : memref<32768xi32, #tpu.memory_space<vmem>> -> memref<16384xi32, #tpu.memory_space<vmem>>
        tpu.vector_store_idx %scatter3A_379[%shift_right_logical3A_375], %broadcast_in_dim3A_20 {add = true} : memref<16384xi32, #tpu.memory_space<vmem>>[vector<16xi32>], vector<16xi32>,
        %scan3A_380 = arith.constant 2 : i32
        %mul3A_381 = arith.constant 16 : i32
        %mul3A_382 = arith.muli %scan3A_380, %mul3A_381 : i32
        %get3A_383 = arith.index_cast %scan3A_346 : i32 to index
        %get3A_384 = arith.index_cast %mul3A_382 : i32 to index
        %get3A_385 = tpu.vector_load %arg5[%get3A_383, %get3A_384] {strides = array<i32>} : memref<64x200xi32, #tpu.memory_space<vmem>>, vector<16xi32>,
        %and3A_386 = arith.constant 65535 : i32
        %and3A_387 = vector.broadcast %and3A_386 : i32 to vector<16xi32>
        %and3A_388 = arith.andi %get3A_385, %and3A_387 : vector<16xi32>
        %shift_right_logical3A_389 = arith.constant 16 : i32
        %shift_right_logical3A_390 = vector.broadcast %shift_right_logical3A_389 : i32 to vector<16xi32>
        %shift_right_logical3A_391 = arith.shrui %get3A_385, %shift_right_logical3A_390 : vector<16xi32>
        %scatter3A_392 = arith.constant 0 : i32
        %scatter3A_393 = tpu.memref_slice %arg4[%scatter3A_392] : memref<32768xi32, #tpu.memory_space<vmem>> -> memref<16384xi32, #tpu.memory_space<vmem>>
        tpu.vector_store_idx %scatter3A_393[%and3A_388], %broadcast_in_dim3A_20 {add = true} : memref<16384xi32, #tpu.memory_space<vmem>>[vector<16xi32>], vector<16xi32>,
        %scatter3A_394 = arith.constant 0 : i32
        %scatter3A_395 = tpu.memref_slice %arg4[%scatter3A_394] : memref<32768xi32, #tpu.memory_space<vmem>> -> memref<16384xi32, #tpu.memory_space<vmem>>
        tpu.vector_store_idx %scatter3A_395[%shift_right_logical3A_391], %broadcast_in_dim3A_20 {add = true} : memref<16384xi32, #tpu.memory_space<vmem>>[vector<16xi32>], vector<16xi32>,
        %scan3A_396 = arith.constant 3 : i32
        %mul3A_397 = arith.constant 16 : i32
        %mul3A_398 = arith.muli %scan3A_396, %mul3A_397 : i32
        %get3A_399 = arith.index_cast %scan3A_346 : i32 to index
        %get3A_400 = arith.index_cast %mul3A_398 : i32 to index
        %get3A_401 = tpu.vector_load %arg5[%get3A_399, %get3A_400] {strides = array<i32>} : memref<64x200xi32, #tpu.memory_space<vmem>>, vector<16xi32>,
        %and3A_402 = arith.constant 65535 : i32
        %and3A_403 = vector.broadcast %and3A_402 : i32 to vector<16xi32>
        %and3A_404 = arith.andi %get3A_401, %and3A_403 : vector<16xi32>
        %shift_right_logical3A_405 = arith.constant 16 : i32
        %shift_right_logical3A_406 = vector.broadcast %shift_right_logical3A_405 : i32 to vector<16xi32>
        %shift_right_logical3A_407 = arith.shrui %get3A_401, %shift_right_logical3A_406 : vector<16xi32>
        %scatter3A_408 = arith.constant 0 : i32
        %scatter3A_409 = tpu.memref_slice %arg4[%scatter3A_408] : memref<32768xi32, #tpu.memory_space<vmem>> -> memref<16384xi32, #tpu.memory_space<vmem>>
        tpu.vector_store_idx %scatter3A_409[%and3A_404], %broadcast_in_dim3A_20 {add = true} : memref<16384xi32, #tpu.memory_space<vmem>>[vector<16xi32>], vector<16xi32>,
        %scatter3A_410 = arith.constant 0 : i32
        %scatter3A_411 = tpu.memref_slice %arg4[%scatter3A_410] : memref<32768xi32, #tpu.memory_space<vmem>> -> memref<16384xi32, #tpu.memory_space<vmem>>
        tpu.vector_store_idx %scatter3A_411[%shift_right_logical3A_407], %broadcast_in_dim3A_20 {add = true} : memref<16384xi32, #tpu.memory_space<vmem>>[vector<16xi32>], vector<16xi32>,
        %scan3A_412 = arith.constant 4 : i32
        %mul3A_413 = arith.constant 16 : i32
        %mul3A_414 = arith.muli %scan3A_412, %mul3A_413 : i32
        %get3A_415 = arith.index_cast %scan3A_346 : i32 to index
        %get3A_416 = arith.index_cast %mul3A_414 : i32 to index
        %get3A_417 = tpu.vector_load %arg5[%get3A_415, %get3A_416] {strides = array<i32>} : memref<64x200xi32, #tpu.memory_space<vmem>>, vector<16xi32>,
        %and3A_418 = arith.constant 65535 : i32
        %and3A_419 = vector.broadcast %and3A_418 : i32 to vector<16xi32>
        %and3A_420 = arith.andi %get3A_417, %and3A_419 : vector<16xi32>
        %shift_right_logical3A_421 = arith.constant 16 : i32
        %shift_right_logical3A_422 = vector.broadcast %shift_right_logical3A_421 : i32 to vector<16xi32>
        %shift_right_logical3A_423 = arith.shrui %get3A_417, %shift_right_logical3A_422 : vector<16xi32>
        %scatter3A_424 = arith.constant 0 : i32
        %scatter3A_425 = tpu.memref_slice %arg4[%scatter3A_424] : memref<32768xi32, #tpu.memory_space<vmem>> -> memref<16384xi32, #tpu.memory_space<vmem>>
        tpu.vector_store_idx %scatter3A_425[%and3A_420], %broadcast_in_dim3A_20 {add = true} : memref<16384xi32, #tpu.memory_space<vmem>>[vector<16xi32>], vector<16xi32>,
        %scatter3A_426 = arith.constant 0 : i32
        %scatter3A_427 = tpu.memref_slice %arg4[%scatter3A_426] : memref<32768xi32, #tpu.memory_space<vmem>> -> memref<16384xi32, #tpu.memory_space<vmem>>
        tpu.vector_store_idx %scatter3A_427[%shift_right_logical3A_423], %broadcast_in_dim3A_20 {add = true} : memref<16384xi32, #tpu.memory_space<vmem>>[vector<16xi32>], vector<16xi32>,
        %scan3A_428 = arith.constant 5 : i32
        %mul3A_429 = arith.constant 16 : i32
        %mul3A_430 = arith.muli %scan3A_428, %mul3A_429 : i32
        %get3A_431 = arith.index_cast %scan3A_346 : i32 to index
        %get3A_432 = arith.index_cast %mul3A_430 : i32 to index
        %get3A_433 = tpu.vector_load %arg5[%get3A_431, %get3A_432] {strides = array<i32>} : memref<64x200xi32, #tpu.memory_space<vmem>>, vector<16xi32>,
        %and3A_434 = arith.constant 65535 : i32
        %and3A_435 = vector.broadcast %and3A_434 : i32 to vector<16xi32>
        %and3A_436 = arith.andi %get3A_433, %and3A_435 : vector<16xi32>
        %shift_right_logical3A_437 = arith.constant 16 : i32
        %shift_right_logical3A_438 = vector.broadcast %shift_right_logical3A_437 : i32 to vector<16xi32>
        %shift_right_logical3A_439 = arith.shrui %get3A_433, %shift_right_logical3A_438 : vector<16xi32>
        %scatter3A_440 = arith.constant 0 : i32
        %scatter3A_441 = tpu.memref_slice %arg4[%scatter3A_440] : memref<32768xi32, #tpu.memory_space<vmem>> -> memref<16384xi32, #tpu.memory_space<vmem>>
        tpu.vector_store_idx %scatter3A_441[%and3A_436], %broadcast_in_dim3A_20 {add = true} : memref<16384xi32, #tpu.memory_space<vmem>>[vector<16xi32>], vector<16xi32>,
        %scatter3A_442 = arith.constant 0 : i32
        %scatter3A_443 = tpu.memref_slice %arg4[%scatter3A_442] : memref<32768xi32, #tpu.memory_space<vmem>> -> memref<16384xi32, #tpu.memory_space<vmem>>
        tpu.vector_store_idx %scatter3A_443[%shift_right_logical3A_439], %broadcast_in_dim3A_20 {add = true} : memref<16384xi32, #tpu.memory_space<vmem>>[vector<16xi32>], vector<16xi32>,
        %scan3A_444 = arith.constant 6 : i32
        %mul3A_445 = arith.constant 16 : i32
        %mul3A_446 = arith.muli %scan3A_444, %mul3A_445 : i32
        %get3A_447 = arith.index_cast %scan3A_346 : i32 to index
        %get3A_448 = arith.index_cast %mul3A_446 : i32 to index
        %get3A_449 = tpu.vector_load %arg5[%get3A_447, %get3A_448] {strides = array<i32>} : memref<64x200xi32, #tpu.memory_space<vmem>>, vector<16xi32>,
        %and3A_450 = arith.constant 65535 : i32
        %and3A_451 = vector.broadcast %and3A_450 : i32 to vector<16xi32>
        %and3A_452 = arith.andi %get3A_449, %and3A_451 : vector<16xi32>
        %shift_right_logical3A_453 = arith.constant 16 : i32
        %shift_right_logical3A_454 = vector.broadcast %shift_right_logical3A_453 : i32 to vector<16xi32>
        %shift_right_logical3A_455 = arith.shrui %get3A_449, %shift_right_logical3A_454 : vector<16xi32>
        %scatter3A_456 = arith.constant 0 : i32
        %scatter3A_457 = tpu.memref_slice %arg4[%scatter3A_456] : memref<32768xi32, #tpu.memory_space<vmem>> -> memref<16384xi32, #tpu.memory_space<vmem>>
        tpu.vector_store_idx %scatter3A_457[%and3A_452], %broadcast_in_dim3A_20 {add = true} : memref<16384xi32, #tpu.memory_space<vmem>>[vector<16xi32>], vector<16xi32>,
        %scatter3A_458 = arith.constant 0 : i32
        %scatter3A_459 = tpu.memref_slice %arg4[%scatter3A_458] : memref<32768xi32, #tpu.memory_space<vmem>> -> memref<16384xi32, #tpu.memory_space<vmem>>
        tpu.vector_store_idx %scatter3A_459[%shift_right_logical3A_455], %broadcast_in_dim3A_20 {add = true} : memref<16384xi32, #tpu.memory_space<vmem>>[vector<16xi32>], vector<16xi32>,
        %scan3A_460 = arith.constant 7 : i32
        %mul3A_461 = arith.constant 16 : i32
        %mul3A_462 = arith.muli %scan3A_460, %mul3A_461 : i32
        %get3A_463 = arith.index_cast %scan3A_346 : i32 to index
        %get3A_464 = arith.index_cast %mul3A_462 : i32 to index
        %get3A_465 = tpu.vector_load %arg5[%get3A_463, %get3A_464] {strides = array<i32>} : memref<64x200xi32, #tpu.memory_space<vmem>>, vector<16xi32>,
        %and3A_466 = arith.constant 65535 : i32
        %and3A_467 = vector.broadcast %and3A_466 : i32 to vector<16xi32>
        %and3A_468 = arith.andi %get3A_465, %and3A_467 : vector<16xi32>
        %shift_right_logical3A_469 = arith.constant 16 : i32
        %shift_right_logical3A_470 = vector.broadcast %shift_right_logical3A_469 : i32 to vector<16xi32>
        %shift_right_logical3A_471 = arith.shrui %get3A_465, %shift_right_logical3A_470 : vector<16xi32>
        %scatter3A_472 = arith.constant 0 : i32
        %scatter3A_473 = tpu.memref_slice %arg4[%scatter3A_472] : memref<32768xi32, #tpu.memory_space<vmem>> -> memref<16384xi32, #tpu.memory_space<vmem>>
        tpu.vector_store_idx %scatter3A_473[%and3A_468], %broadcast_in_dim3A_20 {add = true} : memref<16384xi32, #tpu.memory_space<vmem>>[vector<16xi32>], vector<16xi32>,
        %scatter3A_474 = arith.constant 0 : i32
        %scatter3A_475 = tpu.memref_slice %arg4[%scatter3A_474] : memref<32768xi32, #tpu.memory_space<vmem>> -> memref<16384xi32, #tpu.memory_space<vmem>>
        tpu.vector_store_idx %scatter3A_475[%shift_right_logical3A_471], %broadcast_in_dim3A_20 {add = true} : memref<16384xi32, #tpu.memory_space<vmem>>[vector<16xi32>], vector<16xi32>,
        %scan3A_476 = arith.constant 8 : i32
        %mul3A_477 = arith.constant 16 : i32
        %mul3A_478 = arith.muli %scan3A_476, %mul3A_477 : i32
        %get3A_479 = arith.index_cast %scan3A_346 : i32 to index
        %get3A_480 = arith.index_cast %mul3A_478 : i32 to index
        %get3A_481 = tpu.vector_load %arg5[%get3A_479, %get3A_480] {strides = array<i32>} : memref<64x200xi32, #tpu.memory_space<vmem>>, vector<16xi32>,
        %and3A_482 = arith.constant 65535 : i32
        %and3A_483 = vector.broadcast %and3A_482 : i32 to vector<16xi32>
        %and3A_484 = arith.andi %get3A_481, %and3A_483 : vector<16xi32>
        %shift_right_logical3A_485 = arith.constant 16 : i32
        %shift_right_logical3A_486 = vector.broadcast %shift_right_logical3A_485 : i32 to vector<16xi32>
        %shift_right_logical3A_487 = arith.shrui %get3A_481, %shift_right_logical3A_486 : vector<16xi32>
        %scatter3A_488 = arith.constant 0 : i32
        %scatter3A_489 = tpu.memref_slice %arg4[%scatter3A_488] : memref<32768xi32, #tpu.memory_space<vmem>> -> memref<16384xi32, #tpu.memory_space<vmem>>
        tpu.vector_store_idx %scatter3A_489[%and3A_484], %broadcast_in_dim3A_20 {add = true} : memref<16384xi32, #tpu.memory_space<vmem>>[vector<16xi32>], vector<16xi32>,
        %scatter3A_490 = arith.constant 0 : i32
        %scatter3A_491 = tpu.memref_slice %arg4[%scatter3A_490] : memref<32768xi32, #tpu.memory_space<vmem>> -> memref<16384xi32, #tpu.memory_space<vmem>>
        tpu.vector_store_idx %scatter3A_491[%shift_right_logical3A_487], %broadcast_in_dim3A_20 {add = true} : memref<16384xi32, #tpu.memory_space<vmem>>[vector<16xi32>], vector<16xi32>,
        %scan3A_492 = arith.constant 9 : i32
        %mul3A_493 = arith.constant 16 : i32
        %mul3A_494 = arith.muli %scan3A_492, %mul3A_493 : i32
        %get3A_495 = arith.index_cast %scan3A_346 : i32 to index
        %get3A_496 = arith.index_cast %mul3A_494 : i32 to index
        %get3A_497 = tpu.vector_load %arg5[%get3A_495, %get3A_496] {strides = array<i32>} : memref<64x200xi32, #tpu.memory_space<vmem>>, vector<16xi32>,
        %and3A_498 = arith.constant 65535 : i32
        %and3A_499 = vector.broadcast %and3A_498 : i32 to vector<16xi32>
        %and3A_500 = arith.andi %get3A_497, %and3A_499 : vector<16xi32>
        %shift_right_logical3A_501 = arith.constant 16 : i32
        %shift_right_logical3A_502 = vector.broadcast %shift_right_logical3A_501 : i32 to vector<16xi32>
        %shift_right_logical3A_503 = arith.shrui %get3A_497, %shift_right_logical3A_502 : vector<16xi32>
        %scatter3A_504 = arith.constant 0 : i32
        %scatter3A_505 = tpu.memref_slice %arg4[%scatter3A_504] : memref<32768xi32, #tpu.memory_space<vmem>> -> memref<16384xi32, #tpu.memory_space<vmem>>
        tpu.vector_store_idx %scatter3A_505[%and3A_500], %broadcast_in_dim3A_20 {add = true} : memref<16384xi32, #tpu.memory_space<vmem>>[vector<16xi32>], vector<16xi32>,
        %scatter3A_506 = arith.constant 0 : i32
        %scatter3A_507 = tpu.memref_slice %arg4[%scatter3A_506] : memref<32768xi32, #tpu.memory_space<vmem>> -> memref<16384xi32, #tpu.memory_space<vmem>>
        tpu.vector_store_idx %scatter3A_507[%shift_right_logical3A_503], %broadcast_in_dim3A_20 {add = true} : memref<16384xi32, #tpu.memory_space<vmem>>[vector<16xi32>], vector<16xi32>,
        %scan3A_508 = arith.constant 10 : i32
        %mul3A_509 = arith.constant 16 : i32
        %mul3A_510 = arith.muli %scan3A_508, %mul3A_509 : i32
        %get3A_511 = arith.index_cast %scan3A_346 : i32 to index
        %get3A_512 = arith.index_cast %mul3A_510 : i32 to index
        %get3A_513 = tpu.vector_load %arg5[%get3A_511, %get3A_512] {strides = array<i32>} : memref<64x200xi32, #tpu.memory_space<vmem>>, vector<16xi32>,
        %and3A_514 = arith.constant 65535 : i32
        %and3A_515 = vector.broadcast %and3A_514 : i32 to vector<16xi32>
        %and3A_516 = arith.andi %get3A_513, %and3A_515 : vector<16xi32>
        %shift_right_logical3A_517 = arith.constant 16 : i32
        %shift_right_logical3A_518 = vector.broadcast %shift_right_logical3A_517 : i32 to vector<16xi32>
        %shift_right_logical3A_519 = arith.shrui %get3A_513, %shift_right_logical3A_518 : vector<16xi32>
        %scatter3A_520 = arith.constant 0 : i32
        %scatter3A_521 = tpu.memref_slice %arg4[%scatter3A_520] : memref<32768xi32, #tpu.memory_space<vmem>> -> memref<16384xi32, #tpu.memory_space<vmem>>
        tpu.vector_store_idx %scatter3A_521[%and3A_516], %broadcast_in_dim3A_20 {add = true} : memref<16384xi32, #tpu.memory_space<vmem>>[vector<16xi32>], vector<16xi32>,
        %scatter3A_522 = arith.constant 0 : i32
        %scatter3A_523 = tpu.memref_slice %arg4[%scatter3A_522] : memref<32768xi32, #tpu.memory_space<vmem>> -> memref<16384xi32, #tpu.memory_space<vmem>>
        tpu.vector_store_idx %scatter3A_523[%shift_right_logical3A_519], %broadcast_in_dim3A_20 {add = true} : memref<16384xi32, #tpu.memory_space<vmem>>[vector<16xi32>], vector<16xi32>,
        %scan3A_524 = arith.constant 11 : i32
        %mul3A_525 = arith.constant 16 : i32
        %mul3A_526 = arith.muli %scan3A_524, %mul3A_525 : i32
        %get3A_527 = arith.index_cast %scan3A_346 : i32 to index
        %get3A_528 = arith.index_cast %mul3A_526 : i32 to index
        %get3A_529 = tpu.vector_load %arg5[%get3A_527, %get3A_528] {strides = array<i32>} : memref<64x200xi32, #tpu.memory_space<vmem>>, vector<16xi32>,
        %and3A_530 = arith.constant 65535 : i32
        %and3A_531 = vector.broadcast %and3A_530 : i32 to vector<16xi32>
        %and3A_532 = arith.andi %get3A_529, %and3A_531 : vector<16xi32>
        %shift_right_logical3A_533 = arith.constant 16 : i32
        %shift_right_logical3A_534 = vector.broadcast %shift_right_logical3A_533 : i32 to vector<16xi32>
        %shift_right_logical3A_535 = arith.shrui %get3A_529, %shift_right_logical3A_534 : vector<16xi32>
        %scatter3A_536 = arith.constant 0 : i32
        %scatter3A_537 = tpu.memref_slice %arg4[%scatter3A_536] : memref<32768xi32, #tpu.memory_space<vmem>> -> memref<16384xi32, #tpu.memory_space<vmem>>
        tpu.vector_store_idx %scatter3A_537[%and3A_532], %broadcast_in_dim3A_20 {add = true} : memref<16384xi32, #tpu.memory_space<vmem>>[vector<16xi32>], vector<16xi32>,
        %scatter3A_538 = arith.constant 0 : i32
        %scatter3A_539 = tpu.memref_slice %arg4[%scatter3A_538] : memref<32768xi32, #tpu.memory_space<vmem>> -> memref<16384xi32, #tpu.memory_space<vmem>>
        tpu.vector_store_idx %scatter3A_539[%shift_right_logical3A_535], %broadcast_in_dim3A_20 {add = true} : memref<16384xi32, #tpu.memory_space<vmem>>[vector<16xi32>], vector<16xi32>,
        %scan3A_540 = arith.constant 12 : i32
        %get3A_541 = arith.index_cast %scan3A_346 : i32 to index
        %get3A_542 = arith.constant 184 : index
        %get3A_543 = tpu.vector_load %arg5[%get3A_541, %get3A_542] {strides = array<i32>} : memref<64x200xi32, #tpu.memory_space<vmem>>, vector<16xi32>,
        %and3A_544 = arith.constant 65535 : i32
        %and3A_545 = vector.broadcast %and3A_544 : i32 to vector<16xi32>
        %and3A_546 = arith.andi %get3A_543, %and3A_545 : vector<16xi32>
        %shift_right_logical3A_547 = arith.constant 16 : i32
        %shift_right_logical3A_548 = vector.broadcast %shift_right_logical3A_547 : i32 to vector<16xi32>
        %shift_right_logical3A_549 = arith.shrui %get3A_543, %shift_right_logical3A_548 : vector<16xi32>
        %scatter3A_550 = arith.constant 0 : i32
        %scatter3A_551 = tpu.memref_slice %arg4[%scatter3A_550] : memref<32768xi32, #tpu.memory_space<vmem>> -> memref<16384xi32, #tpu.memory_space<vmem>>
        tpu.vector_store_idx %scatter3A_551[%and3A_546], %broadcast_in_dim3A_20 masked %ge3A_22 {add = true} : memref<16384xi32, #tpu.memory_space<vmem>>[vector<16xi32>], vector<16xi32>, vector<16xi1>
        %scatter3A_552 = arith.constant 0 : i32
        %scatter3A_553 = tpu.memref_slice %arg4[%scatter3A_552] : memref<32768xi32, #tpu.memory_space<vmem>> -> memref<16384xi32, #tpu.memory_space<vmem>>
        tpu.vector_store_idx %scatter3A_553[%shift_right_logical3A_549], %broadcast_in_dim3A_20 masked %ge3A_22 {add = true} : memref<16384xi32, #tpu.memory_space<vmem>>[vector<16xi32>], vector<16xi32>, vector<16xi1>
      }
      %scan3A_138 = arith.constant 8 : i32
    }
    %add3A_69 = arith.constant 1 : i32
    %add3A_70 = arith.addi %shift_right_logical3A_13, %add3A_69 : i32
    %sub3A_71 = arith.subi %shift_right_logical3A_9, %min3A : i32
    %max3A_72 = arith.constant 0 : i32
    %max3A_73 = arith.maxsi %sub3A_71, %max3A_72 : i32
    %jit3A_74 = arith.constant 8 : i32
    %div3A_75 = arith.divsi %max3A_73, %jit3A_74 : i32
    %sign3A_76 = arith.constant 0 : i32
    %sign3A_77 = arith.cmpi sgt, %max3A_73, %sign3A_76 : i32
    %sign3A_78 = arith.extui %sign3A_77 : i1 to i32
    %sign3A_79 = arith.constant 0 : i32
    %sign3A_80 = arith.cmpi slt, %max3A_73, %sign3A_79 : i32
    %sign3A_81 = arith.extui %sign3A_80 : i1 to i32
    %sign3A_82 = arith.subi %sign3A_78, %sign3A_81 : i32
    %sign3A_83 = arith.constant 0 : i32
    %sign3A_84 = arith.cmpi sgt, %jit3A_74, %sign3A_83 : i32
    %sign3A_85 = arith.extui %sign3A_84 : i1 to i32
    %sign3A_86 = arith.constant 0 : i32
    %sign3A_87 = arith.cmpi slt, %jit3A_74, %sign3A_86 : i32
    %sign3A_88 = arith.extui %sign3A_87 : i1 to i32
    %sign3A_89 = arith.subi %sign3A_85, %sign3A_88 : i32
    %ne3A_90 = arith.cmpi ne, %sign3A_82, %sign3A_89 : i32
    %rem3A_91 = arith.remsi %max3A_73, %jit3A_74 : i32
    %ne3A_92 = arith.constant 0 : i32
    %ne3A_93 = arith.cmpi ne, %rem3A_91, %ne3A_92 : i32
    %and3A_94 = arith.andi %ne3A_90, %ne3A_93 : i1
    %sub3A_95 = arith.constant 1 : i32
    %sub3A_96 = arith.subi %div3A_75, %sub3A_95 : i32
    %select_n3A_97 = arith.select %and3A_94, %sub3A_96, %div3A_75 : i32
    %while3A_98 = arith.constant 0 : i32
    %while3A_99 = arith.constant 0 : i32
    %while3A_100 = arith.subi %select_n3A_97, %while3A_99 : i32
    %while3A_101 = arith.addi %while3A_99, %while3A_100 : i32
    %while3A_102 = arith.constant 1 : i32
    %while3A_103 = arith.divsi %while3A_100, %while3A_102 : i32
    %while3A_104 = arith.muli %while3A_103, %while3A_102 : i32
    %while3A_105 = arith.addi %while3A_99, %while3A_104 : i32
    %while3A_106 = arith.constant 1 : i32
    scf.for %while3A_123 = %while3A_99 to %while3A_105 step %while3A_106  : i32 {
      %mul3A_124 = arith.constant 8 : i32
      %mul3A_125 = arith.muli %mul3A_124, %while3A_123 : i32
      %add3A_126 = arith.addi %min3A, %mul3A_125 : i32
      %mul3A_127 = arith.constant 200 : i32
      %mul3A_128 = arith.muli %add3A_70, %mul3A_127 : i32
      %sub3A_129 = arith.subi %add3A_126, %mul3A_128 : i32
      %mul3A_130 = arith.constant 8 : i32
      %mul3A_131 = arith.muli %sub3A_129, %mul3A_130 : i32
      "tpu.region"() ({
        %run_scoped3A = tpu.sem_alloc : memref<!tpu.dma_semaphore, #tpu.memory_space<semaphore_mem>>
        %dma_start3A = arith.constant 0 : i32
        %dma_start3A_138 = tpu.memref_slice %arg2[%add3A_70, %mul3A_131, %dma_start3A] : memref<18x1600x200xi32, #tpu.memory_space<hbm>> -> memref<1x64x200xi32, #tpu.memory_space<hbm>>
        %dma_start3A_139 = tpu.memref_squeeze %dma_start3A_138 : memref<1x64x200xi32, #tpu.memory_space<hbm>> -> memref<64x200xi32, #tpu.memory_space<hbm>>
        %dma_start3A_140 = arith.constant 0 : i32
        %dma_start3A_141 = tpu.memref_slice %arg2[%add3A_70, %mul3A_131, %dma_start3A_140] : memref<18x1600x200xi32, #tpu.memory_space<hbm>> -> memref<1x64x200xi32, #tpu.memory_space<hbm>>
        %dma_start3A_142 = tpu.memref_squeeze %dma_start3A_141 : memref<1x64x200xi32, #tpu.memory_space<hbm>> -> memref<64x200xi32, #tpu.memory_space<hbm>>
        tpu.enqueue_dma source(%dma_start3A_142 : memref<64x200xi32, #tpu.memory_space<hbm>>) target(%arg5 : memref<64x200xi32, #tpu.memory_space<vmem>>) target_semaphore(%run_scoped3A : memref<!tpu.dma_semaphore, #tpu.memory_space<semaphore_mem>>)
        %dma_wait3A = arith.constant 0 : i32
        %dma_wait3A_143 = tpu.memref_slice %arg2[%add3A_70, %mul3A_131, %dma_wait3A] : memref<18x1600x200xi32, #tpu.memory_space<hbm>> -> memref<1x64x200xi32, #tpu.memory_space<hbm>>
        %dma_wait3A_144 = tpu.memref_squeeze %dma_wait3A_143 : memref<1x64x200xi32, #tpu.memory_space<hbm>> -> memref<64x200xi32, #tpu.memory_space<hbm>>
        %dma_wait3A_145 = arith.constant 0 : i32
        %dma_wait3A_146 = tpu.memref_slice %arg2[%add3A_70, %mul3A_131, %dma_wait3A_145] : memref<18x1600x200xi32, #tpu.memory_space<hbm>> -> memref<1x64x200xi32, #tpu.memory_space<hbm>>
        %dma_wait3A_147 = tpu.memref_squeeze %dma_wait3A_146 : memref<1x64x200xi32, #tpu.memory_space<hbm>> -> memref<64x200xi32, #tpu.memory_space<hbm>>
        tpu.wait_dma2 semaphore(%run_scoped3A : memref<!tpu.dma_semaphore, #tpu.memory_space<semaphore_mem>>) src(%dma_wait3A_147 : memref<64x200xi32, #tpu.memory_space<hbm>>) dst(%arg5 : memref<64x200xi32, #tpu.memory_space<vmem>>)
        tpu.yield
      }) : () -> ()
      %scan3A_132 = arith.constant 0 : i32
      %scan3A_133 = arith.constant 0 : i32
      %scan3A_134 = arith.constant 64 : i32
      %scan3A_135 = arith.addi %scan3A_133, %scan3A_134 : i32
      %scan3A_136 = arith.constant 2 : i32
      scf.for %scan3A_138 = %scan3A_133 to %scan3A_135 step %scan3A_136  : i32 {
        %scan3A_139 = arith.constant 0 : i32
        %scan3A_140 = arith.constant 0 : i32
        %mul3A_141 = arith.constant 16 : i32
        %mul3A_142 = arith.muli %scan3A_140, %mul3A_141 : i32
        %get3A = arith.index_cast %scan3A_138 : i32 to index
        %get3A_143 = arith.index_cast %mul3A_142 : i32 to index
        %get3A_144 = tpu.vector_load %arg5[%get3A, %get3A_143] {strides = array<i32>} : memref<64x200xi32, #tpu.memory_space<vmem>>, vector<16xi32>,
        %and3A_145 = arith.constant 65535 : i32
        %and3A_146 = vector.broadcast %and3A_145 : i32 to vector<16xi32>
        %and3A_147 = arith.andi %get3A_144, %and3A_146 : vector<16xi32>
        %shift_right_logical3A_148 = arith.constant 16 : i32
        %shift_right_logical3A_149 = vector.broadcast %shift_right_logical3A_148 : i32 to vector<16xi32>
        %shift_right_logical3A_150 = arith.shrui %get3A_144, %shift_right_logical3A_149 : vector<16xi32>
        %scatter3A = arith.constant 16384 : i32
        %scatter3A_151 = tpu.memref_slice %arg4[%scatter3A] : memref<32768xi32, #tpu.memory_space<vmem>> -> memref<16384xi32, #tpu.memory_space<vmem>>
        tpu.vector_store_idx %scatter3A_151[%and3A_147], %broadcast_in_dim3A_20 {add = true} : memref<16384xi32, #tpu.memory_space<vmem>>[vector<16xi32>], vector<16xi32>,
        %scatter3A_152 = arith.constant 16384 : i32
        %scatter3A_153 = tpu.memref_slice %arg4[%scatter3A_152] : memref<32768xi32, #tpu.memory_space<vmem>> -> memref<16384xi32, #tpu.memory_space<vmem>>
        tpu.vector_store_idx %scatter3A_153[%shift_right_logical3A_150], %broadcast_in_dim3A_20 {add = true} : memref<16384xi32, #tpu.memory_space<vmem>>[vector<16xi32>], vector<16xi32>,
        %scan3A_154 = arith.constant 1 : i32
        %mul3A_155 = arith.constant 16 : i32
        %mul3A_156 = arith.muli %scan3A_154, %mul3A_155 : i32
        %get3A_157 = arith.index_cast %scan3A_138 : i32 to index
        %get3A_158 = arith.index_cast %mul3A_156 : i32 to index
        %get3A_159 = tpu.vector_load %arg5[%get3A_157, %get3A_158] {strides = array<i32>} : memref<64x200xi32, #tpu.memory_space<vmem>>, vector<16xi32>,
        %and3A_160 = arith.constant 65535 : i32
        %and3A_161 = vector.broadcast %and3A_160 : i32 to vector<16xi32>
        %and3A_162 = arith.andi %get3A_159, %and3A_161 : vector<16xi32>
        %shift_right_logical3A_163 = arith.constant 16 : i32
        %shift_right_logical3A_164 = vector.broadcast %shift_right_logical3A_163 : i32 to vector<16xi32>
        %shift_right_logical3A_165 = arith.shrui %get3A_159, %shift_right_logical3A_164 : vector<16xi32>
        %scatter3A_166 = arith.constant 16384 : i32
        %scatter3A_167 = tpu.memref_slice %arg4[%scatter3A_166] : memref<32768xi32, #tpu.memory_space<vmem>> -> memref<16384xi32, #tpu.memory_space<vmem>>
        tpu.vector_store_idx %scatter3A_167[%and3A_162], %broadcast_in_dim3A_20 {add = true} : memref<16384xi32, #tpu.memory_space<vmem>>[vector<16xi32>], vector<16xi32>,
        %scatter3A_168 = arith.constant 16384 : i32
        %scatter3A_169 = tpu.memref_slice %arg4[%scatter3A_168] : memref<32768xi32, #tpu.memory_space<vmem>> -> memref<16384xi32, #tpu.memory_space<vmem>>
        tpu.vector_store_idx %scatter3A_169[%shift_right_logical3A_165], %broadcast_in_dim3A_20 {add = true} : memref<16384xi32, #tpu.memory_space<vmem>>[vector<16xi32>], vector<16xi32>,
        %scan3A_170 = arith.constant 2 : i32
        %mul3A_171 = arith.constant 16 : i32
        %mul3A_172 = arith.muli %scan3A_170, %mul3A_171 : i32
        %get3A_173 = arith.index_cast %scan3A_138 : i32 to index
        %get3A_174 = arith.index_cast %mul3A_172 : i32 to index
        %get3A_175 = tpu.vector_load %arg5[%get3A_173, %get3A_174] {strides = array<i32>} : memref<64x200xi32, #tpu.memory_space<vmem>>, vector<16xi32>,
        %and3A_176 = arith.constant 65535 : i32
        %and3A_177 = vector.broadcast %and3A_176 : i32 to vector<16xi32>
        %and3A_178 = arith.andi %get3A_175, %and3A_177 : vector<16xi32>
        %shift_right_logical3A_179 = arith.constant 16 : i32
        %shift_right_logical3A_180 = vector.broadcast %shift_right_logical3A_179 : i32 to vector<16xi32>
        %shift_right_logical3A_181 = arith.shrui %get3A_175, %shift_right_logical3A_180 : vector<16xi32>
        %scatter3A_182 = arith.constant 16384 : i32
        %scatter3A_183 = tpu.memref_slice %arg4[%scatter3A_182] : memref<32768xi32, #tpu.memory_space<vmem>> -> memref<16384xi32, #tpu.memory_space<vmem>>
        tpu.vector_store_idx %scatter3A_183[%and3A_178], %broadcast_in_dim3A_20 {add = true} : memref<16384xi32, #tpu.memory_space<vmem>>[vector<16xi32>], vector<16xi32>,
        %scatter3A_184 = arith.constant 16384 : i32
        %scatter3A_185 = tpu.memref_slice %arg4[%scatter3A_184] : memref<32768xi32, #tpu.memory_space<vmem>> -> memref<16384xi32, #tpu.memory_space<vmem>>
        tpu.vector_store_idx %scatter3A_185[%shift_right_logical3A_181], %broadcast_in_dim3A_20 {add = true} : memref<16384xi32, #tpu.memory_space<vmem>>[vector<16xi32>], vector<16xi32>,
        %scan3A_186 = arith.constant 3 : i32
        %mul3A_187 = arith.constant 16 : i32
        %mul3A_188 = arith.muli %scan3A_186, %mul3A_187 : i32
        %get3A_189 = arith.index_cast %scan3A_138 : i32 to index
        %get3A_190 = arith.index_cast %mul3A_188 : i32 to index
        %get3A_191 = tpu.vector_load %arg5[%get3A_189, %get3A_190] {strides = array<i32>} : memref<64x200xi32, #tpu.memory_space<vmem>>, vector<16xi32>,
        %and3A_192 = arith.constant 65535 : i32
        %and3A_193 = vector.broadcast %and3A_192 : i32 to vector<16xi32>
        %and3A_194 = arith.andi %get3A_191, %and3A_193 : vector<16xi32>
        %shift_right_logical3A_195 = arith.constant 16 : i32
        %shift_right_logical3A_196 = vector.broadcast %shift_right_logical3A_195 : i32 to vector<16xi32>
        %shift_right_logical3A_197 = arith.shrui %get3A_191, %shift_right_logical3A_196 : vector<16xi32>
        %scatter3A_198 = arith.constant 16384 : i32
        %scatter3A_199 = tpu.memref_slice %arg4[%scatter3A_198] : memref<32768xi32, #tpu.memory_space<vmem>> -> memref<16384xi32, #tpu.memory_space<vmem>>
        tpu.vector_store_idx %scatter3A_199[%and3A_194], %broadcast_in_dim3A_20 {add = true} : memref<16384xi32, #tpu.memory_space<vmem>>[vector<16xi32>], vector<16xi32>,
        %scatter3A_200 = arith.constant 16384 : i32
        %scatter3A_201 = tpu.memref_slice %arg4[%scatter3A_200] : memref<32768xi32, #tpu.memory_space<vmem>> -> memref<16384xi32, #tpu.memory_space<vmem>>
        tpu.vector_store_idx %scatter3A_201[%shift_right_logical3A_197], %broadcast_in_dim3A_20 {add = true} : memref<16384xi32, #tpu.memory_space<vmem>>[vector<16xi32>], vector<16xi32>,
        %scan3A_202 = arith.constant 4 : i32
        %mul3A_203 = arith.constant 16 : i32
        %mul3A_204 = arith.muli %scan3A_202, %mul3A_203 : i32
        %get3A_205 = arith.index_cast %scan3A_138 : i32 to index
        %get3A_206 = arith.index_cast %mul3A_204 : i32 to index
        %get3A_207 = tpu.vector_load %arg5[%get3A_205, %get3A_206] {strides = array<i32>} : memref<64x200xi32, #tpu.memory_space<vmem>>, vector<16xi32>,
        %and3A_208 = arith.constant 65535 : i32
        %and3A_209 = vector.broadcast %and3A_208 : i32 to vector<16xi32>
        %and3A_210 = arith.andi %get3A_207, %and3A_209 : vector<16xi32>
        %shift_right_logical3A_211 = arith.constant 16 : i32
        %shift_right_logical3A_212 = vector.broadcast %shift_right_logical3A_211 : i32 to vector<16xi32>
        %shift_right_logical3A_213 = arith.shrui %get3A_207, %shift_right_logical3A_212 : vector<16xi32>
        %scatter3A_214 = arith.constant 16384 : i32
        %scatter3A_215 = tpu.memref_slice %arg4[%scatter3A_214] : memref<32768xi32, #tpu.memory_space<vmem>> -> memref<16384xi32, #tpu.memory_space<vmem>>
        tpu.vector_store_idx %scatter3A_215[%and3A_210], %broadcast_in_dim3A_20 {add = true} : memref<16384xi32, #tpu.memory_space<vmem>>[vector<16xi32>], vector<16xi32>,
        %scatter3A_216 = arith.constant 16384 : i32
        %scatter3A_217 = tpu.memref_slice %arg4[%scatter3A_216] : memref<32768xi32, #tpu.memory_space<vmem>> -> memref<16384xi32, #tpu.memory_space<vmem>>
        tpu.vector_store_idx %scatter3A_217[%shift_right_logical3A_213], %broadcast_in_dim3A_20 {add = true} : memref<16384xi32, #tpu.memory_space<vmem>>[vector<16xi32>], vector<16xi32>,
        %scan3A_218 = arith.constant 5 : i32
        %mul3A_219 = arith.constant 16 : i32
        %mul3A_220 = arith.muli %scan3A_218, %mul3A_219 : i32
        %get3A_221 = arith.index_cast %scan3A_138 : i32 to index
        %get3A_222 = arith.index_cast %mul3A_220 : i32 to index
        %get3A_223 = tpu.vector_load %arg5[%get3A_221, %get3A_222] {strides = array<i32>} : memref<64x200xi32, #tpu.memory_space<vmem>>, vector<16xi32>,
        %and3A_224 = arith.constant 65535 : i32
        %and3A_225 = vector.broadcast %and3A_224 : i32 to vector<16xi32>
        %and3A_226 = arith.andi %get3A_223, %and3A_225 : vector<16xi32>
        %shift_right_logical3A_227 = arith.constant 16 : i32
        %shift_right_logical3A_228 = vector.broadcast %shift_right_logical3A_227 : i32 to vector<16xi32>
        %shift_right_logical3A_229 = arith.shrui %get3A_223, %shift_right_logical3A_228 : vector<16xi32>
        %scatter3A_230 = arith.constant 16384 : i32
        %scatter3A_231 = tpu.memref_slice %arg4[%scatter3A_230] : memref<32768xi32, #tpu.memory_space<vmem>> -> memref<16384xi32, #tpu.memory_space<vmem>>
        tpu.vector_store_idx %scatter3A_231[%and3A_226], %broadcast_in_dim3A_20 {add = true} : memref<16384xi32, #tpu.memory_space<vmem>>[vector<16xi32>], vector<16xi32>,
        %scatter3A_232 = arith.constant 16384 : i32
        %scatter3A_233 = tpu.memref_slice %arg4[%scatter3A_232] : memref<32768xi32, #tpu.memory_space<vmem>> -> memref<16384xi32, #tpu.memory_space<vmem>>
        tpu.vector_store_idx %scatter3A_233[%shift_right_logical3A_229], %broadcast_in_dim3A_20 {add = true} : memref<16384xi32, #tpu.memory_space<vmem>>[vector<16xi32>], vector<16xi32>,
        %scan3A_234 = arith.constant 6 : i32
        %mul3A_235 = arith.constant 16 : i32
        %mul3A_236 = arith.muli %scan3A_234, %mul3A_235 : i32
        %get3A_237 = arith.index_cast %scan3A_138 : i32 to index
        %get3A_238 = arith.index_cast %mul3A_236 : i32 to index
        %get3A_239 = tpu.vector_load %arg5[%get3A_237, %get3A_238] {strides = array<i32>} : memref<64x200xi32, #tpu.memory_space<vmem>>, vector<16xi32>,
        %and3A_240 = arith.constant 65535 : i32
        %and3A_241 = vector.broadcast %and3A_240 : i32 to vector<16xi32>
        %and3A_242 = arith.andi %get3A_239, %and3A_241 : vector<16xi32>
        %shift_right_logical3A_243 = arith.constant 16 : i32
        %shift_right_logical3A_244 = vector.broadcast %shift_right_logical3A_243 : i32 to vector<16xi32>
        %shift_right_logical3A_245 = arith.shrui %get3A_239, %shift_right_logical3A_244 : vector<16xi32>
        %scatter3A_246 = arith.constant 16384 : i32
        %scatter3A_247 = tpu.memref_slice %arg4[%scatter3A_246] : memref<32768xi32, #tpu.memory_space<vmem>> -> memref<16384xi32, #tpu.memory_space<vmem>>
        tpu.vector_store_idx %scatter3A_247[%and3A_242], %broadcast_in_dim3A_20 {add = true} : memref<16384xi32, #tpu.memory_space<vmem>>[vector<16xi32>], vector<16xi32>,
        %scatter3A_248 = arith.constant 16384 : i32
        %scatter3A_249 = tpu.memref_slice %arg4[%scatter3A_248] : memref<32768xi32, #tpu.memory_space<vmem>> -> memref<16384xi32, #tpu.memory_space<vmem>>
        tpu.vector_store_idx %scatter3A_249[%shift_right_logical3A_245], %broadcast_in_dim3A_20 {add = true} : memref<16384xi32, #tpu.memory_space<vmem>>[vector<16xi32>], vector<16xi32>,
        %scan3A_250 = arith.constant 7 : i32
        %mul3A_251 = arith.constant 16 : i32
        %mul3A_252 = arith.muli %scan3A_250, %mul3A_251 : i32
        %get3A_253 = arith.index_cast %scan3A_138 : i32 to index
        %get3A_254 = arith.index_cast %mul3A_252 : i32 to index
        %get3A_255 = tpu.vector_load %arg5[%get3A_253, %get3A_254] {strides = array<i32>} : memref<64x200xi32, #tpu.memory_space<vmem>>, vector<16xi32>,
        %and3A_256 = arith.constant 65535 : i32
        %and3A_257 = vector.broadcast %and3A_256 : i32 to vector<16xi32>
        %and3A_258 = arith.andi %get3A_255, %and3A_257 : vector<16xi32>
        %shift_right_logical3A_259 = arith.constant 16 : i32
        %shift_right_logical3A_260 = vector.broadcast %shift_right_logical3A_259 : i32 to vector<16xi32>
        %shift_right_logical3A_261 = arith.shrui %get3A_255, %shift_right_logical3A_260 : vector<16xi32>
        %scatter3A_262 = arith.constant 16384 : i32
        %scatter3A_263 = tpu.memref_slice %arg4[%scatter3A_262] : memref<32768xi32, #tpu.memory_space<vmem>> -> memref<16384xi32, #tpu.memory_space<vmem>>
        tpu.vector_store_idx %scatter3A_263[%and3A_258], %broadcast_in_dim3A_20 {add = true} : memref<16384xi32, #tpu.memory_space<vmem>>[vector<16xi32>], vector<16xi32>,
        %scatter3A_264 = arith.constant 16384 : i32
        %scatter3A_265 = tpu.memref_slice %arg4[%scatter3A_264] : memref<32768xi32, #tpu.memory_space<vmem>> -> memref<16384xi32, #tpu.memory_space<vmem>>
        tpu.vector_store_idx %scatter3A_265[%shift_right_logical3A_261], %broadcast_in_dim3A_20 {add = true} : memref<16384xi32, #tpu.memory_space<vmem>>[vector<16xi32>], vector<16xi32>,
        %scan3A_266 = arith.constant 8 : i32
        %mul3A_267 = arith.constant 16 : i32
        %mul3A_268 = arith.muli %scan3A_266, %mul3A_267 : i32
        %get3A_269 = arith.index_cast %scan3A_138 : i32 to index
        %get3A_270 = arith.index_cast %mul3A_268 : i32 to index
        %get3A_271 = tpu.vector_load %arg5[%get3A_269, %get3A_270] {strides = array<i32>} : memref<64x200xi32, #tpu.memory_space<vmem>>, vector<16xi32>,
        %and3A_272 = arith.constant 65535 : i32
        %and3A_273 = vector.broadcast %and3A_272 : i32 to vector<16xi32>
        %and3A_274 = arith.andi %get3A_271, %and3A_273 : vector<16xi32>
        %shift_right_logical3A_275 = arith.constant 16 : i32
        %shift_right_logical3A_276 = vector.broadcast %shift_right_logical3A_275 : i32 to vector<16xi32>
        %shift_right_logical3A_277 = arith.shrui %get3A_271, %shift_right_logical3A_276 : vector<16xi32>
        %scatter3A_278 = arith.constant 16384 : i32
        %scatter3A_279 = tpu.memref_slice %arg4[%scatter3A_278] : memref<32768xi32, #tpu.memory_space<vmem>> -> memref<16384xi32, #tpu.memory_space<vmem>>
        tpu.vector_store_idx %scatter3A_279[%and3A_274], %broadcast_in_dim3A_20 {add = true} : memref<16384xi32, #tpu.memory_space<vmem>>[vector<16xi32>], vector<16xi32>,
        %scatter3A_280 = arith.constant 16384 : i32
        %scatter3A_281 = tpu.memref_slice %arg4[%scatter3A_280] : memref<32768xi32, #tpu.memory_space<vmem>> -> memref<16384xi32, #tpu.memory_space<vmem>>
        tpu.vector_store_idx %scatter3A_281[%shift_right_logical3A_277], %broadcast_in_dim3A_20 {add = true} : memref<16384xi32, #tpu.memory_space<vmem>>[vector<16xi32>], vector<16xi32>,
        %scan3A_282 = arith.constant 9 : i32
        %mul3A_283 = arith.constant 16 : i32
        %mul3A_284 = arith.muli %scan3A_282, %mul3A_283 : i32
        %get3A_285 = arith.index_cast %scan3A_138 : i32 to index
        %get3A_286 = arith.index_cast %mul3A_284 : i32 to index
        %get3A_287 = tpu.vector_load %arg5[%get3A_285, %get3A_286] {strides = array<i32>} : memref<64x200xi32, #tpu.memory_space<vmem>>, vector<16xi32>,
        %and3A_288 = arith.constant 65535 : i32
        %and3A_289 = vector.broadcast %and3A_288 : i32 to vector<16xi32>
        %and3A_290 = arith.andi %get3A_287, %and3A_289 : vector<16xi32>
        %shift_right_logical3A_291 = arith.constant 16 : i32
        %shift_right_logical3A_292 = vector.broadcast %shift_right_logical3A_291 : i32 to vector<16xi32>
        %shift_right_logical3A_293 = arith.shrui %get3A_287, %shift_right_logical3A_292 : vector<16xi32>
        %scatter3A_294 = arith.constant 16384 : i32
        %scatter3A_295 = tpu.memref_slice %arg4[%scatter3A_294] : memref<32768xi32, #tpu.memory_space<vmem>> -> memref<16384xi32, #tpu.memory_space<vmem>>
        tpu.vector_store_idx %scatter3A_295[%and3A_290], %broadcast_in_dim3A_20 {add = true} : memref<16384xi32, #tpu.memory_space<vmem>>[vector<16xi32>], vector<16xi32>,
        %scatter3A_296 = arith.constant 16384 : i32
        %scatter3A_297 = tpu.memref_slice %arg4[%scatter3A_296] : memref<32768xi32, #tpu.memory_space<vmem>> -> memref<16384xi32, #tpu.memory_space<vmem>>
        tpu.vector_store_idx %scatter3A_297[%shift_right_logical3A_293], %broadcast_in_dim3A_20 {add = true} : memref<16384xi32, #tpu.memory_space<vmem>>[vector<16xi32>], vector<16xi32>,
        %scan3A_298 = arith.constant 10 : i32
        %mul3A_299 = arith.constant 16 : i32
        %mul3A_300 = arith.muli %scan3A_298, %mul3A_299 : i32
        %get3A_301 = arith.index_cast %scan3A_138 : i32 to index
        %get3A_302 = arith.index_cast %mul3A_300 : i32 to index
        %get3A_303 = tpu.vector_load %arg5[%get3A_301, %get3A_302] {strides = array<i32>} : memref<64x200xi32, #tpu.memory_space<vmem>>, vector<16xi32>,
        %and3A_304 = arith.constant 65535 : i32
        %and3A_305 = vector.broadcast %and3A_304 : i32 to vector<16xi32>
        %and3A_306 = arith.andi %get3A_303, %and3A_305 : vector<16xi32>
        %shift_right_logical3A_307 = arith.constant 16 : i32
        %shift_right_logical3A_308 = vector.broadcast %shift_right_logical3A_307 : i32 to vector<16xi32>
        %shift_right_logical3A_309 = arith.shrui %get3A_303, %shift_right_logical3A_308 : vector<16xi32>
        %scatter3A_310 = arith.constant 16384 : i32
        %scatter3A_311 = tpu.memref_slice %arg4[%scatter3A_310] : memref<32768xi32, #tpu.memory_space<vmem>> -> memref<16384xi32, #tpu.memory_space<vmem>>
        tpu.vector_store_idx %scatter3A_311[%and3A_306], %broadcast_in_dim3A_20 {add = true} : memref<16384xi32, #tpu.memory_space<vmem>>[vector<16xi32>], vector<16xi32>,
        %scatter3A_312 = arith.constant 16384 : i32
        %scatter3A_313 = tpu.memref_slice %arg4[%scatter3A_312] : memref<32768xi32, #tpu.memory_space<vmem>> -> memref<16384xi32, #tpu.memory_space<vmem>>
        tpu.vector_store_idx %scatter3A_313[%shift_right_logical3A_309], %broadcast_in_dim3A_20 {add = true} : memref<16384xi32, #tpu.memory_space<vmem>>[vector<16xi32>], vector<16xi32>,
        %scan3A_314 = arith.constant 11 : i32
        %mul3A_315 = arith.constant 16 : i32
        %mul3A_316 = arith.muli %scan3A_314, %mul3A_315 : i32
        %get3A_317 = arith.index_cast %scan3A_138 : i32 to index
        %get3A_318 = arith.index_cast %mul3A_316 : i32 to index
        %get3A_319 = tpu.vector_load %arg5[%get3A_317, %get3A_318] {strides = array<i32>} : memref<64x200xi32, #tpu.memory_space<vmem>>, vector<16xi32>,
        %and3A_320 = arith.constant 65535 : i32
        %and3A_321 = vector.broadcast %and3A_320 : i32 to vector<16xi32>
        %and3A_322 = arith.andi %get3A_319, %and3A_321 : vector<16xi32>
        %shift_right_logical3A_323 = arith.constant 16 : i32
        %shift_right_logical3A_324 = vector.broadcast %shift_right_logical3A_323 : i32 to vector<16xi32>
        %shift_right_logical3A_325 = arith.shrui %get3A_319, %shift_right_logical3A_324 : vector<16xi32>
        %scatter3A_326 = arith.constant 16384 : i32
        %scatter3A_327 = tpu.memref_slice %arg4[%scatter3A_326] : memref<32768xi32, #tpu.memory_space<vmem>> -> memref<16384xi32, #tpu.memory_space<vmem>>
        tpu.vector_store_idx %scatter3A_327[%and3A_322], %broadcast_in_dim3A_20 {add = true} : memref<16384xi32, #tpu.memory_space<vmem>>[vector<16xi32>], vector<16xi32>,
        %scatter3A_328 = arith.constant 16384 : i32
        %scatter3A_329 = tpu.memref_slice %arg4[%scatter3A_328] : memref<32768xi32, #tpu.memory_space<vmem>> -> memref<16384xi32, #tpu.memory_space<vmem>>
        tpu.vector_store_idx %scatter3A_329[%shift_right_logical3A_325], %broadcast_in_dim3A_20 {add = true} : memref<16384xi32, #tpu.memory_space<vmem>>[vector<16xi32>], vector<16xi32>,
        %scan3A_330 = arith.constant 12 : i32
        %get3A_331 = arith.index_cast %scan3A_138 : i32 to index
        %get3A_332 = arith.constant 184 : index
        %get3A_333 = tpu.vector_load %arg5[%get3A_331, %get3A_332] {strides = array<i32>} : memref<64x200xi32, #tpu.memory_space<vmem>>, vector<16xi32>,
        %and3A_334 = arith.constant 65535 : i32
        %and3A_335 = vector.broadcast %and3A_334 : i32 to vector<16xi32>
        %and3A_336 = arith.andi %get3A_333, %and3A_335 : vector<16xi32>
        %shift_right_logical3A_337 = arith.constant 16 : i32
        %shift_right_logical3A_338 = vector.broadcast %shift_right_logical3A_337 : i32 to vector<16xi32>
        %shift_right_logical3A_339 = arith.shrui %get3A_333, %shift_right_logical3A_338 : vector<16xi32>
        %scatter3A_340 = arith.constant 16384 : i32
        %scatter3A_341 = tpu.memref_slice %arg4[%scatter3A_340] : memref<32768xi32, #tpu.memory_space<vmem>> -> memref<16384xi32, #tpu.memory_space<vmem>>
        tpu.vector_store_idx %scatter3A_341[%and3A_336], %broadcast_in_dim3A_20 masked %ge3A_22 {add = true} : memref<16384xi32, #tpu.memory_space<vmem>>[vector<16xi32>], vector<16xi32>, vector<16xi1>
        %scatter3A_342 = arith.constant 16384 : i32
        %scatter3A_343 = tpu.memref_slice %arg4[%scatter3A_342] : memref<32768xi32, #tpu.memory_space<vmem>> -> memref<16384xi32, #tpu.memory_space<vmem>>
        tpu.vector_store_idx %scatter3A_343[%shift_right_logical3A_339], %broadcast_in_dim3A_20 masked %ge3A_22 {add = true} : memref<16384xi32, #tpu.memory_space<vmem>>[vector<16xi32>], vector<16xi32>, vector<16xi1>
        %scan3A_344 = arith.constant 1 : i32
        %scan3A_345 = arith.addi %scan3A_138, %scan3A_344 : i32
        %scan3A_346 = arith.constant 0 : i32
        %scan3A_347 = arith.constant 0 : i32
        %mul3A_348 = arith.constant 16 : i32
        %mul3A_349 = arith.muli %scan3A_347, %mul3A_348 : i32
        %get3A_350 = arith.index_cast %scan3A_345 : i32 to index
        %get3A_351 = arith.index_cast %mul3A_349 : i32 to index
        %get3A_352 = tpu.vector_load %arg5[%get3A_350, %get3A_351] {strides = array<i32>} : memref<64x200xi32, #tpu.memory_space<vmem>>, vector<16xi32>,
        %and3A_353 = arith.constant 65535 : i32
        %and3A_354 = vector.broadcast %and3A_353 : i32 to vector<16xi32>
        %and3A_355 = arith.andi %get3A_352, %and3A_354 : vector<16xi32>
        %shift_right_logical3A_356 = arith.constant 16 : i32
        %shift_right_logical3A_357 = vector.broadcast %shift_right_logical3A_356 : i32 to vector<16xi32>
        %shift_right_logical3A_358 = arith.shrui %get3A_352, %shift_right_logical3A_357 : vector<16xi32>
        %scatter3A_359 = arith.constant 16384 : i32
        %scatter3A_360 = tpu.memref_slice %arg4[%scatter3A_359] : memref<32768xi32, #tpu.memory_space<vmem>> -> memref<16384xi32, #tpu.memory_space<vmem>>
        tpu.vector_store_idx %scatter3A_360[%and3A_355], %broadcast_in_dim3A_20 {add = true} : memref<16384xi32, #tpu.memory_space<vmem>>[vector<16xi32>], vector<16xi32>,
        %scatter3A_361 = arith.constant 16384 : i32
        %scatter3A_362 = tpu.memref_slice %arg4[%scatter3A_361] : memref<32768xi32, #tpu.memory_space<vmem>> -> memref<16384xi32, #tpu.memory_space<vmem>>
        tpu.vector_store_idx %scatter3A_362[%shift_right_logical3A_358], %broadcast_in_dim3A_20 {add = true} : memref<16384xi32, #tpu.memory_space<vmem>>[vector<16xi32>], vector<16xi32>,
        %scan3A_363 = arith.constant 1 : i32
        %mul3A_364 = arith.constant 16 : i32
        %mul3A_365 = arith.muli %scan3A_363, %mul3A_364 : i32
        %get3A_366 = arith.index_cast %scan3A_345 : i32 to index
        %get3A_367 = arith.index_cast %mul3A_365 : i32 to index
        %get3A_368 = tpu.vector_load %arg5[%get3A_366, %get3A_367] {strides = array<i32>} : memref<64x200xi32, #tpu.memory_space<vmem>>, vector<16xi32>,
        %and3A_369 = arith.constant 65535 : i32
        %and3A_370 = vector.broadcast %and3A_369 : i32 to vector<16xi32>
        %and3A_371 = arith.andi %get3A_368, %and3A_370 : vector<16xi32>
        %shift_right_logical3A_372 = arith.constant 16 : i32
        %shift_right_logical3A_373 = vector.broadcast %shift_right_logical3A_372 : i32 to vector<16xi32>
        %shift_right_logical3A_374 = arith.shrui %get3A_368, %shift_right_logical3A_373 : vector<16xi32>
        %scatter3A_375 = arith.constant 16384 : i32
        %scatter3A_376 = tpu.memref_slice %arg4[%scatter3A_375] : memref<32768xi32, #tpu.memory_space<vmem>> -> memref<16384xi32, #tpu.memory_space<vmem>>
        tpu.vector_store_idx %scatter3A_376[%and3A_371], %broadcast_in_dim3A_20 {add = true} : memref<16384xi32, #tpu.memory_space<vmem>>[vector<16xi32>], vector<16xi32>,
        %scatter3A_377 = arith.constant 16384 : i32
        %scatter3A_378 = tpu.memref_slice %arg4[%scatter3A_377] : memref<32768xi32, #tpu.memory_space<vmem>> -> memref<16384xi32, #tpu.memory_space<vmem>>
        tpu.vector_store_idx %scatter3A_378[%shift_right_logical3A_374], %broadcast_in_dim3A_20 {add = true} : memref<16384xi32, #tpu.memory_space<vmem>>[vector<16xi32>], vector<16xi32>,
        %scan3A_379 = arith.constant 2 : i32
        %mul3A_380 = arith.constant 16 : i32
        %mul3A_381 = arith.muli %scan3A_379, %mul3A_380 : i32
        %get3A_382 = arith.index_cast %scan3A_345 : i32 to index
        %get3A_383 = arith.index_cast %mul3A_381 : i32 to index
        %get3A_384 = tpu.vector_load %arg5[%get3A_382, %get3A_383] {strides = array<i32>} : memref<64x200xi32, #tpu.memory_space<vmem>>, vector<16xi32>,
        %and3A_385 = arith.constant 65535 : i32
        %and3A_386 = vector.broadcast %and3A_385 : i32 to vector<16xi32>
        %and3A_387 = arith.andi %get3A_384, %and3A_386 : vector<16xi32>
        %shift_right_logical3A_388 = arith.constant 16 : i32
        %shift_right_logical3A_389 = vector.broadcast %shift_right_logical3A_388 : i32 to vector<16xi32>
        %shift_right_logical3A_390 = arith.shrui %get3A_384, %shift_right_logical3A_389 : vector<16xi32>
        %scatter3A_391 = arith.constant 16384 : i32
        %scatter3A_392 = tpu.memref_slice %arg4[%scatter3A_391] : memref<32768xi32, #tpu.memory_space<vmem>> -> memref<16384xi32, #tpu.memory_space<vmem>>
        tpu.vector_store_idx %scatter3A_392[%and3A_387], %broadcast_in_dim3A_20 {add = true} : memref<16384xi32, #tpu.memory_space<vmem>>[vector<16xi32>], vector<16xi32>,
        %scatter3A_393 = arith.constant 16384 : i32
        %scatter3A_394 = tpu.memref_slice %arg4[%scatter3A_393] : memref<32768xi32, #tpu.memory_space<vmem>> -> memref<16384xi32, #tpu.memory_space<vmem>>
        tpu.vector_store_idx %scatter3A_394[%shift_right_logical3A_390], %broadcast_in_dim3A_20 {add = true} : memref<16384xi32, #tpu.memory_space<vmem>>[vector<16xi32>], vector<16xi32>,
        %scan3A_395 = arith.constant 3 : i32
        %mul3A_396 = arith.constant 16 : i32
        %mul3A_397 = arith.muli %scan3A_395, %mul3A_396 : i32
        %get3A_398 = arith.index_cast %scan3A_345 : i32 to index
        %get3A_399 = arith.index_cast %mul3A_397 : i32 to index
        %get3A_400 = tpu.vector_load %arg5[%get3A_398, %get3A_399] {strides = array<i32>} : memref<64x200xi32, #tpu.memory_space<vmem>>, vector<16xi32>,
        %and3A_401 = arith.constant 65535 : i32
        %and3A_402 = vector.broadcast %and3A_401 : i32 to vector<16xi32>
        %and3A_403 = arith.andi %get3A_400, %and3A_402 : vector<16xi32>
        %shift_right_logical3A_404 = arith.constant 16 : i32
        %shift_right_logical3A_405 = vector.broadcast %shift_right_logical3A_404 : i32 to vector<16xi32>
        %shift_right_logical3A_406 = arith.shrui %get3A_400, %shift_right_logical3A_405 : vector<16xi32>
        %scatter3A_407 = arith.constant 16384 : i32
        %scatter3A_408 = tpu.memref_slice %arg4[%scatter3A_407] : memref<32768xi32, #tpu.memory_space<vmem>> -> memref<16384xi32, #tpu.memory_space<vmem>>
        tpu.vector_store_idx %scatter3A_408[%and3A_403], %broadcast_in_dim3A_20 {add = true} : memref<16384xi32, #tpu.memory_space<vmem>>[vector<16xi32>], vector<16xi32>,
        %scatter3A_409 = arith.constant 16384 : i32
        %scatter3A_410 = tpu.memref_slice %arg4[%scatter3A_409] : memref<32768xi32, #tpu.memory_space<vmem>> -> memref<16384xi32, #tpu.memory_space<vmem>>
        tpu.vector_store_idx %scatter3A_410[%shift_right_logical3A_406], %broadcast_in_dim3A_20 {add = true} : memref<16384xi32, #tpu.memory_space<vmem>>[vector<16xi32>], vector<16xi32>,
        %scan3A_411 = arith.constant 4 : i32
        %mul3A_412 = arith.constant 16 : i32
        %mul3A_413 = arith.muli %scan3A_411, %mul3A_412 : i32
        %get3A_414 = arith.index_cast %scan3A_345 : i32 to index
        %get3A_415 = arith.index_cast %mul3A_413 : i32 to index
        %get3A_416 = tpu.vector_load %arg5[%get3A_414, %get3A_415] {strides = array<i32>} : memref<64x200xi32, #tpu.memory_space<vmem>>, vector<16xi32>,
        %and3A_417 = arith.constant 65535 : i32
        %and3A_418 = vector.broadcast %and3A_417 : i32 to vector<16xi32>
        %and3A_419 = arith.andi %get3A_416, %and3A_418 : vector<16xi32>
        %shift_right_logical3A_420 = arith.constant 16 : i32
        %shift_right_logical3A_421 = vector.broadcast %shift_right_logical3A_420 : i32 to vector<16xi32>
        %shift_right_logical3A_422 = arith.shrui %get3A_416, %shift_right_logical3A_421 : vector<16xi32>
        %scatter3A_423 = arith.constant 16384 : i32
        %scatter3A_424 = tpu.memref_slice %arg4[%scatter3A_423] : memref<32768xi32, #tpu.memory_space<vmem>> -> memref<16384xi32, #tpu.memory_space<vmem>>
        tpu.vector_store_idx %scatter3A_424[%and3A_419], %broadcast_in_dim3A_20 {add = true} : memref<16384xi32, #tpu.memory_space<vmem>>[vector<16xi32>], vector<16xi32>,
        %scatter3A_425 = arith.constant 16384 : i32
        %scatter3A_426 = tpu.memref_slice %arg4[%scatter3A_425] : memref<32768xi32, #tpu.memory_space<vmem>> -> memref<16384xi32, #tpu.memory_space<vmem>>
        tpu.vector_store_idx %scatter3A_426[%shift_right_logical3A_422], %broadcast_in_dim3A_20 {add = true} : memref<16384xi32, #tpu.memory_space<vmem>>[vector<16xi32>], vector<16xi32>,
        %scan3A_427 = arith.constant 5 : i32
        %mul3A_428 = arith.constant 16 : i32
        %mul3A_429 = arith.muli %scan3A_427, %mul3A_428 : i32
        %get3A_430 = arith.index_cast %scan3A_345 : i32 to index
        %get3A_431 = arith.index_cast %mul3A_429 : i32 to index
        %get3A_432 = tpu.vector_load %arg5[%get3A_430, %get3A_431] {strides = array<i32>} : memref<64x200xi32, #tpu.memory_space<vmem>>, vector<16xi32>,
        %and3A_433 = arith.constant 65535 : i32
        %and3A_434 = vector.broadcast %and3A_433 : i32 to vector<16xi32>
        %and3A_435 = arith.andi %get3A_432, %and3A_434 : vector<16xi32>
        %shift_right_logical3A_436 = arith.constant 16 : i32
        %shift_right_logical3A_437 = vector.broadcast %shift_right_logical3A_436 : i32 to vector<16xi32>
        %shift_right_logical3A_438 = arith.shrui %get3A_432, %shift_right_logical3A_437 : vector<16xi32>
        %scatter3A_439 = arith.constant 16384 : i32
        %scatter3A_440 = tpu.memref_slice %arg4[%scatter3A_439] : memref<32768xi32, #tpu.memory_space<vmem>> -> memref<16384xi32, #tpu.memory_space<vmem>>
        tpu.vector_store_idx %scatter3A_440[%and3A_435], %broadcast_in_dim3A_20 {add = true} : memref<16384xi32, #tpu.memory_space<vmem>>[vector<16xi32>], vector<16xi32>,
        %scatter3A_441 = arith.constant 16384 : i32
        %scatter3A_442 = tpu.memref_slice %arg4[%scatter3A_441] : memref<32768xi32, #tpu.memory_space<vmem>> -> memref<16384xi32, #tpu.memory_space<vmem>>
        tpu.vector_store_idx %scatter3A_442[%shift_right_logical3A_438], %broadcast_in_dim3A_20 {add = true} : memref<16384xi32, #tpu.memory_space<vmem>>[vector<16xi32>], vector<16xi32>,
        %scan3A_443 = arith.constant 6 : i32
        %mul3A_444 = arith.constant 16 : i32
        %mul3A_445 = arith.muli %scan3A_443, %mul3A_444 : i32
        %get3A_446 = arith.index_cast %scan3A_345 : i32 to index
        %get3A_447 = arith.index_cast %mul3A_445 : i32 to index
        %get3A_448 = tpu.vector_load %arg5[%get3A_446, %get3A_447] {strides = array<i32>} : memref<64x200xi32, #tpu.memory_space<vmem>>, vector<16xi32>,
        %and3A_449 = arith.constant 65535 : i32
        %and3A_450 = vector.broadcast %and3A_449 : i32 to vector<16xi32>
        %and3A_451 = arith.andi %get3A_448, %and3A_450 : vector<16xi32>
        %shift_right_logical3A_452 = arith.constant 16 : i32
        %shift_right_logical3A_453 = vector.broadcast %shift_right_logical3A_452 : i32 to vector<16xi32>
        %shift_right_logical3A_454 = arith.shrui %get3A_448, %shift_right_logical3A_453 : vector<16xi32>
        %scatter3A_455 = arith.constant 16384 : i32
        %scatter3A_456 = tpu.memref_slice %arg4[%scatter3A_455] : memref<32768xi32, #tpu.memory_space<vmem>> -> memref<16384xi32, #tpu.memory_space<vmem>>
        tpu.vector_store_idx %scatter3A_456[%and3A_451], %broadcast_in_dim3A_20 {add = true} : memref<16384xi32, #tpu.memory_space<vmem>>[vector<16xi32>], vector<16xi32>,
        %scatter3A_457 = arith.constant 16384 : i32
        %scatter3A_458 = tpu.memref_slice %arg4[%scatter3A_457] : memref<32768xi32, #tpu.memory_space<vmem>> -> memref<16384xi32, #tpu.memory_space<vmem>>
        tpu.vector_store_idx %scatter3A_458[%shift_right_logical3A_454], %broadcast_in_dim3A_20 {add = true} : memref<16384xi32, #tpu.memory_space<vmem>>[vector<16xi32>], vector<16xi32>,
        %scan3A_459 = arith.constant 7 : i32
        %mul3A_460 = arith.constant 16 : i32
        %mul3A_461 = arith.muli %scan3A_459, %mul3A_460 : i32
        %get3A_462 = arith.index_cast %scan3A_345 : i32 to index
        %get3A_463 = arith.index_cast %mul3A_461 : i32 to index
        %get3A_464 = tpu.vector_load %arg5[%get3A_462, %get3A_463] {strides = array<i32>} : memref<64x200xi32, #tpu.memory_space<vmem>>, vector<16xi32>,
        %and3A_465 = arith.constant 65535 : i32
        %and3A_466 = vector.broadcast %and3A_465 : i32 to vector<16xi32>
        %and3A_467 = arith.andi %get3A_464, %and3A_466 : vector<16xi32>
        %shift_right_logical3A_468 = arith.constant 16 : i32
        %shift_right_logical3A_469 = vector.broadcast %shift_right_logical3A_468 : i32 to vector<16xi32>
        %shift_right_logical3A_470 = arith.shrui %get3A_464, %shift_right_logical3A_469 : vector<16xi32>
        %scatter3A_471 = arith.constant 16384 : i32
        %scatter3A_472 = tpu.memref_slice %arg4[%scatter3A_471] : memref<32768xi32, #tpu.memory_space<vmem>> -> memref<16384xi32, #tpu.memory_space<vmem>>
        tpu.vector_store_idx %scatter3A_472[%and3A_467], %broadcast_in_dim3A_20 {add = true} : memref<16384xi32, #tpu.memory_space<vmem>>[vector<16xi32>], vector<16xi32>,
        %scatter3A_473 = arith.constant 16384 : i32
        %scatter3A_474 = tpu.memref_slice %arg4[%scatter3A_473] : memref<32768xi32, #tpu.memory_space<vmem>> -> memref<16384xi32, #tpu.memory_space<vmem>>
        tpu.vector_store_idx %scatter3A_474[%shift_right_logical3A_470], %broadcast_in_dim3A_20 {add = true} : memref<16384xi32, #tpu.memory_space<vmem>>[vector<16xi32>], vector<16xi32>,
        %scan3A_475 = arith.constant 8 : i32
        %mul3A_476 = arith.constant 16 : i32
        %mul3A_477 = arith.muli %scan3A_475, %mul3A_476 : i32
        %get3A_478 = arith.index_cast %scan3A_345 : i32 to index
        %get3A_479 = arith.index_cast %mul3A_477 : i32 to index
        %get3A_480 = tpu.vector_load %arg5[%get3A_478, %get3A_479] {strides = array<i32>} : memref<64x200xi32, #tpu.memory_space<vmem>>, vector<16xi32>,
        %and3A_481 = arith.constant 65535 : i32
        %and3A_482 = vector.broadcast %and3A_481 : i32 to vector<16xi32>
        %and3A_483 = arith.andi %get3A_480, %and3A_482 : vector<16xi32>
        %shift_right_logical3A_484 = arith.constant 16 : i32
        %shift_right_logical3A_485 = vector.broadcast %shift_right_logical3A_484 : i32 to vector<16xi32>
        %shift_right_logical3A_486 = arith.shrui %get3A_480, %shift_right_logical3A_485 : vector<16xi32>
        %scatter3A_487 = arith.constant 16384 : i32
        %scatter3A_488 = tpu.memref_slice %arg4[%scatter3A_487] : memref<32768xi32, #tpu.memory_space<vmem>> -> memref<16384xi32, #tpu.memory_space<vmem>>
        tpu.vector_store_idx %scatter3A_488[%and3A_483], %broadcast_in_dim3A_20 {add = true} : memref<16384xi32, #tpu.memory_space<vmem>>[vector<16xi32>], vector<16xi32>,
        %scatter3A_489 = arith.constant 16384 : i32
        %scatter3A_490 = tpu.memref_slice %arg4[%scatter3A_489] : memref<32768xi32, #tpu.memory_space<vmem>> -> memref<16384xi32, #tpu.memory_space<vmem>>
        tpu.vector_store_idx %scatter3A_490[%shift_right_logical3A_486], %broadcast_in_dim3A_20 {add = true} : memref<16384xi32, #tpu.memory_space<vmem>>[vector<16xi32>], vector<16xi32>,
        %scan3A_491 = arith.constant 9 : i32
        %mul3A_492 = arith.constant 16 : i32
        %mul3A_493 = arith.muli %scan3A_491, %mul3A_492 : i32
        %get3A_494 = arith.index_cast %scan3A_345 : i32 to index
        %get3A_495 = arith.index_cast %mul3A_493 : i32 to index
        %get3A_496 = tpu.vector_load %arg5[%get3A_494, %get3A_495] {strides = array<i32>} : memref<64x200xi32, #tpu.memory_space<vmem>>, vector<16xi32>,
        %and3A_497 = arith.constant 65535 : i32
        %and3A_498 = vector.broadcast %and3A_497 : i32 to vector<16xi32>
        %and3A_499 = arith.andi %get3A_496, %and3A_498 : vector<16xi32>
        %shift_right_logical3A_500 = arith.constant 16 : i32
        %shift_right_logical3A_501 = vector.broadcast %shift_right_logical3A_500 : i32 to vector<16xi32>
        %shift_right_logical3A_502 = arith.shrui %get3A_496, %shift_right_logical3A_501 : vector<16xi32>
        %scatter3A_503 = arith.constant 16384 : i32
        %scatter3A_504 = tpu.memref_slice %arg4[%scatter3A_503] : memref<32768xi32, #tpu.memory_space<vmem>> -> memref<16384xi32, #tpu.memory_space<vmem>>
        tpu.vector_store_idx %scatter3A_504[%and3A_499], %broadcast_in_dim3A_20 {add = true} : memref<16384xi32, #tpu.memory_space<vmem>>[vector<16xi32>], vector<16xi32>,
        %scatter3A_505 = arith.constant 16384 : i32
        %scatter3A_506 = tpu.memref_slice %arg4[%scatter3A_505] : memref<32768xi32, #tpu.memory_space<vmem>> -> memref<16384xi32, #tpu.memory_space<vmem>>
        tpu.vector_store_idx %scatter3A_506[%shift_right_logical3A_502], %broadcast_in_dim3A_20 {add = true} : memref<16384xi32, #tpu.memory_space<vmem>>[vector<16xi32>], vector<16xi32>,
        %scan3A_507 = arith.constant 10 : i32
        %mul3A_508 = arith.constant 16 : i32
        %mul3A_509 = arith.muli %scan3A_507, %mul3A_508 : i32
        %get3A_510 = arith.index_cast %scan3A_345 : i32 to index
        %get3A_511 = arith.index_cast %mul3A_509 : i32 to index
        %get3A_512 = tpu.vector_load %arg5[%get3A_510, %get3A_511] {strides = array<i32>} : memref<64x200xi32, #tpu.memory_space<vmem>>, vector<16xi32>,
        %and3A_513 = arith.constant 65535 : i32
        %and3A_514 = vector.broadcast %and3A_513 : i32 to vector<16xi32>
        %and3A_515 = arith.andi %get3A_512, %and3A_514 : vector<16xi32>
        %shift_right_logical3A_516 = arith.constant 16 : i32
        %shift_right_logical3A_517 = vector.broadcast %shift_right_logical3A_516 : i32 to vector<16xi32>
        %shift_right_logical3A_518 = arith.shrui %get3A_512, %shift_right_logical3A_517 : vector<16xi32>
        %scatter3A_519 = arith.constant 16384 : i32
        %scatter3A_520 = tpu.memref_slice %arg4[%scatter3A_519] : memref<32768xi32, #tpu.memory_space<vmem>> -> memref<16384xi32, #tpu.memory_space<vmem>>
        tpu.vector_store_idx %scatter3A_520[%and3A_515], %broadcast_in_dim3A_20 {add = true} : memref<16384xi32, #tpu.memory_space<vmem>>[vector<16xi32>], vector<16xi32>,
        %scatter3A_521 = arith.constant 16384 : i32
        %scatter3A_522 = tpu.memref_slice %arg4[%scatter3A_521] : memref<32768xi32, #tpu.memory_space<vmem>> -> memref<16384xi32, #tpu.memory_space<vmem>>
        tpu.vector_store_idx %scatter3A_522[%shift_right_logical3A_518], %broadcast_in_dim3A_20 {add = true} : memref<16384xi32, #tpu.memory_space<vmem>>[vector<16xi32>], vector<16xi32>,
        %scan3A_523 = arith.constant 11 : i32
        %mul3A_524 = arith.constant 16 : i32
        %mul3A_525 = arith.muli %scan3A_523, %mul3A_524 : i32
        %get3A_526 = arith.index_cast %scan3A_345 : i32 to index
        %get3A_527 = arith.index_cast %mul3A_525 : i32 to index
        %get3A_528 = tpu.vector_load %arg5[%get3A_526, %get3A_527] {strides = array<i32>} : memref<64x200xi32, #tpu.memory_space<vmem>>, vector<16xi32>,
        %and3A_529 = arith.constant 65535 : i32
        %and3A_530 = vector.broadcast %and3A_529 : i32 to vector<16xi32>
        %and3A_531 = arith.andi %get3A_528, %and3A_530 : vector<16xi32>
        %shift_right_logical3A_532 = arith.constant 16 : i32
        %shift_right_logical3A_533 = vector.broadcast %shift_right_logical3A_532 : i32 to vector<16xi32>
        %shift_right_logical3A_534 = arith.shrui %get3A_528, %shift_right_logical3A_533 : vector<16xi32>
        %scatter3A_535 = arith.constant 16384 : i32
        %scatter3A_536 = tpu.memref_slice %arg4[%scatter3A_535] : memref<32768xi32, #tpu.memory_space<vmem>> -> memref<16384xi32, #tpu.memory_space<vmem>>
        tpu.vector_store_idx %scatter3A_536[%and3A_531], %broadcast_in_dim3A_20 {add = true} : memref<16384xi32, #tpu.memory_space<vmem>>[vector<16xi32>], vector<16xi32>,
        %scatter3A_537 = arith.constant 16384 : i32
        %scatter3A_538 = tpu.memref_slice %arg4[%scatter3A_537] : memref<32768xi32, #tpu.memory_space<vmem>> -> memref<16384xi32, #tpu.memory_space<vmem>>
        tpu.vector_store_idx %scatter3A_538[%shift_right_logical3A_534], %broadcast_in_dim3A_20 {add = true} : memref<16384xi32, #tpu.memory_space<vmem>>[vector<16xi32>], vector<16xi32>,
        %scan3A_539 = arith.constant 12 : i32
        %get3A_540 = arith.index_cast %scan3A_345 : i32 to index
        %get3A_541 = arith.constant 184 : index
        %get3A_542 = tpu.vector_load %arg5[%get3A_540, %get3A_541] {strides = array<i32>} : memref<64x200xi32, #tpu.memory_space<vmem>>, vector<16xi32>,
        %and3A_543 = arith.constant 65535 : i32
        %and3A_544 = vector.broadcast %and3A_543 : i32 to vector<16xi32>
        %and3A_545 = arith.andi %get3A_542, %and3A_544 : vector<16xi32>
        %shift_right_logical3A_546 = arith.constant 16 : i32
        %shift_right_logical3A_547 = vector.broadcast %shift_right_logical3A_546 : i32 to vector<16xi32>
        %shift_right_logical3A_548 = arith.shrui %get3A_542, %shift_right_logical3A_547 : vector<16xi32>
        %scatter3A_549 = arith.constant 16384 : i32
        %scatter3A_550 = tpu.memref_slice %arg4[%scatter3A_549] : memref<32768xi32, #tpu.memory_space<vmem>> -> memref<16384xi32, #tpu.memory_space<vmem>>
        tpu.vector_store_idx %scatter3A_550[%and3A_545], %broadcast_in_dim3A_20 masked %ge3A_22 {add = true} : memref<16384xi32, #tpu.memory_space<vmem>>[vector<16xi32>], vector<16xi32>, vector<16xi1>
        %scatter3A_551 = arith.constant 16384 : i32
        %scatter3A_552 = tpu.memref_slice %arg4[%scatter3A_551] : memref<32768xi32, #tpu.memory_space<vmem>> -> memref<16384xi32, #tpu.memory_space<vmem>>
        tpu.vector_store_idx %scatter3A_552[%shift_right_logical3A_548], %broadcast_in_dim3A_20 masked %ge3A_22 {add = true} : memref<16384xi32, #tpu.memory_space<vmem>>[vector<16xi32>], vector<16xi32>, vector<16xi1>
      }
      %scan3A_137 = arith.constant 64 : i32
    }
    %while3A_107 = arith.constant 1 : i32
    scf.for %while3A_123 = %while3A_105 to %while3A_101 step %while3A_107  : i32 {
      %mul3A_124 = arith.constant 8 : i32
      %mul3A_125 = arith.muli %mul3A_124, %while3A_123 : i32
      %add3A_126 = arith.addi %min3A, %mul3A_125 : i32
      %mul3A_127 = arith.constant 200 : i32
      %mul3A_128 = arith.muli %add3A_70, %mul3A_127 : i32
      %sub3A_129 = arith.subi %add3A_126, %mul3A_128 : i32
      %mul3A_130 = arith.constant 8 : i32
      %mul3A_131 = arith.muli %sub3A_129, %mul3A_130 : i32
      "tpu.region"() ({
        %run_scoped3A = tpu.sem_alloc : memref<!tpu.dma_semaphore, #tpu.memory_space<semaphore_mem>>
        %dma_start3A = arith.constant 0 : i32
        %dma_start3A_138 = tpu.memref_slice %arg2[%add3A_70, %mul3A_131, %dma_start3A] : memref<18x1600x200xi32, #tpu.memory_space<hbm>> -> memref<1x64x200xi32, #tpu.memory_space<hbm>>
        %dma_start3A_139 = tpu.memref_squeeze %dma_start3A_138 : memref<1x64x200xi32, #tpu.memory_space<hbm>> -> memref<64x200xi32, #tpu.memory_space<hbm>>
        %dma_start3A_140 = arith.constant 0 : i32
        %dma_start3A_141 = tpu.memref_slice %arg2[%add3A_70, %mul3A_131, %dma_start3A_140] : memref<18x1600x200xi32, #tpu.memory_space<hbm>> -> memref<1x64x200xi32, #tpu.memory_space<hbm>>
        %dma_start3A_142 = tpu.memref_squeeze %dma_start3A_141 : memref<1x64x200xi32, #tpu.memory_space<hbm>> -> memref<64x200xi32, #tpu.memory_space<hbm>>
        tpu.enqueue_dma source(%dma_start3A_142 : memref<64x200xi32, #tpu.memory_space<hbm>>) target(%arg5 : memref<64x200xi32, #tpu.memory_space<vmem>>) target_semaphore(%run_scoped3A : memref<!tpu.dma_semaphore, #tpu.memory_space<semaphore_mem>>)
        %dma_wait3A = arith.constant 0 : i32
        %dma_wait3A_143 = tpu.memref_slice %arg2[%add3A_70, %mul3A_131, %dma_wait3A] : memref<18x1600x200xi32, #tpu.memory_space<hbm>> -> memref<1x64x200xi32, #tpu.memory_space<hbm>>
        %dma_wait3A_144 = tpu.memref_squeeze %dma_wait3A_143 : memref<1x64x200xi32, #tpu.memory_space<hbm>> -> memref<64x200xi32, #tpu.memory_space<hbm>>
        %dma_wait3A_145 = arith.constant 0 : i32
        %dma_wait3A_146 = tpu.memref_slice %arg2[%add3A_70, %mul3A_131, %dma_wait3A_145] : memref<18x1600x200xi32, #tpu.memory_space<hbm>> -> memref<1x64x200xi32, #tpu.memory_space<hbm>>
        %dma_wait3A_147 = tpu.memref_squeeze %dma_wait3A_146 : memref<1x64x200xi32, #tpu.memory_space<hbm>> -> memref<64x200xi32, #tpu.memory_space<hbm>>
        tpu.wait_dma2 semaphore(%run_scoped3A : memref<!tpu.dma_semaphore, #tpu.memory_space<semaphore_mem>>) src(%dma_wait3A_147 : memref<64x200xi32, #tpu.memory_space<hbm>>) dst(%arg5 : memref<64x200xi32, #tpu.memory_space<vmem>>)
        tpu.yield
      }) : () -> ()
      %scan3A_132 = arith.constant 0 : i32
      %scan3A_133 = arith.constant 0 : i32
      %scan3A_134 = arith.constant 64 : i32
      %scan3A_135 = arith.addi %scan3A_133, %scan3A_134 : i32
      %scan3A_136 = arith.constant 2 : i32
      scf.for %scan3A_138 = %scan3A_133 to %scan3A_135 step %scan3A_136  : i32 {
        %scan3A_139 = arith.constant 0 : i32
        %scan3A_140 = arith.constant 0 : i32
        %mul3A_141 = arith.constant 16 : i32
        %mul3A_142 = arith.muli %scan3A_140, %mul3A_141 : i32
        %get3A = arith.index_cast %scan3A_138 : i32 to index
        %get3A_143 = arith.index_cast %mul3A_142 : i32 to index
        %get3A_144 = tpu.vector_load %arg5[%get3A, %get3A_143] {strides = array<i32>} : memref<64x200xi32, #tpu.memory_space<vmem>>, vector<16xi32>,
        %and3A_145 = arith.constant 65535 : i32
        %and3A_146 = vector.broadcast %and3A_145 : i32 to vector<16xi32>
        %and3A_147 = arith.andi %get3A_144, %and3A_146 : vector<16xi32>
        %shift_right_logical3A_148 = arith.constant 16 : i32
        %shift_right_logical3A_149 = vector.broadcast %shift_right_logical3A_148 : i32 to vector<16xi32>
        %shift_right_logical3A_150 = arith.shrui %get3A_144, %shift_right_logical3A_149 : vector<16xi32>
        %scatter3A = arith.constant 16384 : i32
        %scatter3A_151 = tpu.memref_slice %arg4[%scatter3A] : memref<32768xi32, #tpu.memory_space<vmem>> -> memref<16384xi32, #tpu.memory_space<vmem>>
        tpu.vector_store_idx %scatter3A_151[%and3A_147], %broadcast_in_dim3A_20 {add = true} : memref<16384xi32, #tpu.memory_space<vmem>>[vector<16xi32>], vector<16xi32>,
        %scatter3A_152 = arith.constant 16384 : i32
        %scatter3A_153 = tpu.memref_slice %arg4[%scatter3A_152] : memref<32768xi32, #tpu.memory_space<vmem>> -> memref<16384xi32, #tpu.memory_space<vmem>>
        tpu.vector_store_idx %scatter3A_153[%shift_right_logical3A_150], %broadcast_in_dim3A_20 {add = true} : memref<16384xi32, #tpu.memory_space<vmem>>[vector<16xi32>], vector<16xi32>,
        %scan3A_154 = arith.constant 1 : i32
        %mul3A_155 = arith.constant 16 : i32
        %mul3A_156 = arith.muli %scan3A_154, %mul3A_155 : i32
        %get3A_157 = arith.index_cast %scan3A_138 : i32 to index
        %get3A_158 = arith.index_cast %mul3A_156 : i32 to index
        %get3A_159 = tpu.vector_load %arg5[%get3A_157, %get3A_158] {strides = array<i32>} : memref<64x200xi32, #tpu.memory_space<vmem>>, vector<16xi32>,
        %and3A_160 = arith.constant 65535 : i32
        %and3A_161 = vector.broadcast %and3A_160 : i32 to vector<16xi32>
        %and3A_162 = arith.andi %get3A_159, %and3A_161 : vector<16xi32>
        %shift_right_logical3A_163 = arith.constant 16 : i32
        %shift_right_logical3A_164 = vector.broadcast %shift_right_logical3A_163 : i32 to vector<16xi32>
        %shift_right_logical3A_165 = arith.shrui %get3A_159, %shift_right_logical3A_164 : vector<16xi32>
        %scatter3A_166 = arith.constant 16384 : i32
        %scatter3A_167 = tpu.memref_slice %arg4[%scatter3A_166] : memref<32768xi32, #tpu.memory_space<vmem>> -> memref<16384xi32, #tpu.memory_space<vmem>>
        tpu.vector_store_idx %scatter3A_167[%and3A_162], %broadcast_in_dim3A_20 {add = true} : memref<16384xi32, #tpu.memory_space<vmem>>[vector<16xi32>], vector<16xi32>,
        %scatter3A_168 = arith.constant 16384 : i32
        %scatter3A_169 = tpu.memref_slice %arg4[%scatter3A_168] : memref<32768xi32, #tpu.memory_space<vmem>> -> memref<16384xi32, #tpu.memory_space<vmem>>
        tpu.vector_store_idx %scatter3A_169[%shift_right_logical3A_165], %broadcast_in_dim3A_20 {add = true} : memref<16384xi32, #tpu.memory_space<vmem>>[vector<16xi32>], vector<16xi32>,
        %scan3A_170 = arith.constant 2 : i32
        %mul3A_171 = arith.constant 16 : i32
        %mul3A_172 = arith.muli %scan3A_170, %mul3A_171 : i32
        %get3A_173 = arith.index_cast %scan3A_138 : i32 to index
        %get3A_174 = arith.index_cast %mul3A_172 : i32 to index
        %get3A_175 = tpu.vector_load %arg5[%get3A_173, %get3A_174] {strides = array<i32>} : memref<64x200xi32, #tpu.memory_space<vmem>>, vector<16xi32>,
        %and3A_176 = arith.constant 65535 : i32
        %and3A_177 = vector.broadcast %and3A_176 : i32 to vector<16xi32>
        %and3A_178 = arith.andi %get3A_175, %and3A_177 : vector<16xi32>
        %shift_right_logical3A_179 = arith.constant 16 : i32
        %shift_right_logical3A_180 = vector.broadcast %shift_right_logical3A_179 : i32 to vector<16xi32>
        %shift_right_logical3A_181 = arith.shrui %get3A_175, %shift_right_logical3A_180 : vector<16xi32>
        %scatter3A_182 = arith.constant 16384 : i32
        %scatter3A_183 = tpu.memref_slice %arg4[%scatter3A_182] : memref<32768xi32, #tpu.memory_space<vmem>> -> memref<16384xi32, #tpu.memory_space<vmem>>
        tpu.vector_store_idx %scatter3A_183[%and3A_178], %broadcast_in_dim3A_20 {add = true} : memref<16384xi32, #tpu.memory_space<vmem>>[vector<16xi32>], vector<16xi32>,
        %scatter3A_184 = arith.constant 16384 : i32
        %scatter3A_185 = tpu.memref_slice %arg4[%scatter3A_184] : memref<32768xi32, #tpu.memory_space<vmem>> -> memref<16384xi32, #tpu.memory_space<vmem>>
        tpu.vector_store_idx %scatter3A_185[%shift_right_logical3A_181], %broadcast_in_dim3A_20 {add = true} : memref<16384xi32, #tpu.memory_space<vmem>>[vector<16xi32>], vector<16xi32>,
        %scan3A_186 = arith.constant 3 : i32
        %mul3A_187 = arith.constant 16 : i32
        %mul3A_188 = arith.muli %scan3A_186, %mul3A_187 : i32
        %get3A_189 = arith.index_cast %scan3A_138 : i32 to index
        %get3A_190 = arith.index_cast %mul3A_188 : i32 to index
        %get3A_191 = tpu.vector_load %arg5[%get3A_189, %get3A_190] {strides = array<i32>} : memref<64x200xi32, #tpu.memory_space<vmem>>, vector<16xi32>,
        %and3A_192 = arith.constant 65535 : i32
        %and3A_193 = vector.broadcast %and3A_192 : i32 to vector<16xi32>
        %and3A_194 = arith.andi %get3A_191, %and3A_193 : vector<16xi32>
        %shift_right_logical3A_195 = arith.constant 16 : i32
        %shift_right_logical3A_196 = vector.broadcast %shift_right_logical3A_195 : i32 to vector<16xi32>
        %shift_right_logical3A_197 = arith.shrui %get3A_191, %shift_right_logical3A_196 : vector<16xi32>
        %scatter3A_198 = arith.constant 16384 : i32
        %scatter3A_199 = tpu.memref_slice %arg4[%scatter3A_198] : memref<32768xi32, #tpu.memory_space<vmem>> -> memref<16384xi32, #tpu.memory_space<vmem>>
        tpu.vector_store_idx %scatter3A_199[%and3A_194], %broadcast_in_dim3A_20 {add = true} : memref<16384xi32, #tpu.memory_space<vmem>>[vector<16xi32>], vector<16xi32>,
        %scatter3A_200 = arith.constant 16384 : i32
        %scatter3A_201 = tpu.memref_slice %arg4[%scatter3A_200] : memref<32768xi32, #tpu.memory_space<vmem>> -> memref<16384xi32, #tpu.memory_space<vmem>>
        tpu.vector_store_idx %scatter3A_201[%shift_right_logical3A_197], %broadcast_in_dim3A_20 {add = true} : memref<16384xi32, #tpu.memory_space<vmem>>[vector<16xi32>], vector<16xi32>,
        %scan3A_202 = arith.constant 4 : i32
        %mul3A_203 = arith.constant 16 : i32
        %mul3A_204 = arith.muli %scan3A_202, %mul3A_203 : i32
        %get3A_205 = arith.index_cast %scan3A_138 : i32 to index
        %get3A_206 = arith.index_cast %mul3A_204 : i32 to index
        %get3A_207 = tpu.vector_load %arg5[%get3A_205, %get3A_206] {strides = array<i32>} : memref<64x200xi32, #tpu.memory_space<vmem>>, vector<16xi32>,
        %and3A_208 = arith.constant 65535 : i32
        %and3A_209 = vector.broadcast %and3A_208 : i32 to vector<16xi32>
        %and3A_210 = arith.andi %get3A_207, %and3A_209 : vector<16xi32>
        %shift_right_logical3A_211 = arith.constant 16 : i32
        %shift_right_logical3A_212 = vector.broadcast %shift_right_logical3A_211 : i32 to vector<16xi32>
        %shift_right_logical3A_213 = arith.shrui %get3A_207, %shift_right_logical3A_212 : vector<16xi32>
        %scatter3A_214 = arith.constant 16384 : i32
        %scatter3A_215 = tpu.memref_slice %arg4[%scatter3A_214] : memref<32768xi32, #tpu.memory_space<vmem>> -> memref<16384xi32, #tpu.memory_space<vmem>>
        tpu.vector_store_idx %scatter3A_215[%and3A_210], %broadcast_in_dim3A_20 {add = true} : memref<16384xi32, #tpu.memory_space<vmem>>[vector<16xi32>], vector<16xi32>,
        %scatter3A_216 = arith.constant 16384 : i32
        %scatter3A_217 = tpu.memref_slice %arg4[%scatter3A_216] : memref<32768xi32, #tpu.memory_space<vmem>> -> memref<16384xi32, #tpu.memory_space<vmem>>
        tpu.vector_store_idx %scatter3A_217[%shift_right_logical3A_213], %broadcast_in_dim3A_20 {add = true} : memref<16384xi32, #tpu.memory_space<vmem>>[vector<16xi32>], vector<16xi32>,
        %scan3A_218 = arith.constant 5 : i32
        %mul3A_219 = arith.constant 16 : i32
        %mul3A_220 = arith.muli %scan3A_218, %mul3A_219 : i32
        %get3A_221 = arith.index_cast %scan3A_138 : i32 to index
        %get3A_222 = arith.index_cast %mul3A_220 : i32 to index
        %get3A_223 = tpu.vector_load %arg5[%get3A_221, %get3A_222] {strides = array<i32>} : memref<64x200xi32, #tpu.memory_space<vmem>>, vector<16xi32>,
        %and3A_224 = arith.constant 65535 : i32
        %and3A_225 = vector.broadcast %and3A_224 : i32 to vector<16xi32>
        %and3A_226 = arith.andi %get3A_223, %and3A_225 : vector<16xi32>
        %shift_right_logical3A_227 = arith.constant 16 : i32
        %shift_right_logical3A_228 = vector.broadcast %shift_right_logical3A_227 : i32 to vector<16xi32>
        %shift_right_logical3A_229 = arith.shrui %get3A_223, %shift_right_logical3A_228 : vector<16xi32>
        %scatter3A_230 = arith.constant 16384 : i32
        %scatter3A_231 = tpu.memref_slice %arg4[%scatter3A_230] : memref<32768xi32, #tpu.memory_space<vmem>> -> memref<16384xi32, #tpu.memory_space<vmem>>
        tpu.vector_store_idx %scatter3A_231[%and3A_226], %broadcast_in_dim3A_20 {add = true} : memref<16384xi32, #tpu.memory_space<vmem>>[vector<16xi32>], vector<16xi32>,
        %scatter3A_232 = arith.constant 16384 : i32
        %scatter3A_233 = tpu.memref_slice %arg4[%scatter3A_232] : memref<32768xi32, #tpu.memory_space<vmem>> -> memref<16384xi32, #tpu.memory_space<vmem>>
        tpu.vector_store_idx %scatter3A_233[%shift_right_logical3A_229], %broadcast_in_dim3A_20 {add = true} : memref<16384xi32, #tpu.memory_space<vmem>>[vector<16xi32>], vector<16xi32>,
        %scan3A_234 = arith.constant 6 : i32
        %mul3A_235 = arith.constant 16 : i32
        %mul3A_236 = arith.muli %scan3A_234, %mul3A_235 : i32
        %get3A_237 = arith.index_cast %scan3A_138 : i32 to index
        %get3A_238 = arith.index_cast %mul3A_236 : i32 to index
        %get3A_239 = tpu.vector_load %arg5[%get3A_237, %get3A_238] {strides = array<i32>} : memref<64x200xi32, #tpu.memory_space<vmem>>, vector<16xi32>,
        %and3A_240 = arith.constant 65535 : i32
        %and3A_241 = vector.broadcast %and3A_240 : i32 to vector<16xi32>
        %and3A_242 = arith.andi %get3A_239, %and3A_241 : vector<16xi32>
        %shift_right_logical3A_243 = arith.constant 16 : i32
        %shift_right_logical3A_244 = vector.broadcast %shift_right_logical3A_243 : i32 to vector<16xi32>
        %shift_right_logical3A_245 = arith.shrui %get3A_239, %shift_right_logical3A_244 : vector<16xi32>
        %scatter3A_246 = arith.constant 16384 : i32
        %scatter3A_247 = tpu.memref_slice %arg4[%scatter3A_246] : memref<32768xi32, #tpu.memory_space<vmem>> -> memref<16384xi32, #tpu.memory_space<vmem>>
        tpu.vector_store_idx %scatter3A_247[%and3A_242], %broadcast_in_dim3A_20 {add = true} : memref<16384xi32, #tpu.memory_space<vmem>>[vector<16xi32>], vector<16xi32>,
        %scatter3A_248 = arith.constant 16384 : i32
        %scatter3A_249 = tpu.memref_slice %arg4[%scatter3A_248] : memref<32768xi32, #tpu.memory_space<vmem>> -> memref<16384xi32, #tpu.memory_space<vmem>>
        tpu.vector_store_idx %scatter3A_249[%shift_right_logical3A_245], %broadcast_in_dim3A_20 {add = true} : memref<16384xi32, #tpu.memory_space<vmem>>[vector<16xi32>], vector<16xi32>,
        %scan3A_250 = arith.constant 7 : i32
        %mul3A_251 = arith.constant 16 : i32
        %mul3A_252 = arith.muli %scan3A_250, %mul3A_251 : i32
        %get3A_253 = arith.index_cast %scan3A_138 : i32 to index
        %get3A_254 = arith.index_cast %mul3A_252 : i32 to index
        %get3A_255 = tpu.vector_load %arg5[%get3A_253, %get3A_254] {strides = array<i32>} : memref<64x200xi32, #tpu.memory_space<vmem>>, vector<16xi32>,
        %and3A_256 = arith.constant 65535 : i32
        %and3A_257 = vector.broadcast %and3A_256 : i32 to vector<16xi32>
        %and3A_258 = arith.andi %get3A_255, %and3A_257 : vector<16xi32>
        %shift_right_logical3A_259 = arith.constant 16 : i32
        %shift_right_logical3A_260 = vector.broadcast %shift_right_logical3A_259 : i32 to vector<16xi32>
        %shift_right_logical3A_261 = arith.shrui %get3A_255, %shift_right_logical3A_260 : vector<16xi32>
        %scatter3A_262 = arith.constant 16384 : i32
        %scatter3A_263 = tpu.memref_slice %arg4[%scatter3A_262] : memref<32768xi32, #tpu.memory_space<vmem>> -> memref<16384xi32, #tpu.memory_space<vmem>>
        tpu.vector_store_idx %scatter3A_263[%and3A_258], %broadcast_in_dim3A_20 {add = true} : memref<16384xi32, #tpu.memory_space<vmem>>[vector<16xi32>], vector<16xi32>,
        %scatter3A_264 = arith.constant 16384 : i32
        %scatter3A_265 = tpu.memref_slice %arg4[%scatter3A_264] : memref<32768xi32, #tpu.memory_space<vmem>> -> memref<16384xi32, #tpu.memory_space<vmem>>
        tpu.vector_store_idx %scatter3A_265[%shift_right_logical3A_261], %broadcast_in_dim3A_20 {add = true} : memref<16384xi32, #tpu.memory_space<vmem>>[vector<16xi32>], vector<16xi32>,
        %scan3A_266 = arith.constant 8 : i32
        %mul3A_267 = arith.constant 16 : i32
        %mul3A_268 = arith.muli %scan3A_266, %mul3A_267 : i32
        %get3A_269 = arith.index_cast %scan3A_138 : i32 to index
        %get3A_270 = arith.index_cast %mul3A_268 : i32 to index
        %get3A_271 = tpu.vector_load %arg5[%get3A_269, %get3A_270] {strides = array<i32>} : memref<64x200xi32, #tpu.memory_space<vmem>>, vector<16xi32>,
        %and3A_272 = arith.constant 65535 : i32
        %and3A_273 = vector.broadcast %and3A_272 : i32 to vector<16xi32>
        %and3A_274 = arith.andi %get3A_271, %and3A_273 : vector<16xi32>
        %shift_right_logical3A_275 = arith.constant 16 : i32
        %shift_right_logical3A_276 = vector.broadcast %shift_right_logical3A_275 : i32 to vector<16xi32>
        %shift_right_logical3A_277 = arith.shrui %get3A_271, %shift_right_logical3A_276 : vector<16xi32>
        %scatter3A_278 = arith.constant 16384 : i32
        %scatter3A_279 = tpu.memref_slice %arg4[%scatter3A_278] : memref<32768xi32, #tpu.memory_space<vmem>> -> memref<16384xi32, #tpu.memory_space<vmem>>
        tpu.vector_store_idx %scatter3A_279[%and3A_274], %broadcast_in_dim3A_20 {add = true} : memref<16384xi32, #tpu.memory_space<vmem>>[vector<16xi32>], vector<16xi32>,
        %scatter3A_280 = arith.constant 16384 : i32
        %scatter3A_281 = tpu.memref_slice %arg4[%scatter3A_280] : memref<32768xi32, #tpu.memory_space<vmem>> -> memref<16384xi32, #tpu.memory_space<vmem>>
        tpu.vector_store_idx %scatter3A_281[%shift_right_logical3A_277], %broadcast_in_dim3A_20 {add = true} : memref<16384xi32, #tpu.memory_space<vmem>>[vector<16xi32>], vector<16xi32>,
        %scan3A_282 = arith.constant 9 : i32
        %mul3A_283 = arith.constant 16 : i32
        %mul3A_284 = arith.muli %scan3A_282, %mul3A_283 : i32
        %get3A_285 = arith.index_cast %scan3A_138 : i32 to index
        %get3A_286 = arith.index_cast %mul3A_284 : i32 to index
        %get3A_287 = tpu.vector_load %arg5[%get3A_285, %get3A_286] {strides = array<i32>} : memref<64x200xi32, #tpu.memory_space<vmem>>, vector<16xi32>,
        %and3A_288 = arith.constant 65535 : i32
        %and3A_289 = vector.broadcast %and3A_288 : i32 to vector<16xi32>
        %and3A_290 = arith.andi %get3A_287, %and3A_289 : vector<16xi32>
        %shift_right_logical3A_291 = arith.constant 16 : i32
        %shift_right_logical3A_292 = vector.broadcast %shift_right_logical3A_291 : i32 to vector<16xi32>
        %shift_right_logical3A_293 = arith.shrui %get3A_287, %shift_right_logical3A_292 : vector<16xi32>
        %scatter3A_294 = arith.constant 16384 : i32
        %scatter3A_295 = tpu.memref_slice %arg4[%scatter3A_294] : memref<32768xi32, #tpu.memory_space<vmem>> -> memref<16384xi32, #tpu.memory_space<vmem>>
        tpu.vector_store_idx %scatter3A_295[%and3A_290], %broadcast_in_dim3A_20 {add = true} : memref<16384xi32, #tpu.memory_space<vmem>>[vector<16xi32>], vector<16xi32>,
        %scatter3A_296 = arith.constant 16384 : i32
        %scatter3A_297 = tpu.memref_slice %arg4[%scatter3A_296] : memref<32768xi32, #tpu.memory_space<vmem>> -> memref<16384xi32, #tpu.memory_space<vmem>>
        tpu.vector_store_idx %scatter3A_297[%shift_right_logical3A_293], %broadcast_in_dim3A_20 {add = true} : memref<16384xi32, #tpu.memory_space<vmem>>[vector<16xi32>], vector<16xi32>,
        %scan3A_298 = arith.constant 10 : i32
        %mul3A_299 = arith.constant 16 : i32
        %mul3A_300 = arith.muli %scan3A_298, %mul3A_299 : i32
        %get3A_301 = arith.index_cast %scan3A_138 : i32 to index
        %get3A_302 = arith.index_cast %mul3A_300 : i32 to index
        %get3A_303 = tpu.vector_load %arg5[%get3A_301, %get3A_302] {strides = array<i32>} : memref<64x200xi32, #tpu.memory_space<vmem>>, vector<16xi32>,
        %and3A_304 = arith.constant 65535 : i32
        %and3A_305 = vector.broadcast %and3A_304 : i32 to vector<16xi32>
        %and3A_306 = arith.andi %get3A_303, %and3A_305 : vector<16xi32>
        %shift_right_logical3A_307 = arith.constant 16 : i32
        %shift_right_logical3A_308 = vector.broadcast %shift_right_logical3A_307 : i32 to vector<16xi32>
        %shift_right_logical3A_309 = arith.shrui %get3A_303, %shift_right_logical3A_308 : vector<16xi32>
        %scatter3A_310 = arith.constant 16384 : i32
        %scatter3A_311 = tpu.memref_slice %arg4[%scatter3A_310] : memref<32768xi32, #tpu.memory_space<vmem>> -> memref<16384xi32, #tpu.memory_space<vmem>>
        tpu.vector_store_idx %scatter3A_311[%and3A_306], %broadcast_in_dim3A_20 {add = true} : memref<16384xi32, #tpu.memory_space<vmem>>[vector<16xi32>], vector<16xi32>,
        %scatter3A_312 = arith.constant 16384 : i32
        %scatter3A_313 = tpu.memref_slice %arg4[%scatter3A_312] : memref<32768xi32, #tpu.memory_space<vmem>> -> memref<16384xi32, #tpu.memory_space<vmem>>
        tpu.vector_store_idx %scatter3A_313[%shift_right_logical3A_309], %broadcast_in_dim3A_20 {add = true} : memref<16384xi32, #tpu.memory_space<vmem>>[vector<16xi32>], vector<16xi32>,
        %scan3A_314 = arith.constant 11 : i32
        %mul3A_315 = arith.constant 16 : i32
        %mul3A_316 = arith.muli %scan3A_314, %mul3A_315 : i32
        %get3A_317 = arith.index_cast %scan3A_138 : i32 to index
        %get3A_318 = arith.index_cast %mul3A_316 : i32 to index
        %get3A_319 = tpu.vector_load %arg5[%get3A_317, %get3A_318] {strides = array<i32>} : memref<64x200xi32, #tpu.memory_space<vmem>>, vector<16xi32>,
        %and3A_320 = arith.constant 65535 : i32
        %and3A_321 = vector.broadcast %and3A_320 : i32 to vector<16xi32>
        %and3A_322 = arith.andi %get3A_319, %and3A_321 : vector<16xi32>
        %shift_right_logical3A_323 = arith.constant 16 : i32
        %shift_right_logical3A_324 = vector.broadcast %shift_right_logical3A_323 : i32 to vector<16xi32>
        %shift_right_logical3A_325 = arith.shrui %get3A_319, %shift_right_logical3A_324 : vector<16xi32>
        %scatter3A_326 = arith.constant 16384 : i32
        %scatter3A_327 = tpu.memref_slice %arg4[%scatter3A_326] : memref<32768xi32, #tpu.memory_space<vmem>> -> memref<16384xi32, #tpu.memory_space<vmem>>
        tpu.vector_store_idx %scatter3A_327[%and3A_322], %broadcast_in_dim3A_20 {add = true} : memref<16384xi32, #tpu.memory_space<vmem>>[vector<16xi32>], vector<16xi32>,
        %scatter3A_328 = arith.constant 16384 : i32
        %scatter3A_329 = tpu.memref_slice %arg4[%scatter3A_328] : memref<32768xi32, #tpu.memory_space<vmem>> -> memref<16384xi32, #tpu.memory_space<vmem>>
        tpu.vector_store_idx %scatter3A_329[%shift_right_logical3A_325], %broadcast_in_dim3A_20 {add = true} : memref<16384xi32, #tpu.memory_space<vmem>>[vector<16xi32>], vector<16xi32>,
        %scan3A_330 = arith.constant 12 : i32
        %get3A_331 = arith.index_cast %scan3A_138 : i32 to index
        %get3A_332 = arith.constant 184 : index
        %get3A_333 = tpu.vector_load %arg5[%get3A_331, %get3A_332] {strides = array<i32>} : memref<64x200xi32, #tpu.memory_space<vmem>>, vector<16xi32>,
        %and3A_334 = arith.constant 65535 : i32
        %and3A_335 = vector.broadcast %and3A_334 : i32 to vector<16xi32>
        %and3A_336 = arith.andi %get3A_333, %and3A_335 : vector<16xi32>
        %shift_right_logical3A_337 = arith.constant 16 : i32
        %shift_right_logical3A_338 = vector.broadcast %shift_right_logical3A_337 : i32 to vector<16xi32>
        %shift_right_logical3A_339 = arith.shrui %get3A_333, %shift_right_logical3A_338 : vector<16xi32>
        %scatter3A_340 = arith.constant 16384 : i32
        %scatter3A_341 = tpu.memref_slice %arg4[%scatter3A_340] : memref<32768xi32, #tpu.memory_space<vmem>> -> memref<16384xi32, #tpu.memory_space<vmem>>
        tpu.vector_store_idx %scatter3A_341[%and3A_336], %broadcast_in_dim3A_20 masked %ge3A_22 {add = true} : memref<16384xi32, #tpu.memory_space<vmem>>[vector<16xi32>], vector<16xi32>, vector<16xi1>
        %scatter3A_342 = arith.constant 16384 : i32
        %scatter3A_343 = tpu.memref_slice %arg4[%scatter3A_342] : memref<32768xi32, #tpu.memory_space<vmem>> -> memref<16384xi32, #tpu.memory_space<vmem>>
        tpu.vector_store_idx %scatter3A_343[%shift_right_logical3A_339], %broadcast_in_dim3A_20 masked %ge3A_22 {add = true} : memref<16384xi32, #tpu.memory_space<vmem>>[vector<16xi32>], vector<16xi32>, vector<16xi1>
        %scan3A_344 = arith.constant 1 : i32
        %scan3A_345 = arith.addi %scan3A_138, %scan3A_344 : i32
        %scan3A_346 = arith.constant 0 : i32
        %scan3A_347 = arith.constant 0 : i32
        %mul3A_348 = arith.constant 16 : i32
        %mul3A_349 = arith.muli %scan3A_347, %mul3A_348 : i32
        %get3A_350 = arith.index_cast %scan3A_345 : i32 to index
        %get3A_351 = arith.index_cast %mul3A_349 : i32 to index
        %get3A_352 = tpu.vector_load %arg5[%get3A_350, %get3A_351] {strides = array<i32>} : memref<64x200xi32, #tpu.memory_space<vmem>>, vector<16xi32>,
        %and3A_353 = arith.constant 65535 : i32
        %and3A_354 = vector.broadcast %and3A_353 : i32 to vector<16xi32>
        %and3A_355 = arith.andi %get3A_352, %and3A_354 : vector<16xi32>
        %shift_right_logical3A_356 = arith.constant 16 : i32
        %shift_right_logical3A_357 = vector.broadcast %shift_right_logical3A_356 : i32 to vector<16xi32>
        %shift_right_logical3A_358 = arith.shrui %get3A_352, %shift_right_logical3A_357 : vector<16xi32>
        %scatter3A_359 = arith.constant 16384 : i32
        %scatter3A_360 = tpu.memref_slice %arg4[%scatter3A_359] : memref<32768xi32, #tpu.memory_space<vmem>> -> memref<16384xi32, #tpu.memory_space<vmem>>
        tpu.vector_store_idx %scatter3A_360[%and3A_355], %broadcast_in_dim3A_20 {add = true} : memref<16384xi32, #tpu.memory_space<vmem>>[vector<16xi32>], vector<16xi32>,
        %scatter3A_361 = arith.constant 16384 : i32
        %scatter3A_362 = tpu.memref_slice %arg4[%scatter3A_361] : memref<32768xi32, #tpu.memory_space<vmem>> -> memref<16384xi32, #tpu.memory_space<vmem>>
        tpu.vector_store_idx %scatter3A_362[%shift_right_logical3A_358], %broadcast_in_dim3A_20 {add = true} : memref<16384xi32, #tpu.memory_space<vmem>>[vector<16xi32>], vector<16xi32>,
        %scan3A_363 = arith.constant 1 : i32
        %mul3A_364 = arith.constant 16 : i32
        %mul3A_365 = arith.muli %scan3A_363, %mul3A_364 : i32
        %get3A_366 = arith.index_cast %scan3A_345 : i32 to index
        %get3A_367 = arith.index_cast %mul3A_365 : i32 to index
        %get3A_368 = tpu.vector_load %arg5[%get3A_366, %get3A_367] {strides = array<i32>} : memref<64x200xi32, #tpu.memory_space<vmem>>, vector<16xi32>,
        %and3A_369 = arith.constant 65535 : i32
        %and3A_370 = vector.broadcast %and3A_369 : i32 to vector<16xi32>
        %and3A_371 = arith.andi %get3A_368, %and3A_370 : vector<16xi32>
        %shift_right_logical3A_372 = arith.constant 16 : i32
        %shift_right_logical3A_373 = vector.broadcast %shift_right_logical3A_372 : i32 to vector<16xi32>
        %shift_right_logical3A_374 = arith.shrui %get3A_368, %shift_right_logical3A_373 : vector<16xi32>
        %scatter3A_375 = arith.constant 16384 : i32
        %scatter3A_376 = tpu.memref_slice %arg4[%scatter3A_375] : memref<32768xi32, #tpu.memory_space<vmem>> -> memref<16384xi32, #tpu.memory_space<vmem>>
        tpu.vector_store_idx %scatter3A_376[%and3A_371], %broadcast_in_dim3A_20 {add = true} : memref<16384xi32, #tpu.memory_space<vmem>>[vector<16xi32>], vector<16xi32>,
        %scatter3A_377 = arith.constant 16384 : i32
        %scatter3A_378 = tpu.memref_slice %arg4[%scatter3A_377] : memref<32768xi32, #tpu.memory_space<vmem>> -> memref<16384xi32, #tpu.memory_space<vmem>>
        tpu.vector_store_idx %scatter3A_378[%shift_right_logical3A_374], %broadcast_in_dim3A_20 {add = true} : memref<16384xi32, #tpu.memory_space<vmem>>[vector<16xi32>], vector<16xi32>,
        %scan3A_379 = arith.constant 2 : i32
        %mul3A_380 = arith.constant 16 : i32
        %mul3A_381 = arith.muli %scan3A_379, %mul3A_380 : i32
        %get3A_382 = arith.index_cast %scan3A_345 : i32 to index
        %get3A_383 = arith.index_cast %mul3A_381 : i32 to index
        %get3A_384 = tpu.vector_load %arg5[%get3A_382, %get3A_383] {strides = array<i32>} : memref<64x200xi32, #tpu.memory_space<vmem>>, vector<16xi32>,
        %and3A_385 = arith.constant 65535 : i32
        %and3A_386 = vector.broadcast %and3A_385 : i32 to vector<16xi32>
        %and3A_387 = arith.andi %get3A_384, %and3A_386 : vector<16xi32>
        %shift_right_logical3A_388 = arith.constant 16 : i32
        %shift_right_logical3A_389 = vector.broadcast %shift_right_logical3A_388 : i32 to vector<16xi32>
        %shift_right_logical3A_390 = arith.shrui %get3A_384, %shift_right_logical3A_389 : vector<16xi32>
        %scatter3A_391 = arith.constant 16384 : i32
        %scatter3A_392 = tpu.memref_slice %arg4[%scatter3A_391] : memref<32768xi32, #tpu.memory_space<vmem>> -> memref<16384xi32, #tpu.memory_space<vmem>>
        tpu.vector_store_idx %scatter3A_392[%and3A_387], %broadcast_in_dim3A_20 {add = true} : memref<16384xi32, #tpu.memory_space<vmem>>[vector<16xi32>], vector<16xi32>,
        %scatter3A_393 = arith.constant 16384 : i32
        %scatter3A_394 = tpu.memref_slice %arg4[%scatter3A_393] : memref<32768xi32, #tpu.memory_space<vmem>> -> memref<16384xi32, #tpu.memory_space<vmem>>
        tpu.vector_store_idx %scatter3A_394[%shift_right_logical3A_390], %broadcast_in_dim3A_20 {add = true} : memref<16384xi32, #tpu.memory_space<vmem>>[vector<16xi32>], vector<16xi32>,
        %scan3A_395 = arith.constant 3 : i32
        %mul3A_396 = arith.constant 16 : i32
        %mul3A_397 = arith.muli %scan3A_395, %mul3A_396 : i32
        %get3A_398 = arith.index_cast %scan3A_345 : i32 to index
        %get3A_399 = arith.index_cast %mul3A_397 : i32 to index
        %get3A_400 = tpu.vector_load %arg5[%get3A_398, %get3A_399] {strides = array<i32>} : memref<64x200xi32, #tpu.memory_space<vmem>>, vector<16xi32>,
        %and3A_401 = arith.constant 65535 : i32
        %and3A_402 = vector.broadcast %and3A_401 : i32 to vector<16xi32>
        %and3A_403 = arith.andi %get3A_400, %and3A_402 : vector<16xi32>
        %shift_right_logical3A_404 = arith.constant 16 : i32
        %shift_right_logical3A_405 = vector.broadcast %shift_right_logical3A_404 : i32 to vector<16xi32>
        %shift_right_logical3A_406 = arith.shrui %get3A_400, %shift_right_logical3A_405 : vector<16xi32>
        %scatter3A_407 = arith.constant 16384 : i32
        %scatter3A_408 = tpu.memref_slice %arg4[%scatter3A_407] : memref<32768xi32, #tpu.memory_space<vmem>> -> memref<16384xi32, #tpu.memory_space<vmem>>
        tpu.vector_store_idx %scatter3A_408[%and3A_403], %broadcast_in_dim3A_20 {add = true} : memref<16384xi32, #tpu.memory_space<vmem>>[vector<16xi32>], vector<16xi32>,
        %scatter3A_409 = arith.constant 16384 : i32
        %scatter3A_410 = tpu.memref_slice %arg4[%scatter3A_409] : memref<32768xi32, #tpu.memory_space<vmem>> -> memref<16384xi32, #tpu.memory_space<vmem>>
        tpu.vector_store_idx %scatter3A_410[%shift_right_logical3A_406], %broadcast_in_dim3A_20 {add = true} : memref<16384xi32, #tpu.memory_space<vmem>>[vector<16xi32>], vector<16xi32>,
        %scan3A_411 = arith.constant 4 : i32
        %mul3A_412 = arith.constant 16 : i32
        %mul3A_413 = arith.muli %scan3A_411, %mul3A_412 : i32
        %get3A_414 = arith.index_cast %scan3A_345 : i32 to index
        %get3A_415 = arith.index_cast %mul3A_413 : i32 to index
        %get3A_416 = tpu.vector_load %arg5[%get3A_414, %get3A_415] {strides = array<i32>} : memref<64x200xi32, #tpu.memory_space<vmem>>, vector<16xi32>,
        %and3A_417 = arith.constant 65535 : i32
        %and3A_418 = vector.broadcast %and3A_417 : i32 to vector<16xi32>
        %and3A_419 = arith.andi %get3A_416, %and3A_418 : vector<16xi32>
        %shift_right_logical3A_420 = arith.constant 16 : i32
        %shift_right_logical3A_421 = vector.broadcast %shift_right_logical3A_420 : i32 to vector<16xi32>
        %shift_right_logical3A_422 = arith.shrui %get3A_416, %shift_right_logical3A_421 : vector<16xi32>
        %scatter3A_423 = arith.constant 16384 : i32
        %scatter3A_424 = tpu.memref_slice %arg4[%scatter3A_423] : memref<32768xi32, #tpu.memory_space<vmem>> -> memref<16384xi32, #tpu.memory_space<vmem>>
        tpu.vector_store_idx %scatter3A_424[%and3A_419], %broadcast_in_dim3A_20 {add = true} : memref<16384xi32, #tpu.memory_space<vmem>>[vector<16xi32>], vector<16xi32>,
        %scatter3A_425 = arith.constant 16384 : i32
        %scatter3A_426 = tpu.memref_slice %arg4[%scatter3A_425] : memref<32768xi32, #tpu.memory_space<vmem>> -> memref<16384xi32, #tpu.memory_space<vmem>>
        tpu.vector_store_idx %scatter3A_426[%shift_right_logical3A_422], %broadcast_in_dim3A_20 {add = true} : memref<16384xi32, #tpu.memory_space<vmem>>[vector<16xi32>], vector<16xi32>,
        %scan3A_427 = arith.constant 5 : i32
        %mul3A_428 = arith.constant 16 : i32
        %mul3A_429 = arith.muli %scan3A_427, %mul3A_428 : i32
        %get3A_430 = arith.index_cast %scan3A_345 : i32 to index
        %get3A_431 = arith.index_cast %mul3A_429 : i32 to index
        %get3A_432 = tpu.vector_load %arg5[%get3A_430, %get3A_431] {strides = array<i32>} : memref<64x200xi32, #tpu.memory_space<vmem>>, vector<16xi32>,
        %and3A_433 = arith.constant 65535 : i32
        %and3A_434 = vector.broadcast %and3A_433 : i32 to vector<16xi32>
        %and3A_435 = arith.andi %get3A_432, %and3A_434 : vector<16xi32>
        %shift_right_logical3A_436 = arith.constant 16 : i32
        %shift_right_logical3A_437 = vector.broadcast %shift_right_logical3A_436 : i32 to vector<16xi32>
        %shift_right_logical3A_438 = arith.shrui %get3A_432, %shift_right_logical3A_437 : vector<16xi32>
        %scatter3A_439 = arith.constant 16384 : i32
        %scatter3A_440 = tpu.memref_slice %arg4[%scatter3A_439] : memref<32768xi32, #tpu.memory_space<vmem>> -> memref<16384xi32, #tpu.memory_space<vmem>>
        tpu.vector_store_idx %scatter3A_440[%and3A_435], %broadcast_in_dim3A_20 {add = true} : memref<16384xi32, #tpu.memory_space<vmem>>[vector<16xi32>], vector<16xi32>,
        %scatter3A_441 = arith.constant 16384 : i32
        %scatter3A_442 = tpu.memref_slice %arg4[%scatter3A_441] : memref<32768xi32, #tpu.memory_space<vmem>> -> memref<16384xi32, #tpu.memory_space<vmem>>
        tpu.vector_store_idx %scatter3A_442[%shift_right_logical3A_438], %broadcast_in_dim3A_20 {add = true} : memref<16384xi32, #tpu.memory_space<vmem>>[vector<16xi32>], vector<16xi32>,
        %scan3A_443 = arith.constant 6 : i32
        %mul3A_444 = arith.constant 16 : i32
        %mul3A_445 = arith.muli %scan3A_443, %mul3A_444 : i32
        %get3A_446 = arith.index_cast %scan3A_345 : i32 to index
        %get3A_447 = arith.index_cast %mul3A_445 : i32 to index
        %get3A_448 = tpu.vector_load %arg5[%get3A_446, %get3A_447] {strides = array<i32>} : memref<64x200xi32, #tpu.memory_space<vmem>>, vector<16xi32>,
        %and3A_449 = arith.constant 65535 : i32
        %and3A_450 = vector.broadcast %and3A_449 : i32 to vector<16xi32>
        %and3A_451 = arith.andi %get3A_448, %and3A_450 : vector<16xi32>
        %shift_right_logical3A_452 = arith.constant 16 : i32
        %shift_right_logical3A_453 = vector.broadcast %shift_right_logical3A_452 : i32 to vector<16xi32>
        %shift_right_logical3A_454 = arith.shrui %get3A_448, %shift_right_logical3A_453 : vector<16xi32>
        %scatter3A_455 = arith.constant 16384 : i32
        %scatter3A_456 = tpu.memref_slice %arg4[%scatter3A_455] : memref<32768xi32, #tpu.memory_space<vmem>> -> memref<16384xi32, #tpu.memory_space<vmem>>
        tpu.vector_store_idx %scatter3A_456[%and3A_451], %broadcast_in_dim3A_20 {add = true} : memref<16384xi32, #tpu.memory_space<vmem>>[vector<16xi32>], vector<16xi32>,
        %scatter3A_457 = arith.constant 16384 : i32
        %scatter3A_458 = tpu.memref_slice %arg4[%scatter3A_457] : memref<32768xi32, #tpu.memory_space<vmem>> -> memref<16384xi32, #tpu.memory_space<vmem>>
        tpu.vector_store_idx %scatter3A_458[%shift_right_logical3A_454], %broadcast_in_dim3A_20 {add = true} : memref<16384xi32, #tpu.memory_space<vmem>>[vector<16xi32>], vector<16xi32>,
        %scan3A_459 = arith.constant 7 : i32
        %mul3A_460 = arith.constant 16 : i32
        %mul3A_461 = arith.muli %scan3A_459, %mul3A_460 : i32
        %get3A_462 = arith.index_cast %scan3A_345 : i32 to index
        %get3A_463 = arith.index_cast %mul3A_461 : i32 to index
        %get3A_464 = tpu.vector_load %arg5[%get3A_462, %get3A_463] {strides = array<i32>} : memref<64x200xi32, #tpu.memory_space<vmem>>, vector<16xi32>,
        %and3A_465 = arith.constant 65535 : i32
        %and3A_466 = vector.broadcast %and3A_465 : i32 to vector<16xi32>
        %and3A_467 = arith.andi %get3A_464, %and3A_466 : vector<16xi32>
        %shift_right_logical3A_468 = arith.constant 16 : i32
        %shift_right_logical3A_469 = vector.broadcast %shift_right_logical3A_468 : i32 to vector<16xi32>
        %shift_right_logical3A_470 = arith.shrui %get3A_464, %shift_right_logical3A_469 : vector<16xi32>
        %scatter3A_471 = arith.constant 16384 : i32
        %scatter3A_472 = tpu.memref_slice %arg4[%scatter3A_471] : memref<32768xi32, #tpu.memory_space<vmem>> -> memref<16384xi32, #tpu.memory_space<vmem>>
        tpu.vector_store_idx %scatter3A_472[%and3A_467], %broadcast_in_dim3A_20 {add = true} : memref<16384xi32, #tpu.memory_space<vmem>>[vector<16xi32>], vector<16xi32>,
        %scatter3A_473 = arith.constant 16384 : i32
        %scatter3A_474 = tpu.memref_slice %arg4[%scatter3A_473] : memref<32768xi32, #tpu.memory_space<vmem>> -> memref<16384xi32, #tpu.memory_space<vmem>>
        tpu.vector_store_idx %scatter3A_474[%shift_right_logical3A_470], %broadcast_in_dim3A_20 {add = true} : memref<16384xi32, #tpu.memory_space<vmem>>[vector<16xi32>], vector<16xi32>,
        %scan3A_475 = arith.constant 8 : i32
        %mul3A_476 = arith.constant 16 : i32
        %mul3A_477 = arith.muli %scan3A_475, %mul3A_476 : i32
        %get3A_478 = arith.index_cast %scan3A_345 : i32 to index
        %get3A_479 = arith.index_cast %mul3A_477 : i32 to index
        %get3A_480 = tpu.vector_load %arg5[%get3A_478, %get3A_479] {strides = array<i32>} : memref<64x200xi32, #tpu.memory_space<vmem>>, vector<16xi32>,
        %and3A_481 = arith.constant 65535 : i32
        %and3A_482 = vector.broadcast %and3A_481 : i32 to vector<16xi32>
        %and3A_483 = arith.andi %get3A_480, %and3A_482 : vector<16xi32>
        %shift_right_logical3A_484 = arith.constant 16 : i32
        %shift_right_logical3A_485 = vector.broadcast %shift_right_logical3A_484 : i32 to vector<16xi32>
        %shift_right_logical3A_486 = arith.shrui %get3A_480, %shift_right_logical3A_485 : vector<16xi32>
        %scatter3A_487 = arith.constant 16384 : i32
        %scatter3A_488 = tpu.memref_slice %arg4[%scatter3A_487] : memref<32768xi32, #tpu.memory_space<vmem>> -> memref<16384xi32, #tpu.memory_space<vmem>>
        tpu.vector_store_idx %scatter3A_488[%and3A_483], %broadcast_in_dim3A_20 {add = true} : memref<16384xi32, #tpu.memory_space<vmem>>[vector<16xi32>], vector<16xi32>,
        %scatter3A_489 = arith.constant 16384 : i32
        %scatter3A_490 = tpu.memref_slice %arg4[%scatter3A_489] : memref<32768xi32, #tpu.memory_space<vmem>> -> memref<16384xi32, #tpu.memory_space<vmem>>
        tpu.vector_store_idx %scatter3A_490[%shift_right_logical3A_486], %broadcast_in_dim3A_20 {add = true} : memref<16384xi32, #tpu.memory_space<vmem>>[vector<16xi32>], vector<16xi32>,
        %scan3A_491 = arith.constant 9 : i32
        %mul3A_492 = arith.constant 16 : i32
        %mul3A_493 = arith.muli %scan3A_491, %mul3A_492 : i32
        %get3A_494 = arith.index_cast %scan3A_345 : i32 to index
        %get3A_495 = arith.index_cast %mul3A_493 : i32 to index
        %get3A_496 = tpu.vector_load %arg5[%get3A_494, %get3A_495] {strides = array<i32>} : memref<64x200xi32, #tpu.memory_space<vmem>>, vector<16xi32>,
        %and3A_497 = arith.constant 65535 : i32
        %and3A_498 = vector.broadcast %and3A_497 : i32 to vector<16xi32>
        %and3A_499 = arith.andi %get3A_496, %and3A_498 : vector<16xi32>
        %shift_right_logical3A_500 = arith.constant 16 : i32
        %shift_right_logical3A_501 = vector.broadcast %shift_right_logical3A_500 : i32 to vector<16xi32>
        %shift_right_logical3A_502 = arith.shrui %get3A_496, %shift_right_logical3A_501 : vector<16xi32>
        %scatter3A_503 = arith.constant 16384 : i32
        %scatter3A_504 = tpu.memref_slice %arg4[%scatter3A_503] : memref<32768xi32, #tpu.memory_space<vmem>> -> memref<16384xi32, #tpu.memory_space<vmem>>
        tpu.vector_store_idx %scatter3A_504[%and3A_499], %broadcast_in_dim3A_20 {add = true} : memref<16384xi32, #tpu.memory_space<vmem>>[vector<16xi32>], vector<16xi32>,
        %scatter3A_505 = arith.constant 16384 : i32
        %scatter3A_506 = tpu.memref_slice %arg4[%scatter3A_505] : memref<32768xi32, #tpu.memory_space<vmem>> -> memref<16384xi32, #tpu.memory_space<vmem>>
        tpu.vector_store_idx %scatter3A_506[%shift_right_logical3A_502], %broadcast_in_dim3A_20 {add = true} : memref<16384xi32, #tpu.memory_space<vmem>>[vector<16xi32>], vector<16xi32>,
        %scan3A_507 = arith.constant 10 : i32
        %mul3A_508 = arith.constant 16 : i32
        %mul3A_509 = arith.muli %scan3A_507, %mul3A_508 : i32
        %get3A_510 = arith.index_cast %scan3A_345 : i32 to index
        %get3A_511 = arith.index_cast %mul3A_509 : i32 to index
        %get3A_512 = tpu.vector_load %arg5[%get3A_510, %get3A_511] {strides = array<i32>} : memref<64x200xi32, #tpu.memory_space<vmem>>, vector<16xi32>,
        %and3A_513 = arith.constant 65535 : i32
        %and3A_514 = vector.broadcast %and3A_513 : i32 to vector<16xi32>
        %and3A_515 = arith.andi %get3A_512, %and3A_514 : vector<16xi32>
        %shift_right_logical3A_516 = arith.constant 16 : i32
        %shift_right_logical3A_517 = vector.broadcast %shift_right_logical3A_516 : i32 to vector<16xi32>
        %shift_right_logical3A_518 = arith.shrui %get3A_512, %shift_right_logical3A_517 : vector<16xi32>
        %scatter3A_519 = arith.constant 16384 : i32
        %scatter3A_520 = tpu.memref_slice %arg4[%scatter3A_519] : memref<32768xi32, #tpu.memory_space<vmem>> -> memref<16384xi32, #tpu.memory_space<vmem>>
        tpu.vector_store_idx %scatter3A_520[%and3A_515], %broadcast_in_dim3A_20 {add = true} : memref<16384xi32, #tpu.memory_space<vmem>>[vector<16xi32>], vector<16xi32>,
        %scatter3A_521 = arith.constant 16384 : i32
        %scatter3A_522 = tpu.memref_slice %arg4[%scatter3A_521] : memref<32768xi32, #tpu.memory_space<vmem>> -> memref<16384xi32, #tpu.memory_space<vmem>>
        tpu.vector_store_idx %scatter3A_522[%shift_right_logical3A_518], %broadcast_in_dim3A_20 {add = true} : memref<16384xi32, #tpu.memory_space<vmem>>[vector<16xi32>], vector<16xi32>,
        %scan3A_523 = arith.constant 11 : i32
        %mul3A_524 = arith.constant 16 : i32
        %mul3A_525 = arith.muli %scan3A_523, %mul3A_524 : i32
        %get3A_526 = arith.index_cast %scan3A_345 : i32 to index
        %get3A_527 = arith.index_cast %mul3A_525 : i32 to index
        %get3A_528 = tpu.vector_load %arg5[%get3A_526, %get3A_527] {strides = array<i32>} : memref<64x200xi32, #tpu.memory_space<vmem>>, vector<16xi32>,
        %and3A_529 = arith.constant 65535 : i32
        %and3A_530 = vector.broadcast %and3A_529 : i32 to vector<16xi32>
        %and3A_531 = arith.andi %get3A_528, %and3A_530 : vector<16xi32>
        %shift_right_logical3A_532 = arith.constant 16 : i32
        %shift_right_logical3A_533 = vector.broadcast %shift_right_logical3A_532 : i32 to vector<16xi32>
        %shift_right_logical3A_534 = arith.shrui %get3A_528, %shift_right_logical3A_533 : vector<16xi32>
        %scatter3A_535 = arith.constant 16384 : i32
        %scatter3A_536 = tpu.memref_slice %arg4[%scatter3A_535] : memref<32768xi32, #tpu.memory_space<vmem>> -> memref<16384xi32, #tpu.memory_space<vmem>>
        tpu.vector_store_idx %scatter3A_536[%and3A_531], %broadcast_in_dim3A_20 {add = true} : memref<16384xi32, #tpu.memory_space<vmem>>[vector<16xi32>], vector<16xi32>,
        %scatter3A_537 = arith.constant 16384 : i32
        %scatter3A_538 = tpu.memref_slice %arg4[%scatter3A_537] : memref<32768xi32, #tpu.memory_space<vmem>> -> memref<16384xi32, #tpu.memory_space<vmem>>
        tpu.vector_store_idx %scatter3A_538[%shift_right_logical3A_534], %broadcast_in_dim3A_20 {add = true} : memref<16384xi32, #tpu.memory_space<vmem>>[vector<16xi32>], vector<16xi32>,
        %scan3A_539 = arith.constant 12 : i32
        %get3A_540 = arith.index_cast %scan3A_345 : i32 to index
        %get3A_541 = arith.constant 184 : index
        %get3A_542 = tpu.vector_load %arg5[%get3A_540, %get3A_541] {strides = array<i32>} : memref<64x200xi32, #tpu.memory_space<vmem>>, vector<16xi32>,
        %and3A_543 = arith.constant 65535 : i32
        %and3A_544 = vector.broadcast %and3A_543 : i32 to vector<16xi32>
        %and3A_545 = arith.andi %get3A_542, %and3A_544 : vector<16xi32>
        %shift_right_logical3A_546 = arith.constant 16 : i32
        %shift_right_logical3A_547 = vector.broadcast %shift_right_logical3A_546 : i32 to vector<16xi32>
        %shift_right_logical3A_548 = arith.shrui %get3A_542, %shift_right_logical3A_547 : vector<16xi32>
        %scatter3A_549 = arith.constant 16384 : i32
        %scatter3A_550 = tpu.memref_slice %arg4[%scatter3A_549] : memref<32768xi32, #tpu.memory_space<vmem>> -> memref<16384xi32, #tpu.memory_space<vmem>>
        tpu.vector_store_idx %scatter3A_550[%and3A_545], %broadcast_in_dim3A_20 masked %ge3A_22 {add = true} : memref<16384xi32, #tpu.memory_space<vmem>>[vector<16xi32>], vector<16xi32>, vector<16xi1>
        %scatter3A_551 = arith.constant 16384 : i32
        %scatter3A_552 = tpu.memref_slice %arg4[%scatter3A_551] : memref<32768xi32, #tpu.memory_space<vmem>> -> memref<16384xi32, #tpu.memory_space<vmem>>
        tpu.vector_store_idx %scatter3A_552[%shift_right_logical3A_548], %broadcast_in_dim3A_20 masked %ge3A_22 {add = true} : memref<16384xi32, #tpu.memory_space<vmem>>[vector<16xi32>], vector<16xi32>, vector<16xi1>
      }
      %scan3A_137 = arith.constant 64 : i32
    }
    %mul3A_108 = arith.constant 8 : i32
    %mul3A_109 = arith.muli %select_n3A_97, %mul3A_108 : i32
    %sub3A_110 = arith.subi %max3A_73, %mul3A_109 : i32
    %while3A_111 = arith.constant 0 : i32
    %while3A_112 = arith.constant 0 : i32
    %while3A_113 = arith.subi %sub3A_110, %while3A_112 : i32
    %while3A_114 = arith.addi %while3A_112, %while3A_113 : i32
    %while3A_115 = arith.constant 1 : i32
    %while3A_116 = arith.divsi %while3A_113, %while3A_115 : i32
    %while3A_117 = arith.muli %while3A_116, %while3A_115 : i32
    %while3A_118 = arith.addi %while3A_112, %while3A_117 : i32
    %while3A_119 = arith.constant 1 : i32
    scf.for %while3A_123 = %while3A_112 to %while3A_118 step %while3A_119  : i32 {
      %mul3A_124 = arith.constant 8 : i32
      %mul3A_125 = arith.muli %mul3A_124, %select_n3A_97 : i32
      %add3A_126 = arith.addi %min3A, %mul3A_125 : i32
      %add3A_127 = arith.addi %add3A_126, %while3A_123 : i32
      %mul3A_128 = arith.constant 200 : i32
      %mul3A_129 = arith.muli %add3A_70, %mul3A_128 : i32
      %sub3A_130 = arith.subi %add3A_127, %mul3A_129 : i32
      %mul3A_131 = arith.constant 8 : i32
      %mul3A_132 = arith.muli %sub3A_130, %mul3A_131 : i32
      "tpu.region"() ({
        %run_scoped3A = tpu.sem_alloc : memref<!tpu.dma_semaphore, #tpu.memory_space<semaphore_mem>>
        %dma_start3A = arith.constant 0 : i32
        %dma_start3A_139 = arith.constant 0 : i32
        %dma_start3A_140 = tpu.memref_slice %arg5[%dma_start3A, %dma_start3A_139] : memref<64x200xi32, #tpu.memory_space<vmem>> -> memref<8x200xi32, #tpu.memory_space<vmem>>
        %dma_start3A_141 = arith.constant 0 : i32
        %dma_start3A_142 = tpu.memref_slice %arg2[%add3A_70, %mul3A_132, %dma_start3A_141] : memref<18x1600x200xi32, #tpu.memory_space<hbm>> -> memref<1x8x200xi32, #tpu.memory_space<hbm>>
        %dma_start3A_143 = tpu.memref_squeeze %dma_start3A_142 : memref<1x8x200xi32, #tpu.memory_space<hbm>> -> memref<8x200xi32, #tpu.memory_space<hbm>>
        %dma_start3A_144 = arith.constant 0 : i32
        %dma_start3A_145 = arith.constant 0 : i32
        %dma_start3A_146 = tpu.memref_slice %arg5[%dma_start3A_144, %dma_start3A_145] : memref<64x200xi32, #tpu.memory_space<vmem>> -> memref<8x200xi32, #tpu.memory_space<vmem>>
        %dma_start3A_147 = arith.constant 0 : i32
        %dma_start3A_148 = tpu.memref_slice %arg2[%add3A_70, %mul3A_132, %dma_start3A_147] : memref<18x1600x200xi32, #tpu.memory_space<hbm>> -> memref<1x8x200xi32, #tpu.memory_space<hbm>>
        %dma_start3A_149 = tpu.memref_squeeze %dma_start3A_148 : memref<1x8x200xi32, #tpu.memory_space<hbm>> -> memref<8x200xi32, #tpu.memory_space<hbm>>
        tpu.enqueue_dma source(%dma_start3A_149 : memref<8x200xi32, #tpu.memory_space<hbm>>) target(%dma_start3A_146 : memref<8x200xi32, #tpu.memory_space<vmem>>) target_semaphore(%run_scoped3A : memref<!tpu.dma_semaphore, #tpu.memory_space<semaphore_mem>>)
        %dma_wait3A = arith.constant 0 : i32
        %dma_wait3A_150 = arith.constant 0 : i32
        %dma_wait3A_151 = tpu.memref_slice %arg5[%dma_wait3A, %dma_wait3A_150] : memref<64x200xi32, #tpu.memory_space<vmem>> -> memref<8x200xi32, #tpu.memory_space<vmem>>
        %dma_wait3A_152 = arith.constant 0 : i32
        %dma_wait3A_153 = tpu.memref_slice %arg2[%add3A_70, %mul3A_132, %dma_wait3A_152] : memref<18x1600x200xi32, #tpu.memory_space<hbm>> -> memref<1x8x200xi32, #tpu.memory_space<hbm>>
        %dma_wait3A_154 = tpu.memref_squeeze %dma_wait3A_153 : memref<1x8x200xi32, #tpu.memory_space<hbm>> -> memref<8x200xi32, #tpu.memory_space<hbm>>
        %dma_wait3A_155 = arith.constant 0 : i32
        %dma_wait3A_156 = arith.constant 0 : i32
        %dma_wait3A_157 = tpu.memref_slice %arg5[%dma_wait3A_155, %dma_wait3A_156] : memref<64x200xi32, #tpu.memory_space<vmem>> -> memref<8x200xi32, #tpu.memory_space<vmem>>
        %dma_wait3A_158 = arith.constant 0 : i32
        %dma_wait3A_159 = tpu.memref_slice %arg2[%add3A_70, %mul3A_132, %dma_wait3A_158] : memref<18x1600x200xi32, #tpu.memory_space<hbm>> -> memref<1x8x200xi32, #tpu.memory_space<hbm>>
        %dma_wait3A_160 = tpu.memref_squeeze %dma_wait3A_159 : memref<1x8x200xi32, #tpu.memory_space<hbm>> -> memref<8x200xi32, #tpu.memory_space<hbm>>
        tpu.wait_dma2 semaphore(%run_scoped3A : memref<!tpu.dma_semaphore, #tpu.memory_space<semaphore_mem>>) src(%dma_wait3A_160 : memref<8x200xi32, #tpu.memory_space<hbm>>) dst(%dma_wait3A_157 : memref<8x200xi32, #tpu.memory_space<vmem>>)
        tpu.yield
      }) : () -> ()
      %scan3A_133 = arith.constant 0 : i32
      %scan3A_134 = arith.constant 0 : i32
      %scan3A_135 = arith.constant 8 : i32
      %scan3A_136 = arith.addi %scan3A_134, %scan3A_135 : i32
      %scan3A_137 = arith.constant 2 : i32
      scf.for %scan3A_139 = %scan3A_134 to %scan3A_136 step %scan3A_137  : i32 {
        %scan3A_140 = arith.constant 0 : i32
        %scan3A_141 = arith.constant 0 : i32
        %mul3A_142 = arith.constant 16 : i32
        %mul3A_143 = arith.muli %scan3A_141, %mul3A_142 : i32
        %get3A = arith.index_cast %scan3A_139 : i32 to index
        %get3A_144 = arith.index_cast %mul3A_143 : i32 to index
        %get3A_145 = tpu.vector_load %arg5[%get3A, %get3A_144] {strides = array<i32>} : memref<64x200xi32, #tpu.memory_space<vmem>>, vector<16xi32>,
        %and3A_146 = arith.constant 65535 : i32
        %and3A_147 = vector.broadcast %and3A_146 : i32 to vector<16xi32>
        %and3A_148 = arith.andi %get3A_145, %and3A_147 : vector<16xi32>
        %shift_right_logical3A_149 = arith.constant 16 : i32
        %shift_right_logical3A_150 = vector.broadcast %shift_right_logical3A_149 : i32 to vector<16xi32>
        %shift_right_logical3A_151 = arith.shrui %get3A_145, %shift_right_logical3A_150 : vector<16xi32>
        %scatter3A = arith.constant 16384 : i32
        %scatter3A_152 = tpu.memref_slice %arg4[%scatter3A] : memref<32768xi32, #tpu.memory_space<vmem>> -> memref<16384xi32, #tpu.memory_space<vmem>>
        tpu.vector_store_idx %scatter3A_152[%and3A_148], %broadcast_in_dim3A_20 {add = true} : memref<16384xi32, #tpu.memory_space<vmem>>[vector<16xi32>], vector<16xi32>,
        %scatter3A_153 = arith.constant 16384 : i32
        %scatter3A_154 = tpu.memref_slice %arg4[%scatter3A_153] : memref<32768xi32, #tpu.memory_space<vmem>> -> memref<16384xi32, #tpu.memory_space<vmem>>
        tpu.vector_store_idx %scatter3A_154[%shift_right_logical3A_151], %broadcast_in_dim3A_20 {add = true} : memref<16384xi32, #tpu.memory_space<vmem>>[vector<16xi32>], vector<16xi32>,
        %scan3A_155 = arith.constant 1 : i32
        %mul3A_156 = arith.constant 16 : i32
        %mul3A_157 = arith.muli %scan3A_155, %mul3A_156 : i32
        %get3A_158 = arith.index_cast %scan3A_139 : i32 to index
        %get3A_159 = arith.index_cast %mul3A_157 : i32 to index
        %get3A_160 = tpu.vector_load %arg5[%get3A_158, %get3A_159] {strides = array<i32>} : memref<64x200xi32, #tpu.memory_space<vmem>>, vector<16xi32>,
        %and3A_161 = arith.constant 65535 : i32
        %and3A_162 = vector.broadcast %and3A_161 : i32 to vector<16xi32>
        %and3A_163 = arith.andi %get3A_160, %and3A_162 : vector<16xi32>
        %shift_right_logical3A_164 = arith.constant 16 : i32
        %shift_right_logical3A_165 = vector.broadcast %shift_right_logical3A_164 : i32 to vector<16xi32>
        %shift_right_logical3A_166 = arith.shrui %get3A_160, %shift_right_logical3A_165 : vector<16xi32>
        %scatter3A_167 = arith.constant 16384 : i32
        %scatter3A_168 = tpu.memref_slice %arg4[%scatter3A_167] : memref<32768xi32, #tpu.memory_space<vmem>> -> memref<16384xi32, #tpu.memory_space<vmem>>
        tpu.vector_store_idx %scatter3A_168[%and3A_163], %broadcast_in_dim3A_20 {add = true} : memref<16384xi32, #tpu.memory_space<vmem>>[vector<16xi32>], vector<16xi32>,
        %scatter3A_169 = arith.constant 16384 : i32
        %scatter3A_170 = tpu.memref_slice %arg4[%scatter3A_169] : memref<32768xi32, #tpu.memory_space<vmem>> -> memref<16384xi32, #tpu.memory_space<vmem>>
        tpu.vector_store_idx %scatter3A_170[%shift_right_logical3A_166], %broadcast_in_dim3A_20 {add = true} : memref<16384xi32, #tpu.memory_space<vmem>>[vector<16xi32>], vector<16xi32>,
        %scan3A_171 = arith.constant 2 : i32
        %mul3A_172 = arith.constant 16 : i32
        %mul3A_173 = arith.muli %scan3A_171, %mul3A_172 : i32
        %get3A_174 = arith.index_cast %scan3A_139 : i32 to index
        %get3A_175 = arith.index_cast %mul3A_173 : i32 to index
        %get3A_176 = tpu.vector_load %arg5[%get3A_174, %get3A_175] {strides = array<i32>} : memref<64x200xi32, #tpu.memory_space<vmem>>, vector<16xi32>,
        %and3A_177 = arith.constant 65535 : i32
        %and3A_178 = vector.broadcast %and3A_177 : i32 to vector<16xi32>
        %and3A_179 = arith.andi %get3A_176, %and3A_178 : vector<16xi32>
        %shift_right_logical3A_180 = arith.constant 16 : i32
        %shift_right_logical3A_181 = vector.broadcast %shift_right_logical3A_180 : i32 to vector<16xi32>
        %shift_right_logical3A_182 = arith.shrui %get3A_176, %shift_right_logical3A_181 : vector<16xi32>
        %scatter3A_183 = arith.constant 16384 : i32
        %scatter3A_184 = tpu.memref_slice %arg4[%scatter3A_183] : memref<32768xi32, #tpu.memory_space<vmem>> -> memref<16384xi32, #tpu.memory_space<vmem>>
        tpu.vector_store_idx %scatter3A_184[%and3A_179], %broadcast_in_dim3A_20 {add = true} : memref<16384xi32, #tpu.memory_space<vmem>>[vector<16xi32>], vector<16xi32>,
        %scatter3A_185 = arith.constant 16384 : i32
        %scatter3A_186 = tpu.memref_slice %arg4[%scatter3A_185] : memref<32768xi32, #tpu.memory_space<vmem>> -> memref<16384xi32, #tpu.memory_space<vmem>>
        tpu.vector_store_idx %scatter3A_186[%shift_right_logical3A_182], %broadcast_in_dim3A_20 {add = true} : memref<16384xi32, #tpu.memory_space<vmem>>[vector<16xi32>], vector<16xi32>,
        %scan3A_187 = arith.constant 3 : i32
        %mul3A_188 = arith.constant 16 : i32
        %mul3A_189 = arith.muli %scan3A_187, %mul3A_188 : i32
        %get3A_190 = arith.index_cast %scan3A_139 : i32 to index
        %get3A_191 = arith.index_cast %mul3A_189 : i32 to index
        %get3A_192 = tpu.vector_load %arg5[%get3A_190, %get3A_191] {strides = array<i32>} : memref<64x200xi32, #tpu.memory_space<vmem>>, vector<16xi32>,
        %and3A_193 = arith.constant 65535 : i32
        %and3A_194 = vector.broadcast %and3A_193 : i32 to vector<16xi32>
        %and3A_195 = arith.andi %get3A_192, %and3A_194 : vector<16xi32>
        %shift_right_logical3A_196 = arith.constant 16 : i32
        %shift_right_logical3A_197 = vector.broadcast %shift_right_logical3A_196 : i32 to vector<16xi32>
        %shift_right_logical3A_198 = arith.shrui %get3A_192, %shift_right_logical3A_197 : vector<16xi32>
        %scatter3A_199 = arith.constant 16384 : i32
        %scatter3A_200 = tpu.memref_slice %arg4[%scatter3A_199] : memref<32768xi32, #tpu.memory_space<vmem>> -> memref<16384xi32, #tpu.memory_space<vmem>>
        tpu.vector_store_idx %scatter3A_200[%and3A_195], %broadcast_in_dim3A_20 {add = true} : memref<16384xi32, #tpu.memory_space<vmem>>[vector<16xi32>], vector<16xi32>,
        %scatter3A_201 = arith.constant 16384 : i32
        %scatter3A_202 = tpu.memref_slice %arg4[%scatter3A_201] : memref<32768xi32, #tpu.memory_space<vmem>> -> memref<16384xi32, #tpu.memory_space<vmem>>
        tpu.vector_store_idx %scatter3A_202[%shift_right_logical3A_198], %broadcast_in_dim3A_20 {add = true} : memref<16384xi32, #tpu.memory_space<vmem>>[vector<16xi32>], vector<16xi32>,
        %scan3A_203 = arith.constant 4 : i32
        %mul3A_204 = arith.constant 16 : i32
        %mul3A_205 = arith.muli %scan3A_203, %mul3A_204 : i32
        %get3A_206 = arith.index_cast %scan3A_139 : i32 to index
        %get3A_207 = arith.index_cast %mul3A_205 : i32 to index
        %get3A_208 = tpu.vector_load %arg5[%get3A_206, %get3A_207] {strides = array<i32>} : memref<64x200xi32, #tpu.memory_space<vmem>>, vector<16xi32>,
        %and3A_209 = arith.constant 65535 : i32
        %and3A_210 = vector.broadcast %and3A_209 : i32 to vector<16xi32>
        %and3A_211 = arith.andi %get3A_208, %and3A_210 : vector<16xi32>
        %shift_right_logical3A_212 = arith.constant 16 : i32
        %shift_right_logical3A_213 = vector.broadcast %shift_right_logical3A_212 : i32 to vector<16xi32>
        %shift_right_logical3A_214 = arith.shrui %get3A_208, %shift_right_logical3A_213 : vector<16xi32>
        %scatter3A_215 = arith.constant 16384 : i32
        %scatter3A_216 = tpu.memref_slice %arg4[%scatter3A_215] : memref<32768xi32, #tpu.memory_space<vmem>> -> memref<16384xi32, #tpu.memory_space<vmem>>
        tpu.vector_store_idx %scatter3A_216[%and3A_211], %broadcast_in_dim3A_20 {add = true} : memref<16384xi32, #tpu.memory_space<vmem>>[vector<16xi32>], vector<16xi32>,
        %scatter3A_217 = arith.constant 16384 : i32
        %scatter3A_218 = tpu.memref_slice %arg4[%scatter3A_217] : memref<32768xi32, #tpu.memory_space<vmem>> -> memref<16384xi32, #tpu.memory_space<vmem>>
        tpu.vector_store_idx %scatter3A_218[%shift_right_logical3A_214], %broadcast_in_dim3A_20 {add = true} : memref<16384xi32, #tpu.memory_space<vmem>>[vector<16xi32>], vector<16xi32>,
        %scan3A_219 = arith.constant 5 : i32
        %mul3A_220 = arith.constant 16 : i32
        %mul3A_221 = arith.muli %scan3A_219, %mul3A_220 : i32
        %get3A_222 = arith.index_cast %scan3A_139 : i32 to index
        %get3A_223 = arith.index_cast %mul3A_221 : i32 to index
        %get3A_224 = tpu.vector_load %arg5[%get3A_222, %get3A_223] {strides = array<i32>} : memref<64x200xi32, #tpu.memory_space<vmem>>, vector<16xi32>,
        %and3A_225 = arith.constant 65535 : i32
        %and3A_226 = vector.broadcast %and3A_225 : i32 to vector<16xi32>
        %and3A_227 = arith.andi %get3A_224, %and3A_226 : vector<16xi32>
        %shift_right_logical3A_228 = arith.constant 16 : i32
        %shift_right_logical3A_229 = vector.broadcast %shift_right_logical3A_228 : i32 to vector<16xi32>
        %shift_right_logical3A_230 = arith.shrui %get3A_224, %shift_right_logical3A_229 : vector<16xi32>
        %scatter3A_231 = arith.constant 16384 : i32
        %scatter3A_232 = tpu.memref_slice %arg4[%scatter3A_231] : memref<32768xi32, #tpu.memory_space<vmem>> -> memref<16384xi32, #tpu.memory_space<vmem>>
        tpu.vector_store_idx %scatter3A_232[%and3A_227], %broadcast_in_dim3A_20 {add = true} : memref<16384xi32, #tpu.memory_space<vmem>>[vector<16xi32>], vector<16xi32>,
        %scatter3A_233 = arith.constant 16384 : i32
        %scatter3A_234 = tpu.memref_slice %arg4[%scatter3A_233] : memref<32768xi32, #tpu.memory_space<vmem>> -> memref<16384xi32, #tpu.memory_space<vmem>>
        tpu.vector_store_idx %scatter3A_234[%shift_right_logical3A_230], %broadcast_in_dim3A_20 {add = true} : memref<16384xi32, #tpu.memory_space<vmem>>[vector<16xi32>], vector<16xi32>,
        %scan3A_235 = arith.constant 6 : i32
        %mul3A_236 = arith.constant 16 : i32
        %mul3A_237 = arith.muli %scan3A_235, %mul3A_236 : i32
        %get3A_238 = arith.index_cast %scan3A_139 : i32 to index
        %get3A_239 = arith.index_cast %mul3A_237 : i32 to index
        %get3A_240 = tpu.vector_load %arg5[%get3A_238, %get3A_239] {strides = array<i32>} : memref<64x200xi32, #tpu.memory_space<vmem>>, vector<16xi32>,
        %and3A_241 = arith.constant 65535 : i32
        %and3A_242 = vector.broadcast %and3A_241 : i32 to vector<16xi32>
        %and3A_243 = arith.andi %get3A_240, %and3A_242 : vector<16xi32>
        %shift_right_logical3A_244 = arith.constant 16 : i32
        %shift_right_logical3A_245 = vector.broadcast %shift_right_logical3A_244 : i32 to vector<16xi32>
        %shift_right_logical3A_246 = arith.shrui %get3A_240, %shift_right_logical3A_245 : vector<16xi32>
        %scatter3A_247 = arith.constant 16384 : i32
        %scatter3A_248 = tpu.memref_slice %arg4[%scatter3A_247] : memref<32768xi32, #tpu.memory_space<vmem>> -> memref<16384xi32, #tpu.memory_space<vmem>>
        tpu.vector_store_idx %scatter3A_248[%and3A_243], %broadcast_in_dim3A_20 {add = true} : memref<16384xi32, #tpu.memory_space<vmem>>[vector<16xi32>], vector<16xi32>,
        %scatter3A_249 = arith.constant 16384 : i32
        %scatter3A_250 = tpu.memref_slice %arg4[%scatter3A_249] : memref<32768xi32, #tpu.memory_space<vmem>> -> memref<16384xi32, #tpu.memory_space<vmem>>
        tpu.vector_store_idx %scatter3A_250[%shift_right_logical3A_246], %broadcast_in_dim3A_20 {add = true} : memref<16384xi32, #tpu.memory_space<vmem>>[vector<16xi32>], vector<16xi32>,
        %scan3A_251 = arith.constant 7 : i32
        %mul3A_252 = arith.constant 16 : i32
        %mul3A_253 = arith.muli %scan3A_251, %mul3A_252 : i32
        %get3A_254 = arith.index_cast %scan3A_139 : i32 to index
        %get3A_255 = arith.index_cast %mul3A_253 : i32 to index
        %get3A_256 = tpu.vector_load %arg5[%get3A_254, %get3A_255] {strides = array<i32>} : memref<64x200xi32, #tpu.memory_space<vmem>>, vector<16xi32>,
        %and3A_257 = arith.constant 65535 : i32
        %and3A_258 = vector.broadcast %and3A_257 : i32 to vector<16xi32>
        %and3A_259 = arith.andi %get3A_256, %and3A_258 : vector<16xi32>
        %shift_right_logical3A_260 = arith.constant 16 : i32
        %shift_right_logical3A_261 = vector.broadcast %shift_right_logical3A_260 : i32 to vector<16xi32>
        %shift_right_logical3A_262 = arith.shrui %get3A_256, %shift_right_logical3A_261 : vector<16xi32>
        %scatter3A_263 = arith.constant 16384 : i32
        %scatter3A_264 = tpu.memref_slice %arg4[%scatter3A_263] : memref<32768xi32, #tpu.memory_space<vmem>> -> memref<16384xi32, #tpu.memory_space<vmem>>
        tpu.vector_store_idx %scatter3A_264[%and3A_259], %broadcast_in_dim3A_20 {add = true} : memref<16384xi32, #tpu.memory_space<vmem>>[vector<16xi32>], vector<16xi32>,
        %scatter3A_265 = arith.constant 16384 : i32
        %scatter3A_266 = tpu.memref_slice %arg4[%scatter3A_265] : memref<32768xi32, #tpu.memory_space<vmem>> -> memref<16384xi32, #tpu.memory_space<vmem>>
        tpu.vector_store_idx %scatter3A_266[%shift_right_logical3A_262], %broadcast_in_dim3A_20 {add = true} : memref<16384xi32, #tpu.memory_space<vmem>>[vector<16xi32>], vector<16xi32>,
        %scan3A_267 = arith.constant 8 : i32
        %mul3A_268 = arith.constant 16 : i32
        %mul3A_269 = arith.muli %scan3A_267, %mul3A_268 : i32
        %get3A_270 = arith.index_cast %scan3A_139 : i32 to index
        %get3A_271 = arith.index_cast %mul3A_269 : i32 to index
        %get3A_272 = tpu.vector_load %arg5[%get3A_270, %get3A_271] {strides = array<i32>} : memref<64x200xi32, #tpu.memory_space<vmem>>, vector<16xi32>,
        %and3A_273 = arith.constant 65535 : i32
        %and3A_274 = vector.broadcast %and3A_273 : i32 to vector<16xi32>
        %and3A_275 = arith.andi %get3A_272, %and3A_274 : vector<16xi32>
        %shift_right_logical3A_276 = arith.constant 16 : i32
        %shift_right_logical3A_277 = vector.broadcast %shift_right_logical3A_276 : i32 to vector<16xi32>
        %shift_right_logical3A_278 = arith.shrui %get3A_272, %shift_right_logical3A_277 : vector<16xi32>
        %scatter3A_279 = arith.constant 16384 : i32
        %scatter3A_280 = tpu.memref_slice %arg4[%scatter3A_279] : memref<32768xi32, #tpu.memory_space<vmem>> -> memref<16384xi32, #tpu.memory_space<vmem>>
        tpu.vector_store_idx %scatter3A_280[%and3A_275], %broadcast_in_dim3A_20 {add = true} : memref<16384xi32, #tpu.memory_space<vmem>>[vector<16xi32>], vector<16xi32>,
        %scatter3A_281 = arith.constant 16384 : i32
        %scatter3A_282 = tpu.memref_slice %arg4[%scatter3A_281] : memref<32768xi32, #tpu.memory_space<vmem>> -> memref<16384xi32, #tpu.memory_space<vmem>>
        tpu.vector_store_idx %scatter3A_282[%shift_right_logical3A_278], %broadcast_in_dim3A_20 {add = true} : memref<16384xi32, #tpu.memory_space<vmem>>[vector<16xi32>], vector<16xi32>,
        %scan3A_283 = arith.constant 9 : i32
        %mul3A_284 = arith.constant 16 : i32
        %mul3A_285 = arith.muli %scan3A_283, %mul3A_284 : i32
        %get3A_286 = arith.index_cast %scan3A_139 : i32 to index
        %get3A_287 = arith.index_cast %mul3A_285 : i32 to index
        %get3A_288 = tpu.vector_load %arg5[%get3A_286, %get3A_287] {strides = array<i32>} : memref<64x200xi32, #tpu.memory_space<vmem>>, vector<16xi32>,
        %and3A_289 = arith.constant 65535 : i32
        %and3A_290 = vector.broadcast %and3A_289 : i32 to vector<16xi32>
        %and3A_291 = arith.andi %get3A_288, %and3A_290 : vector<16xi32>
        %shift_right_logical3A_292 = arith.constant 16 : i32
        %shift_right_logical3A_293 = vector.broadcast %shift_right_logical3A_292 : i32 to vector<16xi32>
        %shift_right_logical3A_294 = arith.shrui %get3A_288, %shift_right_logical3A_293 : vector<16xi32>
        %scatter3A_295 = arith.constant 16384 : i32
        %scatter3A_296 = tpu.memref_slice %arg4[%scatter3A_295] : memref<32768xi32, #tpu.memory_space<vmem>> -> memref<16384xi32, #tpu.memory_space<vmem>>
        tpu.vector_store_idx %scatter3A_296[%and3A_291], %broadcast_in_dim3A_20 {add = true} : memref<16384xi32, #tpu.memory_space<vmem>>[vector<16xi32>], vector<16xi32>,
        %scatter3A_297 = arith.constant 16384 : i32
        %scatter3A_298 = tpu.memref_slice %arg4[%scatter3A_297] : memref<32768xi32, #tpu.memory_space<vmem>> -> memref<16384xi32, #tpu.memory_space<vmem>>
        tpu.vector_store_idx %scatter3A_298[%shift_right_logical3A_294], %broadcast_in_dim3A_20 {add = true} : memref<16384xi32, #tpu.memory_space<vmem>>[vector<16xi32>], vector<16xi32>,
        %scan3A_299 = arith.constant 10 : i32
        %mul3A_300 = arith.constant 16 : i32
        %mul3A_301 = arith.muli %scan3A_299, %mul3A_300 : i32
        %get3A_302 = arith.index_cast %scan3A_139 : i32 to index
        %get3A_303 = arith.index_cast %mul3A_301 : i32 to index
        %get3A_304 = tpu.vector_load %arg5[%get3A_302, %get3A_303] {strides = array<i32>} : memref<64x200xi32, #tpu.memory_space<vmem>>, vector<16xi32>,
        %and3A_305 = arith.constant 65535 : i32
        %and3A_306 = vector.broadcast %and3A_305 : i32 to vector<16xi32>
        %and3A_307 = arith.andi %get3A_304, %and3A_306 : vector<16xi32>
        %shift_right_logical3A_308 = arith.constant 16 : i32
        %shift_right_logical3A_309 = vector.broadcast %shift_right_logical3A_308 : i32 to vector<16xi32>
        %shift_right_logical3A_310 = arith.shrui %get3A_304, %shift_right_logical3A_309 : vector<16xi32>
        %scatter3A_311 = arith.constant 16384 : i32
        %scatter3A_312 = tpu.memref_slice %arg4[%scatter3A_311] : memref<32768xi32, #tpu.memory_space<vmem>> -> memref<16384xi32, #tpu.memory_space<vmem>>
        tpu.vector_store_idx %scatter3A_312[%and3A_307], %broadcast_in_dim3A_20 {add = true} : memref<16384xi32, #tpu.memory_space<vmem>>[vector<16xi32>], vector<16xi32>,
        %scatter3A_313 = arith.constant 16384 : i32
        %scatter3A_314 = tpu.memref_slice %arg4[%scatter3A_313] : memref<32768xi32, #tpu.memory_space<vmem>> -> memref<16384xi32, #tpu.memory_space<vmem>>
        tpu.vector_store_idx %scatter3A_314[%shift_right_logical3A_310], %broadcast_in_dim3A_20 {add = true} : memref<16384xi32, #tpu.memory_space<vmem>>[vector<16xi32>], vector<16xi32>,
        %scan3A_315 = arith.constant 11 : i32
        %mul3A_316 = arith.constant 16 : i32
        %mul3A_317 = arith.muli %scan3A_315, %mul3A_316 : i32
        %get3A_318 = arith.index_cast %scan3A_139 : i32 to index
        %get3A_319 = arith.index_cast %mul3A_317 : i32 to index
        %get3A_320 = tpu.vector_load %arg5[%get3A_318, %get3A_319] {strides = array<i32>} : memref<64x200xi32, #tpu.memory_space<vmem>>, vector<16xi32>,
        %and3A_321 = arith.constant 65535 : i32
        %and3A_322 = vector.broadcast %and3A_321 : i32 to vector<16xi32>
        %and3A_323 = arith.andi %get3A_320, %and3A_322 : vector<16xi32>
        %shift_right_logical3A_324 = arith.constant 16 : i32
        %shift_right_logical3A_325 = vector.broadcast %shift_right_logical3A_324 : i32 to vector<16xi32>
        %shift_right_logical3A_326 = arith.shrui %get3A_320, %shift_right_logical3A_325 : vector<16xi32>
        %scatter3A_327 = arith.constant 16384 : i32
        %scatter3A_328 = tpu.memref_slice %arg4[%scatter3A_327] : memref<32768xi32, #tpu.memory_space<vmem>> -> memref<16384xi32, #tpu.memory_space<vmem>>
        tpu.vector_store_idx %scatter3A_328[%and3A_323], %broadcast_in_dim3A_20 {add = true} : memref<16384xi32, #tpu.memory_space<vmem>>[vector<16xi32>], vector<16xi32>,
        %scatter3A_329 = arith.constant 16384 : i32
        %scatter3A_330 = tpu.memref_slice %arg4[%scatter3A_329] : memref<32768xi32, #tpu.memory_space<vmem>> -> memref<16384xi32, #tpu.memory_space<vmem>>
        tpu.vector_store_idx %scatter3A_330[%shift_right_logical3A_326], %broadcast_in_dim3A_20 {add = true} : memref<16384xi32, #tpu.memory_space<vmem>>[vector<16xi32>], vector<16xi32>,
        %scan3A_331 = arith.constant 12 : i32
        %get3A_332 = arith.index_cast %scan3A_139 : i32 to index
        %get3A_333 = arith.constant 184 : index
        %get3A_334 = tpu.vector_load %arg5[%get3A_332, %get3A_333] {strides = array<i32>} : memref<64x200xi32, #tpu.memory_space<vmem>>, vector<16xi32>,
        %and3A_335 = arith.constant 65535 : i32
        %and3A_336 = vector.broadcast %and3A_335 : i32 to vector<16xi32>
        %and3A_337 = arith.andi %get3A_334, %and3A_336 : vector<16xi32>
        %shift_right_logical3A_338 = arith.constant 16 : i32
        %shift_right_logical3A_339 = vector.broadcast %shift_right_logical3A_338 : i32 to vector<16xi32>
        %shift_right_logical3A_340 = arith.shrui %get3A_334, %shift_right_logical3A_339 : vector<16xi32>
        %scatter3A_341 = arith.constant 16384 : i32
        %scatter3A_342 = tpu.memref_slice %arg4[%scatter3A_341] : memref<32768xi32, #tpu.memory_space<vmem>> -> memref<16384xi32, #tpu.memory_space<vmem>>
        tpu.vector_store_idx %scatter3A_342[%and3A_337], %broadcast_in_dim3A_20 masked %ge3A_22 {add = true} : memref<16384xi32, #tpu.memory_space<vmem>>[vector<16xi32>], vector<16xi32>, vector<16xi1>
        %scatter3A_343 = arith.constant 16384 : i32
        %scatter3A_344 = tpu.memref_slice %arg4[%scatter3A_343] : memref<32768xi32, #tpu.memory_space<vmem>> -> memref<16384xi32, #tpu.memory_space<vmem>>
        tpu.vector_store_idx %scatter3A_344[%shift_right_logical3A_340], %broadcast_in_dim3A_20 masked %ge3A_22 {add = true} : memref<16384xi32, #tpu.memory_space<vmem>>[vector<16xi32>], vector<16xi32>, vector<16xi1>
        %scan3A_345 = arith.constant 1 : i32
        %scan3A_346 = arith.addi %scan3A_139, %scan3A_345 : i32
        %scan3A_347 = arith.constant 0 : i32
        %scan3A_348 = arith.constant 0 : i32
        %mul3A_349 = arith.constant 16 : i32
        %mul3A_350 = arith.muli %scan3A_348, %mul3A_349 : i32
        %get3A_351 = arith.index_cast %scan3A_346 : i32 to index
        %get3A_352 = arith.index_cast %mul3A_350 : i32 to index
        %get3A_353 = tpu.vector_load %arg5[%get3A_351, %get3A_352] {strides = array<i32>} : memref<64x200xi32, #tpu.memory_space<vmem>>, vector<16xi32>,
        %and3A_354 = arith.constant 65535 : i32
        %and3A_355 = vector.broadcast %and3A_354 : i32 to vector<16xi32>
        %and3A_356 = arith.andi %get3A_353, %and3A_355 : vector<16xi32>
        %shift_right_logical3A_357 = arith.constant 16 : i32
        %shift_right_logical3A_358 = vector.broadcast %shift_right_logical3A_357 : i32 to vector<16xi32>
        %shift_right_logical3A_359 = arith.shrui %get3A_353, %shift_right_logical3A_358 : vector<16xi32>
        %scatter3A_360 = arith.constant 16384 : i32
        %scatter3A_361 = tpu.memref_slice %arg4[%scatter3A_360] : memref<32768xi32, #tpu.memory_space<vmem>> -> memref<16384xi32, #tpu.memory_space<vmem>>
        tpu.vector_store_idx %scatter3A_361[%and3A_356], %broadcast_in_dim3A_20 {add = true} : memref<16384xi32, #tpu.memory_space<vmem>>[vector<16xi32>], vector<16xi32>,
        %scatter3A_362 = arith.constant 16384 : i32
        %scatter3A_363 = tpu.memref_slice %arg4[%scatter3A_362] : memref<32768xi32, #tpu.memory_space<vmem>> -> memref<16384xi32, #tpu.memory_space<vmem>>
        tpu.vector_store_idx %scatter3A_363[%shift_right_logical3A_359], %broadcast_in_dim3A_20 {add = true} : memref<16384xi32, #tpu.memory_space<vmem>>[vector<16xi32>], vector<16xi32>,
        %scan3A_364 = arith.constant 1 : i32
        %mul3A_365 = arith.constant 16 : i32
        %mul3A_366 = arith.muli %scan3A_364, %mul3A_365 : i32
        %get3A_367 = arith.index_cast %scan3A_346 : i32 to index
        %get3A_368 = arith.index_cast %mul3A_366 : i32 to index
        %get3A_369 = tpu.vector_load %arg5[%get3A_367, %get3A_368] {strides = array<i32>} : memref<64x200xi32, #tpu.memory_space<vmem>>, vector<16xi32>,
        %and3A_370 = arith.constant 65535 : i32
        %and3A_371 = vector.broadcast %and3A_370 : i32 to vector<16xi32>
        %and3A_372 = arith.andi %get3A_369, %and3A_371 : vector<16xi32>
        %shift_right_logical3A_373 = arith.constant 16 : i32
        %shift_right_logical3A_374 = vector.broadcast %shift_right_logical3A_373 : i32 to vector<16xi32>
        %shift_right_logical3A_375 = arith.shrui %get3A_369, %shift_right_logical3A_374 : vector<16xi32>
        %scatter3A_376 = arith.constant 16384 : i32
        %scatter3A_377 = tpu.memref_slice %arg4[%scatter3A_376] : memref<32768xi32, #tpu.memory_space<vmem>> -> memref<16384xi32, #tpu.memory_space<vmem>>
        tpu.vector_store_idx %scatter3A_377[%and3A_372], %broadcast_in_dim3A_20 {add = true} : memref<16384xi32, #tpu.memory_space<vmem>>[vector<16xi32>], vector<16xi32>,
        %scatter3A_378 = arith.constant 16384 : i32
        %scatter3A_379 = tpu.memref_slice %arg4[%scatter3A_378] : memref<32768xi32, #tpu.memory_space<vmem>> -> memref<16384xi32, #tpu.memory_space<vmem>>
        tpu.vector_store_idx %scatter3A_379[%shift_right_logical3A_375], %broadcast_in_dim3A_20 {add = true} : memref<16384xi32, #tpu.memory_space<vmem>>[vector<16xi32>], vector<16xi32>,
        %scan3A_380 = arith.constant 2 : i32
        %mul3A_381 = arith.constant 16 : i32
        %mul3A_382 = arith.muli %scan3A_380, %mul3A_381 : i32
        %get3A_383 = arith.index_cast %scan3A_346 : i32 to index
        %get3A_384 = arith.index_cast %mul3A_382 : i32 to index
        %get3A_385 = tpu.vector_load %arg5[%get3A_383, %get3A_384] {strides = array<i32>} : memref<64x200xi32, #tpu.memory_space<vmem>>, vector<16xi32>,
        %and3A_386 = arith.constant 65535 : i32
        %and3A_387 = vector.broadcast %and3A_386 : i32 to vector<16xi32>
        %and3A_388 = arith.andi %get3A_385, %and3A_387 : vector<16xi32>
        %shift_right_logical3A_389 = arith.constant 16 : i32
        %shift_right_logical3A_390 = vector.broadcast %shift_right_logical3A_389 : i32 to vector<16xi32>
        %shift_right_logical3A_391 = arith.shrui %get3A_385, %shift_right_logical3A_390 : vector<16xi32>
        %scatter3A_392 = arith.constant 16384 : i32
        %scatter3A_393 = tpu.memref_slice %arg4[%scatter3A_392] : memref<32768xi32, #tpu.memory_space<vmem>> -> memref<16384xi32, #tpu.memory_space<vmem>>
        tpu.vector_store_idx %scatter3A_393[%and3A_388], %broadcast_in_dim3A_20 {add = true} : memref<16384xi32, #tpu.memory_space<vmem>>[vector<16xi32>], vector<16xi32>,
        %scatter3A_394 = arith.constant 16384 : i32
        %scatter3A_395 = tpu.memref_slice %arg4[%scatter3A_394] : memref<32768xi32, #tpu.memory_space<vmem>> -> memref<16384xi32, #tpu.memory_space<vmem>>
        tpu.vector_store_idx %scatter3A_395[%shift_right_logical3A_391], %broadcast_in_dim3A_20 {add = true} : memref<16384xi32, #tpu.memory_space<vmem>>[vector<16xi32>], vector<16xi32>,
        %scan3A_396 = arith.constant 3 : i32
        %mul3A_397 = arith.constant 16 : i32
        %mul3A_398 = arith.muli %scan3A_396, %mul3A_397 : i32
        %get3A_399 = arith.index_cast %scan3A_346 : i32 to index
        %get3A_400 = arith.index_cast %mul3A_398 : i32 to index
        %get3A_401 = tpu.vector_load %arg5[%get3A_399, %get3A_400] {strides = array<i32>} : memref<64x200xi32, #tpu.memory_space<vmem>>, vector<16xi32>,
        %and3A_402 = arith.constant 65535 : i32
        %and3A_403 = vector.broadcast %and3A_402 : i32 to vector<16xi32>
        %and3A_404 = arith.andi %get3A_401, %and3A_403 : vector<16xi32>
        %shift_right_logical3A_405 = arith.constant 16 : i32
        %shift_right_logical3A_406 = vector.broadcast %shift_right_logical3A_405 : i32 to vector<16xi32>
        %shift_right_logical3A_407 = arith.shrui %get3A_401, %shift_right_logical3A_406 : vector<16xi32>
        %scatter3A_408 = arith.constant 16384 : i32
        %scatter3A_409 = tpu.memref_slice %arg4[%scatter3A_408] : memref<32768xi32, #tpu.memory_space<vmem>> -> memref<16384xi32, #tpu.memory_space<vmem>>
        tpu.vector_store_idx %scatter3A_409[%and3A_404], %broadcast_in_dim3A_20 {add = true} : memref<16384xi32, #tpu.memory_space<vmem>>[vector<16xi32>], vector<16xi32>,
        %scatter3A_410 = arith.constant 16384 : i32
        %scatter3A_411 = tpu.memref_slice %arg4[%scatter3A_410] : memref<32768xi32, #tpu.memory_space<vmem>> -> memref<16384xi32, #tpu.memory_space<vmem>>
        tpu.vector_store_idx %scatter3A_411[%shift_right_logical3A_407], %broadcast_in_dim3A_20 {add = true} : memref<16384xi32, #tpu.memory_space<vmem>>[vector<16xi32>], vector<16xi32>,
        %scan3A_412 = arith.constant 4 : i32
        %mul3A_413 = arith.constant 16 : i32
        %mul3A_414 = arith.muli %scan3A_412, %mul3A_413 : i32
        %get3A_415 = arith.index_cast %scan3A_346 : i32 to index
        %get3A_416 = arith.index_cast %mul3A_414 : i32 to index
        %get3A_417 = tpu.vector_load %arg5[%get3A_415, %get3A_416] {strides = array<i32>} : memref<64x200xi32, #tpu.memory_space<vmem>>, vector<16xi32>,
        %and3A_418 = arith.constant 65535 : i32
        %and3A_419 = vector.broadcast %and3A_418 : i32 to vector<16xi32>
        %and3A_420 = arith.andi %get3A_417, %and3A_419 : vector<16xi32>
        %shift_right_logical3A_421 = arith.constant 16 : i32
        %shift_right_logical3A_422 = vector.broadcast %shift_right_logical3A_421 : i32 to vector<16xi32>
        %shift_right_logical3A_423 = arith.shrui %get3A_417, %shift_right_logical3A_422 : vector<16xi32>
        %scatter3A_424 = arith.constant 16384 : i32
        %scatter3A_425 = tpu.memref_slice %arg4[%scatter3A_424] : memref<32768xi32, #tpu.memory_space<vmem>> -> memref<16384xi32, #tpu.memory_space<vmem>>
        tpu.vector_store_idx %scatter3A_425[%and3A_420], %broadcast_in_dim3A_20 {add = true} : memref<16384xi32, #tpu.memory_space<vmem>>[vector<16xi32>], vector<16xi32>,
        %scatter3A_426 = arith.constant 16384 : i32
        %scatter3A_427 = tpu.memref_slice %arg4[%scatter3A_426] : memref<32768xi32, #tpu.memory_space<vmem>> -> memref<16384xi32, #tpu.memory_space<vmem>>
        tpu.vector_store_idx %scatter3A_427[%shift_right_logical3A_423], %broadcast_in_dim3A_20 {add = true} : memref<16384xi32, #tpu.memory_space<vmem>>[vector<16xi32>], vector<16xi32>,
        %scan3A_428 = arith.constant 5 : i32
        %mul3A_429 = arith.constant 16 : i32
        %mul3A_430 = arith.muli %scan3A_428, %mul3A_429 : i32
        %get3A_431 = arith.index_cast %scan3A_346 : i32 to index
        %get3A_432 = arith.index_cast %mul3A_430 : i32 to index
        %get3A_433 = tpu.vector_load %arg5[%get3A_431, %get3A_432] {strides = array<i32>} : memref<64x200xi32, #tpu.memory_space<vmem>>, vector<16xi32>,
        %and3A_434 = arith.constant 65535 : i32
        %and3A_435 = vector.broadcast %and3A_434 : i32 to vector<16xi32>
        %and3A_436 = arith.andi %get3A_433, %and3A_435 : vector<16xi32>
        %shift_right_logical3A_437 = arith.constant 16 : i32
        %shift_right_logical3A_438 = vector.broadcast %shift_right_logical3A_437 : i32 to vector<16xi32>
        %shift_right_logical3A_439 = arith.shrui %get3A_433, %shift_right_logical3A_438 : vector<16xi32>
        %scatter3A_440 = arith.constant 16384 : i32
        %scatter3A_441 = tpu.memref_slice %arg4[%scatter3A_440] : memref<32768xi32, #tpu.memory_space<vmem>> -> memref<16384xi32, #tpu.memory_space<vmem>>
        tpu.vector_store_idx %scatter3A_441[%and3A_436], %broadcast_in_dim3A_20 {add = true} : memref<16384xi32, #tpu.memory_space<vmem>>[vector<16xi32>], vector<16xi32>,
        %scatter3A_442 = arith.constant 16384 : i32
        %scatter3A_443 = tpu.memref_slice %arg4[%scatter3A_442] : memref<32768xi32, #tpu.memory_space<vmem>> -> memref<16384xi32, #tpu.memory_space<vmem>>
        tpu.vector_store_idx %scatter3A_443[%shift_right_logical3A_439], %broadcast_in_dim3A_20 {add = true} : memref<16384xi32, #tpu.memory_space<vmem>>[vector<16xi32>], vector<16xi32>,
        %scan3A_444 = arith.constant 6 : i32
        %mul3A_445 = arith.constant 16 : i32
        %mul3A_446 = arith.muli %scan3A_444, %mul3A_445 : i32
        %get3A_447 = arith.index_cast %scan3A_346 : i32 to index
        %get3A_448 = arith.index_cast %mul3A_446 : i32 to index
        %get3A_449 = tpu.vector_load %arg5[%get3A_447, %get3A_448] {strides = array<i32>} : memref<64x200xi32, #tpu.memory_space<vmem>>, vector<16xi32>,
        %and3A_450 = arith.constant 65535 : i32
        %and3A_451 = vector.broadcast %and3A_450 : i32 to vector<16xi32>
        %and3A_452 = arith.andi %get3A_449, %and3A_451 : vector<16xi32>
        %shift_right_logical3A_453 = arith.constant 16 : i32
        %shift_right_logical3A_454 = vector.broadcast %shift_right_logical3A_453 : i32 to vector<16xi32>
        %shift_right_logical3A_455 = arith.shrui %get3A_449, %shift_right_logical3A_454 : vector<16xi32>
        %scatter3A_456 = arith.constant 16384 : i32
        %scatter3A_457 = tpu.memref_slice %arg4[%scatter3A_456] : memref<32768xi32, #tpu.memory_space<vmem>> -> memref<16384xi32, #tpu.memory_space<vmem>>
        tpu.vector_store_idx %scatter3A_457[%and3A_452], %broadcast_in_dim3A_20 {add = true} : memref<16384xi32, #tpu.memory_space<vmem>>[vector<16xi32>], vector<16xi32>,
        %scatter3A_458 = arith.constant 16384 : i32
        %scatter3A_459 = tpu.memref_slice %arg4[%scatter3A_458] : memref<32768xi32, #tpu.memory_space<vmem>> -> memref<16384xi32, #tpu.memory_space<vmem>>
        tpu.vector_store_idx %scatter3A_459[%shift_right_logical3A_455], %broadcast_in_dim3A_20 {add = true} : memref<16384xi32, #tpu.memory_space<vmem>>[vector<16xi32>], vector<16xi32>,
        %scan3A_460 = arith.constant 7 : i32
        %mul3A_461 = arith.constant 16 : i32
        %mul3A_462 = arith.muli %scan3A_460, %mul3A_461 : i32
        %get3A_463 = arith.index_cast %scan3A_346 : i32 to index
        %get3A_464 = arith.index_cast %mul3A_462 : i32 to index
        %get3A_465 = tpu.vector_load %arg5[%get3A_463, %get3A_464] {strides = array<i32>} : memref<64x200xi32, #tpu.memory_space<vmem>>, vector<16xi32>,
        %and3A_466 = arith.constant 65535 : i32
        %and3A_467 = vector.broadcast %and3A_466 : i32 to vector<16xi32>
        %and3A_468 = arith.andi %get3A_465, %and3A_467 : vector<16xi32>
        %shift_right_logical3A_469 = arith.constant 16 : i32
        %shift_right_logical3A_470 = vector.broadcast %shift_right_logical3A_469 : i32 to vector<16xi32>
        %shift_right_logical3A_471 = arith.shrui %get3A_465, %shift_right_logical3A_470 : vector<16xi32>
        %scatter3A_472 = arith.constant 16384 : i32
        %scatter3A_473 = tpu.memref_slice %arg4[%scatter3A_472] : memref<32768xi32, #tpu.memory_space<vmem>> -> memref<16384xi32, #tpu.memory_space<vmem>>
        tpu.vector_store_idx %scatter3A_473[%and3A_468], %broadcast_in_dim3A_20 {add = true} : memref<16384xi32, #tpu.memory_space<vmem>>[vector<16xi32>], vector<16xi32>,
        %scatter3A_474 = arith.constant 16384 : i32
        %scatter3A_475 = tpu.memref_slice %arg4[%scatter3A_474] : memref<32768xi32, #tpu.memory_space<vmem>> -> memref<16384xi32, #tpu.memory_space<vmem>>
        tpu.vector_store_idx %scatter3A_475[%shift_right_logical3A_471], %broadcast_in_dim3A_20 {add = true} : memref<16384xi32, #tpu.memory_space<vmem>>[vector<16xi32>], vector<16xi32>,
        %scan3A_476 = arith.constant 8 : i32
        %mul3A_477 = arith.constant 16 : i32
        %mul3A_478 = arith.muli %scan3A_476, %mul3A_477 : i32
        %get3A_479 = arith.index_cast %scan3A_346 : i32 to index
        %get3A_480 = arith.index_cast %mul3A_478 : i32 to index
        %get3A_481 = tpu.vector_load %arg5[%get3A_479, %get3A_480] {strides = array<i32>} : memref<64x200xi32, #tpu.memory_space<vmem>>, vector<16xi32>,
        %and3A_482 = arith.constant 65535 : i32
        %and3A_483 = vector.broadcast %and3A_482 : i32 to vector<16xi32>
        %and3A_484 = arith.andi %get3A_481, %and3A_483 : vector<16xi32>
        %shift_right_logical3A_485 = arith.constant 16 : i32
        %shift_right_logical3A_486 = vector.broadcast %shift_right_logical3A_485 : i32 to vector<16xi32>
        %shift_right_logical3A_487 = arith.shrui %get3A_481, %shift_right_logical3A_486 : vector<16xi32>
        %scatter3A_488 = arith.constant 16384 : i32
        %scatter3A_489 = tpu.memref_slice %arg4[%scatter3A_488] : memref<32768xi32, #tpu.memory_space<vmem>> -> memref<16384xi32, #tpu.memory_space<vmem>>
        tpu.vector_store_idx %scatter3A_489[%and3A_484], %broadcast_in_dim3A_20 {add = true} : memref<16384xi32, #tpu.memory_space<vmem>>[vector<16xi32>], vector<16xi32>,
        %scatter3A_490 = arith.constant 16384 : i32
        %scatter3A_491 = tpu.memref_slice %arg4[%scatter3A_490] : memref<32768xi32, #tpu.memory_space<vmem>> -> memref<16384xi32, #tpu.memory_space<vmem>>
        tpu.vector_store_idx %scatter3A_491[%shift_right_logical3A_487], %broadcast_in_dim3A_20 {add = true} : memref<16384xi32, #tpu.memory_space<vmem>>[vector<16xi32>], vector<16xi32>,
        %scan3A_492 = arith.constant 9 : i32
        %mul3A_493 = arith.constant 16 : i32
        %mul3A_494 = arith.muli %scan3A_492, %mul3A_493 : i32
        %get3A_495 = arith.index_cast %scan3A_346 : i32 to index
        %get3A_496 = arith.index_cast %mul3A_494 : i32 to index
        %get3A_497 = tpu.vector_load %arg5[%get3A_495, %get3A_496] {strides = array<i32>} : memref<64x200xi32, #tpu.memory_space<vmem>>, vector<16xi32>,
        %and3A_498 = arith.constant 65535 : i32
        %and3A_499 = vector.broadcast %and3A_498 : i32 to vector<16xi32>
        %and3A_500 = arith.andi %get3A_497, %and3A_499 : vector<16xi32>
        %shift_right_logical3A_501 = arith.constant 16 : i32
        %shift_right_logical3A_502 = vector.broadcast %shift_right_logical3A_501 : i32 to vector<16xi32>
        %shift_right_logical3A_503 = arith.shrui %get3A_497, %shift_right_logical3A_502 : vector<16xi32>
        %scatter3A_504 = arith.constant 16384 : i32
        %scatter3A_505 = tpu.memref_slice %arg4[%scatter3A_504] : memref<32768xi32, #tpu.memory_space<vmem>> -> memref<16384xi32, #tpu.memory_space<vmem>>
        tpu.vector_store_idx %scatter3A_505[%and3A_500], %broadcast_in_dim3A_20 {add = true} : memref<16384xi32, #tpu.memory_space<vmem>>[vector<16xi32>], vector<16xi32>,
        %scatter3A_506 = arith.constant 16384 : i32
        %scatter3A_507 = tpu.memref_slice %arg4[%scatter3A_506] : memref<32768xi32, #tpu.memory_space<vmem>> -> memref<16384xi32, #tpu.memory_space<vmem>>
        tpu.vector_store_idx %scatter3A_507[%shift_right_logical3A_503], %broadcast_in_dim3A_20 {add = true} : memref<16384xi32, #tpu.memory_space<vmem>>[vector<16xi32>], vector<16xi32>,
        %scan3A_508 = arith.constant 10 : i32
        %mul3A_509 = arith.constant 16 : i32
        %mul3A_510 = arith.muli %scan3A_508, %mul3A_509 : i32
        %get3A_511 = arith.index_cast %scan3A_346 : i32 to index
        %get3A_512 = arith.index_cast %mul3A_510 : i32 to index
        %get3A_513 = tpu.vector_load %arg5[%get3A_511, %get3A_512] {strides = array<i32>} : memref<64x200xi32, #tpu.memory_space<vmem>>, vector<16xi32>,
        %and3A_514 = arith.constant 65535 : i32
        %and3A_515 = vector.broadcast %and3A_514 : i32 to vector<16xi32>
        %and3A_516 = arith.andi %get3A_513, %and3A_515 : vector<16xi32>
        %shift_right_logical3A_517 = arith.constant 16 : i32
        %shift_right_logical3A_518 = vector.broadcast %shift_right_logical3A_517 : i32 to vector<16xi32>
        %shift_right_logical3A_519 = arith.shrui %get3A_513, %shift_right_logical3A_518 : vector<16xi32>
        %scatter3A_520 = arith.constant 16384 : i32
        %scatter3A_521 = tpu.memref_slice %arg4[%scatter3A_520] : memref<32768xi32, #tpu.memory_space<vmem>> -> memref<16384xi32, #tpu.memory_space<vmem>>
        tpu.vector_store_idx %scatter3A_521[%and3A_516], %broadcast_in_dim3A_20 {add = true} : memref<16384xi32, #tpu.memory_space<vmem>>[vector<16xi32>], vector<16xi32>,
        %scatter3A_522 = arith.constant 16384 : i32
        %scatter3A_523 = tpu.memref_slice %arg4[%scatter3A_522] : memref<32768xi32, #tpu.memory_space<vmem>> -> memref<16384xi32, #tpu.memory_space<vmem>>
        tpu.vector_store_idx %scatter3A_523[%shift_right_logical3A_519], %broadcast_in_dim3A_20 {add = true} : memref<16384xi32, #tpu.memory_space<vmem>>[vector<16xi32>], vector<16xi32>,
        %scan3A_524 = arith.constant 11 : i32
        %mul3A_525 = arith.constant 16 : i32
        %mul3A_526 = arith.muli %scan3A_524, %mul3A_525 : i32
        %get3A_527 = arith.index_cast %scan3A_346 : i32 to index
        %get3A_528 = arith.index_cast %mul3A_526 : i32 to index
        %get3A_529 = tpu.vector_load %arg5[%get3A_527, %get3A_528] {strides = array<i32>} : memref<64x200xi32, #tpu.memory_space<vmem>>, vector<16xi32>,
        %and3A_530 = arith.constant 65535 : i32
        %and3A_531 = vector.broadcast %and3A_530 : i32 to vector<16xi32>
        %and3A_532 = arith.andi %get3A_529, %and3A_531 : vector<16xi32>
        %shift_right_logical3A_533 = arith.constant 16 : i32
        %shift_right_logical3A_534 = vector.broadcast %shift_right_logical3A_533 : i32 to vector<16xi32>
        %shift_right_logical3A_535 = arith.shrui %get3A_529, %shift_right_logical3A_534 : vector<16xi32>
        %scatter3A_536 = arith.constant 16384 : i32
        %scatter3A_537 = tpu.memref_slice %arg4[%scatter3A_536] : memref<32768xi32, #tpu.memory_space<vmem>> -> memref<16384xi32, #tpu.memory_space<vmem>>
        tpu.vector_store_idx %scatter3A_537[%and3A_532], %broadcast_in_dim3A_20 {add = true} : memref<16384xi32, #tpu.memory_space<vmem>>[vector<16xi32>], vector<16xi32>,
        %scatter3A_538 = arith.constant 16384 : i32
        %scatter3A_539 = tpu.memref_slice %arg4[%scatter3A_538] : memref<32768xi32, #tpu.memory_space<vmem>> -> memref<16384xi32, #tpu.memory_space<vmem>>
        tpu.vector_store_idx %scatter3A_539[%shift_right_logical3A_535], %broadcast_in_dim3A_20 {add = true} : memref<16384xi32, #tpu.memory_space<vmem>>[vector<16xi32>], vector<16xi32>,
        %scan3A_540 = arith.constant 12 : i32
        %get3A_541 = arith.index_cast %scan3A_346 : i32 to index
        %get3A_542 = arith.constant 184 : index
        %get3A_543 = tpu.vector_load %arg5[%get3A_541, %get3A_542] {strides = array<i32>} : memref<64x200xi32, #tpu.memory_space<vmem>>, vector<16xi32>,
        %and3A_544 = arith.constant 65535 : i32
        %and3A_545 = vector.broadcast %and3A_544 : i32 to vector<16xi32>
        %and3A_546 = arith.andi %get3A_543, %and3A_545 : vector<16xi32>
        %shift_right_logical3A_547 = arith.constant 16 : i32
        %shift_right_logical3A_548 = vector.broadcast %shift_right_logical3A_547 : i32 to vector<16xi32>
        %shift_right_logical3A_549 = arith.shrui %get3A_543, %shift_right_logical3A_548 : vector<16xi32>
        %scatter3A_550 = arith.constant 16384 : i32
        %scatter3A_551 = tpu.memref_slice %arg4[%scatter3A_550] : memref<32768xi32, #tpu.memory_space<vmem>> -> memref<16384xi32, #tpu.memory_space<vmem>>
        tpu.vector_store_idx %scatter3A_551[%and3A_546], %broadcast_in_dim3A_20 masked %ge3A_22 {add = true} : memref<16384xi32, #tpu.memory_space<vmem>>[vector<16xi32>], vector<16xi32>, vector<16xi1>
        %scatter3A_552 = arith.constant 16384 : i32
        %scatter3A_553 = tpu.memref_slice %arg4[%scatter3A_552] : memref<32768xi32, #tpu.memory_space<vmem>> -> memref<16384xi32, #tpu.memory_space<vmem>>
        tpu.vector_store_idx %scatter3A_553[%shift_right_logical3A_549], %broadcast_in_dim3A_20 masked %ge3A_22 {add = true} : memref<16384xi32, #tpu.memory_space<vmem>>[vector<16xi32>], vector<16xi32>, vector<16xi1>
      }
      %scan3A_138 = arith.constant 8 : i32
    }
    %while3A_120 = arith.constant 1 : i32
    scf.for %while3A_123 = %while3A_118 to %while3A_114 step %while3A_120  : i32 {
      %mul3A_124 = arith.constant 8 : i32
      %mul3A_125 = arith.muli %mul3A_124, %select_n3A_97 : i32
      %add3A_126 = arith.addi %min3A, %mul3A_125 : i32
      %add3A_127 = arith.addi %add3A_126, %while3A_123 : i32
      %mul3A_128 = arith.constant 200 : i32
      %mul3A_129 = arith.muli %add3A_70, %mul3A_128 : i32
      %sub3A_130 = arith.subi %add3A_127, %mul3A_129 : i32
      %mul3A_131 = arith.constant 8 : i32
      %mul3A_132 = arith.muli %sub3A_130, %mul3A_131 : i32
      "tpu.region"() ({
        %run_scoped3A = tpu.sem_alloc : memref<!tpu.dma_semaphore, #tpu.memory_space<semaphore_mem>>
        %dma_start3A = arith.constant 0 : i32
        %dma_start3A_139 = arith.constant 0 : i32
        %dma_start3A_140 = tpu.memref_slice %arg5[%dma_start3A, %dma_start3A_139] : memref<64x200xi32, #tpu.memory_space<vmem>> -> memref<8x200xi32, #tpu.memory_space<vmem>>
        %dma_start3A_141 = arith.constant 0 : i32
        %dma_start3A_142 = tpu.memref_slice %arg2[%add3A_70, %mul3A_132, %dma_start3A_141] : memref<18x1600x200xi32, #tpu.memory_space<hbm>> -> memref<1x8x200xi32, #tpu.memory_space<hbm>>
        %dma_start3A_143 = tpu.memref_squeeze %dma_start3A_142 : memref<1x8x200xi32, #tpu.memory_space<hbm>> -> memref<8x200xi32, #tpu.memory_space<hbm>>
        %dma_start3A_144 = arith.constant 0 : i32
        %dma_start3A_145 = arith.constant 0 : i32
        %dma_start3A_146 = tpu.memref_slice %arg5[%dma_start3A_144, %dma_start3A_145] : memref<64x200xi32, #tpu.memory_space<vmem>> -> memref<8x200xi32, #tpu.memory_space<vmem>>
        %dma_start3A_147 = arith.constant 0 : i32
        %dma_start3A_148 = tpu.memref_slice %arg2[%add3A_70, %mul3A_132, %dma_start3A_147] : memref<18x1600x200xi32, #tpu.memory_space<hbm>> -> memref<1x8x200xi32, #tpu.memory_space<hbm>>
        %dma_start3A_149 = tpu.memref_squeeze %dma_start3A_148 : memref<1x8x200xi32, #tpu.memory_space<hbm>> -> memref<8x200xi32, #tpu.memory_space<hbm>>
        tpu.enqueue_dma source(%dma_start3A_149 : memref<8x200xi32, #tpu.memory_space<hbm>>) target(%dma_start3A_146 : memref<8x200xi32, #tpu.memory_space<vmem>>) target_semaphore(%run_scoped3A : memref<!tpu.dma_semaphore, #tpu.memory_space<semaphore_mem>>)
        %dma_wait3A = arith.constant 0 : i32
        %dma_wait3A_150 = arith.constant 0 : i32
        %dma_wait3A_151 = tpu.memref_slice %arg5[%dma_wait3A, %dma_wait3A_150] : memref<64x200xi32, #tpu.memory_space<vmem>> -> memref<8x200xi32, #tpu.memory_space<vmem>>
        %dma_wait3A_152 = arith.constant 0 : i32
        %dma_wait3A_153 = tpu.memref_slice %arg2[%add3A_70, %mul3A_132, %dma_wait3A_152] : memref<18x1600x200xi32, #tpu.memory_space<hbm>> -> memref<1x8x200xi32, #tpu.memory_space<hbm>>
        %dma_wait3A_154 = tpu.memref_squeeze %dma_wait3A_153 : memref<1x8x200xi32, #tpu.memory_space<hbm>> -> memref<8x200xi32, #tpu.memory_space<hbm>>
        %dma_wait3A_155 = arith.constant 0 : i32
        %dma_wait3A_156 = arith.constant 0 : i32
        %dma_wait3A_157 = tpu.memref_slice %arg5[%dma_wait3A_155, %dma_wait3A_156] : memref<64x200xi32, #tpu.memory_space<vmem>> -> memref<8x200xi32, #tpu.memory_space<vmem>>
        %dma_wait3A_158 = arith.constant 0 : i32
        %dma_wait3A_159 = tpu.memref_slice %arg2[%add3A_70, %mul3A_132, %dma_wait3A_158] : memref<18x1600x200xi32, #tpu.memory_space<hbm>> -> memref<1x8x200xi32, #tpu.memory_space<hbm>>
        %dma_wait3A_160 = tpu.memref_squeeze %dma_wait3A_159 : memref<1x8x200xi32, #tpu.memory_space<hbm>> -> memref<8x200xi32, #tpu.memory_space<hbm>>
        tpu.wait_dma2 semaphore(%run_scoped3A : memref<!tpu.dma_semaphore, #tpu.memory_space<semaphore_mem>>) src(%dma_wait3A_160 : memref<8x200xi32, #tpu.memory_space<hbm>>) dst(%dma_wait3A_157 : memref<8x200xi32, #tpu.memory_space<vmem>>)
        tpu.yield
      }) : () -> ()
      %scan3A_133 = arith.constant 0 : i32
      %scan3A_134 = arith.constant 0 : i32
      %scan3A_135 = arith.constant 8 : i32
      %scan3A_136 = arith.addi %scan3A_134, %scan3A_135 : i32
      %scan3A_137 = arith.constant 2 : i32
      scf.for %scan3A_139 = %scan3A_134 to %scan3A_136 step %scan3A_137  : i32 {
        %scan3A_140 = arith.constant 0 : i32
        %scan3A_141 = arith.constant 0 : i32
        %mul3A_142 = arith.constant 16 : i32
        %mul3A_143 = arith.muli %scan3A_141, %mul3A_142 : i32
        %get3A = arith.index_cast %scan3A_139 : i32 to index
        %get3A_144 = arith.index_cast %mul3A_143 : i32 to index
        %get3A_145 = tpu.vector_load %arg5[%get3A, %get3A_144] {strides = array<i32>} : memref<64x200xi32, #tpu.memory_space<vmem>>, vector<16xi32>,
        %and3A_146 = arith.constant 65535 : i32
        %and3A_147 = vector.broadcast %and3A_146 : i32 to vector<16xi32>
        %and3A_148 = arith.andi %get3A_145, %and3A_147 : vector<16xi32>
        %shift_right_logical3A_149 = arith.constant 16 : i32
        %shift_right_logical3A_150 = vector.broadcast %shift_right_logical3A_149 : i32 to vector<16xi32>
        %shift_right_logical3A_151 = arith.shrui %get3A_145, %shift_right_logical3A_150 : vector<16xi32>
        %scatter3A = arith.constant 16384 : i32
        %scatter3A_152 = tpu.memref_slice %arg4[%scatter3A] : memref<32768xi32, #tpu.memory_space<vmem>> -> memref<16384xi32, #tpu.memory_space<vmem>>
        tpu.vector_store_idx %scatter3A_152[%and3A_148], %broadcast_in_dim3A_20 {add = true} : memref<16384xi32, #tpu.memory_space<vmem>>[vector<16xi32>], vector<16xi32>,
        %scatter3A_153 = arith.constant 16384 : i32
        %scatter3A_154 = tpu.memref_slice %arg4[%scatter3A_153] : memref<32768xi32, #tpu.memory_space<vmem>> -> memref<16384xi32, #tpu.memory_space<vmem>>
        tpu.vector_store_idx %scatter3A_154[%shift_right_logical3A_151], %broadcast_in_dim3A_20 {add = true} : memref<16384xi32, #tpu.memory_space<vmem>>[vector<16xi32>], vector<16xi32>,
        %scan3A_155 = arith.constant 1 : i32
        %mul3A_156 = arith.constant 16 : i32
        %mul3A_157 = arith.muli %scan3A_155, %mul3A_156 : i32
        %get3A_158 = arith.index_cast %scan3A_139 : i32 to index
        %get3A_159 = arith.index_cast %mul3A_157 : i32 to index
        %get3A_160 = tpu.vector_load %arg5[%get3A_158, %get3A_159] {strides = array<i32>} : memref<64x200xi32, #tpu.memory_space<vmem>>, vector<16xi32>,
        %and3A_161 = arith.constant 65535 : i32
        %and3A_162 = vector.broadcast %and3A_161 : i32 to vector<16xi32>
        %and3A_163 = arith.andi %get3A_160, %and3A_162 : vector<16xi32>
        %shift_right_logical3A_164 = arith.constant 16 : i32
        %shift_right_logical3A_165 = vector.broadcast %shift_right_logical3A_164 : i32 to vector<16xi32>
        %shift_right_logical3A_166 = arith.shrui %get3A_160, %shift_right_logical3A_165 : vector<16xi32>
        %scatter3A_167 = arith.constant 16384 : i32
        %scatter3A_168 = tpu.memref_slice %arg4[%scatter3A_167] : memref<32768xi32, #tpu.memory_space<vmem>> -> memref<16384xi32, #tpu.memory_space<vmem>>
        tpu.vector_store_idx %scatter3A_168[%and3A_163], %broadcast_in_dim3A_20 {add = true} : memref<16384xi32, #tpu.memory_space<vmem>>[vector<16xi32>], vector<16xi32>,
        %scatter3A_169 = arith.constant 16384 : i32
        %scatter3A_170 = tpu.memref_slice %arg4[%scatter3A_169] : memref<32768xi32, #tpu.memory_space<vmem>> -> memref<16384xi32, #tpu.memory_space<vmem>>
        tpu.vector_store_idx %scatter3A_170[%shift_right_logical3A_166], %broadcast_in_dim3A_20 {add = true} : memref<16384xi32, #tpu.memory_space<vmem>>[vector<16xi32>], vector<16xi32>,
        %scan3A_171 = arith.constant 2 : i32
        %mul3A_172 = arith.constant 16 : i32
        %mul3A_173 = arith.muli %scan3A_171, %mul3A_172 : i32
        %get3A_174 = arith.index_cast %scan3A_139 : i32 to index
        %get3A_175 = arith.index_cast %mul3A_173 : i32 to index
        %get3A_176 = tpu.vector_load %arg5[%get3A_174, %get3A_175] {strides = array<i32>} : memref<64x200xi32, #tpu.memory_space<vmem>>, vector<16xi32>,
        %and3A_177 = arith.constant 65535 : i32
        %and3A_178 = vector.broadcast %and3A_177 : i32 to vector<16xi32>
        %and3A_179 = arith.andi %get3A_176, %and3A_178 : vector<16xi32>
        %shift_right_logical3A_180 = arith.constant 16 : i32
        %shift_right_logical3A_181 = vector.broadcast %shift_right_logical3A_180 : i32 to vector<16xi32>
        %shift_right_logical3A_182 = arith.shrui %get3A_176, %shift_right_logical3A_181 : vector<16xi32>
        %scatter3A_183 = arith.constant 16384 : i32
        %scatter3A_184 = tpu.memref_slice %arg4[%scatter3A_183] : memref<32768xi32, #tpu.memory_space<vmem>> -> memref<16384xi32, #tpu.memory_space<vmem>>
        tpu.vector_store_idx %scatter3A_184[%and3A_179], %broadcast_in_dim3A_20 {add = true} : memref<16384xi32, #tpu.memory_space<vmem>>[vector<16xi32>], vector<16xi32>,
        %scatter3A_185 = arith.constant 16384 : i32
        %scatter3A_186 = tpu.memref_slice %arg4[%scatter3A_185] : memref<32768xi32, #tpu.memory_space<vmem>> -> memref<16384xi32, #tpu.memory_space<vmem>>
        tpu.vector_store_idx %scatter3A_186[%shift_right_logical3A_182], %broadcast_in_dim3A_20 {add = true} : memref<16384xi32, #tpu.memory_space<vmem>>[vector<16xi32>], vector<16xi32>,
        %scan3A_187 = arith.constant 3 : i32
        %mul3A_188 = arith.constant 16 : i32
        %mul3A_189 = arith.muli %scan3A_187, %mul3A_188 : i32
        %get3A_190 = arith.index_cast %scan3A_139 : i32 to index
        %get3A_191 = arith.index_cast %mul3A_189 : i32 to index
        %get3A_192 = tpu.vector_load %arg5[%get3A_190, %get3A_191] {strides = array<i32>} : memref<64x200xi32, #tpu.memory_space<vmem>>, vector<16xi32>,
        %and3A_193 = arith.constant 65535 : i32
        %and3A_194 = vector.broadcast %and3A_193 : i32 to vector<16xi32>
        %and3A_195 = arith.andi %get3A_192, %and3A_194 : vector<16xi32>
        %shift_right_logical3A_196 = arith.constant 16 : i32
        %shift_right_logical3A_197 = vector.broadcast %shift_right_logical3A_196 : i32 to vector<16xi32>
        %shift_right_logical3A_198 = arith.shrui %get3A_192, %shift_right_logical3A_197 : vector<16xi32>
        %scatter3A_199 = arith.constant 16384 : i32
        %scatter3A_200 = tpu.memref_slice %arg4[%scatter3A_199] : memref<32768xi32, #tpu.memory_space<vmem>> -> memref<16384xi32, #tpu.memory_space<vmem>>
        tpu.vector_store_idx %scatter3A_200[%and3A_195], %broadcast_in_dim3A_20 {add = true} : memref<16384xi32, #tpu.memory_space<vmem>>[vector<16xi32>], vector<16xi32>,
        %scatter3A_201 = arith.constant 16384 : i32
        %scatter3A_202 = tpu.memref_slice %arg4[%scatter3A_201] : memref<32768xi32, #tpu.memory_space<vmem>> -> memref<16384xi32, #tpu.memory_space<vmem>>
        tpu.vector_store_idx %scatter3A_202[%shift_right_logical3A_198], %broadcast_in_dim3A_20 {add = true} : memref<16384xi32, #tpu.memory_space<vmem>>[vector<16xi32>], vector<16xi32>,
        %scan3A_203 = arith.constant 4 : i32
        %mul3A_204 = arith.constant 16 : i32
        %mul3A_205 = arith.muli %scan3A_203, %mul3A_204 : i32
        %get3A_206 = arith.index_cast %scan3A_139 : i32 to index
        %get3A_207 = arith.index_cast %mul3A_205 : i32 to index
        %get3A_208 = tpu.vector_load %arg5[%get3A_206, %get3A_207] {strides = array<i32>} : memref<64x200xi32, #tpu.memory_space<vmem>>, vector<16xi32>,
        %and3A_209 = arith.constant 65535 : i32
        %and3A_210 = vector.broadcast %and3A_209 : i32 to vector<16xi32>
        %and3A_211 = arith.andi %get3A_208, %and3A_210 : vector<16xi32>
        %shift_right_logical3A_212 = arith.constant 16 : i32
        %shift_right_logical3A_213 = vector.broadcast %shift_right_logical3A_212 : i32 to vector<16xi32>
        %shift_right_logical3A_214 = arith.shrui %get3A_208, %shift_right_logical3A_213 : vector<16xi32>
        %scatter3A_215 = arith.constant 16384 : i32
        %scatter3A_216 = tpu.memref_slice %arg4[%scatter3A_215] : memref<32768xi32, #tpu.memory_space<vmem>> -> memref<16384xi32, #tpu.memory_space<vmem>>
        tpu.vector_store_idx %scatter3A_216[%and3A_211], %broadcast_in_dim3A_20 {add = true} : memref<16384xi32, #tpu.memory_space<vmem>>[vector<16xi32>], vector<16xi32>,
        %scatter3A_217 = arith.constant 16384 : i32
        %scatter3A_218 = tpu.memref_slice %arg4[%scatter3A_217] : memref<32768xi32, #tpu.memory_space<vmem>> -> memref<16384xi32, #tpu.memory_space<vmem>>
        tpu.vector_store_idx %scatter3A_218[%shift_right_logical3A_214], %broadcast_in_dim3A_20 {add = true} : memref<16384xi32, #tpu.memory_space<vmem>>[vector<16xi32>], vector<16xi32>,
        %scan3A_219 = arith.constant 5 : i32
        %mul3A_220 = arith.constant 16 : i32
        %mul3A_221 = arith.muli %scan3A_219, %mul3A_220 : i32
        %get3A_222 = arith.index_cast %scan3A_139 : i32 to index
        %get3A_223 = arith.index_cast %mul3A_221 : i32 to index
        %get3A_224 = tpu.vector_load %arg5[%get3A_222, %get3A_223] {strides = array<i32>} : memref<64x200xi32, #tpu.memory_space<vmem>>, vector<16xi32>,
        %and3A_225 = arith.constant 65535 : i32
        %and3A_226 = vector.broadcast %and3A_225 : i32 to vector<16xi32>
        %and3A_227 = arith.andi %get3A_224, %and3A_226 : vector<16xi32>
        %shift_right_logical3A_228 = arith.constant 16 : i32
        %shift_right_logical3A_229 = vector.broadcast %shift_right_logical3A_228 : i32 to vector<16xi32>
        %shift_right_logical3A_230 = arith.shrui %get3A_224, %shift_right_logical3A_229 : vector<16xi32>
        %scatter3A_231 = arith.constant 16384 : i32
        %scatter3A_232 = tpu.memref_slice %arg4[%scatter3A_231] : memref<32768xi32, #tpu.memory_space<vmem>> -> memref<16384xi32, #tpu.memory_space<vmem>>
        tpu.vector_store_idx %scatter3A_232[%and3A_227], %broadcast_in_dim3A_20 {add = true} : memref<16384xi32, #tpu.memory_space<vmem>>[vector<16xi32>], vector<16xi32>,
        %scatter3A_233 = arith.constant 16384 : i32
        %scatter3A_234 = tpu.memref_slice %arg4[%scatter3A_233] : memref<32768xi32, #tpu.memory_space<vmem>> -> memref<16384xi32, #tpu.memory_space<vmem>>
        tpu.vector_store_idx %scatter3A_234[%shift_right_logical3A_230], %broadcast_in_dim3A_20 {add = true} : memref<16384xi32, #tpu.memory_space<vmem>>[vector<16xi32>], vector<16xi32>,
        %scan3A_235 = arith.constant 6 : i32
        %mul3A_236 = arith.constant 16 : i32
        %mul3A_237 = arith.muli %scan3A_235, %mul3A_236 : i32
        %get3A_238 = arith.index_cast %scan3A_139 : i32 to index
        %get3A_239 = arith.index_cast %mul3A_237 : i32 to index
        %get3A_240 = tpu.vector_load %arg5[%get3A_238, %get3A_239] {strides = array<i32>} : memref<64x200xi32, #tpu.memory_space<vmem>>, vector<16xi32>,
        %and3A_241 = arith.constant 65535 : i32
        %and3A_242 = vector.broadcast %and3A_241 : i32 to vector<16xi32>
        %and3A_243 = arith.andi %get3A_240, %and3A_242 : vector<16xi32>
        %shift_right_logical3A_244 = arith.constant 16 : i32
        %shift_right_logical3A_245 = vector.broadcast %shift_right_logical3A_244 : i32 to vector<16xi32>
        %shift_right_logical3A_246 = arith.shrui %get3A_240, %shift_right_logical3A_245 : vector<16xi32>
        %scatter3A_247 = arith.constant 16384 : i32
        %scatter3A_248 = tpu.memref_slice %arg4[%scatter3A_247] : memref<32768xi32, #tpu.memory_space<vmem>> -> memref<16384xi32, #tpu.memory_space<vmem>>
        tpu.vector_store_idx %scatter3A_248[%and3A_243], %broadcast_in_dim3A_20 {add = true} : memref<16384xi32, #tpu.memory_space<vmem>>[vector<16xi32>], vector<16xi32>,
        %scatter3A_249 = arith.constant 16384 : i32
        %scatter3A_250 = tpu.memref_slice %arg4[%scatter3A_249] : memref<32768xi32, #tpu.memory_space<vmem>> -> memref<16384xi32, #tpu.memory_space<vmem>>
        tpu.vector_store_idx %scatter3A_250[%shift_right_logical3A_246], %broadcast_in_dim3A_20 {add = true} : memref<16384xi32, #tpu.memory_space<vmem>>[vector<16xi32>], vector<16xi32>,
        %scan3A_251 = arith.constant 7 : i32
        %mul3A_252 = arith.constant 16 : i32
        %mul3A_253 = arith.muli %scan3A_251, %mul3A_252 : i32
        %get3A_254 = arith.index_cast %scan3A_139 : i32 to index
        %get3A_255 = arith.index_cast %mul3A_253 : i32 to index
        %get3A_256 = tpu.vector_load %arg5[%get3A_254, %get3A_255] {strides = array<i32>} : memref<64x200xi32, #tpu.memory_space<vmem>>, vector<16xi32>,
        %and3A_257 = arith.constant 65535 : i32
        %and3A_258 = vector.broadcast %and3A_257 : i32 to vector<16xi32>
        %and3A_259 = arith.andi %get3A_256, %and3A_258 : vector<16xi32>
        %shift_right_logical3A_260 = arith.constant 16 : i32
        %shift_right_logical3A_261 = vector.broadcast %shift_right_logical3A_260 : i32 to vector<16xi32>
        %shift_right_logical3A_262 = arith.shrui %get3A_256, %shift_right_logical3A_261 : vector<16xi32>
        %scatter3A_263 = arith.constant 16384 : i32
        %scatter3A_264 = tpu.memref_slice %arg4[%scatter3A_263] : memref<32768xi32, #tpu.memory_space<vmem>> -> memref<16384xi32, #tpu.memory_space<vmem>>
        tpu.vector_store_idx %scatter3A_264[%and3A_259], %broadcast_in_dim3A_20 {add = true} : memref<16384xi32, #tpu.memory_space<vmem>>[vector<16xi32>], vector<16xi32>,
        %scatter3A_265 = arith.constant 16384 : i32
        %scatter3A_266 = tpu.memref_slice %arg4[%scatter3A_265] : memref<32768xi32, #tpu.memory_space<vmem>> -> memref<16384xi32, #tpu.memory_space<vmem>>
        tpu.vector_store_idx %scatter3A_266[%shift_right_logical3A_262], %broadcast_in_dim3A_20 {add = true} : memref<16384xi32, #tpu.memory_space<vmem>>[vector<16xi32>], vector<16xi32>,
        %scan3A_267 = arith.constant 8 : i32
        %mul3A_268 = arith.constant 16 : i32
        %mul3A_269 = arith.muli %scan3A_267, %mul3A_268 : i32
        %get3A_270 = arith.index_cast %scan3A_139 : i32 to index
        %get3A_271 = arith.index_cast %mul3A_269 : i32 to index
        %get3A_272 = tpu.vector_load %arg5[%get3A_270, %get3A_271] {strides = array<i32>} : memref<64x200xi32, #tpu.memory_space<vmem>>, vector<16xi32>,
        %and3A_273 = arith.constant 65535 : i32
        %and3A_274 = vector.broadcast %and3A_273 : i32 to vector<16xi32>
        %and3A_275 = arith.andi %get3A_272, %and3A_274 : vector<16xi32>
        %shift_right_logical3A_276 = arith.constant 16 : i32
        %shift_right_logical3A_277 = vector.broadcast %shift_right_logical3A_276 : i32 to vector<16xi32>
        %shift_right_logical3A_278 = arith.shrui %get3A_272, %shift_right_logical3A_277 : vector<16xi32>
        %scatter3A_279 = arith.constant 16384 : i32
        %scatter3A_280 = tpu.memref_slice %arg4[%scatter3A_279] : memref<32768xi32, #tpu.memory_space<vmem>> -> memref<16384xi32, #tpu.memory_space<vmem>>
        tpu.vector_store_idx %scatter3A_280[%and3A_275], %broadcast_in_dim3A_20 {add = true} : memref<16384xi32, #tpu.memory_space<vmem>>[vector<16xi32>], vector<16xi32>,
        %scatter3A_281 = arith.constant 16384 : i32
        %scatter3A_282 = tpu.memref_slice %arg4[%scatter3A_281] : memref<32768xi32, #tpu.memory_space<vmem>> -> memref<16384xi32, #tpu.memory_space<vmem>>
        tpu.vector_store_idx %scatter3A_282[%shift_right_logical3A_278], %broadcast_in_dim3A_20 {add = true} : memref<16384xi32, #tpu.memory_space<vmem>>[vector<16xi32>], vector<16xi32>,
        %scan3A_283 = arith.constant 9 : i32
        %mul3A_284 = arith.constant 16 : i32
        %mul3A_285 = arith.muli %scan3A_283, %mul3A_284 : i32
        %get3A_286 = arith.index_cast %scan3A_139 : i32 to index
        %get3A_287 = arith.index_cast %mul3A_285 : i32 to index
        %get3A_288 = tpu.vector_load %arg5[%get3A_286, %get3A_287] {strides = array<i32>} : memref<64x200xi32, #tpu.memory_space<vmem>>, vector<16xi32>,
        %and3A_289 = arith.constant 65535 : i32
        %and3A_290 = vector.broadcast %and3A_289 : i32 to vector<16xi32>
        %and3A_291 = arith.andi %get3A_288, %and3A_290 : vector<16xi32>
        %shift_right_logical3A_292 = arith.constant 16 : i32
        %shift_right_logical3A_293 = vector.broadcast %shift_right_logical3A_292 : i32 to vector<16xi32>
        %shift_right_logical3A_294 = arith.shrui %get3A_288, %shift_right_logical3A_293 : vector<16xi32>
        %scatter3A_295 = arith.constant 16384 : i32
        %scatter3A_296 = tpu.memref_slice %arg4[%scatter3A_295] : memref<32768xi32, #tpu.memory_space<vmem>> -> memref<16384xi32, #tpu.memory_space<vmem>>
        tpu.vector_store_idx %scatter3A_296[%and3A_291], %broadcast_in_dim3A_20 {add = true} : memref<16384xi32, #tpu.memory_space<vmem>>[vector<16xi32>], vector<16xi32>,
        %scatter3A_297 = arith.constant 16384 : i32
        %scatter3A_298 = tpu.memref_slice %arg4[%scatter3A_297] : memref<32768xi32, #tpu.memory_space<vmem>> -> memref<16384xi32, #tpu.memory_space<vmem>>
        tpu.vector_store_idx %scatter3A_298[%shift_right_logical3A_294], %broadcast_in_dim3A_20 {add = true} : memref<16384xi32, #tpu.memory_space<vmem>>[vector<16xi32>], vector<16xi32>,
        %scan3A_299 = arith.constant 10 : i32
        %mul3A_300 = arith.constant 16 : i32
        %mul3A_301 = arith.muli %scan3A_299, %mul3A_300 : i32
        %get3A_302 = arith.index_cast %scan3A_139 : i32 to index
        %get3A_303 = arith.index_cast %mul3A_301 : i32 to index
        %get3A_304 = tpu.vector_load %arg5[%get3A_302, %get3A_303] {strides = array<i32>} : memref<64x200xi32, #tpu.memory_space<vmem>>, vector<16xi32>,
        %and3A_305 = arith.constant 65535 : i32
        %and3A_306 = vector.broadcast %and3A_305 : i32 to vector<16xi32>
        %and3A_307 = arith.andi %get3A_304, %and3A_306 : vector<16xi32>
        %shift_right_logical3A_308 = arith.constant 16 : i32
        %shift_right_logical3A_309 = vector.broadcast %shift_right_logical3A_308 : i32 to vector<16xi32>
        %shift_right_logical3A_310 = arith.shrui %get3A_304, %shift_right_logical3A_309 : vector<16xi32>
        %scatter3A_311 = arith.constant 16384 : i32
        %scatter3A_312 = tpu.memref_slice %arg4[%scatter3A_311] : memref<32768xi32, #tpu.memory_space<vmem>> -> memref<16384xi32, #tpu.memory_space<vmem>>
        tpu.vector_store_idx %scatter3A_312[%and3A_307], %broadcast_in_dim3A_20 {add = true} : memref<16384xi32, #tpu.memory_space<vmem>>[vector<16xi32>], vector<16xi32>,
        %scatter3A_313 = arith.constant 16384 : i32
        %scatter3A_314 = tpu.memref_slice %arg4[%scatter3A_313] : memref<32768xi32, #tpu.memory_space<vmem>> -> memref<16384xi32, #tpu.memory_space<vmem>>
        tpu.vector_store_idx %scatter3A_314[%shift_right_logical3A_310], %broadcast_in_dim3A_20 {add = true} : memref<16384xi32, #tpu.memory_space<vmem>>[vector<16xi32>], vector<16xi32>,
        %scan3A_315 = arith.constant 11 : i32
        %mul3A_316 = arith.constant 16 : i32
        %mul3A_317 = arith.muli %scan3A_315, %mul3A_316 : i32
        %get3A_318 = arith.index_cast %scan3A_139 : i32 to index
        %get3A_319 = arith.index_cast %mul3A_317 : i32 to index
        %get3A_320 = tpu.vector_load %arg5[%get3A_318, %get3A_319] {strides = array<i32>} : memref<64x200xi32, #tpu.memory_space<vmem>>, vector<16xi32>,
        %and3A_321 = arith.constant 65535 : i32
        %and3A_322 = vector.broadcast %and3A_321 : i32 to vector<16xi32>
        %and3A_323 = arith.andi %get3A_320, %and3A_322 : vector<16xi32>
        %shift_right_logical3A_324 = arith.constant 16 : i32
        %shift_right_logical3A_325 = vector.broadcast %shift_right_logical3A_324 : i32 to vector<16xi32>
        %shift_right_logical3A_326 = arith.shrui %get3A_320, %shift_right_logical3A_325 : vector<16xi32>
        %scatter3A_327 = arith.constant 16384 : i32
        %scatter3A_328 = tpu.memref_slice %arg4[%scatter3A_327] : memref<32768xi32, #tpu.memory_space<vmem>> -> memref<16384xi32, #tpu.memory_space<vmem>>
        tpu.vector_store_idx %scatter3A_328[%and3A_323], %broadcast_in_dim3A_20 {add = true} : memref<16384xi32, #tpu.memory_space<vmem>>[vector<16xi32>], vector<16xi32>,
        %scatter3A_329 = arith.constant 16384 : i32
        %scatter3A_330 = tpu.memref_slice %arg4[%scatter3A_329] : memref<32768xi32, #tpu.memory_space<vmem>> -> memref<16384xi32, #tpu.memory_space<vmem>>
        tpu.vector_store_idx %scatter3A_330[%shift_right_logical3A_326], %broadcast_in_dim3A_20 {add = true} : memref<16384xi32, #tpu.memory_space<vmem>>[vector<16xi32>], vector<16xi32>,
        %scan3A_331 = arith.constant 12 : i32
        %get3A_332 = arith.index_cast %scan3A_139 : i32 to index
        %get3A_333 = arith.constant 184 : index
        %get3A_334 = tpu.vector_load %arg5[%get3A_332, %get3A_333] {strides = array<i32>} : memref<64x200xi32, #tpu.memory_space<vmem>>, vector<16xi32>,
        %and3A_335 = arith.constant 65535 : i32
        %and3A_336 = vector.broadcast %and3A_335 : i32 to vector<16xi32>
        %and3A_337 = arith.andi %get3A_334, %and3A_336 : vector<16xi32>
        %shift_right_logical3A_338 = arith.constant 16 : i32
        %shift_right_logical3A_339 = vector.broadcast %shift_right_logical3A_338 : i32 to vector<16xi32>
        %shift_right_logical3A_340 = arith.shrui %get3A_334, %shift_right_logical3A_339 : vector<16xi32>
        %scatter3A_341 = arith.constant 16384 : i32
        %scatter3A_342 = tpu.memref_slice %arg4[%scatter3A_341] : memref<32768xi32, #tpu.memory_space<vmem>> -> memref<16384xi32, #tpu.memory_space<vmem>>
        tpu.vector_store_idx %scatter3A_342[%and3A_337], %broadcast_in_dim3A_20 masked %ge3A_22 {add = true} : memref<16384xi32, #tpu.memory_space<vmem>>[vector<16xi32>], vector<16xi32>, vector<16xi1>
        %scatter3A_343 = arith.constant 16384 : i32
        %scatter3A_344 = tpu.memref_slice %arg4[%scatter3A_343] : memref<32768xi32, #tpu.memory_space<vmem>> -> memref<16384xi32, #tpu.memory_space<vmem>>
        tpu.vector_store_idx %scatter3A_344[%shift_right_logical3A_340], %broadcast_in_dim3A_20 masked %ge3A_22 {add = true} : memref<16384xi32, #tpu.memory_space<vmem>>[vector<16xi32>], vector<16xi32>, vector<16xi1>
        %scan3A_345 = arith.constant 1 : i32
        %scan3A_346 = arith.addi %scan3A_139, %scan3A_345 : i32
        %scan3A_347 = arith.constant 0 : i32
        %scan3A_348 = arith.constant 0 : i32
        %mul3A_349 = arith.constant 16 : i32
        %mul3A_350 = arith.muli %scan3A_348, %mul3A_349 : i32
        %get3A_351 = arith.index_cast %scan3A_346 : i32 to index
        %get3A_352 = arith.index_cast %mul3A_350 : i32 to index
        %get3A_353 = tpu.vector_load %arg5[%get3A_351, %get3A_352] {strides = array<i32>} : memref<64x200xi32, #tpu.memory_space<vmem>>, vector<16xi32>,
        %and3A_354 = arith.constant 65535 : i32
        %and3A_355 = vector.broadcast %and3A_354 : i32 to vector<16xi32>
        %and3A_356 = arith.andi %get3A_353, %and3A_355 : vector<16xi32>
        %shift_right_logical3A_357 = arith.constant 16 : i32
        %shift_right_logical3A_358 = vector.broadcast %shift_right_logical3A_357 : i32 to vector<16xi32>
        %shift_right_logical3A_359 = arith.shrui %get3A_353, %shift_right_logical3A_358 : vector<16xi32>
        %scatter3A_360 = arith.constant 16384 : i32
        %scatter3A_361 = tpu.memref_slice %arg4[%scatter3A_360] : memref<32768xi32, #tpu.memory_space<vmem>> -> memref<16384xi32, #tpu.memory_space<vmem>>
        tpu.vector_store_idx %scatter3A_361[%and3A_356], %broadcast_in_dim3A_20 {add = true} : memref<16384xi32, #tpu.memory_space<vmem>>[vector<16xi32>], vector<16xi32>,
        %scatter3A_362 = arith.constant 16384 : i32
        %scatter3A_363 = tpu.memref_slice %arg4[%scatter3A_362] : memref<32768xi32, #tpu.memory_space<vmem>> -> memref<16384xi32, #tpu.memory_space<vmem>>
        tpu.vector_store_idx %scatter3A_363[%shift_right_logical3A_359], %broadcast_in_dim3A_20 {add = true} : memref<16384xi32, #tpu.memory_space<vmem>>[vector<16xi32>], vector<16xi32>,
        %scan3A_364 = arith.constant 1 : i32
        %mul3A_365 = arith.constant 16 : i32
        %mul3A_366 = arith.muli %scan3A_364, %mul3A_365 : i32
        %get3A_367 = arith.index_cast %scan3A_346 : i32 to index
        %get3A_368 = arith.index_cast %mul3A_366 : i32 to index
        %get3A_369 = tpu.vector_load %arg5[%get3A_367, %get3A_368] {strides = array<i32>} : memref<64x200xi32, #tpu.memory_space<vmem>>, vector<16xi32>,
        %and3A_370 = arith.constant 65535 : i32
        %and3A_371 = vector.broadcast %and3A_370 : i32 to vector<16xi32>
        %and3A_372 = arith.andi %get3A_369, %and3A_371 : vector<16xi32>
        %shift_right_logical3A_373 = arith.constant 16 : i32
        %shift_right_logical3A_374 = vector.broadcast %shift_right_logical3A_373 : i32 to vector<16xi32>
        %shift_right_logical3A_375 = arith.shrui %get3A_369, %shift_right_logical3A_374 : vector<16xi32>
        %scatter3A_376 = arith.constant 16384 : i32
        %scatter3A_377 = tpu.memref_slice %arg4[%scatter3A_376] : memref<32768xi32, #tpu.memory_space<vmem>> -> memref<16384xi32, #tpu.memory_space<vmem>>
        tpu.vector_store_idx %scatter3A_377[%and3A_372], %broadcast_in_dim3A_20 {add = true} : memref<16384xi32, #tpu.memory_space<vmem>>[vector<16xi32>], vector<16xi32>,
        %scatter3A_378 = arith.constant 16384 : i32
        %scatter3A_379 = tpu.memref_slice %arg4[%scatter3A_378] : memref<32768xi32, #tpu.memory_space<vmem>> -> memref<16384xi32, #tpu.memory_space<vmem>>
        tpu.vector_store_idx %scatter3A_379[%shift_right_logical3A_375], %broadcast_in_dim3A_20 {add = true} : memref<16384xi32, #tpu.memory_space<vmem>>[vector<16xi32>], vector<16xi32>,
        %scan3A_380 = arith.constant 2 : i32
        %mul3A_381 = arith.constant 16 : i32
        %mul3A_382 = arith.muli %scan3A_380, %mul3A_381 : i32
        %get3A_383 = arith.index_cast %scan3A_346 : i32 to index
        %get3A_384 = arith.index_cast %mul3A_382 : i32 to index
        %get3A_385 = tpu.vector_load %arg5[%get3A_383, %get3A_384] {strides = array<i32>} : memref<64x200xi32, #tpu.memory_space<vmem>>, vector<16xi32>,
        %and3A_386 = arith.constant 65535 : i32
        %and3A_387 = vector.broadcast %and3A_386 : i32 to vector<16xi32>
        %and3A_388 = arith.andi %get3A_385, %and3A_387 : vector<16xi32>
        %shift_right_logical3A_389 = arith.constant 16 : i32
        %shift_right_logical3A_390 = vector.broadcast %shift_right_logical3A_389 : i32 to vector<16xi32>
        %shift_right_logical3A_391 = arith.shrui %get3A_385, %shift_right_logical3A_390 : vector<16xi32>
        %scatter3A_392 = arith.constant 16384 : i32
        %scatter3A_393 = tpu.memref_slice %arg4[%scatter3A_392] : memref<32768xi32, #tpu.memory_space<vmem>> -> memref<16384xi32, #tpu.memory_space<vmem>>
        tpu.vector_store_idx %scatter3A_393[%and3A_388], %broadcast_in_dim3A_20 {add = true} : memref<16384xi32, #tpu.memory_space<vmem>>[vector<16xi32>], vector<16xi32>,
        %scatter3A_394 = arith.constant 16384 : i32
        %scatter3A_395 = tpu.memref_slice %arg4[%scatter3A_394] : memref<32768xi32, #tpu.memory_space<vmem>> -> memref<16384xi32, #tpu.memory_space<vmem>>
        tpu.vector_store_idx %scatter3A_395[%shift_right_logical3A_391], %broadcast_in_dim3A_20 {add = true} : memref<16384xi32, #tpu.memory_space<vmem>>[vector<16xi32>], vector<16xi32>,
        %scan3A_396 = arith.constant 3 : i32
        %mul3A_397 = arith.constant 16 : i32
        %mul3A_398 = arith.muli %scan3A_396, %mul3A_397 : i32
        %get3A_399 = arith.index_cast %scan3A_346 : i32 to index
        %get3A_400 = arith.index_cast %mul3A_398 : i32 to index
        %get3A_401 = tpu.vector_load %arg5[%get3A_399, %get3A_400] {strides = array<i32>} : memref<64x200xi32, #tpu.memory_space<vmem>>, vector<16xi32>,
        %and3A_402 = arith.constant 65535 : i32
        %and3A_403 = vector.broadcast %and3A_402 : i32 to vector<16xi32>
        %and3A_404 = arith.andi %get3A_401, %and3A_403 : vector<16xi32>
        %shift_right_logical3A_405 = arith.constant 16 : i32
        %shift_right_logical3A_406 = vector.broadcast %shift_right_logical3A_405 : i32 to vector<16xi32>
        %shift_right_logical3A_407 = arith.shrui %get3A_401, %shift_right_logical3A_406 : vector<16xi32>
        %scatter3A_408 = arith.constant 16384 : i32
        %scatter3A_409 = tpu.memref_slice %arg4[%scatter3A_408] : memref<32768xi32, #tpu.memory_space<vmem>> -> memref<16384xi32, #tpu.memory_space<vmem>>
        tpu.vector_store_idx %scatter3A_409[%and3A_404], %broadcast_in_dim3A_20 {add = true} : memref<16384xi32, #tpu.memory_space<vmem>>[vector<16xi32>], vector<16xi32>,
        %scatter3A_410 = arith.constant 16384 : i32
        %scatter3A_411 = tpu.memref_slice %arg4[%scatter3A_410] : memref<32768xi32, #tpu.memory_space<vmem>> -> memref<16384xi32, #tpu.memory_space<vmem>>
        tpu.vector_store_idx %scatter3A_411[%shift_right_logical3A_407], %broadcast_in_dim3A_20 {add = true} : memref<16384xi32, #tpu.memory_space<vmem>>[vector<16xi32>], vector<16xi32>,
        %scan3A_412 = arith.constant 4 : i32
        %mul3A_413 = arith.constant 16 : i32
        %mul3A_414 = arith.muli %scan3A_412, %mul3A_413 : i32
        %get3A_415 = arith.index_cast %scan3A_346 : i32 to index
        %get3A_416 = arith.index_cast %mul3A_414 : i32 to index
        %get3A_417 = tpu.vector_load %arg5[%get3A_415, %get3A_416] {strides = array<i32>} : memref<64x200xi32, #tpu.memory_space<vmem>>, vector<16xi32>,
        %and3A_418 = arith.constant 65535 : i32
        %and3A_419 = vector.broadcast %and3A_418 : i32 to vector<16xi32>
        %and3A_420 = arith.andi %get3A_417, %and3A_419 : vector<16xi32>
        %shift_right_logical3A_421 = arith.constant 16 : i32
        %shift_right_logical3A_422 = vector.broadcast %shift_right_logical3A_421 : i32 to vector<16xi32>
        %shift_right_logical3A_423 = arith.shrui %get3A_417, %shift_right_logical3A_422 : vector<16xi32>
        %scatter3A_424 = arith.constant 16384 : i32
        %scatter3A_425 = tpu.memref_slice %arg4[%scatter3A_424] : memref<32768xi32, #tpu.memory_space<vmem>> -> memref<16384xi32, #tpu.memory_space<vmem>>
        tpu.vector_store_idx %scatter3A_425[%and3A_420], %broadcast_in_dim3A_20 {add = true} : memref<16384xi32, #tpu.memory_space<vmem>>[vector<16xi32>], vector<16xi32>,
        %scatter3A_426 = arith.constant 16384 : i32
        %scatter3A_427 = tpu.memref_slice %arg4[%scatter3A_426] : memref<32768xi32, #tpu.memory_space<vmem>> -> memref<16384xi32, #tpu.memory_space<vmem>>
        tpu.vector_store_idx %scatter3A_427[%shift_right_logical3A_423], %broadcast_in_dim3A_20 {add = true} : memref<16384xi32, #tpu.memory_space<vmem>>[vector<16xi32>], vector<16xi32>,
        %scan3A_428 = arith.constant 5 : i32
        %mul3A_429 = arith.constant 16 : i32
        %mul3A_430 = arith.muli %scan3A_428, %mul3A_429 : i32
        %get3A_431 = arith.index_cast %scan3A_346 : i32 to index
        %get3A_432 = arith.index_cast %mul3A_430 : i32 to index
        %get3A_433 = tpu.vector_load %arg5[%get3A_431, %get3A_432] {strides = array<i32>} : memref<64x200xi32, #tpu.memory_space<vmem>>, vector<16xi32>,
        %and3A_434 = arith.constant 65535 : i32
        %and3A_435 = vector.broadcast %and3A_434 : i32 to vector<16xi32>
        %and3A_436 = arith.andi %get3A_433, %and3A_435 : vector<16xi32>
        %shift_right_logical3A_437 = arith.constant 16 : i32
        %shift_right_logical3A_438 = vector.broadcast %shift_right_logical3A_437 : i32 to vector<16xi32>
        %shift_right_logical3A_439 = arith.shrui %get3A_433, %shift_right_logical3A_438 : vector<16xi32>
        %scatter3A_440 = arith.constant 16384 : i32
        %scatter3A_441 = tpu.memref_slice %arg4[%scatter3A_440] : memref<32768xi32, #tpu.memory_space<vmem>> -> memref<16384xi32, #tpu.memory_space<vmem>>
        tpu.vector_store_idx %scatter3A_441[%and3A_436], %broadcast_in_dim3A_20 {add = true} : memref<16384xi32, #tpu.memory_space<vmem>>[vector<16xi32>], vector<16xi32>,
        %scatter3A_442 = arith.constant 16384 : i32
        %scatter3A_443 = tpu.memref_slice %arg4[%scatter3A_442] : memref<32768xi32, #tpu.memory_space<vmem>> -> memref<16384xi32, #tpu.memory_space<vmem>>
        tpu.vector_store_idx %scatter3A_443[%shift_right_logical3A_439], %broadcast_in_dim3A_20 {add = true} : memref<16384xi32, #tpu.memory_space<vmem>>[vector<16xi32>], vector<16xi32>,
        %scan3A_444 = arith.constant 6 : i32
        %mul3A_445 = arith.constant 16 : i32
        %mul3A_446 = arith.muli %scan3A_444, %mul3A_445 : i32
        %get3A_447 = arith.index_cast %scan3A_346 : i32 to index
        %get3A_448 = arith.index_cast %mul3A_446 : i32 to index
        %get3A_449 = tpu.vector_load %arg5[%get3A_447, %get3A_448] {strides = array<i32>} : memref<64x200xi32, #tpu.memory_space<vmem>>, vector<16xi32>,
        %and3A_450 = arith.constant 65535 : i32
        %and3A_451 = vector.broadcast %and3A_450 : i32 to vector<16xi32>
        %and3A_452 = arith.andi %get3A_449, %and3A_451 : vector<16xi32>
        %shift_right_logical3A_453 = arith.constant 16 : i32
        %shift_right_logical3A_454 = vector.broadcast %shift_right_logical3A_453 : i32 to vector<16xi32>
        %shift_right_logical3A_455 = arith.shrui %get3A_449, %shift_right_logical3A_454 : vector<16xi32>
        %scatter3A_456 = arith.constant 16384 : i32
        %scatter3A_457 = tpu.memref_slice %arg4[%scatter3A_456] : memref<32768xi32, #tpu.memory_space<vmem>> -> memref<16384xi32, #tpu.memory_space<vmem>>
        tpu.vector_store_idx %scatter3A_457[%and3A_452], %broadcast_in_dim3A_20 {add = true} : memref<16384xi32, #tpu.memory_space<vmem>>[vector<16xi32>], vector<16xi32>,
        %scatter3A_458 = arith.constant 16384 : i32
        %scatter3A_459 = tpu.memref_slice %arg4[%scatter3A_458] : memref<32768xi32, #tpu.memory_space<vmem>> -> memref<16384xi32, #tpu.memory_space<vmem>>
        tpu.vector_store_idx %scatter3A_459[%shift_right_logical3A_455], %broadcast_in_dim3A_20 {add = true} : memref<16384xi32, #tpu.memory_space<vmem>>[vector<16xi32>], vector<16xi32>,
        %scan3A_460 = arith.constant 7 : i32
        %mul3A_461 = arith.constant 16 : i32
        %mul3A_462 = arith.muli %scan3A_460, %mul3A_461 : i32
        %get3A_463 = arith.index_cast %scan3A_346 : i32 to index
        %get3A_464 = arith.index_cast %mul3A_462 : i32 to index
        %get3A_465 = tpu.vector_load %arg5[%get3A_463, %get3A_464] {strides = array<i32>} : memref<64x200xi32, #tpu.memory_space<vmem>>, vector<16xi32>,
        %and3A_466 = arith.constant 65535 : i32
        %and3A_467 = vector.broadcast %and3A_466 : i32 to vector<16xi32>
        %and3A_468 = arith.andi %get3A_465, %and3A_467 : vector<16xi32>
        %shift_right_logical3A_469 = arith.constant 16 : i32
        %shift_right_logical3A_470 = vector.broadcast %shift_right_logical3A_469 : i32 to vector<16xi32>
        %shift_right_logical3A_471 = arith.shrui %get3A_465, %shift_right_logical3A_470 : vector<16xi32>
        %scatter3A_472 = arith.constant 16384 : i32
        %scatter3A_473 = tpu.memref_slice %arg4[%scatter3A_472] : memref<32768xi32, #tpu.memory_space<vmem>> -> memref<16384xi32, #tpu.memory_space<vmem>>
        tpu.vector_store_idx %scatter3A_473[%and3A_468], %broadcast_in_dim3A_20 {add = true} : memref<16384xi32, #tpu.memory_space<vmem>>[vector<16xi32>], vector<16xi32>,
        %scatter3A_474 = arith.constant 16384 : i32
        %scatter3A_475 = tpu.memref_slice %arg4[%scatter3A_474] : memref<32768xi32, #tpu.memory_space<vmem>> -> memref<16384xi32, #tpu.memory_space<vmem>>
        tpu.vector_store_idx %scatter3A_475[%shift_right_logical3A_471], %broadcast_in_dim3A_20 {add = true} : memref<16384xi32, #tpu.memory_space<vmem>>[vector<16xi32>], vector<16xi32>,
        %scan3A_476 = arith.constant 8 : i32
        %mul3A_477 = arith.constant 16 : i32
        %mul3A_478 = arith.muli %scan3A_476, %mul3A_477 : i32
        %get3A_479 = arith.index_cast %scan3A_346 : i32 to index
        %get3A_480 = arith.index_cast %mul3A_478 : i32 to index
        %get3A_481 = tpu.vector_load %arg5[%get3A_479, %get3A_480] {strides = array<i32>} : memref<64x200xi32, #tpu.memory_space<vmem>>, vector<16xi32>,
        %and3A_482 = arith.constant 65535 : i32
        %and3A_483 = vector.broadcast %and3A_482 : i32 to vector<16xi32>
        %and3A_484 = arith.andi %get3A_481, %and3A_483 : vector<16xi32>
        %shift_right_logical3A_485 = arith.constant 16 : i32
        %shift_right_logical3A_486 = vector.broadcast %shift_right_logical3A_485 : i32 to vector<16xi32>
        %shift_right_logical3A_487 = arith.shrui %get3A_481, %shift_right_logical3A_486 : vector<16xi32>
        %scatter3A_488 = arith.constant 16384 : i32
        %scatter3A_489 = tpu.memref_slice %arg4[%scatter3A_488] : memref<32768xi32, #tpu.memory_space<vmem>> -> memref<16384xi32, #tpu.memory_space<vmem>>
        tpu.vector_store_idx %scatter3A_489[%and3A_484], %broadcast_in_dim3A_20 {add = true} : memref<16384xi32, #tpu.memory_space<vmem>>[vector<16xi32>], vector<16xi32>,
        %scatter3A_490 = arith.constant 16384 : i32
        %scatter3A_491 = tpu.memref_slice %arg4[%scatter3A_490] : memref<32768xi32, #tpu.memory_space<vmem>> -> memref<16384xi32, #tpu.memory_space<vmem>>
        tpu.vector_store_idx %scatter3A_491[%shift_right_logical3A_487], %broadcast_in_dim3A_20 {add = true} : memref<16384xi32, #tpu.memory_space<vmem>>[vector<16xi32>], vector<16xi32>,
        %scan3A_492 = arith.constant 9 : i32
        %mul3A_493 = arith.constant 16 : i32
        %mul3A_494 = arith.muli %scan3A_492, %mul3A_493 : i32
        %get3A_495 = arith.index_cast %scan3A_346 : i32 to index
        %get3A_496 = arith.index_cast %mul3A_494 : i32 to index
        %get3A_497 = tpu.vector_load %arg5[%get3A_495, %get3A_496] {strides = array<i32>} : memref<64x200xi32, #tpu.memory_space<vmem>>, vector<16xi32>,
        %and3A_498 = arith.constant 65535 : i32
        %and3A_499 = vector.broadcast %and3A_498 : i32 to vector<16xi32>
        %and3A_500 = arith.andi %get3A_497, %and3A_499 : vector<16xi32>
        %shift_right_logical3A_501 = arith.constant 16 : i32
        %shift_right_logical3A_502 = vector.broadcast %shift_right_logical3A_501 : i32 to vector<16xi32>
        %shift_right_logical3A_503 = arith.shrui %get3A_497, %shift_right_logical3A_502 : vector<16xi32>
        %scatter3A_504 = arith.constant 16384 : i32
        %scatter3A_505 = tpu.memref_slice %arg4[%scatter3A_504] : memref<32768xi32, #tpu.memory_space<vmem>> -> memref<16384xi32, #tpu.memory_space<vmem>>
        tpu.vector_store_idx %scatter3A_505[%and3A_500], %broadcast_in_dim3A_20 {add = true} : memref<16384xi32, #tpu.memory_space<vmem>>[vector<16xi32>], vector<16xi32>,
        %scatter3A_506 = arith.constant 16384 : i32
        %scatter3A_507 = tpu.memref_slice %arg4[%scatter3A_506] : memref<32768xi32, #tpu.memory_space<vmem>> -> memref<16384xi32, #tpu.memory_space<vmem>>
        tpu.vector_store_idx %scatter3A_507[%shift_right_logical3A_503], %broadcast_in_dim3A_20 {add = true} : memref<16384xi32, #tpu.memory_space<vmem>>[vector<16xi32>], vector<16xi32>,
        %scan3A_508 = arith.constant 10 : i32
        %mul3A_509 = arith.constant 16 : i32
        %mul3A_510 = arith.muli %scan3A_508, %mul3A_509 : i32
        %get3A_511 = arith.index_cast %scan3A_346 : i32 to index
        %get3A_512 = arith.index_cast %mul3A_510 : i32 to index
        %get3A_513 = tpu.vector_load %arg5[%get3A_511, %get3A_512] {strides = array<i32>} : memref<64x200xi32, #tpu.memory_space<vmem>>, vector<16xi32>,
        %and3A_514 = arith.constant 65535 : i32
        %and3A_515 = vector.broadcast %and3A_514 : i32 to vector<16xi32>
        %and3A_516 = arith.andi %get3A_513, %and3A_515 : vector<16xi32>
        %shift_right_logical3A_517 = arith.constant 16 : i32
        %shift_right_logical3A_518 = vector.broadcast %shift_right_logical3A_517 : i32 to vector<16xi32>
        %shift_right_logical3A_519 = arith.shrui %get3A_513, %shift_right_logical3A_518 : vector<16xi32>
        %scatter3A_520 = arith.constant 16384 : i32
        %scatter3A_521 = tpu.memref_slice %arg4[%scatter3A_520] : memref<32768xi32, #tpu.memory_space<vmem>> -> memref<16384xi32, #tpu.memory_space<vmem>>
        tpu.vector_store_idx %scatter3A_521[%and3A_516], %broadcast_in_dim3A_20 {add = true} : memref<16384xi32, #tpu.memory_space<vmem>>[vector<16xi32>], vector<16xi32>,
        %scatter3A_522 = arith.constant 16384 : i32
        %scatter3A_523 = tpu.memref_slice %arg4[%scatter3A_522] : memref<32768xi32, #tpu.memory_space<vmem>> -> memref<16384xi32, #tpu.memory_space<vmem>>
        tpu.vector_store_idx %scatter3A_523[%shift_right_logical3A_519], %broadcast_in_dim3A_20 {add = true} : memref<16384xi32, #tpu.memory_space<vmem>>[vector<16xi32>], vector<16xi32>,
        %scan3A_524 = arith.constant 11 : i32
        %mul3A_525 = arith.constant 16 : i32
        %mul3A_526 = arith.muli %scan3A_524, %mul3A_525 : i32
        %get3A_527 = arith.index_cast %scan3A_346 : i32 to index
        %get3A_528 = arith.index_cast %mul3A_526 : i32 to index
        %get3A_529 = tpu.vector_load %arg5[%get3A_527, %get3A_528] {strides = array<i32>} : memref<64x200xi32, #tpu.memory_space<vmem>>, vector<16xi32>,
        %and3A_530 = arith.constant 65535 : i32
        %and3A_531 = vector.broadcast %and3A_530 : i32 to vector<16xi32>
        %and3A_532 = arith.andi %get3A_529, %and3A_531 : vector<16xi32>
        %shift_right_logical3A_533 = arith.constant 16 : i32
        %shift_right_logical3A_534 = vector.broadcast %shift_right_logical3A_533 : i32 to vector<16xi32>
        %shift_right_logical3A_535 = arith.shrui %get3A_529, %shift_right_logical3A_534 : vector<16xi32>
        %scatter3A_536 = arith.constant 16384 : i32
        %scatter3A_537 = tpu.memref_slice %arg4[%scatter3A_536] : memref<32768xi32, #tpu.memory_space<vmem>> -> memref<16384xi32, #tpu.memory_space<vmem>>
        tpu.vector_store_idx %scatter3A_537[%and3A_532], %broadcast_in_dim3A_20 {add = true} : memref<16384xi32, #tpu.memory_space<vmem>>[vector<16xi32>], vector<16xi32>,
        %scatter3A_538 = arith.constant 16384 : i32
        %scatter3A_539 = tpu.memref_slice %arg4[%scatter3A_538] : memref<32768xi32, #tpu.memory_space<vmem>> -> memref<16384xi32, #tpu.memory_space<vmem>>
        tpu.vector_store_idx %scatter3A_539[%shift_right_logical3A_535], %broadcast_in_dim3A_20 {add = true} : memref<16384xi32, #tpu.memory_space<vmem>>[vector<16xi32>], vector<16xi32>,
        %scan3A_540 = arith.constant 12 : i32
        %get3A_541 = arith.index_cast %scan3A_346 : i32 to index
        %get3A_542 = arith.constant 184 : index
        %get3A_543 = tpu.vector_load %arg5[%get3A_541, %get3A_542] {strides = array<i32>} : memref<64x200xi32, #tpu.memory_space<vmem>>, vector<16xi32>,
        %and3A_544 = arith.constant 65535 : i32
        %and3A_545 = vector.broadcast %and3A_544 : i32 to vector<16xi32>
        %and3A_546 = arith.andi %get3A_543, %and3A_545 : vector<16xi32>
        %shift_right_logical3A_547 = arith.constant 16 : i32
        %shift_right_logical3A_548 = vector.broadcast %shift_right_logical3A_547 : i32 to vector<16xi32>
        %shift_right_logical3A_549 = arith.shrui %get3A_543, %shift_right_logical3A_548 : vector<16xi32>
        %scatter3A_550 = arith.constant 16384 : i32
        %scatter3A_551 = tpu.memref_slice %arg4[%scatter3A_550] : memref<32768xi32, #tpu.memory_space<vmem>> -> memref<16384xi32, #tpu.memory_space<vmem>>
        tpu.vector_store_idx %scatter3A_551[%and3A_546], %broadcast_in_dim3A_20 masked %ge3A_22 {add = true} : memref<16384xi32, #tpu.memory_space<vmem>>[vector<16xi32>], vector<16xi32>, vector<16xi1>
        %scatter3A_552 = arith.constant 16384 : i32
        %scatter3A_553 = tpu.memref_slice %arg4[%scatter3A_552] : memref<32768xi32, #tpu.memory_space<vmem>> -> memref<16384xi32, #tpu.memory_space<vmem>>
        tpu.vector_store_idx %scatter3A_553[%shift_right_logical3A_549], %broadcast_in_dim3A_20 masked %ge3A_22 {add = true} : memref<16384xi32, #tpu.memory_space<vmem>>[vector<16xi32>], vector<16xi32>, vector<16xi1>
      }
      %scan3A_138 = arith.constant 8 : i32
    }
    %mul3A_121 = arith.constant 32768 : i32
    %mul3A_122 = arith.muli %add3A, %mul3A_121 : i32
    "tpu.region"() ({
      %run_scoped3A = tpu.sem_alloc : memref<!tpu.dma_semaphore, #tpu.memory_space<semaphore_mem>>
      %dma_start3A = tpu.memref_slice %arg3[%mul3A_122] : memref<1048576xi32, #tpu.memory_space<hbm>> -> memref<32768xi32, #tpu.memory_space<hbm>>
      %dma_start3A_123 = tpu.memref_slice %arg3[%mul3A_122] : memref<1048576xi32, #tpu.memory_space<hbm>> -> memref<32768xi32, #tpu.memory_space<hbm>>
      tpu.enqueue_dma source(%arg4 : memref<32768xi32, #tpu.memory_space<vmem>>) target(%dma_start3A_123 : memref<32768xi32, #tpu.memory_space<hbm>>) target_semaphore(%run_scoped3A : memref<!tpu.dma_semaphore, #tpu.memory_space<semaphore_mem>>)
      %dma_wait3A = tpu.memref_slice %arg3[%mul3A_122] : memref<1048576xi32, #tpu.memory_space<hbm>> -> memref<32768xi32, #tpu.memory_space<hbm>>
      %dma_wait3A_124 = tpu.memref_slice %arg3[%mul3A_122] : memref<1048576xi32, #tpu.memory_space<hbm>> -> memref<32768xi32, #tpu.memory_space<hbm>>
      tpu.wait_dma2 semaphore(%run_scoped3A : memref<!tpu.dma_semaphore, #tpu.memory_space<semaphore_mem>>) src(%arg4 : memref<32768xi32, #tpu.memory_space<vmem>>) dst(%dma_wait3A_124 : memref<32768xi32, #tpu.memory_space<hbm>>)
      tpu.yield
    }) : () -> ()
    return
  }
}

module attributes {stable_mosaic.version = 14 : i64} {
  func.func @_pass2_body(%arg0: memref<64x16384xi32, #tpu.memory_space<vmem>>, %arg1: memref<18x64xf32, #tpu.memory_space<vmem>>, %arg2: memref<1x1xf32, #tpu.memory_space<vmem>>, %arg3: memref<1x1xf32, #tpu.memory_space<vmem>>, %arg4: memref<1x1xf32, #tpu.memory_space<vmem>>, %arg5: memref<1x1xf32, #tpu.memory_space<vmem>>) attributes {dimension_semantics = [], scalar_prefetch = 0 : i64, scratch_operands = 0 : i64, tpu.core_type = #tpu.core_type<tc>} {
    %get3A = arith.constant 0 : index
    %get3A_0 = arith.constant 0 : index
    %get3A_1 = vector.load %arg0[%get3A, %get3A_0] : memref<64x16384xi32, #tpu.memory_space<vmem>>, vector<64x16384xi32>
    %convert_element_type3A = arith.sitofp %get3A_1 : vector<64x16384xi32> to vector<64x16384xf32>
    %get3A_2 = arith.constant 0 : index
    %get3A_3 = arith.constant 0 : index
    %get3A_4 = vector.load %arg1[%get3A_2, %get3A_3] : memref<18x64xf32, #tpu.memory_space<vmem>>, vector<18x64xf32>
    %dot_general3A = arith.constant dense<0.000000e+00> : vector<18x16384xf32>
    %dot_general3A_5 = tpu.matmul %get3A_4, %convert_element_type3A, %dot_general3A {dimension_numbers = #tpu.dot_dimension_numbers<[1], [0], [0], [1], [0, 0, 1, 1], [], []>, transpose_lhs_hint = false} : vector<18x64xf32>, vector<64x16384xf32>, vector<18x16384xf32> -> vector<18x16384xf32>
    %slice3A = vector.extract_strided_slice %dot_general3A_5 {offsets = [0, 8192], sizes = [18, 8192], strides = [1, 1]} : vector<18x16384xf32> to vector<18x8192xf32>
    %slice3A_6 = vector.extract_strided_slice %dot_general3A_5 {offsets = [0, 0], sizes = [18, 8192], strides = [1, 1]} : vector<18x16384xf32> to vector<18x8192xf32>
    %add3A = arith.addf %slice3A_6, %slice3A : vector<18x8192xf32>
    %broadcast_in_dim3A = arith.constant 0.000000e+00 : f32
    %broadcast_in_dim3A_7 = vector.broadcast %broadcast_in_dim3A : f32 to vector<18x1xf32>
    %slice3A_8 = vector.extract_strided_slice %add3A {offsets = [0, 1], sizes = [18, 8191], strides = [1, 1]} : vector<18x8192xf32> to vector<18x8191xf32>
    %concatenate3A = tpu.concatenate %slice3A_8, %broadcast_in_dim3A_7 in 1 : vector<18x8191xf32>, vector<18x1xf32> -> vector<18x8192xf32>
    %add3A_9 = arith.addf %add3A, %concatenate3A : vector<18x8192xf32>
    %broadcast_in_dim3A_10 = arith.constant 0.000000e+00 : f32
    %broadcast_in_dim3A_11 = vector.broadcast %broadcast_in_dim3A_10 : f32 to vector<18x2xf32>
    %slice3A_12 = vector.extract_strided_slice %add3A_9 {offsets = [0, 2], sizes = [18, 8190], strides = [1, 1]} : vector<18x8192xf32> to vector<18x8190xf32>
    %concatenate3A_13 = tpu.concatenate %slice3A_12, %broadcast_in_dim3A_11 in 1 : vector<18x8190xf32>, vector<18x2xf32> -> vector<18x8192xf32>
    %add3A_14 = arith.addf %add3A_9, %concatenate3A_13 : vector<18x8192xf32>
    %broadcast_in_dim3A_15 = arith.constant 0.000000e+00 : f32
    %broadcast_in_dim3A_16 = vector.broadcast %broadcast_in_dim3A_15 : f32 to vector<18x4xf32>
    %slice3A_17 = vector.extract_strided_slice %add3A_14 {offsets = [0, 4], sizes = [18, 8188], strides = [1, 1]} : vector<18x8192xf32> to vector<18x8188xf32>
    %concatenate3A_18 = tpu.concatenate %slice3A_17, %broadcast_in_dim3A_16 in 1 : vector<18x8188xf32>, vector<18x4xf32> -> vector<18x8192xf32>
    %add3A_19 = arith.addf %add3A_14, %concatenate3A_18 : vector<18x8192xf32>
    %broadcast_in_dim3A_20 = arith.constant 0.000000e+00 : f32
    %broadcast_in_dim3A_21 = vector.broadcast %broadcast_in_dim3A_20 : f32 to vector<18x8xf32>
    %slice3A_22 = vector.extract_strided_slice %add3A_19 {offsets = [0, 8], sizes = [18, 8184], strides = [1, 1]} : vector<18x8192xf32> to vector<18x8184xf32>
    %concatenate3A_23 = tpu.concatenate %slice3A_22, %broadcast_in_dim3A_21 in 1 : vector<18x8184xf32>, vector<18x8xf32> -> vector<18x8192xf32>
    %add3A_24 = arith.addf %add3A_19, %concatenate3A_23 : vector<18x8192xf32>
    %broadcast_in_dim3A_25 = arith.constant 0.000000e+00 : f32
    %broadcast_in_dim3A_26 = vector.broadcast %broadcast_in_dim3A_25 : f32 to vector<18x16xf32>
    %slice3A_27 = vector.extract_strided_slice %add3A_24 {offsets = [0, 16], sizes = [18, 8176], strides = [1, 1]} : vector<18x8192xf32> to vector<18x8176xf32>
    %concatenate3A_28 = tpu.concatenate %slice3A_27, %broadcast_in_dim3A_26 in 1 : vector<18x8176xf32>, vector<18x16xf32> -> vector<18x8192xf32>
    %add3A_29 = arith.addf %add3A_24, %concatenate3A_28 : vector<18x8192xf32>
    %broadcast_in_dim3A_30 = arith.constant 0.000000e+00 : f32
    %broadcast_in_dim3A_31 = vector.broadcast %broadcast_in_dim3A_30 : f32 to vector<18x32xf32>
    %slice3A_32 = vector.extract_strided_slice %add3A_29 {offsets = [0, 32], sizes = [18, 8160], strides = [1, 1]} : vector<18x8192xf32> to vector<18x8160xf32>
    %concatenate3A_33 = tpu.concatenate %slice3A_32, %broadcast_in_dim3A_31 in 1 : vector<18x8160xf32>, vector<18x32xf32> -> vector<18x8192xf32>
    %add3A_34 = arith.addf %add3A_29, %concatenate3A_33 : vector<18x8192xf32>
    %broadcast_in_dim3A_35 = arith.constant 0.000000e+00 : f32
    %broadcast_in_dim3A_36 = vector.broadcast %broadcast_in_dim3A_35 : f32 to vector<18x64xf32>
    %slice3A_37 = vector.extract_strided_slice %add3A_34 {offsets = [0, 64], sizes = [18, 8128], strides = [1, 1]} : vector<18x8192xf32> to vector<18x8128xf32>
    %concatenate3A_38 = tpu.concatenate %slice3A_37, %broadcast_in_dim3A_36 in 1 : vector<18x8128xf32>, vector<18x64xf32> -> vector<18x8192xf32>
    %add3A_39 = arith.addf %add3A_34, %concatenate3A_38 : vector<18x8192xf32>
    %broadcast_in_dim3A_40 = arith.constant 0.000000e+00 : f32
    %broadcast_in_dim3A_41 = vector.broadcast %broadcast_in_dim3A_40 : f32 to vector<18x128xf32>
    %slice3A_42 = vector.extract_strided_slice %add3A_39 {offsets = [0, 128], sizes = [18, 8064], strides = [1, 1]} : vector<18x8192xf32> to vector<18x8064xf32>
    %concatenate3A_43 = tpu.concatenate %slice3A_42, %broadcast_in_dim3A_41 in 1 : vector<18x8064xf32>, vector<18x128xf32> -> vector<18x8192xf32>
    %add3A_44 = arith.addf %add3A_39, %concatenate3A_43 : vector<18x8192xf32>
    %broadcast_in_dim3A_45 = arith.constant 0.000000e+00 : f32
    %broadcast_in_dim3A_46 = vector.broadcast %broadcast_in_dim3A_45 : f32 to vector<18x256xf32>
    %slice3A_47 = vector.extract_strided_slice %add3A_44 {offsets = [0, 256], sizes = [18, 7936], strides = [1, 1]} : vector<18x8192xf32> to vector<18x7936xf32>
    %concatenate3A_48 = tpu.concatenate %slice3A_47, %broadcast_in_dim3A_46 in 1 : vector<18x7936xf32>, vector<18x256xf32> -> vector<18x8192xf32>
    %add3A_49 = arith.addf %add3A_44, %concatenate3A_48 : vector<18x8192xf32>
    %broadcast_in_dim3A_50 = arith.constant 0.000000e+00 : f32
    %broadcast_in_dim3A_51 = vector.broadcast %broadcast_in_dim3A_50 : f32 to vector<18x512xf32>
    %slice3A_52 = vector.extract_strided_slice %add3A_49 {offsets = [0, 512], sizes = [18, 7680], strides = [1, 1]} : vector<18x8192xf32> to vector<18x7680xf32>
    %concatenate3A_53 = tpu.concatenate %slice3A_52, %broadcast_in_dim3A_51 in 1 : vector<18x7680xf32>, vector<18x512xf32> -> vector<18x8192xf32>
    %add3A_54 = arith.addf %add3A_49, %concatenate3A_53 : vector<18x8192xf32>
    %broadcast_in_dim3A_55 = arith.constant 0.000000e+00 : f32
    %broadcast_in_dim3A_56 = vector.broadcast %broadcast_in_dim3A_55 : f32 to vector<18x1024xf32>
    %slice3A_57 = vector.extract_strided_slice %add3A_54 {offsets = [0, 1024], sizes = [18, 7168], strides = [1, 1]} : vector<18x8192xf32> to vector<18x7168xf32>
    %concatenate3A_58 = tpu.concatenate %slice3A_57, %broadcast_in_dim3A_56 in 1 : vector<18x7168xf32>, vector<18x1024xf32> -> vector<18x8192xf32>
    %add3A_59 = arith.addf %add3A_54, %concatenate3A_58 : vector<18x8192xf32>
    %broadcast_in_dim3A_60 = arith.constant 0.000000e+00 : f32
    %broadcast_in_dim3A_61 = vector.broadcast %broadcast_in_dim3A_60 : f32 to vector<18x2048xf32>
    %slice3A_62 = vector.extract_strided_slice %add3A_59 {offsets = [0, 2048], sizes = [18, 6144], strides = [1, 1]} : vector<18x8192xf32> to vector<18x6144xf32>
    %concatenate3A_63 = tpu.concatenate %slice3A_62, %broadcast_in_dim3A_61 in 1 : vector<18x6144xf32>, vector<18x2048xf32> -> vector<18x8192xf32>
    %add3A_64 = arith.addf %add3A_59, %concatenate3A_63 : vector<18x8192xf32>
    %broadcast_in_dim3A_65 = arith.constant 0.000000e+00 : f32
    %broadcast_in_dim3A_66 = vector.broadcast %broadcast_in_dim3A_65 : f32 to vector<18x4096xf32>
    %slice3A_67 = vector.extract_strided_slice %add3A_64 {offsets = [0, 4096], sizes = [18, 4096], strides = [1, 1]} : vector<18x8192xf32> to vector<18x4096xf32>
    %concatenate3A_68 = tpu.concatenate %slice3A_67, %broadcast_in_dim3A_66 in 1 : vector<18x4096xf32>, vector<18x4096xf32> -> vector<18x8192xf32>
    %add3A_69 = arith.addf %add3A_64, %concatenate3A_68 : vector<18x8192xf32>
    %broadcast_in_dim3A_70 = arith.constant 0.000000e+00 : f32
    %broadcast_in_dim3A_71 = vector.broadcast %broadcast_in_dim3A_70 : f32 to vector<18x1xf32>
    %slice3A_72 = vector.extract_strided_slice %slice3A {offsets = [0, 1], sizes = [18, 8191], strides = [1, 1]} : vector<18x8192xf32> to vector<18x8191xf32>
    %concatenate3A_73 = tpu.concatenate %slice3A_72, %broadcast_in_dim3A_71 in 1 : vector<18x8191xf32>, vector<18x1xf32> -> vector<18x8192xf32>
    %add3A_74 = arith.addf %slice3A, %concatenate3A_73 : vector<18x8192xf32>
    %broadcast_in_dim3A_75 = arith.constant 0.000000e+00 : f32
    %broadcast_in_dim3A_76 = vector.broadcast %broadcast_in_dim3A_75 : f32 to vector<18x2xf32>
    %slice3A_77 = vector.extract_strided_slice %add3A_74 {offsets = [0, 2], sizes = [18, 8190], strides = [1, 1]} : vector<18x8192xf32> to vector<18x8190xf32>
    %concatenate3A_78 = tpu.concatenate %slice3A_77, %broadcast_in_dim3A_76 in 1 : vector<18x8190xf32>, vector<18x2xf32> -> vector<18x8192xf32>
    %add3A_79 = arith.addf %add3A_74, %concatenate3A_78 : vector<18x8192xf32>
    %broadcast_in_dim3A_80 = arith.constant 0.000000e+00 : f32
    %broadcast_in_dim3A_81 = vector.broadcast %broadcast_in_dim3A_80 : f32 to vector<18x4xf32>
    %slice3A_82 = vector.extract_strided_slice %add3A_79 {offsets = [0, 4], sizes = [18, 8188], strides = [1, 1]} : vector<18x8192xf32> to vector<18x8188xf32>
    %concatenate3A_83 = tpu.concatenate %slice3A_82, %broadcast_in_dim3A_81 in 1 : vector<18x8188xf32>, vector<18x4xf32> -> vector<18x8192xf32>
    %add3A_84 = arith.addf %add3A_79, %concatenate3A_83 : vector<18x8192xf32>
    %broadcast_in_dim3A_85 = arith.constant 0.000000e+00 : f32
    %broadcast_in_dim3A_86 = vector.broadcast %broadcast_in_dim3A_85 : f32 to vector<18x8xf32>
    %slice3A_87 = vector.extract_strided_slice %add3A_84 {offsets = [0, 8], sizes = [18, 8184], strides = [1, 1]} : vector<18x8192xf32> to vector<18x8184xf32>
    %concatenate3A_88 = tpu.concatenate %slice3A_87, %broadcast_in_dim3A_86 in 1 : vector<18x8184xf32>, vector<18x8xf32> -> vector<18x8192xf32>
    %add3A_89 = arith.addf %add3A_84, %concatenate3A_88 : vector<18x8192xf32>
    %broadcast_in_dim3A_90 = arith.constant 0.000000e+00 : f32
    %broadcast_in_dim3A_91 = vector.broadcast %broadcast_in_dim3A_90 : f32 to vector<18x16xf32>
    %slice3A_92 = vector.extract_strided_slice %add3A_89 {offsets = [0, 16], sizes = [18, 8176], strides = [1, 1]} : vector<18x8192xf32> to vector<18x8176xf32>
    %concatenate3A_93 = tpu.concatenate %slice3A_92, %broadcast_in_dim3A_91 in 1 : vector<18x8176xf32>, vector<18x16xf32> -> vector<18x8192xf32>
    %add3A_94 = arith.addf %add3A_89, %concatenate3A_93 : vector<18x8192xf32>
    %broadcast_in_dim3A_95 = arith.constant 0.000000e+00 : f32
    %broadcast_in_dim3A_96 = vector.broadcast %broadcast_in_dim3A_95 : f32 to vector<18x32xf32>
    %slice3A_97 = vector.extract_strided_slice %add3A_94 {offsets = [0, 32], sizes = [18, 8160], strides = [1, 1]} : vector<18x8192xf32> to vector<18x8160xf32>
    %concatenate3A_98 = tpu.concatenate %slice3A_97, %broadcast_in_dim3A_96 in 1 : vector<18x8160xf32>, vector<18x32xf32> -> vector<18x8192xf32>
    %add3A_99 = arith.addf %add3A_94, %concatenate3A_98 : vector<18x8192xf32>
    %broadcast_in_dim3A_100 = arith.constant 0.000000e+00 : f32
    %broadcast_in_dim3A_101 = vector.broadcast %broadcast_in_dim3A_100 : f32 to vector<18x64xf32>
    %slice3A_102 = vector.extract_strided_slice %add3A_99 {offsets = [0, 64], sizes = [18, 8128], strides = [1, 1]} : vector<18x8192xf32> to vector<18x8128xf32>
    %concatenate3A_103 = tpu.concatenate %slice3A_102, %broadcast_in_dim3A_101 in 1 : vector<18x8128xf32>, vector<18x64xf32> -> vector<18x8192xf32>
    %add3A_104 = arith.addf %add3A_99, %concatenate3A_103 : vector<18x8192xf32>
    %broadcast_in_dim3A_105 = arith.constant 0.000000e+00 : f32
    %broadcast_in_dim3A_106 = vector.broadcast %broadcast_in_dim3A_105 : f32 to vector<18x128xf32>
    %slice3A_107 = vector.extract_strided_slice %add3A_104 {offsets = [0, 128], sizes = [18, 8064], strides = [1, 1]} : vector<18x8192xf32> to vector<18x8064xf32>
    %concatenate3A_108 = tpu.concatenate %slice3A_107, %broadcast_in_dim3A_106 in 1 : vector<18x8064xf32>, vector<18x128xf32> -> vector<18x8192xf32>
    %add3A_109 = arith.addf %add3A_104, %concatenate3A_108 : vector<18x8192xf32>
    %broadcast_in_dim3A_110 = arith.constant 0.000000e+00 : f32
    %broadcast_in_dim3A_111 = vector.broadcast %broadcast_in_dim3A_110 : f32 to vector<18x256xf32>
    %slice3A_112 = vector.extract_strided_slice %add3A_109 {offsets = [0, 256], sizes = [18, 7936], strides = [1, 1]} : vector<18x8192xf32> to vector<18x7936xf32>
    %concatenate3A_113 = tpu.concatenate %slice3A_112, %broadcast_in_dim3A_111 in 1 : vector<18x7936xf32>, vector<18x256xf32> -> vector<18x8192xf32>
    %add3A_114 = arith.addf %add3A_109, %concatenate3A_113 : vector<18x8192xf32>
    %broadcast_in_dim3A_115 = arith.constant 0.000000e+00 : f32
    %broadcast_in_dim3A_116 = vector.broadcast %broadcast_in_dim3A_115 : f32 to vector<18x512xf32>
    %slice3A_117 = vector.extract_strided_slice %add3A_114 {offsets = [0, 512], sizes = [18, 7680], strides = [1, 1]} : vector<18x8192xf32> to vector<18x7680xf32>
    %concatenate3A_118 = tpu.concatenate %slice3A_117, %broadcast_in_dim3A_116 in 1 : vector<18x7680xf32>, vector<18x512xf32> -> vector<18x8192xf32>
    %add3A_119 = arith.addf %add3A_114, %concatenate3A_118 : vector<18x8192xf32>
    %broadcast_in_dim3A_120 = arith.constant 0.000000e+00 : f32
    %broadcast_in_dim3A_121 = vector.broadcast %broadcast_in_dim3A_120 : f32 to vector<18x1024xf32>
    %slice3A_122 = vector.extract_strided_slice %add3A_119 {offsets = [0, 1024], sizes = [18, 7168], strides = [1, 1]} : vector<18x8192xf32> to vector<18x7168xf32>
    %concatenate3A_123 = tpu.concatenate %slice3A_122, %broadcast_in_dim3A_121 in 1 : vector<18x7168xf32>, vector<18x1024xf32> -> vector<18x8192xf32>
    %add3A_124 = arith.addf %add3A_119, %concatenate3A_123 : vector<18x8192xf32>
    %broadcast_in_dim3A_125 = arith.constant 0.000000e+00 : f32
    %broadcast_in_dim3A_126 = vector.broadcast %broadcast_in_dim3A_125 : f32 to vector<18x2048xf32>
    %slice3A_127 = vector.extract_strided_slice %add3A_124 {offsets = [0, 2048], sizes = [18, 6144], strides = [1, 1]} : vector<18x8192xf32> to vector<18x6144xf32>
    %concatenate3A_128 = tpu.concatenate %slice3A_127, %broadcast_in_dim3A_126 in 1 : vector<18x6144xf32>, vector<18x2048xf32> -> vector<18x8192xf32>
    %add3A_129 = arith.addf %add3A_124, %concatenate3A_128 : vector<18x8192xf32>
    %broadcast_in_dim3A_130 = arith.constant 0.000000e+00 : f32
    %broadcast_in_dim3A_131 = vector.broadcast %broadcast_in_dim3A_130 : f32 to vector<18x4096xf32>
    %slice3A_132 = vector.extract_strided_slice %add3A_129 {offsets = [0, 4096], sizes = [18, 4096], strides = [1, 1]} : vector<18x8192xf32> to vector<18x4096xf32>
    %concatenate3A_133 = tpu.concatenate %slice3A_132, %broadcast_in_dim3A_131 in 1 : vector<18x4096xf32>, vector<18x4096xf32> -> vector<18x8192xf32>
    %add3A_134 = arith.addf %add3A_129, %concatenate3A_133 : vector<18x8192xf32>
    %slice3A_135 = vector.extract_strided_slice %add3A_134 {offsets = [0, 0], sizes = [18, 1], strides = [1, 1]} : vector<18x8192xf32> to vector<18x1xf32>
    %sub3A = arith.subf %add3A_69, %add3A : vector<18x8192xf32>
    %sub3A_136 = arith.subf %add3A_134, %slice3A : vector<18x8192xf32>
    %sub3A_137 = vector.broadcast %slice3A_135 : vector<18x1xf32> to vector<18x8192xf32>
    %sub3A_138 = arith.subf %sub3A_137, %add3A_134 : vector<18x8192xf32>
    %add3A_139 = vector.broadcast %slice3A_135 : vector<18x1xf32> to vector<18x8192xf32>
    %add3A_140 = arith.addf %add3A_139, %sub3A : vector<18x8192xf32>
    %add3A_141 = arith.addf %add3A_140, %add3A : vector<18x8192xf32>
    %sub3A_142 = arith.subf %add3A_141, %add3A_134 : vector<18x8192xf32>
    %add3A_143 = arith.constant 9.99999997E-7 : f32
    %add3A_144 = vector.broadcast %add3A_143 : f32 to vector<18x8192xf32>
    %add3A_145 = arith.addf %sub3A_142, %add3A_144 : vector<18x8192xf32>
    %div3A = arith.divf %sub3A_138, %add3A_145 : vector<18x8192xf32>
    %sub3A_146 = arith.constant 1.000000e+00 : f32
    %sub3A_147 = vector.broadcast %sub3A_146 : f32 to vector<18x8192xf32>
    %sub3A_148 = arith.subf %sub3A_147, %div3A : vector<18x8192xf32>
    %sub3A_149 = vector.broadcast %slice3A_135 : vector<18x1xf32> to vector<18x8192xf32>
    %sub3A_150 = arith.subf %sub3A_149, %sub3A_136 : vector<18x8192xf32>
    %add3A_151 = vector.broadcast %slice3A_135 : vector<18x1xf32> to vector<18x8192xf32>
    %add3A_152 = arith.addf %add3A_151, %sub3A : vector<18x8192xf32>
    %sub3A_153 = arith.subf %add3A_152, %sub3A_136 : vector<18x8192xf32>
    %add3A_154 = arith.constant 9.99999997E-7 : f32
    %add3A_155 = vector.broadcast %add3A_154 : f32 to vector<18x8192xf32>
    %add3A_156 = arith.addf %sub3A_153, %add3A_155 : vector<18x8192xf32>
    %div3A_157 = arith.divf %sub3A_150, %add3A_156 : vector<18x8192xf32>
    %sub3A_158 = arith.constant 1.000000e+00 : f32
    %sub3A_159 = vector.broadcast %sub3A_158 : f32 to vector<18x8192xf32>
    %sub3A_160 = arith.subf %sub3A_159, %div3A_157 : vector<18x8192xf32>
    %gt3A = arith.constant 0.000000e+00 : f32
    %gt3A_161 = vector.broadcast %gt3A : f32 to vector<18x8192xf32>
    %gt3A_162 = arith.cmpf ogt, %sub3A, %gt3A_161 : vector<18x8192xf32>
    %jit3A = arith.constant 0.000000e+00 : f32
    %broadcast_in_dim3A_163 = vector.broadcast %jit3A : f32 to vector<18x8192xf32>
    %select_n3A = arith.select %gt3A_162, %sub3A_160, %broadcast_in_dim3A_163 : vector<18x8192xi1>, vector<18x8192xf32>
    %iota3A = tpu.iota {dimensions = array<i32: 1>} : vector<18x8192xi32>
    %convert_element_type3A_164 = arith.sitofp %iota3A : vector<18x8192xi32> to vector<18x8192xf32>
    %add3A_165 = arith.constant 5.000000e-01 : f32
    %add3A_166 = vector.broadcast %add3A_165 : f32 to vector<18x8192xf32>
    %add3A_167 = arith.addf %convert_element_type3A_164, %add3A_166 : vector<18x8192xf32>
    %mul3A = arith.constant 1.22070313E-4 : f32
    %mul3A_168 = vector.broadcast %mul3A : f32 to vector<18x8192xf32>
    %mul3A_169 = arith.mulf %add3A_167, %mul3A_168 : vector<18x8192xf32>
    %gt3A_170 = arith.constant 0.000000e+00 : f32
    %gt3A_171 = vector.broadcast %gt3A_170 : f32 to vector<18x8192xf32>
    %gt3A_172 = arith.cmpf ogt, %add3A, %gt3A_171 : vector<18x8192xf32>
    %sub3A_173 = arith.subf %sub3A_148, %select_n3A : vector<18x8192xf32>
    %mul3A_174 = arith.mulf %mul3A_169, %sub3A_173 : vector<18x8192xf32>
    %jit3A_175 = arith.constant 0.000000e+00 : f32
    %broadcast_in_dim3A_176 = vector.broadcast %jit3A_175 : f32 to vector<18x8192xf32>
    %select_n3A_177 = arith.select %gt3A_172, %mul3A_174, %broadcast_in_dim3A_176 : vector<18x8192xi1>, vector<18x8192xf32>
    %reduce_sum3A = arith.constant dense<0.000000e+00> : vector<18xf32>
    %reduce_sum3A_178 = vector.multi_reduction <add>, %select_n3A_177, %reduce_sum3A [1] : vector<18x8192xf32> to vector<18xf32>
    %broadcast_in_dim3A_179 = vector.shape_cast %reduce_sum3A_178 : vector<18xf32> to vector<18x1xf32>
    %gt3A_180 = arith.constant 0.000000e+00 : f32
    %gt3A_181 = vector.broadcast %gt3A_180 : f32 to vector<18x1xf32>
    %gt3A_182 = arith.cmpf ogt, %slice3A_135, %gt3A_181 : vector<18x1xf32>
    %convert_element_type3A_183 = arith.extui %gt3A_182 : vector<18x1xi1> to vector<18x1xi32>
    %convert_element_type3A_184 = arith.sitofp %convert_element_type3A_183 : vector<18x1xi32> to vector<18x1xf32>
    %reduce_sum3A_185 = vector.shape_cast %convert_element_type3A_184 : vector<18x1xf32> to vector<1x18x1xf32>
    %reduce_sum3A_186 = arith.constant dense<0.000000e+00> : vector<1xf32>
    %reduce_sum3A_187 = vector.multi_reduction <add>, %reduce_sum3A_185, %reduce_sum3A_186 [1, 2] : vector<1x18x1xf32> to vector<1xf32>
    %reduce_sum3A_188 = vector.shape_cast %reduce_sum3A_187 : vector<1xf32> to vector<1x1x1xf32>
    %reduce_sum3A_189 = vector.extract %reduce_sum3A_188[0, 0, 0] : f32 from vector<1x1x1xf32>
    %mul3A_190 = arith.mulf %broadcast_in_dim3A_179, %convert_element_type3A_184 : vector<18x1xf32>
    %reduce_sum3A_191 = vector.shape_cast %mul3A_190 : vector<18x1xf32> to vector<1x18x1xf32>
    %reduce_sum3A_192 = arith.constant dense<0.000000e+00> : vector<1xf32>
    %reduce_sum3A_193 = vector.multi_reduction <add>, %reduce_sum3A_191, %reduce_sum3A_192 [1, 2] : vector<1x18x1xf32> to vector<1xf32>
    %reduce_sum3A_194 = vector.shape_cast %reduce_sum3A_193 : vector<1xf32> to vector<1x1x1xf32>
    %reduce_sum3A_195 = vector.extract %reduce_sum3A_194[0, 0, 0] : f32 from vector<1x1x1xf32>
    %max3A = arith.constant 1.000000e+00 : f32
    %max3A_196 = arith.maximumf %reduce_sum3A_189, %max3A : f32
    %div3A_197 = arith.divf %reduce_sum3A_195, %max3A_196 : f32
    %gt3A_198 = arith.constant 0.000000e+00 : f32
    %gt3A_199 = arith.cmpf ogt, %reduce_sum3A_189, %gt3A_198 : f32
    %jit3A_200 = arith.constant 0.000000e+00 : f32
    %select_n3A_201 = arith.select %gt3A_199, %div3A_197, %jit3A_200 : f32
    %get3A_202 = arith.constant 0 : index
    %get3A_203 = arith.constant 0 : index
    %get3A_204 = vector.load %arg2[%get3A_202, %get3A_203] : memref<1x1xf32, #tpu.memory_space<vmem>>, vector<1x1xf32>
    %get3A_205 = vector.extract %get3A_204[0, 0] : f32 from vector<1x1xf32>
    %mul3A_206 = arith.constant 1.562500e-06 : f32
    %mul3A_207 = arith.mulf %get3A_205, %mul3A_206 : f32
    %mul3A_208 = arith.constant 5.000000e-01 : f32
    %mul3A_209 = arith.mulf %mul3A_208, %select_n3A_201 : f32
    %add3A_210 = arith.addf %mul3A_207, %mul3A_209 : f32
    %broadcast_in_dim3A_211 = vector.broadcast %add3A_210 : f32 to vector<1x1xf32>
    %swap3A = arith.constant 0 : index
    %swap3A_212 = arith.constant 0 : index
    %swap3A_213 = vector.load %arg3[%swap3A, %swap3A_212] : memref<1x1xf32, #tpu.memory_space<vmem>>, vector<1x1xf32>
    tpu.vector_store %arg3[%swap3A, %swap3A_212], %broadcast_in_dim3A_211 {strides = array<i32>} : memref<1x1xf32, #tpu.memory_space<vmem>>, vector<1x1xf32>,
    %broadcast_in_dim3A_214 = vector.broadcast %mul3A_207 : f32 to vector<1x1xf32>
    %swap3A_215 = arith.constant 0 : index
    %swap3A_216 = arith.constant 0 : index
    %swap3A_217 = vector.load %arg4[%swap3A_215, %swap3A_216] : memref<1x1xf32, #tpu.memory_space<vmem>>, vector<1x1xf32>
    tpu.vector_store %arg4[%swap3A_215, %swap3A_216], %broadcast_in_dim3A_214 {strides = array<i32>} : memref<1x1xf32, #tpu.memory_space<vmem>>, vector<1x1xf32>,
    %broadcast_in_dim3A_218 = vector.broadcast %select_n3A_201 : f32 to vector<1x1xf32>
    %swap3A_219 = arith.constant 0 : index
    %swap3A_220 = arith.constant 0 : index
    %swap3A_221 = vector.load %arg5[%swap3A_219, %swap3A_220] : memref<1x1xf32, #tpu.memory_space<vmem>>, vector<1x1xf32>
    tpu.vector_store %arg5[%swap3A_219, %swap3A_220], %broadcast_in_dim3A_218 {strides = array<i32>} : memref<1x1xf32, #tpu.memory_space<vmem>>, vector<1x1xf32>,
    return
  }
}

module attributes {stable_mosaic.version = 14 : i64} {
  func.func @_pass1_body(%arg0: i32, %arg1: memref<18x128x200xf32, #tpu.memory_space<vmem>>, %arg2: memref<128x200xi32, #tpu.memory_space<vmem>>, %arg3: memref<18x64x200xi32, #tpu.memory_space<vmem>>, %arg4: memref<1x1xf32, #tpu.memory_space<vmem>>) attributes {dimension_semantics = [#tpu.dimension_semantics<arbitrary>], iteration_bounds = array<i64: 25>, scalar_prefetch = 0 : i64, scratch_operands = 0 : i64, tpu.core_type = #tpu.core_type<tc>, window_params = [{transform_indices = @transform_0, window_bounds = array<i64: 18, 128, 200>}, {transform_indices = @transform_1, window_bounds = array<i64: 128, 200>}, {transform_indices = @transform_2, window_bounds = array<i64: 18, 64, 200>}, {pipeline_mode = #tpu.pipeline_mode<synchronous>, transform_indices = @transform_3, window_bounds = array<i64: 1, 1>}]} {
    %get3A = arith.constant 0 : index
    %get3A_0 = arith.constant 0 : index
    %get3A_1 = arith.constant 0 : index
    %get3A_2 = vector.load %arg1[%get3A, %get3A_0, %get3A_1] : memref<18x128x200xf32, #tpu.memory_space<vmem>>, vector<18x128x200xf32>
    %get3A_3 = arith.constant 0 : index
    %get3A_4 = arith.constant 0 : index
    %get3A_5 = vector.load %arg2[%get3A_3, %get3A_4] : memref<128x200xi32, #tpu.memory_space<vmem>>, vector<128x200xi32>
    %broadcast_in_dim3A = vector.shape_cast %get3A_5 : vector<128x200xi32> to vector<1x128x200xi32>
    %reduce_max3A = arith.constant dense<0xFF800000> : vector<128x200xf32>
    %reduce_max3A_6 = vector.multi_reduction <maximumf>, %get3A_2, %reduce_max3A [0] : vector<18x128x200xf32> to vector<128x200xf32>
    %broadcast_in_dim3A_7 = vector.shape_cast %reduce_max3A_6 : vector<128x200xf32> to vector<1x128x200xf32>
    %sub3A = vector.broadcast %broadcast_in_dim3A_7 : vector<1x128x200xf32> to vector<18x128x200xf32>
    %sub3A_8 = arith.subf %get3A_2, %sub3A : vector<18x128x200xf32>
    %exp3A = math.exp %sub3A_8 : vector<18x128x200xf32>
    %reduce_sum3A = arith.constant dense<0.000000e+00> : vector<128x200xf32>
    %reduce_sum3A_9 = vector.multi_reduction <add>, %exp3A, %reduce_sum3A [0] : vector<18x128x200xf32> to vector<128x200xf32>
    %broadcast_in_dim3A_10 = vector.shape_cast %reduce_sum3A_9 : vector<128x200xf32> to vector<1x128x200xf32>
    %div3A = vector.broadcast %broadcast_in_dim3A_10 : vector<1x128x200xf32> to vector<18x128x200xf32>
    %div3A_11 = arith.divf %exp3A, %div3A : vector<18x128x200xf32>
    %iota3A = tpu.iota {dimensions = array<i32: 0>} : vector<18x128x200xi32>
    %eq3A = vector.broadcast %broadcast_in_dim3A : vector<1x128x200xi32> to vector<18x128x200xi32>
    %eq3A_12 = arith.cmpi eq, %iota3A, %eq3A : vector<18x128x200xi32>
    %sub3A_13 = arith.constant 1.000000e+00 : f32
    %sub3A_14 = vector.broadcast %sub3A_13 : f32 to vector<18x128x200xf32>
    %sub3A_15 = arith.subf %sub3A_14, %div3A_11 : vector<18x128x200xf32>
    %select_n3A = arith.select %eq3A_12, %sub3A_15, %div3A_11 : vector<18x128x200xi1>, vector<18x128x200xf32>
    %mul3A = arith.constant 8.192000e+03 : f32
    %mul3A_16 = vector.broadcast %mul3A : f32 to vector<18x128x200xf32>
    %mul3A_17 = arith.mulf %select_n3A, %mul3A_16 : vector<18x128x200xf32>
    %convert_element_type3A = arith.fptosi %mul3A_17 : vector<18x128x200xf32> to vector<18x128x200xi32>
    %min3A = arith.constant 8191 : i32
    %min3A_18 = vector.broadcast %min3A : i32 to vector<18x128x200xi32>
    %min3A_19 = arith.minsi %convert_element_type3A, %min3A_18 : vector<18x128x200xi32>
    %add3A = arith.constant 8192 : i32
    %add3A_20 = vector.broadcast %add3A : i32 to vector<18x128x200xi32>
    %add3A_21 = arith.addi %min3A_19, %add3A_20 : vector<18x128x200xi32>
    %select_n3A_22 = arith.select %eq3A_12, %add3A_21, %min3A_19 : vector<18x128x200xi1>, vector<18x128x200xi32>
    %slice3A = vector.extract_strided_slice %select_n3A_22 {offsets = [0, 0, 0], sizes = [18, 64, 200], strides = [1, 1, 1]} : vector<18x128x200xi32> to vector<18x64x200xi32>
    %slice3A_23 = vector.extract_strided_slice %select_n3A_22 {offsets = [0, 64, 0], sizes = [18, 64, 200], strides = [1, 1, 1]} : vector<18x128x200xi32> to vector<18x64x200xi32>
    %shift_left3A = arith.constant 16 : i32
    %shift_left3A_24 = vector.broadcast %shift_left3A : i32 to vector<18x64x200xi32>
    %shift_left3A_25 = arith.shli %slice3A_23, %shift_left3A_24 : vector<18x64x200xi32>
    %or3A = arith.ori %slice3A, %shift_left3A_25 : vector<18x64x200xi32>
    %swap3A = arith.constant 0 : index
    %swap3A_26 = arith.constant 0 : index
    %swap3A_27 = arith.constant 0 : index
    %swap3A_28 = vector.load %arg3[%swap3A, %swap3A_26, %swap3A_27] : memref<18x64x200xi32, #tpu.memory_space<vmem>>, vector<18x64x200xi32>
    tpu.vector_store %arg3[%swap3A, %swap3A_26, %swap3A_27], %or3A {strides = array<i32>} : memref<18x64x200xi32, #tpu.memory_space<vmem>>, vector<18x64x200xi32>,
    %log3A = math.log %broadcast_in_dim3A_10 : vector<1x128x200xf32>
    %add3A_29 = arith.addf %broadcast_in_dim3A_7, %log3A : vector<1x128x200xf32>
    %jit3A = arith.constant 0.000000e+00 : f32
    %broadcast_in_dim3A_30 = vector.broadcast %jit3A : f32 to vector<18x128x200xf32>
    %select_n3A_31 = arith.select %eq3A_12, %get3A_2, %broadcast_in_dim3A_30 : vector<18x128x200xi1>, vector<18x128x200xf32>
    %reduce_sum3A_32 = arith.constant dense<0.000000e+00> : vector<128x200xf32>
    %reduce_sum3A_33 = vector.multi_reduction <add>, %select_n3A_31, %reduce_sum3A_32 [0] : vector<18x128x200xf32> to vector<128x200xf32>
    %broadcast_in_dim3A_34 = vector.shape_cast %reduce_sum3A_33 : vector<128x200xf32> to vector<1x128x200xf32>
    %sub3A_35 = arith.subf %add3A_29, %broadcast_in_dim3A_34 : vector<1x128x200xf32>
    %reduce_sum3A_36 = vector.shape_cast %sub3A_35 : vector<1x128x200xf32> to vector<1x1x128x200xf32>
    %reduce_sum3A_37 = arith.constant dense<0.000000e+00> : vector<1xf32>
    %reduce_sum3A_38 = vector.multi_reduction <add>, %reduce_sum3A_36, %reduce_sum3A_37 [1, 2, 3] : vector<1x1x128x200xf32> to vector<1xf32>
    %reduce_sum3A_39 = vector.shape_cast %reduce_sum3A_38 : vector<1xf32> to vector<1x1x1x1xf32>
    %reduce_sum3A_40 = vector.extract %reduce_sum3A_39[0, 0, 0, 0] : f32 from vector<1x1x1x1xf32>
    %eq3A_41 = arith.constant 0 : i32
    %eq3A_42 = arith.cmpi eq, %arg0, %eq3A_41 : i32
    %convert_element_type3A_43 = arith.extui %eq3A_42 : i1 to i32
    %cond3A = arith.constant 0 : i32
    %cond3A_44 = arith.cmpi ne, %convert_element_type3A_43, %cond3A : i32
    scf.if %cond3A_44 {
      %broadcast_in_dim3A_53 = arith.constant 0.000000e+00 : f32
      %broadcast_in_dim3A_54 = vector.broadcast %broadcast_in_dim3A_53 : f32 to vector<1x1xf32>
      %swap3A_55 = arith.constant 0 : index
      %swap3A_56 = arith.constant 0 : index
      %swap3A_57 = vector.load %arg4[%swap3A_55, %swap3A_56] : memref<1x1xf32, #tpu.memory_space<vmem>>, vector<1x1xf32>
      tpu.vector_store %arg4[%swap3A_55, %swap3A_56], %broadcast_in_dim3A_54 {strides = array<i32>} : memref<1x1xf32, #tpu.memory_space<vmem>>, vector<1x1xf32>,
    } else {
    }
    %get3A_45 = arith.constant 0 : index
    %get3A_46 = arith.constant 0 : index
    %get3A_47 = vector.load %arg4[%get3A_45, %get3A_46] : memref<1x1xf32, #tpu.memory_space<vmem>>, vector<1x1xf32>
    %add3A_48 = vector.broadcast %reduce_sum3A_40 : f32 to vector<1x1xf32>
    %add3A_49 = arith.addf %get3A_47, %add3A_48 : vector<1x1xf32>
    %swap3A_50 = arith.constant 0 : index
    %swap3A_51 = arith.constant 0 : index
    %swap3A_52 = vector.load %arg4[%swap3A_50, %swap3A_51] : memref<1x1xf32, #tpu.memory_space<vmem>>, vector<1x1xf32>
    tpu.vector_store %arg4[%swap3A_50, %swap3A_51], %add3A_49 {strides = array<i32>} : memref<1x1xf32, #tpu.memory_space<vmem>>, vector<1x1xf32>,
    return
  }
  func.func @transform_0(%arg0: i32) -> (i32, i32, i32) {
    %c0_i32 = arith.constant 0 : i32
    %c0_i32_0 = arith.constant 0 : i32
    %c0_i32_1 = arith.constant 0 : i32
    return %c0_i32, %arg0, %c0_i32_0 : i32, i32, i32
  }
  func.func @transform_1(%arg0: i32) -> (i32, i32) {
    %c0_i32 = arith.constant 0 : i32
    %c0_i32_0 = arith.constant 0 : i32
    return %arg0, %c0_i32 : i32, i32
  }
  func.func @transform_2(%arg0: i32) -> (i32, i32, i32) {
    %c0_i32 = arith.constant 0 : i32
    %c0_i32_0 = arith.constant 0 : i32
    %c0_i32_1 = arith.constant 0 : i32
    return %c0_i32, %arg0, %c0_i32_0 : i32, i32, i32
  }
  func.func @transform_3(%arg0: i32) -> (i32, i32) {
    %c0_i32 = arith.constant 0 : i32
    %c0_i32_0 = arith.constant 0 : i32
    %c0_i32_1 = arith.constant 0 : i32
    return %c0_i32, %c0_i32_0 : i32, i32
  }
}

</mosaic_0001>

<sc_bundles>
// kernel: kernel.5.cloned.1.call-start
scs
__scs_entry_jumppad:
0x0: {  	(pc) =	sbr.rel $0x88, $3  }
0x1: {  	(tag) =	ssettag $0x0;
	lr =	simm.s32 $0x1  }
0x2: {  	[smem:$0x3F9F] =	sst lr;
	_ =	strace $0xD0000000  }
0x3: {  	_ = 	snop  }
0x4: {  	_ = 	snop  }
0x5: {  	_ = 	snop  }
0x6: {  	_ = 	snop  }
0x7: {  	_ = 	snop  }
__scs_overlays_trampoline_lowered:
0x8: {  	[smem:$0x3FAE] =	sst s0  }
0x9: {  	[smem:$0x3FAF] =	sst s1  }
0xa: {  	[smem:$0x3FB0] =	sst s2  }
0xb: {  	[smem:$0x3FB1] =	sst s3  }
0xc: {  	[smem:$0x3FB2] =	sst s4  }
0xd: {  	[smem:$0x3FB3] =	sst s5  }
0xe: {  	[smem:$0x3FB4] =	sst s6  }
0xf: {  	[smem:$0x3FB5] =	sst s7  }
0x10: {  	[smem:$0x3FB6] =	sst s8  }
0x11: {  	[smem:$0x3FB7] =	sst s9;
	s0 =	simm.s32 @!p0 $0x0  }
0x12: {  	s1 =	sld [smem:$0x3F9D];
	s0 =	simm.s32 @p0 $0x1  }
0x13: {  	[smem:$0x3FB8] =	sst s0;
	s0 =	simm.s32 @!p1 $0x0  }
0x14: {  	s2 =	sld [smem:$0x3F9C];
	s0 =	simm.s32 @p1 $0x1  }
0x15: {  	[smem:$0x3FB9] =	sst s0;
	s0 =	simm.s32 @!p2 $0x0  }
0x16: {  	s3 =	sld [smem:$0x3FDB];
	s0 =	simm.s32 @p2 $0x1  }
0x17: {  	s4 =	simm.s32 $0x1BF5;
	[smem:$0x3FBB] =	sst s0  }
0x18: {  	s0 =	sld [smem:$0x3F9E];
	_ =	swait.ge [sflag:s4], $0x0  }
0x19: {  	s7 =	sld [smem:$0x3F9F]  }
0x1a: {  	s8 =	sadd.s32 $0xFFFFE003, lr  }
0x1b: {  	s9 =	sadd.s32 $0xFFFFFEF7, lr;
	s5 =	simm.s32 $0xFFFFFFFF;
	p2 =	slt.u32 s8, $0xFFFFF086  }
0x1c: {  	p1 =	slt.u32 s9, $0xF7A;
	s5 =	simm.s32 @!p2 $0x0  }
0x1d: {  	s5 =	simm.s32 @p1 $0x1;
	p0 =	seq.s32 s7, s2  }
0x1e: {  	s7 =	smul.u32 @!p0 $0xF7A, s2;
	p2 =	seq.s32 @!p0 s5, $0x0  }
0x1f: {  	s9 =	smul.u32 $0xF7A, s1;
	s8 =	simm.s32 @!p0 $0x1BF5;
	p2 =	por !p2, p0  }
0x20: {  	[sflag:s8] =	ssyncset.s32 @!p0 $0xFFFFF086;
	s6 =	sadd.s32 @!p0 s3, s7;
	s7 =	simm.s32 @!p0 $0x108  }
0x21: {  	s3 =	sadd.s32 s3, s9;
	s6 =	sadd.s32 @!p0 $0x88, s6;
	s7 =	simm.s32 @p2 $0x1082  }
0x22: {  	[simem:s7], [sflag:s8] =	dma.local @!p0 [hbm:s6], $0xF7A  }
0x23: {  	s9 =	sor.u32 $0xD0000000, s2;
	s6 =	simm.s32 $0x108;
	_ =	swait.ge @!p0 [sflag:s8], $0x0  }
0x24: {  	s3 =	sadd.s32 $0x88, s3;
	s6 =	simm.s32 @!p1 $0x1082;
	[sflag:s4] =	ssyncset.s32 $0xFFFFF086  }
0x25: {  	[simem:s6], [sflag:s4] =	dma.local [hbm:s3], $0xF7A  }
0x26: {  	[smem:$0x3F9F] =	sst s1;
	(tag) =	ssettag s2;
	_ =	strace s9  }
0x27: {  	s1 =	sld [smem:$0x3FAF]  }
0x28: {  	s2 =	sld [smem:$0x3FB0]  }
0x29: {  	s4 =	sld [smem:$0x3FB2]  }
0x2a: {  	p0 =	seq.s32 s5, $0x0;
	s5 =	sld [smem:$0x3FB3]  }
0x2b: {  	s6 =	sld [smem:$0x3FB4]  }
0x2c: {  	s7 =	sld [smem:$0x3FB5]  }
0x2d: {  	s3 =	simm.s32 $0x108;
	s8 =	sld [smem:$0x3FB6]  }
0x2e: {  	s3 =	simm.s32 @!p0 $0x1082;
	s9 =	sld [smem:$0x3FB7]  }
0x2f: {  	lr =	sadd.s32 s0, s3;
	s0 =	sld [smem:$0x3FAE]  }
0x30: {  	s3 =	sld [smem:$0x3FB1]  }
0x31: {  	[smem:$0x3FBA] =	sst s10  }
0x32: {  	s10 =	sld [smem:$0x3FB8];
	_ =	sdelay $0x3  }
0x33: {  	p0 =	seq.s32 s10, $0x1;
	s10 =	sld [smem:$0x3FBA];
	_ =	sdelay $0x3  }
0x34: {  	[smem:$0x3FBA] =	sst s10  }
0x35: {  	s10 =	sld [smem:$0x3FB9];
	_ =	sdelay $0x3  }
0x36: {  	p1 =	seq.s32 s10, $0x1;
	s10 =	sld [smem:$0x3FBA];
	_ =	sdelay $0x3  }
0x37: {  	[smem:$0x3FBA] =	sst s10  }
0x38: {  	s10 =	sld [smem:$0x3FBB]  }
0x39: {  	_ = 	snop;
	(pc) =	sbr.ind lr, $3  }
0x3a: {  	_ = 	snop  }
0x3b: {  	_ = 	snop  }
0x3c: {  	p2 =	seq.s32 s10, $0x1;
	s10 =	sld [smem:$0x3FBA]  }
0x3d: {  	_ =	shalt  }
0x3e: {  	_ =	shalt  }
0x3f: {  	_ =	shalt  }
0x40: {  	_ =	shalt  }
0x41: {  	_ =	shalt  }
0x42: {  	_ =	shalt  }
0x43: {  	_ =	shalt  }
0x44: {  	_ =	shalt  }
0x45: {  	_ =	shalt  }
0x46: {  	_ =	shalt  }
0x47: {  	_ =	shalt  }
0x48: {  	_ =	shalt  }
0x49: {  	_ =	shalt  }
0x4a: {  	_ =	shalt  }
0x4b: {  	_ =	shalt  }
0x4c: {  	_ =	shalt  }
0x4d: {  	_ =	shalt  }
0x4e: {  	_ =	shalt  }
0x4f: {  	_ =	shalt  }
0x50: {  	_ =	shalt  }
0x51: {  	_ =	shalt  }
0x52: {  	_ =	shalt  }
0x53: {  	_ =	shalt  }
0x54: {  	_ =	shalt  }
0x55: {  	_ =	shalt  }
0x56: {  	_ =	shalt  }
0x57: {  	_ =	shalt  }
0x58: {  	_ =	shalt  }
0x59: {  	_ =	shalt  }
0x5a: {  	_ =	shalt  }
0x5b: {  	_ =	shalt  }
0x5c: {  	_ =	shalt  }
0x5d: {  	_ =	shalt  }
0x5e: {  	_ =	shalt  }
0x5f: {  	_ =	shalt  }
0x60: {  	_ =	shalt  }
0x61: {  	_ =	shalt  }
0x62: {  	_ =	shalt  }
0x63: {  	_ =	shalt  }
0x64: {  	_ =	shalt  }
0x65: {  	_ =	shalt  }
0x66: {  	_ =	shalt  }
0x67: {  	_ =	shalt  }
0x68: {  	_ =	shalt  }
0x69: {  	_ =	shalt  }
0x6a: {  	_ =	shalt  }
0x6b: {  	_ =	shalt  }
0x6c: {  	_ =	shalt  }
0x6d: {  	_ =	shalt  }
0x6e: {  	_ =	shalt  }
0x6f: {  	_ =	shalt  }
0x70: {  	_ =	shalt  }
0x71: {  	_ =	shalt  }
0x72: {  	_ =	shalt  }
0x73: {  	_ =	shalt  }
0x74: {  	_ =	shalt  }
0x75: {  	_ =	shalt  }
0x76: {  	_ =	shalt  }
0x77: {  	_ =	shalt  }
0x78: {  	_ =	shalt  }
0x79: {  	_ =	shalt  }
0x7a: {  	_ =	shalt  }
0x7b: {  	_ =	shalt  }
0x7c: {  	_ =	shalt  }
0x7d: {  	_ =	shalt  }
0x7e: {  	_ =	shalt  }
0x7f: {  	_ =	shalt  }
0x80: {  	_ =	shalt  }
0x81: {  	_ =	shalt  }
0x82: {  	_ =	shalt  }
0x83: {  	_ =	shalt  }
0x84: {  	_ =	shalt  }
0x85: {  	_ =	shalt  }
0x86: {  	_ =	shalt  }
0x87: {  	_ =	shalt  }
.Lfunc_end0:
.L_simem_size_0:
called_computation_lowered:
.L_overlay_start_0:
0x88: {  	s2 =	sld [smem:$0x3FD9]  }
0x89: {  	s3 =	sld [smem:$0x3FFE];
	_ =	sdelay $0x1  }
0x8a: {  	s1 =	srdreg.scid  }
0x8b: {  	s0 =	sand.u32 $0x1, s1  }
0x8c: {  	s16 =	sshll.u32 s0, $0xA;
	s2 =	sadd.s32 s3, s2  }
0x8d: {  	s2 =	sadd.s32 s2, s16  }
0x8e: {  	[smem:$0x3FC6] =	sst s2  }
0x8f: {  	_ = 	snop  }
0x90: {  	(tm) =	ssettm $0x1  }
0x91: {  	s17 =	sld [smem:$0x3FFB];
	_ =	sdelay $0x3  }
0x92: {  	_ =	strace s17  }
0x93: {  	s2 =	sld [smem:$0x3FFC];
	_ =	sdelay $0x3  }
0x94: {  	_ =	strace s2  }
0x95: {  	s2 =	sld [smem:$0x3FFD];
	_ =	sdelay $0x3  }
0x96: {  	_ =	strace s2  }
0x97: {  	_ =	strace $0x8FFFFFFF  }
0x98: {  	s18 =	sld [smem:$0x3FDB];
	_ =	sdelay $0x1  }
0x99: {  	s19 =	simm.s32 $_scs_section_size  }
0x9a: {  	s4 =	simm.s32 $_size__tile_overlayer_lowered;
	s5 =	simm.s32 $_tile_overlayer_lowered  }
0x9b: {  	s22 =	simm.s32 $0x1BFF;
	s21 =	sshll.u32 s5, $0x1;
	s2 =	sadd.s32 s19, s18  }
0x9c: {  	s6 =	simm.s32 $0x0;
	s20 =	sshll.u32 s4, $0x1;
	s4 =	sadd.s32 s21, s2  }
0x9d: {  	[timem:s6], [sflag:s22] =	dma.local [hbm:s4], s20  }
0x9e: {  	_ =	swait.ge [sflag:s22], s20  }
0x9f: {  	s3 =	ssub.s32 $0x0, s20;
	[sflag:s22] =	ssyncset.done $0x0  }
0xa0: {  	[sflag:s22] =	ssyncadd.s32 s3;
	_ =	sdelay $0x1  }
0xa1: {  	s23 =	simm.s32 $0x1B8B  }
0xa2: {  	_ =	swait.ge [sflag:s23], $0x1  }
0xa3: {  	[sflag:s23] =	ssyncset.done $0x0  }
0xa4: {  	s25 =	simm.s32 $0x1B8E;
	s24 =	sld [smem:$0x3FFE];
	[sflag:s23] =	ssyncadd.s32 $0xFFFFFFFF  }
0xa5: {  	s26 =	simm.s32 $execute0_lowered;
	[smem:$0x3FD2] =	sst s25  }
0xa6: {  	s4 =	sshll.u32 s26, $0x1;
	_ =	strace $0x80000046;
	[dreg:$0x1] =	wrdreg $0xFFFFFFFF  }
0xa7: {  	s28 =	simm.s32 $_size_execute0_lowered;
	s2 =	sadd.s32 s2, s4;
	[dreg:$0x0] =	wrdreg $0x0  }
0xa8: {  	s4 =	sshll.u32 s28, $0x1;
	[dreg:$0x2] =	wrdreg s2  }
0xa9: {  	[dreg:$0x3] =	wrdreg s4  }
0xaa: {  	[dreg:$0x4] =	wrdreg $0xC0  }
0xab: {  	_ =	task [dreg:s6], $0x5FFFF  }
0xac: {  	[dreg:$0x1] =	wrdreg $0xFFFFFFFF  }
0xad: {  	[dreg:$0x0] =	wrdreg $0x60  }
0xae: {  	[dreg:$0x2] =	wrdreg s24  }
0xaf: {  	[dreg:$0x3] =	wrdreg $0x9  }
0xb0: {  	_ =	task.clear_ibuf [dreg:s6], $0x4FFFF;
	_ =	strace $0x90000046  }
0xb1: {  	s29 =	simm.s32 $0x9;
	_ =	strace $0x80000048  }
0xb2: {  	_ =	swait.ge [sflag:s29], $0x1  }
0xb3: {  	[sflag:s29] =	ssyncadd.s32 $0xFFFFFFFF  }
0xb4: {  	_ =	strace $0x90000048  }
0xb5: {  	_ =	sfence  }
0xb6: {  	s30 =	sld [smem:$0x0];
	_ =	sdelay $0x2  }
0xb7: {  	s31 =	sshll.u32 s1, $0xD;
	s1 =	sshrl.u32 s1, $0x2  }
0xb8: {  	s3 =	sand.u32 $0x4000, s31;
	s1 =	sadd.s32 s1, s30  }
0xb9: {  	s0 =	sor.u32 s3, s0;
	s1 =	sshll.u32 s1, $0x11  }
0xba: {  	s0 =	sor.u32 s1, s0  }
0xbb: {  	s0 =	sadd.s32 $0x8F2B, s0  }
0xbc: {  	[sflag:s0] =	ssyncadd.remote.s32 $0x1  }
0xbd: {  	_ =	sfence.sel $0xFFFF  }
0xbe: {  	[dreg:$0x0] =	wrdreg $0xFFFFFFFF;
	(pc) =	sbr.abs _section_cstart, $3  }
0xbf: {  	[dreg:$0x1] =	wrdreg $0xFFFFFFFF  }
0xc0: {  	_ =	task.clear_ibuf [dreg:s6], $0x2FFFF;
	_ =	strace $0x9FFFFFFF  }
0xc1: {  	(tm) =	ssettm $0x7FFFFFFF  }
tec
execute0_lowered:
.L_overlay_start_1:
0x0: {  	(tag) =	ssettag $0x1  }
0x1: {  	s1 =	srdreg.scid;
	s0 =	stileid.u32  }
0x2: {  	s4 =	sand.u32 $0x1, s1;
	s21 =	sshll.u32 s0, $0x1  }
0x3: {  	s5 =	sor.u32 s4, s21  }
0x4: {  	s9 =	rddreg [dreg:$0x0];
	s1 =	smul.u32 $0x9, s5  }
0x5: {  	s17 =	simm.s32 $0x1;
	s3 =	sadd.s32 $0xC00, s9  }
0x6: {  	s4 =	ssub.s32 $0x2, s4;
	s2 =	smul.u32 $0xE1, s5;
	s6 =	sshrl.u32 s1, $0x4  }
0x7: {  	s5 =	sshll.u32 s5, $0xC;
	s23 =	sshrl.u32 s4, $0x1;
	s1 =	smul.u32 $0xC8, s6  }
0x8: {  	s22 =	sadd.s32 s5, s9;
	s14 =	ssub.s32 s4, s23;
	s4 =	simm.s32 $0x1  }
0x9: {  	s7 =	sshrl.u32 s2, $0x1;
	s2 =	sadd.s32 $0xE1, s2;
	s11 =	sadd.s32 $0xC8, s1  }
0xa: {  	s9 =	simm.s32 $0x1;
	s8 =	sshrl.u32 s2, $0x1;
	s1 =	smax.u32 s7, s11  }
0xb: {  	s14 =	smax.u32 s14, $0x1;
	s25 =	smul.u32 $0x1FFF38, s6;
	s12 =	smin.u32 s8, s1  }
0xc: {  	s2 =	simm.s32 $0x0;
	s6 =	smul.u32 $0x64000, s6;
	s10 =	ssub.s32 s12, s7  }
0xd: {  	[smem:$0x7FF] =	sst s2;
	s26 =	sadd.s32 s7, s25;
	p0 =	sgt.s32 s10, $0x0  }
0xe: {  	s30 =	sshll.u32 s26, $0xB;
	p1 =	slt.s32 s10, $0x1;
	s10 =	simm.s32 @!p0 $0x0  }
0xf: {  	s1 =	rddreg [dreg:$0x1];
	_ =	strace $0x80000047;
	s13 =	sand.u32 $0x7, s10  }
0x10: {  	s15 =	ssub.s32 s8, s12;
	s28 =	ssub.s32 s12, s11;
	p4 =	sne.s32 s13, $0x0  }
0x11: {  	s16 =	sand.u32 $0x7, s15;
	p5 =	slt.s32 s15, $0x1;
	p0 =	por !p1, !p4  }
0x12: {  	s19 =	sshrl.u32 s15, $0x3;
	p6 =	sne.s32 s16, $0x0;
	p0 =	por !p0, !p0  }
0x13: {  	s24 =	sshrl.u32 s10, $0x3;
	s9 =	simm.s32 @!p0 $0x0;
	p0 =	por !p5, !p6  }
0x14: {  	s31 =	sshll.u32 s28, $0xB;
	s5 =	ssub.s32 s24, s9;
	p0 =	por !p0, !p0  }
0x15: {  	s13 =	sadd.s32 $0xE1E00, s22;
	s9 =	sshll.u32 s5, $0x3;
	s17 =	simm.s32 @!p0 $0x0  }
0x16: {  	p0 =	slt.s32 s5, $0x1;
	s18 =	sadd.s32 s9, s7;
	s7 =	ssub.s32 s10, s9  }
.Ltmp0:
0x17: {  	s9 =	ssub.s32 s19, s17;
	s10 =	sadd.s32 $0x64000, s6;
	(pc) =	sbr.rel .LBB2_1-.Ltmp0, $4  }
0x18: {  	s17 =	simm.s32 $0x8000;
	s19 =	simm.s32 $0x0;
	s8 =	sadd.s32 s18, s25  }
0x19: {  	s29 =	sshll.u32 s9, $0x3;
	s16 =	sadd.s32 s10, s31;
	p1 =	slt.s32 s7, $0x1  }
0x1a: {  	p2 =	slt.s32 s9, $0x1;
	s18 =	simm.s32 $0x4000;
	s11 =	ssub.s32 s15, s29  }
0x1b: {  	v0 =	vimm.s32 $0x0;
	v1 =	vimm.s32 $0x1;
	vm0 =	vcmask $0x3F20;
	s12 =	sadd.s32 s29, s28;
	s15 =	sadd.s32 s6, s30;
	p3 =	slt.s32 s11, $0x1  }
.LBB2_23:
0x1c: {  	s19 =	sadd.s32 $0x1, s19  }
0x1d: {  	p4 =	sne.s32 s19, s14  }
.Ltmp1:
0x1e: {  	_ = 	snop;
	(pc) =	sbr.rel @!p4 .LBB2_24-.Ltmp1, $4  }
0x1f: {  	[hbm4b:s13+s2] =	stream.linear.scatter [tilespmem:s2], [sflag:$0x1], $0x8000, $0x38;
	[tilespmem:$0xC000] =	vst v63  }
0x20: {  	_ =	swait.ge [sflag:s4], $0x8000  }
0x21: {  	[sflag:s4] =	ssyncset.done $0x0  }
0x22: {  	[sflag:s4] =	ssyncadd.s32 $0xFFFF8000  }
.LBB2_1:
0x23: {  	s20 =	simm.s32 $0x40  }
0x24: {  	[tilespmem:s20+$0xFFFFFFC0] =	vst v0  }
0x25: {  	[tilespmem:s20+$0x30] =	vst v0  }
0x26: {  	[tilespmem:s20+$0x20] =	vst v0  }
0x27: {  	[tilespmem:s20+$0x10] =	vst v0  }
0x28: {  	[tilespmem:s20+$0x0] =	vst v0  }
0x29: {  	[tilespmem:s20+$0xFFFFFFF0] =	vst v0  }
0x2a: {  	s21 =	simm.s32 $0x0;
	[tilespmem:s20+$0xFFFFFFE0] =	vst v0  }
.LBB2_2:
0x2b: {  	s21 =	sadd.s32 $0x8, s21;
	[tilespmem:s20+$0xFFFFFFD0] =	vst v0;
	s20 =	sadd.s32 $0x80, s20  }
0x2c: {  	[tilespmem:s20+$0xFFFFFFC0] =	vst v0;
	p4 =	slt.u32 s21, $0x7F8  }
0x2d: {  	[tilespmem:s20+$0x30] =	vst v0  }
.Ltmp2:
0x2e: {  	[tilespmem:s20+$0x20] =	vst v0;
	(pc) =	sbr.rel @p4 .LBB2_2-.Ltmp2, $4  }
0x2f: {  	[tilespmem:s20+$0x10] =	vst v0  }
0x30: {  	[tilespmem:s20+$0x0] =	vst v0  }
0x31: {  	[tilespmem:s20+$0xFFFFFFF0] =	vst v0  }
0x32: {  	[tilespmem:s20+$0xFFFFFFE0] =	vst v0  }
.Ltmp3:
0x33: {  	(pc) =	sbr.rel @p0 .LBB2_8-.Ltmp3, $2  }
0x34: {  	_ =	sdelay $0x2  }
0x35: {  	[tilespmem:s20+$0xFFFFFFD0] =	vst v0  }
0x36: {  	s20 =	simm.s32 $0x0;
	s21 =	simm.s32 $0x0  }
.LBB2_5:
0x37: {  	s22 =	sshll.u32 s21, $0xE  }
0x38: {  	s22 =	sadd.s32 s15, s22  }
0x39: {  	s22 =	sshrl.u32 s22, $0x3  }
0x3a: {  	s22 =	sadd.s32 s3, s22  }
0x3b: {  	[tilespmem:s17], [sflag:$0x1] =	stream.linear.gather [hbm4b:s22+s20], $0x4000, $0x38;
	[tilespmem:$0xC000] =	vst v63  }
0x3c: {  	_ =	swait.ge [sflag:s4], $0x4000  }
0x3d: {  	s23 =	simm.s32 $0x0;
	[sflag:s4] =	ssyncset.done $0x0  }
0x3e: {  	s24 =	simm.s32 $0x0;
	s22 =	simm.s32 $0xFFFFFFFE;
	[sflag:s4] =	ssyncadd.s32 $0xFFFFC000  }
.LBB2_6:
0x3f: {  	s25 =	sand.u32 $0x3800, s23;
	s26 =	sand.u32 $0x300, s24  }
0x40: {  	s25 =	sor.u32 s26, s25  }
0x41: {  	v2 =	vld [tilespmem:s25+$0x8000];
	_ =	sdelay $0x4  }
0x42: {  	v3 =	vand.u32 $0xFFFF, v2  }
0x43: {  	v2 =	vshrl.u32 v2, $0x10;
	_ =	sdelay $0x3  }
0x44: {  	[tilespmem:v3+s2+$0x0] =	vst.idx.add.s32.msk $0xffff, v1  }
0x45: {  	[tilespmem:v2+s2+$0x0] =	vst.idx.add.s32.msk $0xffff, v1  }
0x46: {  	v2 =	vld [tilespmem:s25+$0x8010];
	_ =	sdelay $0x4  }
0x47: {  	v3 =	vand.u32 $0xFFFF, v2  }
0x48: {  	v2 =	vshrl.u32 v2, $0x10;
	_ =	sdelay $0x3  }
0x49: {  	[tilespmem:v3+s2+$0x0] =	vst.idx.add.s32.msk $0xffff, v1  }
0x4a: {  	[tilespmem:v2+s2+$0x0] =	vst.idx.add.s32.msk $0xffff, v1  }
0x4b: {  	v2 =	vld [tilespmem:s25+$0x8020];
	_ =	sdelay $0x4  }
0x4c: {  	v3 =	vand.u32 $0xFFFF, v2  }
0x4d: {  	v2 =	vshrl.u32 v2, $0x10;
	_ =	sdelay $0x3  }
0x4e: {  	[tilespmem:v3+s2+$0x0] =	vst.idx.add.s32.msk $0xffff, v1  }
0x4f: {  	[tilespmem:v2+s2+$0x0] =	vst.idx.add.s32.msk $0xffff, v1  }
0x50: {  	v2 =	vld [tilespmem:s25+$0x8030];
	_ =	sdelay $0x4  }
0x51: {  	v3 =	vand.u32 $0xFFFF, v2  }
0x52: {  	v2 =	vshrl.u32 v2, $0x10;
	_ =	sdelay $0x3  }
0x53: {  	[tilespmem:v3+s2+$0x0] =	vst.idx.add.s32.msk $0xffff, v1  }
0x54: {  	[tilespmem:v2+s2+$0x0] =	vst.idx.add.s32.msk $0xffff, v1  }
0x55: {  	v2 =	vld [tilespmem:s25+$0x8040];
	_ =	sdelay $0x4  }
0x56: {  	v3 =	vand.u32 $0xFFFF, v2  }
0x57: {  	v2 =	vshrl.u32 v2, $0x10;
	_ =	sdelay $0x3  }
0x58: {  	[tilespmem:v3+s2+$0x0] =	vst.idx.add.s32.msk $0xffff, v1  }
0x59: {  	[tilespmem:v2+s2+$0x0] =	vst.idx.add.s32.msk $0xffff, v1  }
0x5a: {  	v2 =	vld [tilespmem:s25+$0x8050];
	_ =	sdelay $0x4  }
0x5b: {  	v3 =	vand.u32 $0xFFFF, v2  }
0x5c: {  	v2 =	vshrl.u32 v2, $0x10;
	_ =	sdelay $0x3  }
0x5d: {  	[tilespmem:v3+s2+$0x0] =	vst.idx.add.s32.msk $0xffff, v1  }
0x5e: {  	[tilespmem:v2+s2+$0x0] =	vst.idx.add.s32.msk $0xffff, v1  }
0x5f: {  	v2 =	vld [tilespmem:s25+$0x8060];
	_ =	sdelay $0x4  }
0x60: {  	v3 =	vand.u32 $0xFFFF, v2  }
0x61: {  	v2 =	vshrl.u32 v2, $0x10;
	_ =	sdelay $0x3  }
0x62: {  	[tilespmem:v3+s2+$0x0] =	vst.idx.add.s32.msk $0xffff, v1  }
0x63: {  	[tilespmem:v2+s2+$0x0] =	vst.idx.add.s32.msk $0xffff, v1  }
0x64: {  	v2 =	vld [tilespmem:s25+$0x8070];
	_ =	sdelay $0x4  }
0x65: {  	v3 =	vand.u32 $0xFFFF, v2  }
0x66: {  	v2 =	vshrl.u32 v2, $0x10;
	_ =	sdelay $0x3  }
0x67: {  	[tilespmem:v3+s2+$0x0] =	vst.idx.add.s32.msk $0xffff, v1  }
0x68: {  	[tilespmem:v2+s2+$0x0] =	vst.idx.add.s32.msk $0xffff, v1  }
0x69: {  	v2 =	vld [tilespmem:s25+$0x8400];
	_ =	sdelay $0x4  }
0x6a: {  	v3 =	vand.u32 $0xFFFF, v2  }
0x6b: {  	v2 =	vshrl.u32 v2, $0x10;
	_ =	sdelay $0x3  }
0x6c: {  	[tilespmem:v3+s2+$0x0] =	vst.idx.add.s32.msk $0xffff, v1  }
0x6d: {  	[tilespmem:v2+s2+$0x0] =	vst.idx.add.s32.msk $0xffff, v1  }
0x6e: {  	v2 =	vld [tilespmem:s25+$0x8410];
	_ =	sdelay $0x4  }
0x6f: {  	v3 =	vand.u32 $0xFFFF, v2  }
0x70: {  	v2 =	vshrl.u32 v2, $0x10;
	_ =	sdelay $0x3  }
0x71: {  	[tilespmem:v3+s2+$0x0] =	vst.idx.add.s32.msk $0xffff, v1  }
0x72: {  	[tilespmem:v2+s2+$0x0] =	vst.idx.add.s32.msk $0xffff, v1  }
0x73: {  	v2 =	vld [tilespmem:s25+$0x8420];
	_ =	sdelay $0x4  }
0x74: {  	v3 =	vand.u32 $0xFFFF, v2  }
0x75: {  	v2 =	vshrl.u32 v2, $0x10;
	_ =	sdelay $0x3  }
0x76: {  	[tilespmem:v3+s2+$0x0] =	vst.idx.add.s32.msk $0xffff, v1  }
0x77: {  	[tilespmem:v2+s2+$0x0] =	vst.idx.add.s32.msk $0xffff, v1  }
0x78: {  	v2 =	vld [tilespmem:s25+$0x8430];
	_ =	sdelay $0x4  }
0x79: {  	v3 =	vand.u32 $0xFFFF, v2  }
0x7a: {  	v2 =	vshrl.u32 v2, $0x10;
	_ =	sdelay $0x3  }
0x7b: {  	[tilespmem:v3+s2+$0x0] =	vst.idx.add.s32.msk $0xffff, v1  }
0x7c: {  	[tilespmem:v2+s2+$0x0] =	vst.idx.add.s32.msk $0xffff, v1  }
0x7d: {  	v2 =	vld [tilespmem:s25+$0x8438];
	_ =	sdelay $0x4  }
0x7e: {  	v3 =	vand.u32 $0xFFFF, v2  }
0x7f: {  	v2 =	vshrl.u32 v2, $0x10;
	_ =	sdelay $0x3  }
0x80: {  	[tilespmem:v3+s2+$0x0] =	vst.idx.add.s32.msk vm0, v1  }
0x81: {  	[tilespmem:v2+s2+$0x0] =	vst.idx.add.s32.msk vm0, v1  }
0x82: {  	v2 =	vld [tilespmem:s25+$0x8080];
	_ =	sdelay $0x4  }
0x83: {  	v3 =	vand.u32 $0xFFFF, v2  }
0x84: {  	v2 =	vshrl.u32 v2, $0x10;
	_ =	sdelay $0x3  }
0x85: {  	[tilespmem:v3+s2+$0x0] =	vst.idx.add.s32.msk $0xffff, v1  }
0x86: {  	[tilespmem:v2+s2+$0x0] =	vst.idx.add.s32.msk $0xffff, v1  }
0x87: {  	v2 =	vld [tilespmem:s25+$0x8090];
	_ =	sdelay $0x4  }
0x88: {  	v3 =	vand.u32 $0xFFFF, v2  }
0x89: {  	v2 =	vshrl.u32 v2, $0x10;
	_ =	sdelay $0x3  }
0x8a: {  	[tilespmem:v3+s2+$0x0] =	vst.idx.add.s32.msk $0xffff, v1  }
0x8b: {  	[tilespmem:v2+s2+$0x0] =	vst.idx.add.s32.msk $0xffff, v1  }
0x8c: {  	v2 =	vld [tilespmem:s25+$0x80A0];
	_ =	sdelay $0x4  }
0x8d: {  	v3 =	vand.u32 $0xFFFF, v2  }
0x8e: {  	v2 =	vshrl.u32 v2, $0x10;
	_ =	sdelay $0x3  }
0x8f: {  	[tilespmem:v3+s2+$0x0] =	vst.idx.add.s32.msk $0xffff, v1  }
0x90: {  	[tilespmem:v2+s2+$0x0] =	vst.idx.add.s32.msk $0xffff, v1  }
0x91: {  	v2 =	vld [tilespmem:s25+$0x80B0];
	_ =	sdelay $0x4  }
0x92: {  	v3 =	vand.u32 $0xFFFF, v2  }
0x93: {  	v2 =	vshrl.u32 v2, $0x10;
	_ =	sdelay $0x3  }
0x94: {  	[tilespmem:v3+s2+$0x0] =	vst.idx.add.s32.msk $0xffff, v1  }
0x95: {  	[tilespmem:v2+s2+$0x0] =	vst.idx.add.s32.msk $0xffff, v1  }
0x96: {  	v2 =	vld [tilespmem:s25+$0x80C0];
	_ =	sdelay $0x4  }
0x97: {  	v3 =	vand.u32 $0xFFFF, v2  }
0x98: {  	v2 =	vshrl.u32 v2, $0x10;
	_ =	sdelay $0x3  }
0x99: {  	[tilespmem:v3+s2+$0x0] =	vst.idx.add.s32.msk $0xffff, v1  }
0x9a: {  	[tilespmem:v2+s2+$0x0] =	vst.idx.add.s32.msk $0xffff, v1  }
0x9b: {  	v2 =	vld [tilespmem:s25+$0x80D0];
	_ =	sdelay $0x4  }
0x9c: {  	v3 =	vand.u32 $0xFFFF, v2  }
0x9d: {  	v2 =	vshrl.u32 v2, $0x10;
	_ =	sdelay $0x3  }
0x9e: {  	[tilespmem:v3+s2+$0x0] =	vst.idx.add.s32.msk $0xffff, v1  }
0x9f: {  	[tilespmem:v2+s2+$0x0] =	vst.idx.add.s32.msk $0xffff, v1  }
0xa0: {  	v2 =	vld [tilespmem:s25+$0x80E0];
	_ =	sdelay $0x4  }
0xa1: {  	v3 =	vand.u32 $0xFFFF, v2  }
0xa2: {  	v2 =	vshrl.u32 v2, $0x10;
	_ =	sdelay $0x3  }
0xa3: {  	[tilespmem:v3+s2+$0x0] =	vst.idx.add.s32.msk $0xffff, v1  }
0xa4: {  	[tilespmem:v2+s2+$0x0] =	vst.idx.add.s32.msk $0xffff, v1  }
0xa5: {  	v2 =	vld [tilespmem:s25+$0x80F0];
	_ =	sdelay $0x4  }
0xa6: {  	v3 =	vand.u32 $0xFFFF, v2  }
0xa7: {  	v2 =	vshrl.u32 v2, $0x10;
	_ =	sdelay $0x3  }
0xa8: {  	[tilespmem:v3+s2+$0x0] =	vst.idx.add.s32.msk $0xffff, v1  }
0xa9: {  	[tilespmem:v2+s2+$0x0] =	vst.idx.add.s32.msk $0xffff, v1  }
0xaa: {  	v2 =	vld [tilespmem:s25+$0x8480];
	_ =	sdelay $0x4  }
0xab: {  	v3 =	vand.u32 $0xFFFF, v2  }
0xac: {  	v2 =	vshrl.u32 v2, $0x10;
	_ =	sdelay $0x3  }
0xad: {  	[tilespmem:v3+s2+$0x0] =	vst.idx.add.s32.msk $0xffff, v1  }
0xae: {  	[tilespmem:v2+s2+$0x0] =	vst.idx.add.s32.msk $0xffff, v1  }
0xaf: {  	v2 =	vld [tilespmem:s25+$0x8490];
	_ =	sdelay $0x4  }
0xb0: {  	v3 =	vand.u32 $0xFFFF, v2  }
0xb1: {  	v2 =	vshrl.u32 v2, $0x10;
	_ =	sdelay $0x3  }
0xb2: {  	[tilespmem:v3+s2+$0x0] =	vst.idx.add.s32.msk $0xffff, v1  }
0xb3: {  	[tilespmem:v2+s2+$0x0] =	vst.idx.add.s32.msk $0xffff, v1  }
0xb4: {  	v2 =	vld [tilespmem:s25+$0x84A0];
	_ =	sdelay $0x4  }
0xb5: {  	v3 =	vand.u32 $0xFFFF, v2  }
0xb6: {  	v2 =	vshrl.u32 v2, $0x10;
	_ =	sdelay $0x3  }
0xb7: {  	[tilespmem:v3+s2+$0x0] =	vst.idx.add.s32.msk $0xffff, v1  }
0xb8: {  	[tilespmem:v2+s2+$0x0] =	vst.idx.add.s32.msk $0xffff, v1  }
0xb9: {  	v2 =	vld [tilespmem:s25+$0x84B0];
	_ =	sdelay $0x4  }
0xba: {  	v3 =	vand.u32 $0xFFFF, v2  }
0xbb: {  	v2 =	vshrl.u32 v2, $0x10;
	_ =	sdelay $0x3  }
0xbc: {  	[tilespmem:v3+s2+$0x0] =	vst.idx.add.s32.msk $0xffff, v1  }
0xbd: {  	[tilespmem:v2+s2+$0x0] =	vst.idx.add.s32.msk $0xffff, v1  }
0xbe: {  	v2 =	vld [tilespmem:s25+$0x84B8];
	_ =	sdelay $0x4  }
0xbf: {  	s22 =	sadd.s32 $0x2, s22;
	v3 =	vand.u32 $0xFFFF, v2  }
0xc0: {  	p4 =	slt.u32 s22, $0x3E;
	v2 =	vshrl.u32 v2, $0x10  }
.Ltmp4:
0xc1: {  	_ = 	snop;
	(pc) =	sbr.rel @p4 .LBB2_6-.Ltmp4, $3  }
0xc2: {  	_ =	sdelay $0x1  }
0xc3: {  	[tilespmem:v3+s2+$0x0] =	vst.idx.add.s32.msk vm0, v1  }
0xc4: {  	s24 =	sadd.s32 $0x100, s24;
	s23 =	sadd.s32 $0x200, s23;
	[tilespmem:v2+s2+$0x0] =	vst.idx.add.s32.msk vm0, v1  }
0xc5: {  	s21 =	sadd.s32 $0x1, s21  }
0xc6: {  	p4 =	slt.s32 s21, s5  }
.Ltmp5:
0xc7: {  	_ = 	snop;
	(pc) =	sbr.rel @p4 .LBB2_5-.Ltmp5, $1  }
0xc8: {  	_ =	sdelay $0x3  }
.LBB2_8:
.Ltmp6:
0xc9: {  	(pc) =	sbr.rel @p1 .LBB2_13-.Ltmp6, $1  }
0xca: {  	_ =	sdelay $0x3  }
0xcb: {  	s20 =	simm.s32 $0x0  }
.LBB2_10:
0xcc: {  	s21 =	sadd.s32 s20, s8  }
0xcd: {  	s21 =	sshll.u32 s21, $0xB  }
0xce: {  	s21 =	sadd.s32 s6, s21  }
0xcf: {  	s21 =	sshrl.u32 s21, $0x3  }
0xd0: {  	s22 =	sadd.s32 s3, s21;
	s21 =	simm.s32 $0x8000  }
0xd1: {  	[tilespmem:s21], [sflag:$0x1] =	stream.linear.gather [hbm4b:s22+s2], $0x800, $0x38;
	[tilespmem:$0xC000] =	vst v63  }
0xd2: {  	_ =	swait.ge [sflag:s4], $0x800  }
0xd3: {  	[sflag:s4] =	ssyncset.done $0x0  }
0xd4: {  	s22 =	simm.s32 $0xFFFFFFFE;
	[sflag:s4] =	ssyncadd.s32 $0xFFFFF800  }
.LBB2_11:
0xd5: {  	v2 =	vld [tilespmem:s21+$0x0];
	_ =	sdelay $0x4  }
0xd6: {  	v3 =	vand.u32 $0xFFFF, v2  }
0xd7: {  	v2 =	vshrl.u32 v2, $0x10;
	_ =	sdelay $0x3  }
0xd8: {  	[tilespmem:v3+s2+$0x0] =	vst.idx.add.s32.msk $0xffff, v1  }
0xd9: {  	[tilespmem:v2+s2+$0x0] =	vst.idx.add.s32.msk $0xffff, v1  }
0xda: {  	v2 =	vld [tilespmem:s21+$0x10];
	_ =	sdelay $0x4  }
0xdb: {  	v3 =	vand.u32 $0xFFFF, v2  }
0xdc: {  	v2 =	vshrl.u32 v2, $0x10;
	_ =	sdelay $0x3  }
0xdd: {  	[tilespmem:v3+s2+$0x0] =	vst.idx.add.s32.msk $0xffff, v1  }
0xde: {  	[tilespmem:v2+s2+$0x0] =	vst.idx.add.s32.msk $0xffff, v1  }
0xdf: {  	v2 =	vld [tilespmem:s21+$0x20];
	_ =	sdelay $0x4  }
0xe0: {  	v3 =	vand.u32 $0xFFFF, v2  }
0xe1: {  	v2 =	vshrl.u32 v2, $0x10;
	_ =	sdelay $0x3  }
0xe2: {  	[tilespmem:v3+s2+$0x0] =	vst.idx.add.s32.msk $0xffff, v1  }
0xe3: {  	[tilespmem:v2+s2+$0x0] =	vst.idx.add.s32.msk $0xffff, v1  }
0xe4: {  	v2 =	vld [tilespmem:s21+$0x30];
	_ =	sdelay $0x4  }
0xe5: {  	v3 =	vand.u32 $0xFFFF, v2  }
0xe6: {  	v2 =	vshrl.u32 v2, $0x10;
	_ =	sdelay $0x3  }
0xe7: {  	[tilespmem:v3+s2+$0x0] =	vst.idx.add.s32.msk $0xffff, v1  }
0xe8: {  	[tilespmem:v2+s2+$0x0] =	vst.idx.add.s32.msk $0xffff, v1  }
0xe9: {  	v2 =	vld [tilespmem:s21+$0x40];
	_ =	sdelay $0x4  }
0xea: {  	v3 =	vand.u32 $0xFFFF, v2  }
0xeb: {  	v2 =	vshrl.u32 v2, $0x10;
	_ =	sdelay $0x3  }
0xec: {  	[tilespmem:v3+s2+$0x0] =	vst.idx.add.s32.msk $0xffff, v1  }
0xed: {  	[tilespmem:v2+s2+$0x0] =	vst.idx.add.s32.msk $0xffff, v1  }
0xee: {  	v2 =	vld [tilespmem:s21+$0x50];
	_ =	sdelay $0x4  }
0xef: {  	v3 =	vand.u32 $0xFFFF, v2  }
0xf0: {  	v2 =	vshrl.u32 v2, $0x10;
	_ =	sdelay $0x3  }
0xf1: {  	[tilespmem:v3+s2+$0x0] =	vst.idx.add.s32.msk $0xffff, v1  }
0xf2: {  	[tilespmem:v2+s2+$0x0] =	vst.idx.add.s32.msk $0xffff, v1  }
0xf3: {  	v2 =	vld [tilespmem:s21+$0x60];
	_ =	sdelay $0x4  }
0xf4: {  	v3 =	vand.u32 $0xFFFF, v2  }
0xf5: {  	v2 =	vshrl.u32 v2, $0x10;
	_ =	sdelay $0x3  }
0xf6: {  	[tilespmem:v3+s2+$0x0] =	vst.idx.add.s32.msk $0xffff, v1  }
0xf7: {  	[tilespmem:v2+s2+$0x0] =	vst.idx.add.s32.msk $0xffff, v1  }
0xf8: {  	v2 =	vld [tilespmem:s21+$0x70];
	_ =	sdelay $0x4  }
0xf9: {  	v3 =	vand.u32 $0xFFFF, v2  }
0xfa: {  	v2 =	vshrl.u32 v2, $0x10;
	_ =	sdelay $0x3  }
0xfb: {  	[tilespmem:v3+s2+$0x0] =	vst.idx.add.s32.msk $0xffff, v1  }
0xfc: {  	[tilespmem:v2+s2+$0x0] =	vst.idx.add.s32.msk $0xffff, v1  }
0xfd: {  	v2 =	vld [tilespmem:s21+$0x400];
	_ =	sdelay $0x4  }
0xfe: {  	v3 =	vand.u32 $0xFFFF, v2  }
0xff: {  	v2 =	vshrl.u32 v2, $0x10;
	_ =	sdelay $0x3  }
0x100: {  	[tilespmem:v3+s2+$0x0] =	vst.idx.add.s32.msk $0xffff, v1  }
0x101: {  	[tilespmem:v2+s2+$0x0] =	vst.idx.add.s32.msk $0xffff, v1  }
0x102: {  	v2 =	vld [tilespmem:s21+$0x410];
	_ =	sdelay $0x4  }
0x103: {  	v3 =	vand.u32 $0xFFFF, v2  }
0x104: {  	v2 =	vshrl.u32 v2, $0x10;
	_ =	sdelay $0x3  }
0x105: {  	[tilespmem:v3+s2+$0x0] =	vst.idx.add.s32.msk $0xffff, v1  }
0x106: {  	[tilespmem:v2+s2+$0x0] =	vst.idx.add.s32.msk $0xffff, v1  }
0x107: {  	v2 =	vld [tilespmem:s21+$0x420];
	_ =	sdelay $0x4  }
0x108: {  	v3 =	vand.u32 $0xFFFF, v2  }
0x109: {  	v2 =	vshrl.u32 v2, $0x10;
	_ =	sdelay $0x3  }
0x10a: {  	[tilespmem:v3+s2+$0x0] =	vst.idx.add.s32.msk $0xffff, v1  }
0x10b: {  	[tilespmem:v2+s2+$0x0] =	vst.idx.add.s32.msk $0xffff, v1  }
0x10c: {  	v2 =	vld [tilespmem:s21+$0x430];
	_ =	sdelay $0x4  }
0x10d: {  	v3 =	vand.u32 $0xFFFF, v2  }
0x10e: {  	v2 =	vshrl.u32 v2, $0x10;
	_ =	sdelay $0x3  }
0x10f: {  	[tilespmem:v3+s2+$0x0] =	vst.idx.add.s32.msk $0xffff, v1  }
0x110: {  	[tilespmem:v2+s2+$0x0] =	vst.idx.add.s32.msk $0xffff, v1  }
0x111: {  	v2 =	vld [tilespmem:s21+$0x438];
	_ =	sdelay $0x4  }
0x112: {  	v3 =	vand.u32 $0xFFFF, v2  }
0x113: {  	v2 =	vshrl.u32 v2, $0x10;
	_ =	sdelay $0x3  }
0x114: {  	[tilespmem:v3+s2+$0x0] =	vst.idx.add.s32.msk vm0, v1  }
0x115: {  	[tilespmem:v2+s2+$0x0] =	vst.idx.add.s32.msk vm0, v1  }
0x116: {  	v2 =	vld [tilespmem:s21+$0x80];
	_ =	sdelay $0x4  }
0x117: {  	v3 =	vand.u32 $0xFFFF, v2  }
0x118: {  	v2 =	vshrl.u32 v2, $0x10;
	_ =	sdelay $0x3  }
0x119: {  	[tilespmem:v3+s2+$0x0] =	vst.idx.add.s32.msk $0xffff, v1  }
0x11a: {  	[tilespmem:v2+s2+$0x0] =	vst.idx.add.s32.msk $0xffff, v1  }
0x11b: {  	v2 =	vld [tilespmem:s21+$0x90];
	_ =	sdelay $0x4  }
0x11c: {  	v3 =	vand.u32 $0xFFFF, v2  }
0x11d: {  	v2 =	vshrl.u32 v2, $0x10;
	_ =	sdelay $0x3  }
0x11e: {  	[tilespmem:v3+s2+$0x0] =	vst.idx.add.s32.msk $0xffff, v1  }
0x11f: {  	[tilespmem:v2+s2+$0x0] =	vst.idx.add.s32.msk $0xffff, v1  }
0x120: {  	v2 =	vld [tilespmem:s21+$0xA0];
	_ =	sdelay $0x4  }
0x121: {  	v3 =	vand.u32 $0xFFFF, v2  }
0x122: {  	v2 =	vshrl.u32 v2, $0x10;
	_ =	sdelay $0x3  }
0x123: {  	[tilespmem:v3+s2+$0x0] =	vst.idx.add.s32.msk $0xffff, v1  }
0x124: {  	[tilespmem:v2+s2+$0x0] =	vst.idx.add.s32.msk $0xffff, v1  }
0x125: {  	v2 =	vld [tilespmem:s21+$0xB0];
	_ =	sdelay $0x4  }
0x126: {  	v3 =	vand.u32 $0xFFFF, v2  }
0x127: {  	v2 =	vshrl.u32 v2, $0x10;
	_ =	sdelay $0x3  }
0x128: {  	[tilespmem:v3+s2+$0x0] =	vst.idx.add.s32.msk $0xffff, v1  }
0x129: {  	[tilespmem:v2+s2+$0x0] =	vst.idx.add.s32.msk $0xffff, v1  }
0x12a: {  	v2 =	vld [tilespmem:s21+$0xC0];
	_ =	sdelay $0x4  }
0x12b: {  	v3 =	vand.u32 $0xFFFF, v2  }
0x12c: {  	v2 =	vshrl.u32 v2, $0x10;
	_ =	sdelay $0x3  }
0x12d: {  	[tilespmem:v3+s2+$0x0] =	vst.idx.add.s32.msk $0xffff, v1  }
0x12e: {  	[tilespmem:v2+s2+$0x0] =	vst.idx.add.s32.msk $0xffff, v1  }
0x12f: {  	v2 =	vld [tilespmem:s21+$0xD0];
	_ =	sdelay $0x4  }
0x130: {  	v3 =	vand.u32 $0xFFFF, v2  }
0x131: {  	v2 =	vshrl.u32 v2, $0x10;
	_ =	sdelay $0x3  }
0x132: {  	[tilespmem:v3+s2+$0x0] =	vst.idx.add.s32.msk $0xffff, v1  }
0x133: {  	[tilespmem:v2+s2+$0x0] =	vst.idx.add.s32.msk $0xffff, v1  }
0x134: {  	v2 =	vld [tilespmem:s21+$0xE0];
	_ =	sdelay $0x4  }
0x135: {  	v3 =	vand.u32 $0xFFFF, v2  }
0x136: {  	v2 =	vshrl.u32 v2, $0x10;
	_ =	sdelay $0x3  }
0x137: {  	[tilespmem:v3+s2+$0x0] =	vst.idx.add.s32.msk $0xffff, v1  }
0x138: {  	[tilespmem:v2+s2+$0x0] =	vst.idx.add.s32.msk $0xffff, v1  }
0x139: {  	v2 =	vld [tilespmem:s21+$0xF0];
	_ =	sdelay $0x4  }
0x13a: {  	v3 =	vand.u32 $0xFFFF, v2  }
0x13b: {  	v2 =	vshrl.u32 v2, $0x10;
	_ =	sdelay $0x3  }
0x13c: {  	[tilespmem:v3+s2+$0x0] =	vst.idx.add.s32.msk $0xffff, v1  }
0x13d: {  	[tilespmem:v2+s2+$0x0] =	vst.idx.add.s32.msk $0xffff, v1  }
0x13e: {  	v2 =	vld [tilespmem:s21+$0x480];
	_ =	sdelay $0x4  }
0x13f: {  	v3 =	vand.u32 $0xFFFF, v2  }
0x140: {  	v2 =	vshrl.u32 v2, $0x10;
	_ =	sdelay $0x3  }
0x141: {  	[tilespmem:v3+s2+$0x0] =	vst.idx.add.s32.msk $0xffff, v1  }
0x142: {  	[tilespmem:v2+s2+$0x0] =	vst.idx.add.s32.msk $0xffff, v1  }
0x143: {  	v2 =	vld [tilespmem:s21+$0x490];
	_ =	sdelay $0x4  }
0x144: {  	v3 =	vand.u32 $0xFFFF, v2  }
0x145: {  	v2 =	vshrl.u32 v2, $0x10;
	_ =	sdelay $0x3  }
0x146: {  	[tilespmem:v3+s2+$0x0] =	vst.idx.add.s32.msk $0xffff, v1  }
0x147: {  	[tilespmem:v2+s2+$0x0] =	vst.idx.add.s32.msk $0xffff, v1  }
0x148: {  	v2 =	vld [tilespmem:s21+$0x4A0];
	_ =	sdelay $0x4  }
0x149: {  	v3 =	vand.u32 $0xFFFF, v2  }
0x14a: {  	v2 =	vshrl.u32 v2, $0x10;
	_ =	sdelay $0x3  }
0x14b: {  	[tilespmem:v3+s2+$0x0] =	vst.idx.add.s32.msk $0xffff, v1  }
0x14c: {  	[tilespmem:v2+s2+$0x0] =	vst.idx.add.s32.msk $0xffff, v1  }
0x14d: {  	v2 =	vld [tilespmem:s21+$0x4B0];
	_ =	sdelay $0x4  }
0x14e: {  	v3 =	vand.u32 $0xFFFF, v2  }
0x14f: {  	v2 =	vshrl.u32 v2, $0x10;
	_ =	sdelay $0x3  }
0x150: {  	[tilespmem:v3+s2+$0x0] =	vst.idx.add.s32.msk $0xffff, v1  }
0x151: {  	[tilespmem:v2+s2+$0x0] =	vst.idx.add.s32.msk $0xffff, v1  }
0x152: {  	v2 =	vld [tilespmem:s21+$0x4B8];
	_ =	sdelay $0x4  }
0x153: {  	s22 =	sadd.s32 $0x2, s22;
	v3 =	vand.u32 $0xFFFF, v2  }
0x154: {  	p4 =	slt.u32 s22, $0x6;
	v2 =	vshrl.u32 v2, $0x10  }
.Ltmp7:
0x155: {  	_ = 	snop;
	(pc) =	sbr.rel @p4 .LBB2_11-.Ltmp7, $3  }
0x156: {  	_ =	sdelay $0x1  }
0x157: {  	[tilespmem:v3+s2+$0x0] =	vst.idx.add.s32.msk vm0, v1  }
0x158: {  	s21 =	sadd.s32 $0x100, s21;
	[tilespmem:v2+s2+$0x0] =	vst.idx.add.s32.msk vm0, v1  }
0x159: {  	s20 =	sadd.s32 $0x1, s20  }
0x15a: {  	p4 =	slt.s32 s20, s7  }
.Ltmp8:
0x15b: {  	_ = 	snop;
	(pc) =	sbr.rel @p4 .LBB2_10-.Ltmp8, $1  }
0x15c: {  	_ =	sdelay $0x3  }
.LBB2_13:
.Ltmp9:
0x15d: {  	(pc) =	sbr.rel @p2 .LBB2_18-.Ltmp9, $1  }
0x15e: {  	_ =	sdelay $0x3  }
0x15f: {  	s20 =	simm.s32 $0x0;
	s21 =	simm.s32 $0x0  }
.LBB2_15:
0x160: {  	s22 =	sshll.u32 s21, $0xE  }
0x161: {  	s22 =	sadd.s32 s16, s22  }
0x162: {  	s22 =	sshrl.u32 s22, $0x3  }
0x163: {  	s22 =	sadd.s32 s3, s22  }
0x164: {  	[tilespmem:s17], [sflag:$0x1] =	stream.linear.gather [hbm4b:s22+s20], $0x4000, $0x38;
	[tilespmem:$0xC000] =	vst v63  }
0x165: {  	_ =	swait.ge [sflag:s4], $0x4000  }
0x166: {  	s23 =	simm.s32 $0x0;
	[sflag:s4] =	ssyncset.done $0x0  }
0x167: {  	s24 =	simm.s32 $0x0;
	s22 =	simm.s32 $0xFFFFFFFE;
	[sflag:s4] =	ssyncadd.s32 $0xFFFFC000  }
.LBB2_16:
0x168: {  	s25 =	sand.u32 $0x3800, s23;
	s26 =	sand.u32 $0x300, s24  }
0x169: {  	s25 =	sor.u32 s26, s25  }
0x16a: {  	v2 =	vld [tilespmem:s25+$0x8000];
	_ =	sdelay $0x4  }
0x16b: {  	v3 =	vand.u32 $0xFFFF, v2  }
0x16c: {  	v2 =	vshrl.u32 v2, $0x10;
	_ =	sdelay $0x3  }
0x16d: {  	[tilespmem:v3+s18+$0x0] =	vst.idx.add.s32.msk $0xffff, v1  }
0x16e: {  	[tilespmem:v2+s18+$0x0] =	vst.idx.add.s32.msk $0xffff, v1  }
0x16f: {  	v2 =	vld [tilespmem:s25+$0x8010];
	_ =	sdelay $0x4  }
0x170: {  	v3 =	vand.u32 $0xFFFF, v2  }
0x171: {  	v2 =	vshrl.u32 v2, $0x10;
	_ =	sdelay $0x3  }
0x172: {  	[tilespmem:v3+s18+$0x0] =	vst.idx.add.s32.msk $0xffff, v1  }
0x173: {  	[tilespmem:v2+s18+$0x0] =	vst.idx.add.s32.msk $0xffff, v1  }
0x174: {  	v2 =	vld [tilespmem:s25+$0x8020];
	_ =	sdelay $0x4  }
0x175: {  	v3 =	vand.u32 $0xFFFF, v2  }
0x176: {  	v2 =	vshrl.u32 v2, $0x10;
	_ =	sdelay $0x3  }
0x177: {  	[tilespmem:v3+s18+$0x0] =	vst.idx.add.s32.msk $0xffff, v1  }
0x178: {  	[tilespmem:v2+s18+$0x0] =	vst.idx.add.s32.msk $0xffff, v1  }
0x179: {  	v2 =	vld [tilespmem:s25+$0x8030];
	_ =	sdelay $0x4  }
0x17a: {  	v3 =	vand.u32 $0xFFFF, v2  }
0x17b: {  	v2 =	vshrl.u32 v2, $0x10;
	_ =	sdelay $0x3  }
0x17c: {  	[tilespmem:v3+s18+$0x0] =	vst.idx.add.s32.msk $0xffff, v1  }
0x17d: {  	[tilespmem:v2+s18+$0x0] =	vst.idx.add.s32.msk $0xffff, v1  }
0x17e: {  	v2 =	vld [tilespmem:s25+$0x8040];
	_ =	sdelay $0x4  }
0x17f: {  	v3 =	vand.u32 $0xFFFF, v2  }
0x180: {  	v2 =	vshrl.u32 v2, $0x10;
	_ =	sdelay $0x3  }
0x181: {  	[tilespmem:v3+s18+$0x0] =	vst.idx.add.s32.msk $0xffff, v1  }
0x182: {  	[tilespmem:v2+s18+$0x0] =	vst.idx.add.s32.msk $0xffff, v1  }
0x183: {  	v2 =	vld [tilespmem:s25+$0x8050];
	_ =	sdelay $0x4  }
0x184: {  	v3 =	vand.u32 $0xFFFF, v2  }
0x185: {  	v2 =	vshrl.u32 v2, $0x10;
	_ =	sdelay $0x3  }
0x186: {  	[tilespmem:v3+s18+$0x0] =	vst.idx.add.s32.msk $0xffff, v1  }
0x187: {  	[tilespmem:v2+s18+$0x0] =	vst.idx.add.s32.msk $0xffff, v1  }
0x188: {  	v2 =	vld [tilespmem:s25+$0x8060];
	_ =	sdelay $0x4  }
0x189: {  	v3 =	vand.u32 $0xFFFF, v2  }
0x18a: {  	v2 =	vshrl.u32 v2, $0x10;
	_ =	sdelay $0x3  }
0x18b: {  	[tilespmem:v3+s18+$0x0] =	vst.idx.add.s32.msk $0xffff, v1  }
0x18c: {  	[tilespmem:v2+s18+$0x0] =	vst.idx.add.s32.msk $0xffff, v1  }
0x18d: {  	v2 =	vld [tilespmem:s25+$0x8070];
	_ =	sdelay $0x4  }
0x18e: {  	v3 =	vand.u32 $0xFFFF, v2  }
0x18f: {  	v2 =	vshrl.u32 v2, $0x10;
	_ =	sdelay $0x3  }
0x190: {  	[tilespmem:v3+s18+$0x0] =	vst.idx.add.s32.msk $0xffff, v1  }
0x191: {  	[tilespmem:v2+s18+$0x0] =	vst.idx.add.s32.msk $0xffff, v1  }
0x192: {  	v2 =	vld [tilespmem:s25+$0x8400];
	_ =	sdelay $0x4  }
0x193: {  	v3 =	vand.u32 $0xFFFF, v2  }
0x194: {  	v2 =	vshrl.u32 v2, $0x10;
	_ =	sdelay $0x3  }
0x195: {  	[tilespmem:v3+s18+$0x0] =	vst.idx.add.s32.msk $0xffff, v1  }
0x196: {  	[tilespmem:v2+s18+$0x0] =	vst.idx.add.s32.msk $0xffff, v1  }
0x197: {  	v2 =	vld [tilespmem:s25+$0x8410];
	_ =	sdelay $0x4  }
0x198: {  	v3 =	vand.u32 $0xFFFF, v2  }
0x199: {  	v2 =	vshrl.u32 v2, $0x10;
	_ =	sdelay $0x3  }
0x19a: {  	[tilespmem:v3+s18+$0x0] =	vst.idx.add.s32.msk $0xffff, v1  }
0x19b: {  	[tilespmem:v2+s18+$0x0] =	vst.idx.add.s32.msk $0xffff, v1  }
0x19c: {  	v2 =	vld [tilespmem:s25+$0x8420];
	_ =	sdelay $0x4  }
0x19d: {  	v3 =	vand.u32 $0xFFFF, v2  }
0x19e: {  	v2 =	vshrl.u32 v2, $0x10;
	_ =	sdelay $0x3  }
0x19f: {  	[tilespmem:v3+s18+$0x0] =	vst.idx.add.s32.msk $0xffff, v1  }
0x1a0: {  	[tilespmem:v2+s18+$0x0] =	vst.idx.add.s32.msk $0xffff, v1  }
0x1a1: {  	v2 =	vld [tilespmem:s25+$0x8430];
	_ =	sdelay $0x4  }
0x1a2: {  	v3 =	vand.u32 $0xFFFF, v2  }
0x1a3: {  	v2 =	vshrl.u32 v2, $0x10;
	_ =	sdelay $0x3  }
0x1a4: {  	[tilespmem:v3+s18+$0x0] =	vst.idx.add.s32.msk $0xffff, v1  }
0x1a5: {  	[tilespmem:v2+s18+$0x0] =	vst.idx.add.s32.msk $0xffff, v1  }
0x1a6: {  	v2 =	vld [tilespmem:s25+$0x8438];
	_ =	sdelay $0x4  }
0x1a7: {  	v3 =	vand.u32 $0xFFFF, v2  }
0x1a8: {  	v2 =	vshrl.u32 v2, $0x10;
	_ =	sdelay $0x3  }
0x1a9: {  	[tilespmem:v3+s18+$0x0] =	vst.idx.add.s32.msk vm0, v1  }
0x1aa: {  	[tilespmem:v2+s18+$0x0] =	vst.idx.add.s32.msk vm0, v1  }
0x1ab: {  	v2 =	vld [tilespmem:s25+$0x8080];
	_ =	sdelay $0x4  }
0x1ac: {  	v3 =	vand.u32 $0xFFFF, v2  }
0x1ad: {  	v2 =	vshrl.u32 v2, $0x10;
	_ =	sdelay $0x3  }
0x1ae: {  	[tilespmem:v3+s18+$0x0] =	vst.idx.add.s32.msk $0xffff, v1  }
0x1af: {  	[tilespmem:v2+s18+$0x0] =	vst.idx.add.s32.msk $0xffff, v1  }
0x1b0: {  	v2 =	vld [tilespmem:s25+$0x8090];
	_ =	sdelay $0x4  }
0x1b1: {  	v3 =	vand.u32 $0xFFFF, v2  }
0x1b2: {  	v2 =	vshrl.u32 v2, $0x10;
	_ =	sdelay $0x3  }
0x1b3: {  	[tilespmem:v3+s18+$0x0] =	vst.idx.add.s32.msk $0xffff, v1  }
0x1b4: {  	[tilespmem:v2+s18+$0x0] =	vst.idx.add.s32.msk $0xffff, v1  }
0x1b5: {  	v2 =	vld [tilespmem:s25+$0x80A0];
	_ =	sdelay $0x4  }
0x1b6: {  	v3 =	vand.u32 $0xFFFF, v2  }
0x1b7: {  	v2 =	vshrl.u32 v2, $0x10;
	_ =	sdelay $0x3  }
0x1b8: {  	[tilespmem:v3+s18+$0x0] =	vst.idx.add.s32.msk $0xffff, v1  }
0x1b9: {  	[tilespmem:v2+s18+$0x0] =	vst.idx.add.s32.msk $0xffff, v1  }
0x1ba: {  	v2 =	vld [tilespmem:s25+$0x80B0];
	_ =	sdelay $0x4  }
0x1bb: {  	v3 =	vand.u32 $0xFFFF, v2  }
0x1bc: {  	v2 =	vshrl.u32 v2, $0x10;
	_ =	sdelay $0x3  }
0x1bd: {  	[tilespmem:v3+s18+$0x0] =	vst.idx.add.s32.msk $0xffff, v1  }
0x1be: {  	[tilespmem:v2+s18+$0x0] =	vst.idx.add.s32.msk $0xffff, v1  }
0x1bf: {  	v2 =	vld [tilespmem:s25+$0x80C0];
	_ =	sdelay $0x4  }
0x1c0: {  	v3 =	vand.u32 $0xFFFF, v2  }
0x1c1: {  	v2 =	vshrl.u32 v2, $0x10;
	_ =	sdelay $0x3  }
0x1c2: {  	[tilespmem:v3+s18+$0x0] =	vst.idx.add.s32.msk $0xffff, v1  }
0x1c3: {  	[tilespmem:v2+s18+$0x0] =	vst.idx.add.s32.msk $0xffff, v1  }
0x1c4: {  	v2 =	vld [tilespmem:s25+$0x80D0];
	_ =	sdelay $0x4  }
0x1c5: {  	v3 =	vand.u32 $0xFFFF, v2  }
0x1c6: {  	v2 =	vshrl.u32 v2, $0x10;
	_ =	sdelay $0x3  }
0x1c7: {  	[tilespmem:v3+s18+$0x0] =	vst.idx.add.s32.msk $0xffff, v1  }
0x1c8: {  	[tilespmem:v2+s18+$0x0] =	vst.idx.add.s32.msk $0xffff, v1  }
0x1c9: {  	v2 =	vld [tilespmem:s25+$0x80E0];
	_ =	sdelay $0x4  }
0x1ca: {  	v3 =	vand.u32 $0xFFFF, v2  }
0x1cb: {  	v2 =	vshrl.u32 v2, $0x10;
	_ =	sdelay $0x3  }
0x1cc: {  	[tilespmem:v3+s18+$0x0] =	vst.idx.add.s32.msk $0xffff, v1  }
0x1cd: {  	[tilespmem:v2+s18+$0x0] =	vst.idx.add.s32.msk $0xffff, v1  }
0x1ce: {  	v2 =	vld [tilespmem:s25+$0x80F0];
	_ =	sdelay $0x4  }
0x1cf: {  	v3 =	vand.u32 $0xFFFF, v2  }
0x1d0: {  	v2 =	vshrl.u32 v2, $0x10;
	_ =	sdelay $0x3  }
0x1d1: {  	[tilespmem:v3+s18+$0x0] =	vst.idx.add.s32.msk $0xffff, v1  }
0x1d2: {  	[tilespmem:v2+s18+$0x0] =	vst.idx.add.s32.msk $0xffff, v1  }
0x1d3: {  	v2 =	vld [tilespmem:s25+$0x8480];
	_ =	sdelay $0x4  }
0x1d4: {  	v3 =	vand.u32 $0xFFFF, v2  }
0x1d5: {  	v2 =	vshrl.u32 v2, $0x10;
	_ =	sdelay $0x3  }
0x1d6: {  	[tilespmem:v3+s18+$0x0] =	vst.idx.add.s32.msk $0xffff, v1  }
0x1d7: {  	[tilespmem:v2+s18+$0x0] =	vst.idx.add.s32.msk $0xffff, v1  }
0x1d8: {  	v2 =	vld [tilespmem:s25+$0x8490];
	_ =	sdelay $0x4  }
0x1d9: {  	v3 =	vand.u32 $0xFFFF, v2  }
0x1da: {  	v2 =	vshrl.u32 v2, $0x10;
	_ =	sdelay $0x3  }
0x1db: {  	[tilespmem:v3+s18+$0x0] =	vst.idx.add.s32.msk $0xffff, v1  }
0x1dc: {  	[tilespmem:v2+s18+$0x0] =	vst.idx.add.s32.msk $0xffff, v1  }
0x1dd: {  	v2 =	vld [tilespmem:s25+$0x84A0];
	_ =	sdelay $0x4  }
0x1de: {  	v3 =	vand.u32 $0xFFFF, v2  }
0x1df: {  	v2 =	vshrl.u32 v2, $0x10;
	_ =	sdelay $0x3  }
0x1e0: {  	[tilespmem:v3+s18+$0x0] =	vst.idx.add.s32.msk $0xffff, v1  }
0x1e1: {  	[tilespmem:v2+s18+$0x0] =	vst.idx.add.s32.msk $0xffff, v1  }
0x1e2: {  	v2 =	vld [tilespmem:s25+$0x84B0];
	_ =	sdelay $0x4  }
0x1e3: {  	v3 =	vand.u32 $0xFFFF, v2  }
0x1e4: {  	v2 =	vshrl.u32 v2, $0x10;
	_ =	sdelay $0x3  }
0x1e5: {  	[tilespmem:v3+s18+$0x0] =	vst.idx.add.s32.msk $0xffff, v1  }
0x1e6: {  	[tilespmem:v2+s18+$0x0] =	vst.idx.add.s32.msk $0xffff, v1  }
0x1e7: {  	v2 =	vld [tilespmem:s25+$0x84B8];
	_ =	sdelay $0x4  }
0x1e8: {  	s22 =	sadd.s32 $0x2, s22;
	v3 =	vand.u32 $0xFFFF, v2  }
0x1e9: {  	p4 =	slt.u32 s22, $0x3E;
	v2 =	vshrl.u32 v2, $0x10  }
.Ltmp10:
0x1ea: {  	_ = 	snop;
	(pc) =	sbr.rel @p4 .LBB2_16-.Ltmp10, $3  }
0x1eb: {  	_ =	sdelay $0x1  }
0x1ec: {  	[tilespmem:v3+s18+$0x0] =	vst.idx.add.s32.msk vm0, v1  }
0x1ed: {  	s24 =	sadd.s32 $0x100, s24;
	s23 =	sadd.s32 $0x200, s23;
	[tilespmem:v2+s18+$0x0] =	vst.idx.add.s32.msk vm0, v1  }
0x1ee: {  	s21 =	sadd.s32 $0x1, s21  }
0x1ef: {  	p4 =	slt.s32 s21, s9  }
.Ltmp11:
0x1f0: {  	_ = 	snop;
	(pc) =	sbr.rel @p4 .LBB2_15-.Ltmp11, $1  }
0x1f1: {  	_ =	sdelay $0x3  }
.LBB2_18:
.Ltmp12:
0x1f2: {  	(pc) =	sbr.rel @p3 .LBB2_23-.Ltmp12, $1  }
0x1f3: {  	_ =	sdelay $0x3  }
0x1f4: {  	s20 =	simm.s32 $0x0  }
.LBB2_20:
0x1f5: {  	s21 =	sadd.s32 s20, s12  }
0x1f6: {  	s21 =	sshll.u32 s21, $0xB  }
0x1f7: {  	s21 =	sadd.s32 s10, s21  }
0x1f8: {  	s21 =	sshrl.u32 s21, $0x3  }
0x1f9: {  	s22 =	sadd.s32 s3, s21;
	s21 =	simm.s32 $0x8000  }
0x1fa: {  	[tilespmem:s21], [sflag:$0x1] =	stream.linear.gather [hbm4b:s22+s2], $0x800, $0x38;
	[tilespmem:$0xC000] =	vst v63  }
0x1fb: {  	_ =	swait.ge [sflag:s4], $0x800  }
0x1fc: {  	[sflag:s4] =	ssyncset.done $0x0  }
0x1fd: {  	s22 =	simm.s32 $0xFFFFFFFE;
	[sflag:s4] =	ssyncadd.s32 $0xFFFFF800  }
.LBB2_21:
0x1fe: {  	v2 =	vld [tilespmem:s21+$0x0];
	_ =	sdelay $0x4  }
0x1ff: {  	v3 =	vand.u32 $0xFFFF, v2  }
0x200: {  	v2 =	vshrl.u32 v2, $0x10;
	_ =	sdelay $0x3  }
0x201: {  	[tilespmem:v3+s18+$0x0] =	vst.idx.add.s32.msk $0xffff, v1  }
0x202: {  	[tilespmem:v2+s18+$0x0] =	vst.idx.add.s32.msk $0xffff, v1  }
0x203: {  	v2 =	vld [tilespmem:s21+$0x10];
	_ =	sdelay $0x4  }
0x204: {  	v3 =	vand.u32 $0xFFFF, v2  }
0x205: {  	v2 =	vshrl.u32 v2, $0x10;
	_ =	sdelay $0x3  }
0x206: {  	[tilespmem:v3+s18+$0x0] =	vst.idx.add.s32.msk $0xffff, v1  }
0x207: {  	[tilespmem:v2+s18+$0x0] =	vst.idx.add.s32.msk $0xffff, v1  }
0x208: {  	v2 =	vld [tilespmem:s21+$0x20];
	_ =	sdelay $0x4  }
0x209: {  	v3 =	vand.u32 $0xFFFF, v2  }
0x20a: {  	v2 =	vshrl.u32 v2, $0x10;
	_ =	sdelay $0x3  }
0x20b: {  	[tilespmem:v3+s18+$0x0] =	vst.idx.add.s32.msk $0xffff, v1  }
0x20c: {  	[tilespmem:v2+s18+$0x0] =	vst.idx.add.s32.msk $0xffff, v1  }
0x20d: {  	v2 =	vld [tilespmem:s21+$0x30];
	_ =	sdelay $0x4  }
0x20e: {  	v3 =	vand.u32 $0xFFFF, v2  }
0x20f: {  	v2 =	vshrl.u32 v2, $0x10;
	_ =	sdelay $0x3  }
0x210: {  	[tilespmem:v3+s18+$0x0] =	vst.idx.add.s32.msk $0xffff, v1  }
0x211: {  	[tilespmem:v2+s18+$0x0] =	vst.idx.add.s32.msk $0xffff, v1  }
0x212: {  	v2 =	vld [tilespmem:s21+$0x40];
	_ =	sdelay $0x4  }
0x213: {  	v3 =	vand.u32 $0xFFFF, v2  }
0x214: {  	v2 =	vshrl.u32 v2, $0x10;
	_ =	sdelay $0x3  }
0x215: {  	[tilespmem:v3+s18+$0x0] =	vst.idx.add.s32.msk $0xffff, v1  }
0x216: {  	[tilespmem:v2+s18+$0x0] =	vst.idx.add.s32.msk $0xffff, v1  }
0x217: {  	v2 =	vld [tilespmem:s21+$0x50];
	_ =	sdelay $0x4  }
0x218: {  	v3 =	vand.u32 $0xFFFF, v2  }
0x219: {  	v2 =	vshrl.u32 v2, $0x10;
	_ =	sdelay $0x3  }
0x21a: {  	[tilespmem:v3+s18+$0x0] =	vst.idx.add.s32.msk $0xffff, v1  }
0x21b: {  	[tilespmem:v2+s18+$0x0] =	vst.idx.add.s32.msk $0xffff, v1  }
0x21c: {  	v2 =	vld [tilespmem:s21+$0x60];
	_ =	sdelay $0x4  }
0x21d: {  	v3 =	vand.u32 $0xFFFF, v2  }
0x21e: {  	v2 =	vshrl.u32 v2, $0x10;
	_ =	sdelay $0x3  }
0x21f: {  	[tilespmem:v3+s18+$0x0] =	vst.idx.add.s32.msk $0xffff, v1  }
0x220: {  	[tilespmem:v2+s18+$0x0] =	vst.idx.add.s32.msk $0xffff, v1  }
0x221: {  	v2 =	vld [tilespmem:s21+$0x70];
	_ =	sdelay $0x4  }
0x222: {  	v3 =	vand.u32 $0xFFFF, v2  }
0x223: {  	v2 =	vshrl.u32 v2, $0x10;
	_ =	sdelay $0x3  }
0x224: {  	[tilespmem:v3+s18+$0x0] =	vst.idx.add.s32.msk $0xffff, v1  }
0x225: {  	[tilespmem:v2+s18+$0x0] =	vst.idx.add.s32.msk $0xffff, v1  }
0x226: {  	v2 =	vld [tilespmem:s21+$0x400];
	_ =	sdelay $0x4  }
0x227: {  	v3 =	vand.u32 $0xFFFF, v2  }
0x228: {  	v2 =	vshrl.u32 v2, $0x10;
	_ =	sdelay $0x3  }
0x229: {  	[tilespmem:v3+s18+$0x0] =	vst.idx.add.s32.msk $0xffff, v1  }
0x22a: {  	[tilespmem:v2+s18+$0x0] =	vst.idx.add.s32.msk $0xffff, v1  }
0x22b: {  	v2 =	vld [tilespmem:s21+$0x410];
	_ =	sdelay $0x4  }
0x22c: {  	v3 =	vand.u32 $0xFFFF, v2  }
0x22d: {  	v2 =	vshrl.u32 v2, $0x10;
	_ =	sdelay $0x3  }
0x22e: {  	[tilespmem:v3+s18+$0x0] =	vst.idx.add.s32.msk $0xffff, v1  }
0x22f: {  	[tilespmem:v2+s18+$0x0] =	vst.idx.add.s32.msk $0xffff, v1  }
0x230: {  	v2 =	vld [tilespmem:s21+$0x420];
	_ =	sdelay $0x4  }
0x231: {  	v3 =	vand.u32 $0xFFFF, v2  }
0x232: {  	v2 =	vshrl.u32 v2, $0x10;
	_ =	sdelay $0x3  }
0x233: {  	[tilespmem:v3+s18+$0x0] =	vst.idx.add.s32.msk $0xffff, v1  }
0x234: {  	[tilespmem:v2+s18+$0x0] =	vst.idx.add.s32.msk $0xffff, v1  }
0x235: {  	v2 =	vld [tilespmem:s21+$0x430];
	_ =	sdelay $0x4  }
0x236: {  	v3 =	vand.u32 $0xFFFF, v2  }
0x237: {  	v2 =	vshrl.u32 v2, $0x10;
	_ =	sdelay $0x3  }
0x238: {  	[tilespmem:v3+s18+$0x0] =	vst.idx.add.s32.msk $0xffff, v1  }
0x239: {  	[tilespmem:v2+s18+$0x0] =	vst.idx.add.s32.msk $0xffff, v1  }
0x23a: {  	v2 =	vld [tilespmem:s21+$0x438];
	_ =	sdelay $0x4  }
0x23b: {  	v3 =	vand.u32 $0xFFFF, v2  }
0x23c: {  	v2 =	vshrl.u32 v2, $0x10;
	_ =	sdelay $0x3  }
0x23d: {  	[tilespmem:v3+s18+$0x0] =	vst.idx.add.s32.msk vm0, v1  }
0x23e: {  	[tilespmem:v2+s18+$0x0] =	vst.idx.add.s32.msk vm0, v1  }
0x23f: {  	v2 =	vld [tilespmem:s21+$0x80];
	_ =	sdelay $0x4  }
0x240: {  	v3 =	vand.u32 $0xFFFF, v2  }
0x241: {  	v2 =	vshrl.u32 v2, $0x10;
	_ =	sdelay $0x3  }
0x242: {  	[tilespmem:v3+s18+$0x0] =	vst.idx.add.s32.msk $0xffff, v1  }
0x243: {  	[tilespmem:v2+s18+$0x0] =	vst.idx.add.s32.msk $0xffff, v1  }
0x244: {  	v2 =	vld [tilespmem:s21+$0x90];
	_ =	sdelay $0x4  }
0x245: {  	v3 =	vand.u32 $0xFFFF, v2  }
0x246: {  	v2 =	vshrl.u32 v2, $0x10;
	_ =	sdelay $0x3  }
0x247: {  	[tilespmem:v3+s18+$0x0] =	vst.idx.add.s32.msk $0xffff, v1  }
0x248: {  	[tilespmem:v2+s18+$0x0] =	vst.idx.add.s32.msk $0xffff, v1  }
0x249: {  	v2 =	vld [tilespmem:s21+$0xA0];
	_ =	sdelay $0x4  }
0x24a: {  	v3 =	vand.u32 $0xFFFF, v2  }
0x24b: {  	v2 =	vshrl.u32 v2, $0x10;
	_ =	sdelay $0x3  }
0x24c: {  	[tilespmem:v3+s18+$0x0] =	vst.idx.add.s32.msk $0xffff, v1  }
0x24d: {  	[tilespmem:v2+s18+$0x0] =	vst.idx.add.s32.msk $0xffff, v1  }
0x24e: {  	v2 =	vld [tilespmem:s21+$0xB0];
	_ =	sdelay $0x4  }
0x24f: {  	v3 =	vand.u32 $0xFFFF, v2  }
0x250: {  	v2 =	vshrl.u32 v2, $0x10;
	_ =	sdelay $0x3  }
0x251: {  	[tilespmem:v3+s18+$0x0] =	vst.idx.add.s32.msk $0xffff, v1  }
0x252: {  	[tilespmem:v2+s18+$0x0] =	vst.idx.add.s32.msk $0xffff, v1  }
0x253: {  	v2 =	vld [tilespmem:s21+$0xC0];
	_ =	sdelay $0x4  }
0x254: {  	v3 =	vand.u32 $0xFFFF, v2  }
0x255: {  	v2 =	vshrl.u32 v2, $0x10;
	_ =	sdelay $0x3  }
0x256: {  	[tilespmem:v3+s18+$0x0] =	vst.idx.add.s32.msk $0xffff, v1  }
0x257: {  	[tilespmem:v2+s18+$0x0] =	vst.idx.add.s32.msk $0xffff, v1  }
0x258: {  	v2 =	vld [tilespmem:s21+$0xD0];
	_ =	sdelay $0x4  }
0x259: {  	v3 =	vand.u32 $0xFFFF, v2  }
0x25a: {  	v2 =	vshrl.u32 v2, $0x10;
	_ =	sdelay $0x3  }
0x25b: {  	[tilespmem:v3+s18+$0x0] =	vst.idx.add.s32.msk $0xffff, v1  }
0x25c: {  	[tilespmem:v2+s18+$0x0] =	vst.idx.add.s32.msk $0xffff, v1  }
0x25d: {  	v2 =	vld [tilespmem:s21+$0xE0];
	_ =	sdelay $0x4  }
0x25e: {  	v3 =	vand.u32 $0xFFFF, v2  }
0x25f: {  	v2 =	vshrl.u32 v2, $0x10;
	_ =	sdelay $0x3  }
0x260: {  	[tilespmem:v3+s18+$0x0] =	vst.idx.add.s32.msk $0xffff, v1  }
0x261: {  	[tilespmem:v2+s18+$0x0] =	vst.idx.add.s32.msk $0xffff, v1  }
0x262: {  	v2 =	vld [tilespmem:s21+$0xF0];
	_ =	sdelay $0x4  }
0x263: {  	v3 =	vand.u32 $0xFFFF, v2  }
0x264: {  	v2 =	vshrl.u32 v2, $0x10;
	_ =	sdelay $0x3  }
0x265: {  	[tilespmem:v3+s18+$0x0] =	vst.idx.add.s32.msk $0xffff, v1  }
0x266: {  	[tilespmem:v2+s18+$0x0] =	vst.idx.add.s32.msk $0xffff, v1  }
0x267: {  	v2 =	vld [tilespmem:s21+$0x480];
	_ =	sdelay $0x4  }
0x268: {  	v3 =	vand.u32 $0xFFFF, v2  }
0x269: {  	v2 =	vshrl.u32 v2, $0x10;
	_ =	sdelay $0x3  }
0x26a: {  	[tilespmem:v3+s18+$0x0] =	vst.idx.add.s32.msk $0xffff, v1  }
0x26b: {  	[tilespmem:v2+s18+$0x0] =	vst.idx.add.s32.msk $0xffff, v1  }
0x26c: {  	v2 =	vld [tilespmem:s21+$0x490];
	_ =	sdelay $0x4  }
0x26d: {  	v3 =	vand.u32 $0xFFFF, v2  }
0x26e: {  	v2 =	vshrl.u32 v2, $0x10;
	_ =	sdelay $0x3  }
0x26f: {  	[tilespmem:v3+s18+$0x0] =	vst.idx.add.s32.msk $0xffff, v1  }
0x270: {  	[tilespmem:v2+s18+$0x0] =	vst.idx.add.s32.msk $0xffff, v1  }
0x271: {  	v2 =	vld [tilespmem:s21+$0x4A0];
	_ =	sdelay $0x4  }
0x272: {  	v3 =	vand.u32 $0xFFFF, v2  }
0x273: {  	v2 =	vshrl.u32 v2, $0x10;
	_ =	sdelay $0x3  }
0x274: {  	[tilespmem:v3+s18+$0x0] =	vst.idx.add.s32.msk $0xffff, v1  }
0x275: {  	[tilespmem:v2+s18+$0x0] =	vst.idx.add.s32.msk $0xffff, v1  }
0x276: {  	v2 =	vld [tilespmem:s21+$0x4B0];
	_ =	sdelay $0x4  }
0x277: {  	v3 =	vand.u32 $0xFFFF, v2  }
0x278: {  	v2 =	vshrl.u32 v2, $0x10;
	_ =	sdelay $0x3  }
0x279: {  	[tilespmem:v3+s18+$0x0] =	vst.idx.add.s32.msk $0xffff, v1  }
0x27a: {  	[tilespmem:v2+s18+$0x0] =	vst.idx.add.s32.msk $0xffff, v1  }
0x27b: {  	v2 =	vld [tilespmem:s21+$0x4B8];
	_ =	sdelay $0x4  }
0x27c: {  	s22 =	sadd.s32 $0x2, s22;
	v3 =	vand.u32 $0xFFFF, v2  }
0x27d: {  	p4 =	slt.u32 s22, $0x6;
	v2 =	vshrl.u32 v2, $0x10  }
.Ltmp13:
0x27e: {  	_ = 	snop;
	(pc) =	sbr.rel @p4 .LBB2_21-.Ltmp13, $3  }
0x27f: {  	_ =	sdelay $0x1  }
0x280: {  	[tilespmem:v3+s18+$0x0] =	vst.idx.add.s32.msk vm0, v1  }
0x281: {  	s21 =	sadd.s32 $0x100, s21;
	[tilespmem:v2+s18+$0x0] =	vst.idx.add.s32.msk vm0, v1  }
0x282: {  	s20 =	sadd.s32 $0x1, s20  }
0x283: {  	p4 =	slt.s32 s20, s11  }
.Ltmp14:
0x284: {  	_ = 	snop;
	(pc) =	sbr.rel @p4 .LBB2_20-.Ltmp14, $4  }
.Ltmp15:
0x285: {  	_ = 	snop;
	(pc) =	sbr.rel @!p4 .LBB2_23-.Ltmp15, $4  }
0x286: {  	_ = 	snop  }
0x287: {  	_ = 	snop  }
0x288: {  	_ = 	snop  }
0x289: {  	_ = 	snop  }
.LBB2_24:
0x28a: {  	_ =	sfence.sel $0x180000  }
0x28b: {  	[bflag:$0x0] =	sbarrier.arrive $0xFFFF  }
0x28c: {  	p0 =	sne.s32 s0, $0x0;
	_ =	strace $0x90000047  }
0x28d: {  	s0 =	sadd.s32 @!p0 $0x100000, s1;
	[bflag:$0x2] =	sbarrier.arrive $0xFFFF  }
0x28e: {  	[sflag:s0] =	ssyncadd.tile.s32 @!p0 $0x1;
	_ =	shalt  }
.Lfunc_end2:
_tile_overlayer_lowered:
.L_overlay_start_2:
0x28f: {  	(tag) =	ssettag $0x2  }
0x290: {  	s0 =	rddreg [dreg:$0x0];
	s2 =	stileid.u32  }
0x291: {  	s1 =	rddreg [dreg:$0x1];
	p0 =	sne.s32 s2, $0x0  }
0x292: {  	s3 =	rddreg [dreg:$0x2];
	[bflag:$0x3] =	sbarrier.arrive $0xFFFF;
	s2 =	simm.s32 @!p0 $0x1C01  }
0x293: {  	[timem:s3], [sflag:s2] =	dma.local @!p0 [hbm:s0], s1  }
0x294: {  	s0 =	simm.s32 @!p0 $0x1  }
0x295: {  	_ =	swait.ge @!p0 [sflag:s0], s1  }
0x296: {  	s1 =	ssub.s32 @!p0 $0x0, s1;
	[sflag:s0] =	ssyncset.done @!p0 $0x0  }
0x297: {  	[sflag:s0] =	ssyncadd.s32 @!p0 s1  }
0x298: {  	[bflag:$0x3] =	sbarrier.arrive $0xFFFF  }
0x299: {  	_ =	shalt  }

</sc_bundles>
